<compile_context>
chip_gen: v7x
topology: tpu7x:2x2x1
jax: 0.10.2.dev20260603
libtpu: 0.0.44.dev20260713+nightly
codegen_flags: <defaults>
</compile_context>

<pallas_src>
import functools

import jax
import jax.numpy as jnp
from jax import lax
from jax.experimental import pallas as pl
from jax.experimental.pallas import tpu as pltpu
from jax.experimental.pallas import tpu_sc as plsc

N = 10000
E = 320000
IN = 128
H = 128
ED = 16
K = 32

NC = 2
NS = 16
NW = NC * NS
C = 96
CPW = 106
EPW = C * CPW
E_PAD = NW * EPW
N_PAD = 10112
ROWS_PER_TILE = N_PAD // NS
REP = 8


def _sc_msg_pass(h_hbm, e_hbm, src_hbm, dst_hbm, out_hbm,
                 sidx0, sidx1, didx0, didx1,
                 ebuf0, ebuf1, hbuf0, hbuf1,
                 aggr,
                 se0, se1, sh0, sh1, si0, si1):
    cid = lax.axis_index("c")
    sid = lax.axis_index("s")
    wid = sid * NC + cid
    base0 = wid * EPW

    sidx = [sidx0, sidx1]
    didx = [didx0, didx1]
    ebuf = [ebuf0, ebuf1]
    hbuf = [hbuf0, hbuf1]
    sem_e = [se0, se1]
    sem_h = [sh0, sh1]
    sem_i = [si0, si1]

    zeros16 = jnp.zeros((16,), jnp.float32)

    @plsc.parallel_loop(0, C, unroll=4)
    def _(j):
        for g in range(H // 16):
            ebuf0[j, pl.ds(g * 16, 16)] = zeros16

    row0 = sid * ROWS_PER_TILE
    full = ROWS_PER_TILE // C
    rem = ROWS_PER_TILE - full * C
    for r in range(full):
        pltpu.sync_copy(ebuf0, aggr.at[pl.ds(row0 + r * C, C)])
    pltpu.sync_copy(ebuf0.at[pl.ds(0, rem)], aggr.at[pl.ds(row0 + full * C, rem)])
    plsc.subcore_barrier()

    def start_idx(chunk, b):
        pltpu.async_copy(src_hbm.at[pl.ds(base0 + chunk * C, C)], sidx[b], sem_i[b])
        pltpu.async_copy(dst_hbm.at[pl.ds(base0 + chunk * C, C)], didx[b], sem_i[b])

    def wait_idx(b):
        pltpu.make_async_copy(src_hbm.at[pl.ds(0, C)], sidx[b], sem_i[b]).wait()
        pltpu.make_async_copy(dst_hbm.at[pl.ds(0, C)], didx[b], sem_i[b]).wait()

    def start_streams(chunk, b):
        pltpu.async_copy(e_hbm.at[pl.ds(base0 + chunk * C, C)], ebuf[b], sem_e[b])
        pltpu.async_copy(h_hbm.at[sidx[b]], hbuf[b], sem_h[b])

    def wait_streams(b):
        pltpu.make_async_copy(e_hbm.at[pl.ds(0, C)], ebuf[b], sem_e[b]).wait()
        pltpu.make_async_copy(h_hbm.at[sidx[b]], hbuf[b], sem_h[b]).wait()

    start_idx(0, 0)
    wait_idx(0)
    start_streams(0, 0)

    NG = CPW // 2

    def pipe_body(g, _):
        for k in range(2):
            i = 2 * g + k
            cur = k
            nxt = 1 - k

            def launch_streams(i=i, nxt=nxt):
                wait_idx(nxt)
                start_streams(i + 1, nxt)

            last = k == 1
            if not last:
                start_idx(i + 1, nxt)
            else:
                @pl.when(g < NG - 1)
                def _():
                    start_idx(i + 1, nxt)

            wait_streams(cur)

            @plsc.parallel_loop(0, C, unroll=4)
            def _(j, cur=cur):
                for gg in range(H // 16):
                    sl = pl.ds(gg * 16, 16)
                    ebuf[cur][j, sl] = jnp.maximum(
                        ebuf[cur][j, sl] + hbuf[cur][j, sl], 0.0)

            if not last:
                launch_streams()
            else:
                @pl.when(g < NG - 1)
                def _():
                    launch_streams()

            pltpu.sync_copy(ebuf[cur], aggr.at[didx[cur]], add=True)
        return 0

    lax.fori_loop(0, NG, pipe_body, 0)
    plsc.subcore_barrier()

    out_row0 = cid * N_PAD + row0
    for r in range(full):
        pltpu.sync_copy(aggr.at[pl.ds(row0 + r * C, C)], hbuf0)
        pltpu.sync_copy(hbuf0, out_hbm.at[pl.ds(out_row0 + r * C, C)])
    pltpu.sync_copy(aggr.at[pl.ds(row0 + full * C, rem)], hbuf0.at[pl.ds(0, rem)])
    pltpu.sync_copy(hbuf0.at[pl.ds(0, rem)], out_hbm.at[pl.ds(out_row0 + full * C, rem)])


_sc_mesh = plsc.VectorSubcoreMesh(core_axis_name="c", subcore_axis_name="s",
                                  num_cores=NC, num_subcores=NS)

_sc_msg_pass_call = functools.partial(
    pl.kernel,
    out_type=jax.ShapeDtypeStruct((NC * N_PAD, H), jnp.float32),
    mesh=_sc_mesh,
    scratch_types=(
        [pltpu.VMEM((C,), jnp.int32)] * 4
        + [pltpu.VMEM((C, H), jnp.float32)] * 4
        + [pltpu.VMEM_SHARED((N_PAD, H), jnp.float32)]
        + [pltpu.SemaphoreType.DMA] * 6
    ),
)(_sc_msg_pass)


def _edgelin_body(ea_ref, w1t_ref, b1_ref, e1_ref):
    a = ea_ref[...]
    e1_ref[...] = jnp.dot(a, w1t_ref[...], preferred_element_type=jnp.float32) + b1_ref[...]


_BE = 1024


def _edgelin(ea_pad, w1t, b1):
    grid = (E_PAD // _BE,)
    return pl.pallas_call(
        _edgelin_body,
        grid=grid,
        in_specs=[
            pl.BlockSpec((_BE, ED), lambda i: (i, 0)),
            pl.BlockSpec((ED, H), lambda i: (0, 0)),
            pl.BlockSpec((1, H), lambda i: (0, 0)),
        ],
        out_specs=pl.BlockSpec((_BE, H), lambda i: (i, 0)),
        out_shape=jax.ShapeDtypeStruct((E_PAD, H), jnp.float32),
    )(ea_pad, w1t, b1)


def _replicate_body(x_ref, out_ref):
    out_ref[...] = x_ref[...]


def _replicate(x):
    return pl.pallas_call(
        _replicate_body,
        grid=(REP,),
        in_specs=[pl.BlockSpec((N, H), lambda r: (0, 0))],
        out_specs=pl.BlockSpec((N, H), lambda r: (r, 0)),
        out_shape=jax.ShapeDtypeStruct((REP * N, H), jnp.float32),
    )(x)


def _mlp1_body(x_ref, a0_ref, a1_ref, w1t_ref, b1_ref, w2t_ref, b2_ref, out_ref):
    z = x_ref[...] + a0_ref[...] + a1_ref[...]
    h = jax.nn.relu(jnp.dot(z, w1t_ref[...], preferred_element_type=jnp.float32) + b1_ref[...])
    o = jnp.dot(h, w2t_ref[...], preferred_element_type=jnp.float32) + b2_ref[...]
    out_ref[...] = jax.nn.relu(o)


def _mlp1(x, a0, a1, w1t, b1, w2t, b2):
    return pl.pallas_call(
        _mlp1_body,
        out_shape=jax.ShapeDtypeStruct((N, H), jnp.float32),
    )(x, a0, a1, w1t, b1, w2t, b2)


def _head_body(idx_ref, h1_ref, a0_ref, a1_ref,
               mw1t_ref, mb1_ref, mw2t_ref, mb2_ref,
               wct_ref, wdt_ref, wnt_ref, hb1_ref, hw2_ref, hb2_ref,
               out_ref, rows_ref):
    for k in [0, 1] + list(range(8, 40)):
        idx = idx_ref[k]
        r = (h1_ref[pl.ds(idx, 1), :] + a0_ref[pl.ds(idx, 1), :]
             + a1_ref[pl.ds(idx, 1), :])
        rows_ref[pl.ds(k, 1), :] = r
    rows = rows_ref[...]
    hmid = jax.nn.relu(jnp.dot(rows, mw1t_ref[...], preferred_element_type=jnp.float32) + mb1_ref[...])
    h2r = jnp.dot(hmid, mw2t_ref[...], preferred_element_type=jnp.float32) + mb2_ref[...]
    curr = h2r[0:1, :]
    dest = h2r[1:2, :]
    nbr = h2r[8:40, :]
    base = (jnp.dot(curr, wct_ref[...], preferred_element_type=jnp.float32)
            + jnp.dot(dest, wdt_ref[...], preferred_element_type=jnp.float32)
            + hb1_ref[...])
    hh = jax.nn.relu(jnp.dot(nbr, wnt_ref[...], preferred_element_type=jnp.float32) + base)
    q = jnp.sum(hh * hw2_ref[...], axis=1, keepdims=True) + hb2_ref[0, 0]
    out_ref[...] = q


def _head(idx40, h1, a0, a1, mw1t, mb1, mw2t, mb2,
          wct, wdt, wnt, hb1, hw2, hb2):
    return pl.pallas_call(
        _head_body,
        in_specs=[
            pl.BlockSpec(memory_space=pltpu.SMEM),
            pl.BlockSpec((N, H), lambda: (0, 0)),
            pl.BlockSpec((N, H), lambda: (0, 0)),
            pl.BlockSpec((N, H), lambda: (0, 0)),
            pl.BlockSpec((H, H), lambda: (0, 0)),
            pl.BlockSpec((1, H), lambda: (0, 0)),
            pl.BlockSpec((H, H), lambda: (0, 0)),
            pl.BlockSpec((1, H), lambda: (0, 0)),
            pl.BlockSpec((H, H), lambda: (0, 0)),
            pl.BlockSpec((H, H), lambda: (0, 0)),
            pl.BlockSpec((H, H), lambda: (0, 0)),
            pl.BlockSpec((1, H), lambda: (0, 0)),
            pl.BlockSpec((1, H), lambda: (0, 0)),
            pl.BlockSpec((1, 1), lambda: (0, 0)),
        ],
        out_shape=jax.ShapeDtypeStruct((K, 1), jnp.float32),
        scratch_shapes=[pltpu.VMEM((40, H), jnp.float32)],
    )(idx40, h1, a0, a1, mw1t, mb1, mw2t, mb2, wct, wdt, wnt, hb1, hw2, hb2)


def kernel(x, edge_index, curr_idx, dest_idx, neighbor_indices, edge_attr,
           lin_e1_W, lin_e1_b, mlp1_W1, mlp1_b1, mlp1_W2, mlp1_b2,
           lin_e2_W, lin_e2_b, mlp2_W1, mlp2_b1, mlp2_W2, mlp2_b2,
           head_W1, head_b1, head_W2, head_b2):
    src = edge_index[0]
    dst = edge_index[1]
    pad = E_PAD - E
    src_pad = jnp.concatenate([src, jnp.zeros((pad,), jnp.int32)])
    dst_pad = jnp.concatenate([dst, jnp.full((pad,), N, jnp.int32)])
    ea_pad = jnp.concatenate([edge_attr, jnp.zeros((pad, ED), jnp.float32)])
    src_rep = src_pad + (jnp.arange(E_PAD, dtype=jnp.int32) % REP) * N

    e1 = _edgelin(ea_pad, lin_e1_W.T, lin_e1_b[None, :])

    x_rep = _replicate(x)
    a1_parts = _sc_msg_pass_call(x_rep, e1, src_rep, dst_pad)
    e2 = _edgelin(ea_pad, lin_e2_W.T, lin_e2_b[None, :])
    a10 = a1_parts[:N]
    a11 = a1_parts[N_PAD:N_PAD + N]

    h1 = _mlp1(x, a10, a11, mlp1_W1.T, mlp1_b1[None, :],
               mlp1_W2.T, mlp1_b2[None, :])

    h1_rep = _replicate(h1)
    a2_parts = _sc_msg_pass_call(h1_rep, e2, src_rep, dst_pad)
    a20 = a2_parts[:N]
    a21 = a2_parts[N_PAD:N_PAD + N]

    ci = jnp.asarray(curr_idx, jnp.int32)[None]
    di = jnp.asarray(dest_idx, jnp.int32)[None]
    idx40 = jnp.concatenate([ci, di, jnp.zeros((6,), jnp.int32),
                             neighbor_indices.astype(jnp.int32)])

    wct = head_W1[:, 0:H].T
    wdt = head_W1[:, H:2 * H].T
    wnt = head_W1[:, 2 * H:3 * H].T

    q = _head(idx40, h1, a20, a21,
              mlp2_W1.T, mlp2_b1[None, :], mlp2_W2.T, mlp2_b2[None, :],
              wct, wdt, wnt, head_b1[None, :], head_W2, head_b2[None, :])
    return q[:, 0]

# --- scband reference (transcript-rebuilt; emitter-appended) ---
"""Pipeline reference for scband-multi-policy-fed-g-3307124818435 (READ-ONLY COPY).

The authoritative reference and input builder live on the scoring server;
editing this copy changes nothing except your own understanding.
"""

import jax, jax.numpy as jnp
import numpy as np

N = 10000
E = 320000
IN = 128
H = 128
ED = 16
K = 32


def setup_inputs(seed: int = 0) -> dict:
    key = jax.random.key(seed)
    ks = jax.random.split(key, 24)
    inp = {}
    inp["x"] = jax.random.normal(ks[0], (N, IN), dtype=jnp.float32)
    inp["edge_index"] = jax.random.randint(ks[1], (2, E), 0, N).astype(jnp.int32)
    inp["curr_idx"] = 123
    inp["dest_idx"] = 4567
    inp["neighbor_indices"] = jax.random.randint(ks[2], (K,), 0, N).astype(jnp.int32)
    inp["edge_attr"] = jax.random.normal(ks[3], (E, ED), dtype=jnp.float32)
    s = 0.05
    # conv1: GINEConv edge lin (edge_dim -> in_channels) + mlp1 (in -> hidden -> hidden)
    inp["lin_e1_W"] = jax.random.normal(ks[4], (IN, ED), dtype=jnp.float32) * s
    inp["lin_e1_b"] = jax.random.normal(ks[5], (IN,), dtype=jnp.float32) * s
    inp["mlp1_W1"] = jax.random.normal(ks[6], (H, IN), dtype=jnp.float32) * s
    inp["mlp1_b1"] = jax.random.normal(ks[7], (H,), dtype=jnp.float32) * s
    inp["mlp1_W2"] = jax.random.normal(ks[8], (H, H), dtype=jnp.float32) * s
    inp["mlp1_b2"] = jax.random.normal(ks[9], (H,), dtype=jnp.float32) * s
    # conv2: edge lin (edge_dim -> hidden) + mlp2 (hidden -> hidden -> hidden)
    inp["lin_e2_W"] = jax.random.normal(ks[10], (H, ED), dtype=jnp.float32) * s
    inp["lin_e2_b"] = jax.random.normal(ks[11], (H,), dtype=jnp.float32) * s
    inp["mlp2_W1"] = jax.random.normal(ks[12], (H, H), dtype=jnp.float32) * s
    inp["mlp2_b1"] = jax.random.normal(ks[13], (H,), dtype=jnp.float32) * s
    inp["mlp2_W2"] = jax.random.normal(ks[14], (H, H), dtype=jnp.float32) * s
    inp["mlp2_b2"] = jax.random.normal(ks[15], (H,), dtype=jnp.float32) * s
    # first policy head: lin1 (3H -> H), lin2 (H -> 1)
    inp["head_W1"] = jax.random.normal(ks[16], (H, 3 * H), dtype=jnp.float32) * s
    inp["head_b1"] = jax.random.normal(ks[17], (H,), dtype=jnp.float32) * s
    inp["head_W2"] = jax.random.normal(ks[18], (1, H), dtype=jnp.float32) * s
    inp["head_b2"] = jax.random.normal(ks[19], (1,), dtype=jnp.float32) * s
    return inp


def reference(x, edge_index, curr_idx, dest_idx, neighbor_indices, edge_attr,
              lin_e1_W, lin_e1_b, mlp1_W1, mlp1_b1, mlp1_W2, mlp1_b2,
              lin_e2_W, lin_e2_b, mlp2_W1, mlp2_b1, mlp2_W2, mlp2_b2,
              head_W1, head_b1, head_W2, head_b2):
    src = edge_index[0]
    dst = edge_index[1]

    def gine(h, eW, eb, W1, b1, W2, b2):
        e = edge_attr @ eW.T + eb                      # [E, d]
        msg = jax.nn.relu(h[src] + e)                  # gather + relu
        aggr = jnp.zeros_like(h).at[dst].add(msg)      # scatter-add
        z = h + aggr                                   # eps = 0
        return jax.nn.relu(z @ W1.T + b1) @ W2.T + b2

    h1 = jax.nn.relu(gine(x, lin_e1_W, lin_e1_b, mlp1_W1, mlp1_b1, mlp1_W2, mlp1_b2))
    # dropout inactive in eval mode
    h2 = gine(h1, lin_e2_W, lin_e2_b, mlp2_W1, mlp2_b1, mlp2_W2, mlp2_b2)

    curr = h2[curr_idx]                                # [H]
    dest = h2[dest_idx]                                # [H]
    nbr = h2[neighbor_indices]                         # [K, H]
    Kn = nbr.shape[0]
    cat = jnp.concatenate([
        jnp.broadcast_to(curr, (Kn, curr.shape[0])),
        jnp.broadcast_to(dest, (Kn, dest.shape[0])),
        nbr,
    ], axis=1)                                         # [K, 3H]
    hh = jax.nn.relu(cat @ head_W1.T + head_b1)
    q = hh @ head_W2.T + head_b2                       # [K, 1]
    return q[:, 0]

if __name__ == "__main__":
    import jax
    _d = setup_inputs()
    print(jax.jit(kernel)(*tuple(_d.values())))

</pallas_src>

<mosaic_0001>
#map = affine_map<(d0, d1) -> (0, 0)>
#map1 = affine_map<(d0, d1) -> (0)>
module attributes {stable_mosaic.version = 14 : i64} {
  func.func @_sc_msg_pass(%arg0: i32, %arg1: i32, %arg2: memref<80000x128xf32, #tpu.memory_space<hbm>>, %arg3: memref<325632x128xf32, #tpu.memory_space<hbm>>, %arg4: memref<325632xi32, #tpu.memory_space<hbm>>, %arg5: memref<325632xi32, #tpu.memory_space<hbm>>, %arg6: memref<20224x128xf32, #tpu.memory_space<hbm>>, %arg7: memref<96xi32, #tpu.memory_space<vmem>>, %arg8: memref<96xi32, #tpu.memory_space<vmem>>, %arg9: memref<96xi32, #tpu.memory_space<vmem>>, %arg10: memref<96xi32, #tpu.memory_space<vmem>>, %arg11: memref<96x128xf32, #tpu.memory_space<vmem>>, %arg12: memref<96x128xf32, #tpu.memory_space<vmem>>, %arg13: memref<96x128xf32, #tpu.memory_space<vmem>>, %arg14: memref<96x128xf32, #tpu.memory_space<vmem>>, %arg15: memref<10112x128xf32, #tpu.memory_space<vmem_shared>>, %arg16: memref<!tpu.dma_semaphore, #tpu.memory_space<semaphore_mem>>, %arg17: memref<!tpu.dma_semaphore, #tpu.memory_space<semaphore_mem>>, %arg18: memref<!tpu.dma_semaphore, #tpu.memory_space<semaphore_mem>>, %arg19: memref<!tpu.dma_semaphore, #tpu.memory_space<semaphore_mem>>, %arg20: memref<!tpu.dma_semaphore, #tpu.memory_space<semaphore_mem>>, %arg21: memref<!tpu.dma_semaphore, #tpu.memory_space<semaphore_mem>>) attributes {dimension_semantics = [#tpu.dimension_semantics<core_parallel>, #tpu.dimension_semantics<subcore_parallel>], iteration_bounds = array<i64: 2, 16>, scalar_prefetch = 0 : i64, scratch_operands = 15 : i64, tpu.core_type = #tpu.core_type<sc_vector_subcore>, window_params = [{transform_indices = #map}, {transform_indices = #map}, {transform_indices = #map1}, {transform_indices = #map1}, {transform_indices = #map}]} {
    %mul3A = arith.constant 2 : i32
    %mul3A_0 = arith.muli %arg1, %mul3A : i32
    %add3A = arith.addi %mul3A_0, %arg0 : i32
    %mul3A_1 = arith.constant 10176 : i32
    %mul3A_2 = arith.muli %add3A, %mul3A_1 : i32
    %broadcast_in_dim3A = arith.constant 0.000000e+00 : f32
    %broadcast_in_dim3A_3 = vector.broadcast %broadcast_in_dim3A : f32 to vector<16xf32>
    %parallel_loop3A = arith.constant 0 : i32
    %parallel_loop3A_4 = arith.constant 96 : i32
    %parallel_loop3A_5 = arith.constant 1 : i32
    scf.for %parallel_loop3A_83 = %parallel_loop3A to %parallel_loop3A_4 step %parallel_loop3A_5  : i32 {
      %parallel_loop3A_84 = arith.index_cast %parallel_loop3A_83 : i32 to index
      %parallel_loop3A_85 = arith.constant 0 : index
      %parallel_loop3A_86 = tpu.vector_load %arg11[%parallel_loop3A_84, %parallel_loop3A_85] {strides = array<i32>} : memref<96x128xf32, #tpu.memory_space<vmem>>, vector<1x16xf32>,
      %parallel_loop3A_87 = vector.shape_cast %parallel_loop3A_86 : vector<1x16xf32> to vector<16xf32>
      %parallel_loop3A_88 = vector.shape_cast %broadcast_in_dim3A_3 : vector<16xf32> to vector<1x16xf32>
      tpu.vector_store %arg11[%parallel_loop3A_84, %parallel_loop3A_85], %parallel_loop3A_88 {strides = array<i32>} : memref<96x128xf32, #tpu.memory_space<vmem>>, vector<1x16xf32>,
      %parallel_loop3A_89 = arith.index_cast %parallel_loop3A_83 : i32 to index
      %parallel_loop3A_90 = arith.constant 16 : index
      %parallel_loop3A_91 = tpu.vector_load %arg11[%parallel_loop3A_89, %parallel_loop3A_90] {strides = array<i32>} : memref<96x128xf32, #tpu.memory_space<vmem>>, vector<1x16xf32>,
      %parallel_loop3A_92 = vector.shape_cast %parallel_loop3A_91 : vector<1x16xf32> to vector<16xf32>
      %parallel_loop3A_93 = vector.shape_cast %broadcast_in_dim3A_3 : vector<16xf32> to vector<1x16xf32>
      tpu.vector_store %arg11[%parallel_loop3A_89, %parallel_loop3A_90], %parallel_loop3A_93 {strides = array<i32>} : memref<96x128xf32, #tpu.memory_space<vmem>>, vector<1x16xf32>,
      %parallel_loop3A_94 = arith.index_cast %parallel_loop3A_83 : i32 to index
      %parallel_loop3A_95 = arith.constant 32 : index
      %parallel_loop3A_96 = tpu.vector_load %arg11[%parallel_loop3A_94, %parallel_loop3A_95] {strides = array<i32>} : memref<96x128xf32, #tpu.memory_space<vmem>>, vector<1x16xf32>,
      %parallel_loop3A_97 = vector.shape_cast %parallel_loop3A_96 : vector<1x16xf32> to vector<16xf32>
      %parallel_loop3A_98 = vector.shape_cast %broadcast_in_dim3A_3 : vector<16xf32> to vector<1x16xf32>
      tpu.vector_store %arg11[%parallel_loop3A_94, %parallel_loop3A_95], %parallel_loop3A_98 {strides = array<i32>} : memref<96x128xf32, #tpu.memory_space<vmem>>, vector<1x16xf32>,
      %parallel_loop3A_99 = arith.index_cast %parallel_loop3A_83 : i32 to index
      %parallel_loop3A_100 = arith.constant 48 : index
      %parallel_loop3A_101 = tpu.vector_load %arg11[%parallel_loop3A_99, %parallel_loop3A_100] {strides = array<i32>} : memref<96x128xf32, #tpu.memory_space<vmem>>, vector<1x16xf32>,
      %parallel_loop3A_102 = vector.shape_cast %parallel_loop3A_101 : vector<1x16xf32> to vector<16xf32>
      %parallel_loop3A_103 = vector.shape_cast %broadcast_in_dim3A_3 : vector<16xf32> to vector<1x16xf32>
      tpu.vector_store %arg11[%parallel_loop3A_99, %parallel_loop3A_100], %parallel_loop3A_103 {strides = array<i32>} : memref<96x128xf32, #tpu.memory_space<vmem>>, vector<1x16xf32>,
      %parallel_loop3A_104 = arith.index_cast %parallel_loop3A_83 : i32 to index
      %parallel_loop3A_105 = arith.constant 64 : index
      %parallel_loop3A_106 = tpu.vector_load %arg11[%parallel_loop3A_104, %parallel_loop3A_105] {strides = array<i32>} : memref<96x128xf32, #tpu.memory_space<vmem>>, vector<1x16xf32>,
      %parallel_loop3A_107 = vector.shape_cast %parallel_loop3A_106 : vector<1x16xf32> to vector<16xf32>
      %parallel_loop3A_108 = vector.shape_cast %broadcast_in_dim3A_3 : vector<16xf32> to vector<1x16xf32>
      tpu.vector_store %arg11[%parallel_loop3A_104, %parallel_loop3A_105], %parallel_loop3A_108 {strides = array<i32>} : memref<96x128xf32, #tpu.memory_space<vmem>>, vector<1x16xf32>,
      %parallel_loop3A_109 = arith.index_cast %parallel_loop3A_83 : i32 to index
      %parallel_loop3A_110 = arith.constant 80 : index
      %parallel_loop3A_111 = tpu.vector_load %arg11[%parallel_loop3A_109, %parallel_loop3A_110] {strides = array<i32>} : memref<96x128xf32, #tpu.memory_space<vmem>>, vector<1x16xf32>,
      %parallel_loop3A_112 = vector.shape_cast %parallel_loop3A_111 : vector<1x16xf32> to vector<16xf32>
      %parallel_loop3A_113 = vector.shape_cast %broadcast_in_dim3A_3 : vector<16xf32> to vector<1x16xf32>
      tpu.vector_store %arg11[%parallel_loop3A_109, %parallel_loop3A_110], %parallel_loop3A_113 {strides = array<i32>} : memref<96x128xf32, #tpu.memory_space<vmem>>, vector<1x16xf32>,
      %parallel_loop3A_114 = arith.index_cast %parallel_loop3A_83 : i32 to index
      %parallel_loop3A_115 = arith.constant 96 : index
      %parallel_loop3A_116 = tpu.vector_load %arg11[%parallel_loop3A_114, %parallel_loop3A_115] {strides = array<i32>} : memref<96x128xf32, #tpu.memory_space<vmem>>, vector<1x16xf32>,
      %parallel_loop3A_117 = vector.shape_cast %parallel_loop3A_116 : vector<1x16xf32> to vector<16xf32>
      %parallel_loop3A_118 = vector.shape_cast %broadcast_in_dim3A_3 : vector<16xf32> to vector<1x16xf32>
      tpu.vector_store %arg11[%parallel_loop3A_114, %parallel_loop3A_115], %parallel_loop3A_118 {strides = array<i32>} : memref<96x128xf32, #tpu.memory_space<vmem>>, vector<1x16xf32>,
      %parallel_loop3A_119 = arith.index_cast %parallel_loop3A_83 : i32 to index
      %parallel_loop3A_120 = arith.constant 112 : index
      %parallel_loop3A_121 = tpu.vector_load %arg11[%parallel_loop3A_119, %parallel_loop3A_120] {strides = array<i32>} : memref<96x128xf32, #tpu.memory_space<vmem>>, vector<1x16xf32>,
      %parallel_loop3A_122 = vector.shape_cast %parallel_loop3A_121 : vector<1x16xf32> to vector<16xf32>
      %parallel_loop3A_123 = vector.shape_cast %broadcast_in_dim3A_3 : vector<16xf32> to vector<1x16xf32>
      tpu.vector_store %arg11[%parallel_loop3A_119, %parallel_loop3A_120], %parallel_loop3A_123 {strides = array<i32>} : memref<96x128xf32, #tpu.memory_space<vmem>>, vector<1x16xf32>,
    } {sc.loop_unroll_factor = 4 : i64, sc.parallel_access}
    %mul3A_6 = arith.constant 632 : i32
    %mul3A_7 = arith.muli %arg1, %mul3A_6 : i32
    %add3A_8 = arith.constant 0 : i32
    %add3A_9 = arith.addi %mul3A_7, %add3A_8 : i32
    "tpu.region"() ({
      %run_scoped3A = tpu.sem_alloc : memref<!tpu.dma_semaphore, #tpu.memory_space<semaphore_mem>>
      %dma_start3A_83 = arith.constant 0 : i32
      %dma_start3A_84 = tpu.memref_slice %arg15[%add3A_9, %dma_start3A_83] : memref<10112x128xf32, #tpu.memory_space<vmem_shared>> -> memref<96x128xf32, #tpu.memory_space<vmem_shared>>
      %dma_start3A_85 = arith.constant 0 : i32
      %dma_start3A_86 = tpu.memref_slice %arg15[%add3A_9, %dma_start3A_85] : memref<10112x128xf32, #tpu.memory_space<vmem_shared>> -> memref<96x128xf32, #tpu.memory_space<vmem_shared>>
      tpu.enqueue_dma source(%arg11 : memref<96x128xf32, #tpu.memory_space<vmem>>) target(%dma_start3A_86 : memref<96x128xf32, #tpu.memory_space<vmem_shared>>) target_semaphore(%run_scoped3A : memref<!tpu.dma_semaphore, #tpu.memory_space<semaphore_mem>>)
      %dma_wait3A_87 = arith.constant 0 : i32
      %dma_wait3A_88 = tpu.memref_slice %arg15[%add3A_9, %dma_wait3A_87] : memref<10112x128xf32, #tpu.memory_space<vmem_shared>> -> memref<96x128xf32, #tpu.memory_space<vmem_shared>>
      %dma_wait3A_89 = arith.constant 0 : i32
      %dma_wait3A_90 = tpu.memref_slice %arg15[%add3A_9, %dma_wait3A_89] : memref<10112x128xf32, #tpu.memory_space<vmem_shared>> -> memref<96x128xf32, #tpu.memory_space<vmem_shared>>
      tpu.wait_dma2 semaphore(%run_scoped3A : memref<!tpu.dma_semaphore, #tpu.memory_space<semaphore_mem>>) src(%arg11 : memref<96x128xf32, #tpu.memory_space<vmem>>) dst(%dma_wait3A_90 : memref<96x128xf32, #tpu.memory_space<vmem_shared>>)
      tpu.yield
    }) : () -> ()
    %add3A_10 = arith.constant 96 : i32
    %add3A_11 = arith.addi %mul3A_7, %add3A_10 : i32
    "tpu.region"() ({
      %run_scoped3A = tpu.sem_alloc : memref<!tpu.dma_semaphore, #tpu.memory_space<semaphore_mem>>
      %dma_start3A_83 = arith.constant 0 : i32
      %dma_start3A_84 = tpu.memref_slice %arg15[%add3A_11, %dma_start3A_83] : memref<10112x128xf32, #tpu.memory_space<vmem_shared>> -> memref<96x128xf32, #tpu.memory_space<vmem_shared>>
      %dma_start3A_85 = arith.constant 0 : i32
      %dma_start3A_86 = tpu.memref_slice %arg15[%add3A_11, %dma_start3A_85] : memref<10112x128xf32, #tpu.memory_space<vmem_shared>> -> memref<96x128xf32, #tpu.memory_space<vmem_shared>>
      tpu.enqueue_dma source(%arg11 : memref<96x128xf32, #tpu.memory_space<vmem>>) target(%dma_start3A_86 : memref<96x128xf32, #tpu.memory_space<vmem_shared>>) target_semaphore(%run_scoped3A : memref<!tpu.dma_semaphore, #tpu.memory_space<semaphore_mem>>)
      %dma_wait3A_87 = arith.constant 0 : i32
      %dma_wait3A_88 = tpu.memref_slice %arg15[%add3A_11, %dma_wait3A_87] : memref<10112x128xf32, #tpu.memory_space<vmem_shared>> -> memref<96x128xf32, #tpu.memory_space<vmem_shared>>
      %dma_wait3A_89 = arith.constant 0 : i32
      %dma_wait3A_90 = tpu.memref_slice %arg15[%add3A_11, %dma_wait3A_89] : memref<10112x128xf32, #tpu.memory_space<vmem_shared>> -> memref<96x128xf32, #tpu.memory_space<vmem_shared>>
      tpu.wait_dma2 semaphore(%run_scoped3A : memref<!tpu.dma_semaphore, #tpu.memory_space<semaphore_mem>>) src(%arg11 : memref<96x128xf32, #tpu.memory_space<vmem>>) dst(%dma_wait3A_90 : memref<96x128xf32, #tpu.memory_space<vmem_shared>>)
      tpu.yield
    }) : () -> ()
    %add3A_12 = arith.constant 192 : i32
    %add3A_13 = arith.addi %mul3A_7, %add3A_12 : i32
    "tpu.region"() ({
      %run_scoped3A = tpu.sem_alloc : memref<!tpu.dma_semaphore, #tpu.memory_space<semaphore_mem>>
      %dma_start3A_83 = arith.constant 0 : i32
      %dma_start3A_84 = tpu.memref_slice %arg15[%add3A_13, %dma_start3A_83] : memref<10112x128xf32, #tpu.memory_space<vmem_shared>> -> memref<96x128xf32, #tpu.memory_space<vmem_shared>>
      %dma_start3A_85 = arith.constant 0 : i32
      %dma_start3A_86 = tpu.memref_slice %arg15[%add3A_13, %dma_start3A_85] : memref<10112x128xf32, #tpu.memory_space<vmem_shared>> -> memref<96x128xf32, #tpu.memory_space<vmem_shared>>
      tpu.enqueue_dma source(%arg11 : memref<96x128xf32, #tpu.memory_space<vmem>>) target(%dma_start3A_86 : memref<96x128xf32, #tpu.memory_space<vmem_shared>>) target_semaphore(%run_scoped3A : memref<!tpu.dma_semaphore, #tpu.memory_space<semaphore_mem>>)
      %dma_wait3A_87 = arith.constant 0 : i32
      %dma_wait3A_88 = tpu.memref_slice %arg15[%add3A_13, %dma_wait3A_87] : memref<10112x128xf32, #tpu.memory_space<vmem_shared>> -> memref<96x128xf32, #tpu.memory_space<vmem_shared>>
      %dma_wait3A_89 = arith.constant 0 : i32
      %dma_wait3A_90 = tpu.memref_slice %arg15[%add3A_13, %dma_wait3A_89] : memref<10112x128xf32, #tpu.memory_space<vmem_shared>> -> memref<96x128xf32, #tpu.memory_space<vmem_shared>>
      tpu.wait_dma2 semaphore(%run_scoped3A : memref<!tpu.dma_semaphore, #tpu.memory_space<semaphore_mem>>) src(%arg11 : memref<96x128xf32, #tpu.memory_space<vmem>>) dst(%dma_wait3A_90 : memref<96x128xf32, #tpu.memory_space<vmem_shared>>)
      tpu.yield
    }) : () -> ()
    %add3A_14 = arith.constant 288 : i32
    %add3A_15 = arith.addi %mul3A_7, %add3A_14 : i32
    "tpu.region"() ({
      %run_scoped3A = tpu.sem_alloc : memref<!tpu.dma_semaphore, #tpu.memory_space<semaphore_mem>>
      %dma_start3A_83 = arith.constant 0 : i32
      %dma_start3A_84 = tpu.memref_slice %arg15[%add3A_15, %dma_start3A_83] : memref<10112x128xf32, #tpu.memory_space<vmem_shared>> -> memref<96x128xf32, #tpu.memory_space<vmem_shared>>
      %dma_start3A_85 = arith.constant 0 : i32
      %dma_start3A_86 = tpu.memref_slice %arg15[%add3A_15, %dma_start3A_85] : memref<10112x128xf32, #tpu.memory_space<vmem_shared>> -> memref<96x128xf32, #tpu.memory_space<vmem_shared>>
      tpu.enqueue_dma source(%arg11 : memref<96x128xf32, #tpu.memory_space<vmem>>) target(%dma_start3A_86 : memref<96x128xf32, #tpu.memory_space<vmem_shared>>) target_semaphore(%run_scoped3A : memref<!tpu.dma_semaphore, #tpu.memory_space<semaphore_mem>>)
      %dma_wait3A_87 = arith.constant 0 : i32
      %dma_wait3A_88 = tpu.memref_slice %arg15[%add3A_15, %dma_wait3A_87] : memref<10112x128xf32, #tpu.memory_space<vmem_shared>> -> memref<96x128xf32, #tpu.memory_space<vmem_shared>>
      %dma_wait3A_89 = arith.constant 0 : i32
      %dma_wait3A_90 = tpu.memref_slice %arg15[%add3A_15, %dma_wait3A_89] : memref<10112x128xf32, #tpu.memory_space<vmem_shared>> -> memref<96x128xf32, #tpu.memory_space<vmem_shared>>
      tpu.wait_dma2 semaphore(%run_scoped3A : memref<!tpu.dma_semaphore, #tpu.memory_space<semaphore_mem>>) src(%arg11 : memref<96x128xf32, #tpu.memory_space<vmem>>) dst(%dma_wait3A_90 : memref<96x128xf32, #tpu.memory_space<vmem_shared>>)
      tpu.yield
    }) : () -> ()
    %add3A_16 = arith.constant 384 : i32
    %add3A_17 = arith.addi %mul3A_7, %add3A_16 : i32
    "tpu.region"() ({
      %run_scoped3A = tpu.sem_alloc : memref<!tpu.dma_semaphore, #tpu.memory_space<semaphore_mem>>
      %dma_start3A_83 = arith.constant 0 : i32
      %dma_start3A_84 = tpu.memref_slice %arg15[%add3A_17, %dma_start3A_83] : memref<10112x128xf32, #tpu.memory_space<vmem_shared>> -> memref<96x128xf32, #tpu.memory_space<vmem_shared>>
      %dma_start3A_85 = arith.constant 0 : i32
      %dma_start3A_86 = tpu.memref_slice %arg15[%add3A_17, %dma_start3A_85] : memref<10112x128xf32, #tpu.memory_space<vmem_shared>> -> memref<96x128xf32, #tpu.memory_space<vmem_shared>>
      tpu.enqueue_dma source(%arg11 : memref<96x128xf32, #tpu.memory_space<vmem>>) target(%dma_start3A_86 : memref<96x128xf32, #tpu.memory_space<vmem_shared>>) target_semaphore(%run_scoped3A : memref<!tpu.dma_semaphore, #tpu.memory_space<semaphore_mem>>)
      %dma_wait3A_87 = arith.constant 0 : i32
      %dma_wait3A_88 = tpu.memref_slice %arg15[%add3A_17, %dma_wait3A_87] : memref<10112x128xf32, #tpu.memory_space<vmem_shared>> -> memref<96x128xf32, #tpu.memory_space<vmem_shared>>
      %dma_wait3A_89 = arith.constant 0 : i32
      %dma_wait3A_90 = tpu.memref_slice %arg15[%add3A_17, %dma_wait3A_89] : memref<10112x128xf32, #tpu.memory_space<vmem_shared>> -> memref<96x128xf32, #tpu.memory_space<vmem_shared>>
      tpu.wait_dma2 semaphore(%run_scoped3A : memref<!tpu.dma_semaphore, #tpu.memory_space<semaphore_mem>>) src(%arg11 : memref<96x128xf32, #tpu.memory_space<vmem>>) dst(%dma_wait3A_90 : memref<96x128xf32, #tpu.memory_space<vmem_shared>>)
      tpu.yield
    }) : () -> ()
    %add3A_18 = arith.constant 480 : i32
    %add3A_19 = arith.addi %mul3A_7, %add3A_18 : i32
    "tpu.region"() ({
      %run_scoped3A = tpu.sem_alloc : memref<!tpu.dma_semaphore, #tpu.memory_space<semaphore_mem>>
      %dma_start3A_83 = arith.constant 0 : i32
      %dma_start3A_84 = tpu.memref_slice %arg15[%add3A_19, %dma_start3A_83] : memref<10112x128xf32, #tpu.memory_space<vmem_shared>> -> memref<96x128xf32, #tpu.memory_space<vmem_shared>>
      %dma_start3A_85 = arith.constant 0 : i32
      %dma_start3A_86 = tpu.memref_slice %arg15[%add3A_19, %dma_start3A_85] : memref<10112x128xf32, #tpu.memory_space<vmem_shared>> -> memref<96x128xf32, #tpu.memory_space<vmem_shared>>
      tpu.enqueue_dma source(%arg11 : memref<96x128xf32, #tpu.memory_space<vmem>>) target(%dma_start3A_86 : memref<96x128xf32, #tpu.memory_space<vmem_shared>>) target_semaphore(%run_scoped3A : memref<!tpu.dma_semaphore, #tpu.memory_space<semaphore_mem>>)
      %dma_wait3A_87 = arith.constant 0 : i32
      %dma_wait3A_88 = tpu.memref_slice %arg15[%add3A_19, %dma_wait3A_87] : memref<10112x128xf32, #tpu.memory_space<vmem_shared>> -> memref<96x128xf32, #tpu.memory_space<vmem_shared>>
      %dma_wait3A_89 = arith.constant 0 : i32
      %dma_wait3A_90 = tpu.memref_slice %arg15[%add3A_19, %dma_wait3A_89] : memref<10112x128xf32, #tpu.memory_space<vmem_shared>> -> memref<96x128xf32, #tpu.memory_space<vmem_shared>>
      tpu.wait_dma2 semaphore(%run_scoped3A : memref<!tpu.dma_semaphore, #tpu.memory_space<semaphore_mem>>) src(%arg11 : memref<96x128xf32, #tpu.memory_space<vmem>>) dst(%dma_wait3A_90 : memref<96x128xf32, #tpu.memory_space<vmem_shared>>)
      tpu.yield
    }) : () -> ()
    %add3A_20 = arith.constant 576 : i32
    %add3A_21 = arith.addi %mul3A_7, %add3A_20 : i32
    "tpu.region"() ({
      %run_scoped3A = tpu.sem_alloc : memref<!tpu.dma_semaphore, #tpu.memory_space<semaphore_mem>>
      %dma_start3A_83 = arith.constant 0 : i32
      %dma_start3A_84 = arith.constant 0 : i32
      %dma_start3A_85 = tpu.memref_slice %arg11[%dma_start3A_83, %dma_start3A_84] : memref<96x128xf32, #tpu.memory_space<vmem>> -> memref<56x128xf32, #tpu.memory_space<vmem>>
      %dma_start3A_86 = arith.constant 0 : i32
      %dma_start3A_87 = tpu.memref_slice %arg15[%add3A_21, %dma_start3A_86] : memref<10112x128xf32, #tpu.memory_space<vmem_shared>> -> memref<56x128xf32, #tpu.memory_space<vmem_shared>>
      %dma_start3A_88 = arith.constant 0 : i32
      %dma_start3A_89 = tpu.memref_slice %arg15[%add3A_21, %dma_start3A_88] : memref<10112x128xf32, #tpu.memory_space<vmem_shared>> -> memref<56x128xf32, #tpu.memory_space<vmem_shared>>
      %dma_start3A_90 = arith.constant 0 : i32
      %dma_start3A_91 = arith.constant 0 : i32
      %dma_start3A_92 = tpu.memref_slice %arg11[%dma_start3A_90, %dma_start3A_91] : memref<96x128xf32, #tpu.memory_space<vmem>> -> memref<56x128xf32, #tpu.memory_space<vmem>>
      tpu.enqueue_dma source(%dma_start3A_92 : memref<56x128xf32, #tpu.memory_space<vmem>>) target(%dma_start3A_89 : memref<56x128xf32, #tpu.memory_space<vmem_shared>>) target_semaphore(%run_scoped3A : memref<!tpu.dma_semaphore, #tpu.memory_space<semaphore_mem>>)
      %dma_wait3A_93 = arith.constant 0 : i32
      %dma_wait3A_94 = arith.constant 0 : i32
      %dma_wait3A_95 = tpu.memref_slice %arg11[%dma_wait3A_93, %dma_wait3A_94] : memref<96x128xf32, #tpu.memory_space<vmem>> -> memref<56x128xf32, #tpu.memory_space<vmem>>
      %dma_wait3A_96 = arith.constant 0 : i32
      %dma_wait3A_97 = tpu.memref_slice %arg15[%add3A_21, %dma_wait3A_96] : memref<10112x128xf32, #tpu.memory_space<vmem_shared>> -> memref<56x128xf32, #tpu.memory_space<vmem_shared>>
      %dma_wait3A_98 = arith.constant 0 : i32
      %dma_wait3A_99 = tpu.memref_slice %arg15[%add3A_21, %dma_wait3A_98] : memref<10112x128xf32, #tpu.memory_space<vmem_shared>> -> memref<56x128xf32, #tpu.memory_space<vmem_shared>>
      %dma_wait3A_100 = arith.constant 0 : i32
      %dma_wait3A_101 = arith.constant 0 : i32
      %dma_wait3A_102 = tpu.memref_slice %arg11[%dma_wait3A_100, %dma_wait3A_101] : memref<96x128xf32, #tpu.memory_space<vmem>> -> memref<56x128xf32, #tpu.memory_space<vmem>>
      tpu.wait_dma2 semaphore(%run_scoped3A : memref<!tpu.dma_semaphore, #tpu.memory_space<semaphore_mem>>) src(%dma_wait3A_102 : memref<56x128xf32, #tpu.memory_space<vmem>>) dst(%dma_wait3A_99 : memref<56x128xf32, #tpu.memory_space<vmem_shared>>)
      tpu.yield
    }) : () -> ()
    %barrier3A = arith.constant 0 : index
    tpu.barrier barrier_id(%barrier3A)
    %add3A_22 = arith.constant 0 : i32
    %add3A_23 = arith.addi %mul3A_2, %add3A_22 : i32
    %dma_start3A = tpu.memref_slice %arg4[%add3A_23] : memref<325632xi32, #tpu.memory_space<hbm>> -> memref<96xi32, #tpu.memory_space<hbm>>
    %dma_start3A_24 = tpu.memref_slice %arg4[%add3A_23] : memref<325632xi32, #tpu.memory_space<hbm>> -> memref<96xi32, #tpu.memory_space<hbm>>
    tpu.enqueue_dma source(%dma_start3A_24 : memref<96xi32, #tpu.memory_space<hbm>>) target(%arg7 : memref<96xi32, #tpu.memory_space<vmem>>) target_semaphore(%arg20 : memref<!tpu.dma_semaphore, #tpu.memory_space<semaphore_mem>>)
    %add3A_25 = arith.constant 0 : i32
    %add3A_26 = arith.addi %mul3A_2, %add3A_25 : i32
    %dma_start3A_27 = tpu.memref_slice %arg5[%add3A_26] : memref<325632xi32, #tpu.memory_space<hbm>> -> memref<96xi32, #tpu.memory_space<hbm>>
    %dma_start3A_28 = tpu.memref_slice %arg5[%add3A_26] : memref<325632xi32, #tpu.memory_space<hbm>> -> memref<96xi32, #tpu.memory_space<hbm>>
    tpu.enqueue_dma source(%dma_start3A_28 : memref<96xi32, #tpu.memory_space<hbm>>) target(%arg9 : memref<96xi32, #tpu.memory_space<vmem>>) target_semaphore(%arg20 : memref<!tpu.dma_semaphore, #tpu.memory_space<semaphore_mem>>)
    %dma_wait3A = arith.constant 0 : i32
    %dma_wait3A_29 = tpu.memref_slice %arg4[%dma_wait3A] : memref<325632xi32, #tpu.memory_space<hbm>> -> memref<96xi32, #tpu.memory_space<hbm>>
    %dma_wait3A_30 = arith.constant 0 : i32
    %dma_wait3A_31 = tpu.memref_slice %arg4[%dma_wait3A_30] : memref<325632xi32, #tpu.memory_space<hbm>> -> memref<96xi32, #tpu.memory_space<hbm>>
    tpu.wait_dma2 semaphore(%arg20 : memref<!tpu.dma_semaphore, #tpu.memory_space<semaphore_mem>>) src(%dma_wait3A_31 : memref<96xi32, #tpu.memory_space<hbm>>) dst(%arg7 : memref<96xi32, #tpu.memory_space<vmem>>)
    %dma_wait3A_32 = arith.constant 0 : i32
    %dma_wait3A_33 = tpu.memref_slice %arg5[%dma_wait3A_32] : memref<325632xi32, #tpu.memory_space<hbm>> -> memref<96xi32, #tpu.memory_space<hbm>>
    %dma_wait3A_34 = arith.constant 0 : i32
    %dma_wait3A_35 = tpu.memref_slice %arg5[%dma_wait3A_34] : memref<325632xi32, #tpu.memory_space<hbm>> -> memref<96xi32, #tpu.memory_space<hbm>>
    tpu.wait_dma2 semaphore(%arg20 : memref<!tpu.dma_semaphore, #tpu.memory_space<semaphore_mem>>) src(%dma_wait3A_35 : memref<96xi32, #tpu.memory_space<hbm>>) dst(%arg9 : memref<96xi32, #tpu.memory_space<vmem>>)
    %add3A_36 = arith.constant 0 : i32
    %add3A_37 = arith.addi %mul3A_2, %add3A_36 : i32
    %dma_start3A_38 = arith.constant 0 : i32
    %dma_start3A_39 = tpu.memref_slice %arg3[%add3A_37, %dma_start3A_38] : memref<325632x128xf32, #tpu.memory_space<hbm>> -> memref<96x128xf32, #tpu.memory_space<hbm>>
    %dma_start3A_40 = arith.constant 0 : i32
    %dma_start3A_41 = tpu.memref_slice %arg3[%add3A_37, %dma_start3A_40] : memref<325632x128xf32, #tpu.memory_space<hbm>> -> memref<96x128xf32, #tpu.memory_space<hbm>>
    tpu.enqueue_dma source(%dma_start3A_41 : memref<96x128xf32, #tpu.memory_space<hbm>>) target(%arg11 : memref<96x128xf32, #tpu.memory_space<vmem>>) target_semaphore(%arg16 : memref<!tpu.dma_semaphore, #tpu.memory_space<semaphore_mem>>)
    %dma_start3A_42 = arith.constant 0 : i32
    %dma_start3A_43 = arith.constant 0 : i32
    %dma_start3A_44 = tpu.memref_slice %arg2[%dma_start3A_42, %dma_start3A_43] : memref<80000x128xf32, #tpu.memory_space<hbm>> -> memref<80000x128xf32, #tpu.memory_space<hbm>>
    tpu.enqueue_indirect_dma source(%dma_start3A_44 : memref<80000x128xf32, #tpu.memory_space<hbm>>) target(%arg13 : memref<96x128xf32, #tpu.memory_space<vmem>>) offsets(%arg7 : memref<96xi32, #tpu.memory_space<vmem>>) semaphore(%arg18 : memref<!tpu.dma_semaphore, #tpu.memory_space<semaphore_mem>>)
    %scan3A = arith.constant 0 : i32
    %scan3A_45 = arith.constant 0 : i32
    %scan3A_46 = arith.constant 53 : i32
    %scan3A_47 = arith.addi %scan3A_45, %scan3A_46 : i32
    %scan3A_48 = arith.constant 1 : i32
    %scan3A_49 = scf.for %scan3A_83 = %scan3A_45 to %scan3A_47 step %scan3A_48 iter_args(%scan3A_84 = %scan3A) -> (i32)  : i32 {
      %mul3A_85 = arith.constant 2 : i32
      %mul3A_86 = arith.muli %mul3A_85, %scan3A_83 : i32
      %add3A_87 = arith.constant 0 : i32
      %add3A_88 = arith.addi %mul3A_86, %add3A_87 : i32
      %add3A_89 = arith.constant 1 : i32
      %add3A_90 = arith.addi %add3A_88, %add3A_89 : i32
      %mul3A_91 = arith.constant 96 : i32
      %mul3A_92 = arith.muli %add3A_90, %mul3A_91 : i32
      %add3A_93 = arith.addi %mul3A_2, %mul3A_92 : i32
      %dma_start3A_94 = tpu.memref_slice %arg4[%add3A_93] : memref<325632xi32, #tpu.memory_space<hbm>> -> memref<96xi32, #tpu.memory_space<hbm>>
      %dma_start3A_95 = tpu.memref_slice %arg4[%add3A_93] : memref<325632xi32, #tpu.memory_space<hbm>> -> memref<96xi32, #tpu.memory_space<hbm>>
      tpu.enqueue_dma source(%dma_start3A_95 : memref<96xi32, #tpu.memory_space<hbm>>) target(%arg8 : memref<96xi32, #tpu.memory_space<vmem>>) target_semaphore(%arg21 : memref<!tpu.dma_semaphore, #tpu.memory_space<semaphore_mem>>)
      %mul3A_96 = arith.constant 96 : i32
      %mul3A_97 = arith.muli %add3A_90, %mul3A_96 : i32
      %add3A_98 = arith.addi %mul3A_2, %mul3A_97 : i32
      %dma_start3A_99 = tpu.memref_slice %arg5[%add3A_98] : memref<325632xi32, #tpu.memory_space<hbm>> -> memref<96xi32, #tpu.memory_space<hbm>>
      %dma_start3A_100 = tpu.memref_slice %arg5[%add3A_98] : memref<325632xi32, #tpu.memory_space<hbm>> -> memref<96xi32, #tpu.memory_space<hbm>>
      tpu.enqueue_dma source(%dma_start3A_100 : memref<96xi32, #tpu.memory_space<hbm>>) target(%arg10 : memref<96xi32, #tpu.memory_space<vmem>>) target_semaphore(%arg21 : memref<!tpu.dma_semaphore, #tpu.memory_space<semaphore_mem>>)
      %dma_wait3A_101 = arith.constant 0 : i32
      %dma_wait3A_102 = arith.constant 0 : i32
      %dma_wait3A_103 = tpu.memref_slice %arg3[%dma_wait3A_101, %dma_wait3A_102] : memref<325632x128xf32, #tpu.memory_space<hbm>> -> memref<96x128xf32, #tpu.memory_space<hbm>>
      %dma_wait3A_104 = arith.constant 0 : i32
      %dma_wait3A_105 = arith.constant 0 : i32
      %dma_wait3A_106 = tpu.memref_slice %arg3[%dma_wait3A_104, %dma_wait3A_105] : memref<325632x128xf32, #tpu.memory_space<hbm>> -> memref<96x128xf32, #tpu.memory_space<hbm>>
      tpu.wait_dma2 semaphore(%arg16 : memref<!tpu.dma_semaphore, #tpu.memory_space<semaphore_mem>>) src(%dma_wait3A_106 : memref<96x128xf32, #tpu.memory_space<hbm>>) dst(%arg11 : memref<96x128xf32, #tpu.memory_space<vmem>>)
      %dma_wait3A_107 = arith.constant 0 : i32
      %dma_wait3A_108 = arith.constant 0 : i32
      %dma_wait3A_109 = tpu.memref_slice %arg2[%dma_wait3A_107, %dma_wait3A_108] : memref<80000x128xf32, #tpu.memory_space<hbm>> -> memref<80000x128xf32, #tpu.memory_space<hbm>>
      tpu.wait_indirect_dma semaphore(%arg18 : memref<!tpu.dma_semaphore, #tpu.memory_space<semaphore_mem>>) src(%dma_wait3A_109 : memref<80000x128xf32, #tpu.memory_space<hbm>>) dst(%arg13 : memref<96x128xf32, #tpu.memory_space<vmem>>)
      %parallel_loop3A_110 = arith.constant 0 : i32
      %parallel_loop3A_111 = arith.constant 96 : i32
      %parallel_loop3A_112 = arith.constant 1 : i32
      scf.for %parallel_loop3A_157 = %parallel_loop3A_110 to %parallel_loop3A_111 step %parallel_loop3A_112  : i32 {
        %parallel_loop3A_158 = arith.index_cast %parallel_loop3A_157 : i32 to index
        %parallel_loop3A_159 = arith.constant 0 : index
        %parallel_loop3A_160 = tpu.vector_load %arg11[%parallel_loop3A_158, %parallel_loop3A_159] {strides = array<i32>} : memref<96x128xf32, #tpu.memory_space<vmem>>, vector<1x16xf32>,
        %parallel_loop3A_161 = vector.shape_cast %parallel_loop3A_160 : vector<1x16xf32> to vector<16xf32>
        %parallel_loop3A_162 = arith.index_cast %parallel_loop3A_157 : i32 to index
        %parallel_loop3A_163 = arith.constant 0 : index
        %parallel_loop3A_164 = tpu.vector_load %arg13[%parallel_loop3A_162, %parallel_loop3A_163] {strides = array<i32>} : memref<96x128xf32, #tpu.memory_space<vmem>>, vector<1x16xf32>,
        %parallel_loop3A_165 = vector.shape_cast %parallel_loop3A_164 : vector<1x16xf32> to vector<16xf32>
        %parallel_loop3A_166 = arith.addf %parallel_loop3A_161, %parallel_loop3A_165 : vector<16xf32>
        %parallel_loop3A_167 = arith.constant 0.000000e+00 : f32
        %parallel_loop3A_168 = vector.broadcast %parallel_loop3A_167 : f32 to vector<16xf32>
        %parallel_loop3A_169 = arith.maximumf %parallel_loop3A_166, %parallel_loop3A_168 : vector<16xf32>
        %parallel_loop3A_170 = arith.index_cast %parallel_loop3A_157 : i32 to index
        %parallel_loop3A_171 = arith.constant 0 : index
        %parallel_loop3A_172 = tpu.vector_load %arg11[%parallel_loop3A_170, %parallel_loop3A_171] {strides = array<i32>} : memref<96x128xf32, #tpu.memory_space<vmem>>, vector<1x16xf32>,
        %parallel_loop3A_173 = vector.shape_cast %parallel_loop3A_172 : vector<1x16xf32> to vector<16xf32>
        %parallel_loop3A_174 = vector.shape_cast %parallel_loop3A_169 : vector<16xf32> to vector<1x16xf32>
        tpu.vector_store %arg11[%parallel_loop3A_170, %parallel_loop3A_171], %parallel_loop3A_174 {strides = array<i32>} : memref<96x128xf32, #tpu.memory_space<vmem>>, vector<1x16xf32>,
        %parallel_loop3A_175 = arith.index_cast %parallel_loop3A_157 : i32 to index
        %parallel_loop3A_176 = arith.constant 16 : index
        %parallel_loop3A_177 = tpu.vector_load %arg11[%parallel_loop3A_175, %parallel_loop3A_176] {strides = array<i32>} : memref<96x128xf32, #tpu.memory_space<vmem>>, vector<1x16xf32>,
        %parallel_loop3A_178 = vector.shape_cast %parallel_loop3A_177 : vector<1x16xf32> to vector<16xf32>
        %parallel_loop3A_179 = arith.index_cast %parallel_loop3A_157 : i32 to index
        %parallel_loop3A_180 = arith.constant 16 : index
        %parallel_loop3A_181 = tpu.vector_load %arg13[%parallel_loop3A_179, %parallel_loop3A_180] {strides = array<i32>} : memref<96x128xf32, #tpu.memory_space<vmem>>, vector<1x16xf32>,
        %parallel_loop3A_182 = vector.shape_cast %parallel_loop3A_181 : vector<1x16xf32> to vector<16xf32>
        %parallel_loop3A_183 = arith.addf %parallel_loop3A_178, %parallel_loop3A_182 : vector<16xf32>
        %parallel_loop3A_184 = arith.constant 0.000000e+00 : f32
        %parallel_loop3A_185 = vector.broadcast %parallel_loop3A_184 : f32 to vector<16xf32>
        %parallel_loop3A_186 = arith.maximumf %parallel_loop3A_183, %parallel_loop3A_185 : vector<16xf32>
        %parallel_loop3A_187 = arith.index_cast %parallel_loop3A_157 : i32 to index
        %parallel_loop3A_188 = arith.constant 16 : index
        %parallel_loop3A_189 = tpu.vector_load %arg11[%parallel_loop3A_187, %parallel_loop3A_188] {strides = array<i32>} : memref<96x128xf32, #tpu.memory_space<vmem>>, vector<1x16xf32>,
        %parallel_loop3A_190 = vector.shape_cast %parallel_loop3A_189 : vector<1x16xf32> to vector<16xf32>
        %parallel_loop3A_191 = vector.shape_cast %parallel_loop3A_186 : vector<16xf32> to vector<1x16xf32>
        tpu.vector_store %arg11[%parallel_loop3A_187, %parallel_loop3A_188], %parallel_loop3A_191 {strides = array<i32>} : memref<96x128xf32, #tpu.memory_space<vmem>>, vector<1x16xf32>,
        %parallel_loop3A_192 = arith.index_cast %parallel_loop3A_157 : i32 to index
        %parallel_loop3A_193 = arith.constant 32 : index
        %parallel_loop3A_194 = tpu.vector_load %arg11[%parallel_loop3A_192, %parallel_loop3A_193] {strides = array<i32>} : memref<96x128xf32, #tpu.memory_space<vmem>>, vector<1x16xf32>,
        %parallel_loop3A_195 = vector.shape_cast %parallel_loop3A_194 : vector<1x16xf32> to vector<16xf32>
        %parallel_loop3A_196 = arith.index_cast %parallel_loop3A_157 : i32 to index
        %parallel_loop3A_197 = arith.constant 32 : index
        %parallel_loop3A_198 = tpu.vector_load %arg13[%parallel_loop3A_196, %parallel_loop3A_197] {strides = array<i32>} : memref<96x128xf32, #tpu.memory_space<vmem>>, vector<1x16xf32>,
        %parallel_loop3A_199 = vector.shape_cast %parallel_loop3A_198 : vector<1x16xf32> to vector<16xf32>
        %parallel_loop3A_200 = arith.addf %parallel_loop3A_195, %parallel_loop3A_199 : vector<16xf32>
        %parallel_loop3A_201 = arith.constant 0.000000e+00 : f32
        %parallel_loop3A_202 = vector.broadcast %parallel_loop3A_201 : f32 to vector<16xf32>
        %parallel_loop3A_203 = arith.maximumf %parallel_loop3A_200, %parallel_loop3A_202 : vector<16xf32>
        %parallel_loop3A_204 = arith.index_cast %parallel_loop3A_157 : i32 to index
        %parallel_loop3A_205 = arith.constant 32 : index
        %parallel_loop3A_206 = tpu.vector_load %arg11[%parallel_loop3A_204, %parallel_loop3A_205] {strides = array<i32>} : memref<96x128xf32, #tpu.memory_space<vmem>>, vector<1x16xf32>,
        %parallel_loop3A_207 = vector.shape_cast %parallel_loop3A_206 : vector<1x16xf32> to vector<16xf32>
        %parallel_loop3A_208 = vector.shape_cast %parallel_loop3A_203 : vector<16xf32> to vector<1x16xf32>
        tpu.vector_store %arg11[%parallel_loop3A_204, %parallel_loop3A_205], %parallel_loop3A_208 {strides = array<i32>} : memref<96x128xf32, #tpu.memory_space<vmem>>, vector<1x16xf32>,
        %parallel_loop3A_209 = arith.index_cast %parallel_loop3A_157 : i32 to index
        %parallel_loop3A_210 = arith.constant 48 : index
        %parallel_loop3A_211 = tpu.vector_load %arg11[%parallel_loop3A_209, %parallel_loop3A_210] {strides = array<i32>} : memref<96x128xf32, #tpu.memory_space<vmem>>, vector<1x16xf32>,
        %parallel_loop3A_212 = vector.shape_cast %parallel_loop3A_211 : vector<1x16xf32> to vector<16xf32>
        %parallel_loop3A_213 = arith.index_cast %parallel_loop3A_157 : i32 to index
        %parallel_loop3A_214 = arith.constant 48 : index
        %parallel_loop3A_215 = tpu.vector_load %arg13[%parallel_loop3A_213, %parallel_loop3A_214] {strides = array<i32>} : memref<96x128xf32, #tpu.memory_space<vmem>>, vector<1x16xf32>,
        %parallel_loop3A_216 = vector.shape_cast %parallel_loop3A_215 : vector<1x16xf32> to vector<16xf32>
        %parallel_loop3A_217 = arith.addf %parallel_loop3A_212, %parallel_loop3A_216 : vector<16xf32>
        %parallel_loop3A_218 = arith.constant 0.000000e+00 : f32
        %parallel_loop3A_219 = vector.broadcast %parallel_loop3A_218 : f32 to vector<16xf32>
        %parallel_loop3A_220 = arith.maximumf %parallel_loop3A_217, %parallel_loop3A_219 : vector<16xf32>
        %parallel_loop3A_221 = arith.index_cast %parallel_loop3A_157 : i32 to index
        %parallel_loop3A_222 = arith.constant 48 : index
        %parallel_loop3A_223 = tpu.vector_load %arg11[%parallel_loop3A_221, %parallel_loop3A_222] {strides = array<i32>} : memref<96x128xf32, #tpu.memory_space<vmem>>, vector<1x16xf32>,
        %parallel_loop3A_224 = vector.shape_cast %parallel_loop3A_223 : vector<1x16xf32> to vector<16xf32>
        %parallel_loop3A_225 = vector.shape_cast %parallel_loop3A_220 : vector<16xf32> to vector<1x16xf32>
        tpu.vector_store %arg11[%parallel_loop3A_221, %parallel_loop3A_222], %parallel_loop3A_225 {strides = array<i32>} : memref<96x128xf32, #tpu.memory_space<vmem>>, vector<1x16xf32>,
        %parallel_loop3A_226 = arith.index_cast %parallel_loop3A_157 : i32 to index
        %parallel_loop3A_227 = arith.constant 64 : index
        %parallel_loop3A_228 = tpu.vector_load %arg11[%parallel_loop3A_226, %parallel_loop3A_227] {strides = array<i32>} : memref<96x128xf32, #tpu.memory_space<vmem>>, vector<1x16xf32>,
        %parallel_loop3A_229 = vector.shape_cast %parallel_loop3A_228 : vector<1x16xf32> to vector<16xf32>
        %parallel_loop3A_230 = arith.index_cast %parallel_loop3A_157 : i32 to index
        %parallel_loop3A_231 = arith.constant 64 : index
        %parallel_loop3A_232 = tpu.vector_load %arg13[%parallel_loop3A_230, %parallel_loop3A_231] {strides = array<i32>} : memref<96x128xf32, #tpu.memory_space<vmem>>, vector<1x16xf32>,
        %parallel_loop3A_233 = vector.shape_cast %parallel_loop3A_232 : vector<1x16xf32> to vector<16xf32>
        %parallel_loop3A_234 = arith.addf %parallel_loop3A_229, %parallel_loop3A_233 : vector<16xf32>
        %parallel_loop3A_235 = arith.constant 0.000000e+00 : f32
        %parallel_loop3A_236 = vector.broadcast %parallel_loop3A_235 : f32 to vector<16xf32>
        %parallel_loop3A_237 = arith.maximumf %parallel_loop3A_234, %parallel_loop3A_236 : vector<16xf32>
        %parallel_loop3A_238 = arith.index_cast %parallel_loop3A_157 : i32 to index
        %parallel_loop3A_239 = arith.constant 64 : index
        %parallel_loop3A_240 = tpu.vector_load %arg11[%parallel_loop3A_238, %parallel_loop3A_239] {strides = array<i32>} : memref<96x128xf32, #tpu.memory_space<vmem>>, vector<1x16xf32>,
        %parallel_loop3A_241 = vector.shape_cast %parallel_loop3A_240 : vector<1x16xf32> to vector<16xf32>
        %parallel_loop3A_242 = vector.shape_cast %parallel_loop3A_237 : vector<16xf32> to vector<1x16xf32>
        tpu.vector_store %arg11[%parallel_loop3A_238, %parallel_loop3A_239], %parallel_loop3A_242 {strides = array<i32>} : memref<96x128xf32, #tpu.memory_space<vmem>>, vector<1x16xf32>,
        %parallel_loop3A_243 = arith.index_cast %parallel_loop3A_157 : i32 to index
        %parallel_loop3A_244 = arith.constant 80 : index
        %parallel_loop3A_245 = tpu.vector_load %arg11[%parallel_loop3A_243, %parallel_loop3A_244] {strides = array<i32>} : memref<96x128xf32, #tpu.memory_space<vmem>>, vector<1x16xf32>,
        %parallel_loop3A_246 = vector.shape_cast %parallel_loop3A_245 : vector<1x16xf32> to vector<16xf32>
        %parallel_loop3A_247 = arith.index_cast %parallel_loop3A_157 : i32 to index
        %parallel_loop3A_248 = arith.constant 80 : index
        %parallel_loop3A_249 = tpu.vector_load %arg13[%parallel_loop3A_247, %parallel_loop3A_248] {strides = array<i32>} : memref<96x128xf32, #tpu.memory_space<vmem>>, vector<1x16xf32>,
        %parallel_loop3A_250 = vector.shape_cast %parallel_loop3A_249 : vector<1x16xf32> to vector<16xf32>
        %parallel_loop3A_251 = arith.addf %parallel_loop3A_246, %parallel_loop3A_250 : vector<16xf32>
        %parallel_loop3A_252 = arith.constant 0.000000e+00 : f32
        %parallel_loop3A_253 = vector.broadcast %parallel_loop3A_252 : f32 to vector<16xf32>
        %parallel_loop3A_254 = arith.maximumf %parallel_loop3A_251, %parallel_loop3A_253 : vector<16xf32>
        %parallel_loop3A_255 = arith.index_cast %parallel_loop3A_157 : i32 to index
        %parallel_loop3A_256 = arith.constant 80 : index
        %parallel_loop3A_257 = tpu.vector_load %arg11[%parallel_loop3A_255, %parallel_loop3A_256] {strides = array<i32>} : memref<96x128xf32, #tpu.memory_space<vmem>>, vector<1x16xf32>,
        %parallel_loop3A_258 = vector.shape_cast %parallel_loop3A_257 : vector<1x16xf32> to vector<16xf32>
        %parallel_loop3A_259 = vector.shape_cast %parallel_loop3A_254 : vector<16xf32> to vector<1x16xf32>
        tpu.vector_store %arg11[%parallel_loop3A_255, %parallel_loop3A_256], %parallel_loop3A_259 {strides = array<i32>} : memref<96x128xf32, #tpu.memory_space<vmem>>, vector<1x16xf32>,
        %parallel_loop3A_260 = arith.index_cast %parallel_loop3A_157 : i32 to index
        %parallel_loop3A_261 = arith.constant 96 : index
        %parallel_loop3A_262 = tpu.vector_load %arg11[%parallel_loop3A_260, %parallel_loop3A_261] {strides = array<i32>} : memref<96x128xf32, #tpu.memory_space<vmem>>, vector<1x16xf32>,
        %parallel_loop3A_263 = vector.shape_cast %parallel_loop3A_262 : vector<1x16xf32> to vector<16xf32>
        %parallel_loop3A_264 = arith.index_cast %parallel_loop3A_157 : i32 to index
        %parallel_loop3A_265 = arith.constant 96 : index
        %parallel_loop3A_266 = tpu.vector_load %arg13[%parallel_loop3A_264, %parallel_loop3A_265] {strides = array<i32>} : memref<96x128xf32, #tpu.memory_space<vmem>>, vector<1x16xf32>,
        %parallel_loop3A_267 = vector.shape_cast %parallel_loop3A_266 : vector<1x16xf32> to vector<16xf32>
        %parallel_loop3A_268 = arith.addf %parallel_loop3A_263, %parallel_loop3A_267 : vector<16xf32>
        %parallel_loop3A_269 = arith.constant 0.000000e+00 : f32
        %parallel_loop3A_270 = vector.broadcast %parallel_loop3A_269 : f32 to vector<16xf32>
        %parallel_loop3A_271 = arith.maximumf %parallel_loop3A_268, %parallel_loop3A_270 : vector<16xf32>
        %parallel_loop3A_272 = arith.index_cast %parallel_loop3A_157 : i32 to index
        %parallel_loop3A_273 = arith.constant 96 : index
        %parallel_loop3A_274 = tpu.vector_load %arg11[%parallel_loop3A_272, %parallel_loop3A_273] {strides = array<i32>} : memref<96x128xf32, #tpu.memory_space<vmem>>, vector<1x16xf32>,
        %parallel_loop3A_275 = vector.shape_cast %parallel_loop3A_274 : vector<1x16xf32> to vector<16xf32>
        %parallel_loop3A_276 = vector.shape_cast %parallel_loop3A_271 : vector<16xf32> to vector<1x16xf32>
        tpu.vector_store %arg11[%parallel_loop3A_272, %parallel_loop3A_273], %parallel_loop3A_276 {strides = array<i32>} : memref<96x128xf32, #tpu.memory_space<vmem>>, vector<1x16xf32>,
        %parallel_loop3A_277 = arith.index_cast %parallel_loop3A_157 : i32 to index
        %parallel_loop3A_278 = arith.constant 112 : index
        %parallel_loop3A_279 = tpu.vector_load %arg11[%parallel_loop3A_277, %parallel_loop3A_278] {strides = array<i32>} : memref<96x128xf32, #tpu.memory_space<vmem>>, vector<1x16xf32>,
        %parallel_loop3A_280 = vector.shape_cast %parallel_loop3A_279 : vector<1x16xf32> to vector<16xf32>
        %parallel_loop3A_281 = arith.index_cast %parallel_loop3A_157 : i32 to index
        %parallel_loop3A_282 = arith.constant 112 : index
        %parallel_loop3A_283 = tpu.vector_load %arg13[%parallel_loop3A_281, %parallel_loop3A_282] {strides = array<i32>} : memref<96x128xf32, #tpu.memory_space<vmem>>, vector<1x16xf32>,
        %parallel_loop3A_284 = vector.shape_cast %parallel_loop3A_283 : vector<1x16xf32> to vector<16xf32>
        %parallel_loop3A_285 = arith.addf %parallel_loop3A_280, %parallel_loop3A_284 : vector<16xf32>
        %parallel_loop3A_286 = arith.constant 0.000000e+00 : f32
        %parallel_loop3A_287 = vector.broadcast %parallel_loop3A_286 : f32 to vector<16xf32>
        %parallel_loop3A_288 = arith.maximumf %parallel_loop3A_285, %parallel_loop3A_287 : vector<16xf32>
        %parallel_loop3A_289 = arith.index_cast %parallel_loop3A_157 : i32 to index
        %parallel_loop3A_290 = arith.constant 112 : index
        %parallel_loop3A_291 = tpu.vector_load %arg11[%parallel_loop3A_289, %parallel_loop3A_290] {strides = array<i32>} : memref<96x128xf32, #tpu.memory_space<vmem>>, vector<1x16xf32>,
        %parallel_loop3A_292 = vector.shape_cast %parallel_loop3A_291 : vector<1x16xf32> to vector<16xf32>
        %parallel_loop3A_293 = vector.shape_cast %parallel_loop3A_288 : vector<16xf32> to vector<1x16xf32>
        tpu.vector_store %arg11[%parallel_loop3A_289, %parallel_loop3A_290], %parallel_loop3A_293 {strides = array<i32>} : memref<96x128xf32, #tpu.memory_space<vmem>>, vector<1x16xf32>,
      } {sc.loop_unroll_factor = 4 : i64, sc.parallel_access}
      %dma_wait3A_113 = arith.constant 0 : i32
      %dma_wait3A_114 = tpu.memref_slice %arg4[%dma_wait3A_113] : memref<325632xi32, #tpu.memory_space<hbm>> -> memref<96xi32, #tpu.memory_space<hbm>>
      %dma_wait3A_115 = arith.constant 0 : i32
      %dma_wait3A_116 = tpu.memref_slice %arg4[%dma_wait3A_115] : memref<325632xi32, #tpu.memory_space<hbm>> -> memref<96xi32, #tpu.memory_space<hbm>>
      tpu.wait_dma2 semaphore(%arg21 : memref<!tpu.dma_semaphore, #tpu.memory_space<semaphore_mem>>) src(%dma_wait3A_116 : memref<96xi32, #tpu.memory_space<hbm>>) dst(%arg8 : memref<96xi32, #tpu.memory_space<vmem>>)
      %dma_wait3A_117 = arith.constant 0 : i32
      %dma_wait3A_118 = tpu.memref_slice %arg5[%dma_wait3A_117] : memref<325632xi32, #tpu.memory_space<hbm>> -> memref<96xi32, #tpu.memory_space<hbm>>
      %dma_wait3A_119 = arith.constant 0 : i32
      %dma_wait3A_120 = tpu.memref_slice %arg5[%dma_wait3A_119] : memref<325632xi32, #tpu.memory_space<hbm>> -> memref<96xi32, #tpu.memory_space<hbm>>
      tpu.wait_dma2 semaphore(%arg21 : memref<!tpu.dma_semaphore, #tpu.memory_space<semaphore_mem>>) src(%dma_wait3A_120 : memref<96xi32, #tpu.memory_space<hbm>>) dst(%arg10 : memref<96xi32, #tpu.memory_space<vmem>>)
      %add3A_121 = arith.constant 1 : i32
      %add3A_122 = arith.addi %add3A_88, %add3A_121 : i32
      %mul3A_123 = arith.constant 96 : i32
      %mul3A_124 = arith.muli %add3A_122, %mul3A_123 : i32
      %add3A_125 = arith.addi %mul3A_2, %mul3A_124 : i32
      %dma_start3A_126 = arith.constant 0 : i32
      %dma_start3A_127 = tpu.memref_slice %arg3[%add3A_125, %dma_start3A_126] : memref<325632x128xf32, #tpu.memory_space<hbm>> -> memref<96x128xf32, #tpu.memory_space<hbm>>
      %dma_start3A_128 = arith.constant 0 : i32
      %dma_start3A_129 = tpu.memref_slice %arg3[%add3A_125, %dma_start3A_128] : memref<325632x128xf32, #tpu.memory_space<hbm>> -> memref<96x128xf32, #tpu.memory_space<hbm>>
      tpu.enqueue_dma source(%dma_start3A_129 : memref<96x128xf32, #tpu.memory_space<hbm>>) target(%arg12 : memref<96x128xf32, #tpu.memory_space<vmem>>) target_semaphore(%arg17 : memref<!tpu.dma_semaphore, #tpu.memory_space<semaphore_mem>>)
      %dma_start3A_130 = arith.constant 0 : i32
      %dma_start3A_131 = arith.constant 0 : i32
      %dma_start3A_132 = tpu.memref_slice %arg2[%dma_start3A_130, %dma_start3A_131] : memref<80000x128xf32, #tpu.memory_space<hbm>> -> memref<80000x128xf32, #tpu.memory_space<hbm>>
      tpu.enqueue_indirect_dma source(%dma_start3A_132 : memref<80000x128xf32, #tpu.memory_space<hbm>>) target(%arg14 : memref<96x128xf32, #tpu.memory_space<vmem>>) offsets(%arg8 : memref<96xi32, #tpu.memory_space<vmem>>) semaphore(%arg19 : memref<!tpu.dma_semaphore, #tpu.memory_space<semaphore_mem>>)
      "tpu.region"() ({
        %run_scoped3A = tpu.sem_alloc : memref<!tpu.dma_semaphore, #tpu.memory_space<semaphore_mem>>
        %dma_start3A_157 = arith.constant 0 : i32
        %dma_start3A_158 = arith.constant 0 : i32
        %dma_start3A_159 = tpu.memref_slice %arg15[%dma_start3A_157, %dma_start3A_158] : memref<10112x128xf32, #tpu.memory_space<vmem_shared>> -> memref<10112x128xf32, #tpu.memory_space<vmem_shared>>
        tpu.enqueue_indirect_dma source(%arg11 : memref<96x128xf32, #tpu.memory_space<vmem>>) target(%dma_start3A_159 : memref<10112x128xf32, #tpu.memory_space<vmem_shared>>) offsets(%arg9 : memref<96xi32, #tpu.memory_space<vmem>>) semaphore(%run_scoped3A : memref<!tpu.dma_semaphore, #tpu.memory_space<semaphore_mem>>) {add = true}
        %dma_wait3A_160 = arith.constant 0 : i32
        %dma_wait3A_161 = arith.constant 0 : i32
        %dma_wait3A_162 = tpu.memref_slice %arg15[%dma_wait3A_160, %dma_wait3A_161] : memref<10112x128xf32, #tpu.memory_space<vmem_shared>> -> memref<10112x128xf32, #tpu.memory_space<vmem_shared>>
        tpu.wait_indirect_dma semaphore(%run_scoped3A : memref<!tpu.dma_semaphore, #tpu.memory_space<semaphore_mem>>) src(%arg11 : memref<96x128xf32, #tpu.memory_space<vmem>>) dst(%dma_wait3A_162 : memref<10112x128xf32, #tpu.memory_space<vmem_shared>>)
        tpu.yield
      }) : () -> ()
      %mul3A_133 = arith.constant 2 : i32
      %mul3A_134 = arith.muli %mul3A_133, %scan3A_83 : i32
      %add3A_135 = arith.constant 1 : i32
      %add3A_136 = arith.addi %mul3A_134, %add3A_135 : i32
      %lt3A = arith.constant 52 : i32
      %lt3A_137 = arith.cmpi slt, %scan3A_83, %lt3A : i32
      %convert_element_type3A = arith.extui %lt3A_137 : i1 to i32
      %cond3A = arith.constant 0 : i32
      %cond3A_138 = arith.cmpi ne, %convert_element_type3A, %cond3A : i32
      scf.if %cond3A_138 {
        %add3A_157 = arith.constant 1 : i32
        %add3A_158 = arith.addi %add3A_136, %add3A_157 : i32
        %mul3A_159 = arith.constant 96 : i32
        %mul3A_160 = arith.muli %add3A_158, %mul3A_159 : i32
        %add3A_161 = arith.addi %mul3A_2, %mul3A_160 : i32
        %dma_start3A_162 = tpu.memref_slice %arg4[%add3A_161] : memref<325632xi32, #tpu.memory_space<hbm>> -> memref<96xi32, #tpu.memory_space<hbm>>
        %dma_start3A_163 = tpu.memref_slice %arg4[%add3A_161] : memref<325632xi32, #tpu.memory_space<hbm>> -> memref<96xi32, #tpu.memory_space<hbm>>
        tpu.enqueue_dma source(%dma_start3A_163 : memref<96xi32, #tpu.memory_space<hbm>>) target(%arg7 : memref<96xi32, #tpu.memory_space<vmem>>) target_semaphore(%arg20 : memref<!tpu.dma_semaphore, #tpu.memory_space<semaphore_mem>>)
        %mul3A_164 = arith.constant 96 : i32
        %mul3A_165 = arith.muli %add3A_158, %mul3A_164 : i32
        %add3A_166 = arith.addi %mul3A_2, %mul3A_165 : i32
        %dma_start3A_167 = tpu.memref_slice %arg5[%add3A_166] : memref<325632xi32, #tpu.memory_space<hbm>> -> memref<96xi32, #tpu.memory_space<hbm>>
        %dma_start3A_168 = tpu.memref_slice %arg5[%add3A_166] : memref<325632xi32, #tpu.memory_space<hbm>> -> memref<96xi32, #tpu.memory_space<hbm>>
        tpu.enqueue_dma source(%dma_start3A_168 : memref<96xi32, #tpu.memory_space<hbm>>) target(%arg9 : memref<96xi32, #tpu.memory_space<vmem>>) target_semaphore(%arg20 : memref<!tpu.dma_semaphore, #tpu.memory_space<semaphore_mem>>)
      } else {
      }
      %dma_wait3A_139 = arith.constant 0 : i32
      %dma_wait3A_140 = arith.constant 0 : i32
      %dma_wait3A_141 = tpu.memref_slice %arg3[%dma_wait3A_139, %dma_wait3A_140] : memref<325632x128xf32, #tpu.memory_space<hbm>> -> memref<96x128xf32, #tpu.memory_space<hbm>>
      %dma_wait3A_142 = arith.constant 0 : i32
      %dma_wait3A_143 = arith.constant 0 : i32
      %dma_wait3A_144 = tpu.memref_slice %arg3[%dma_wait3A_142, %dma_wait3A_143] : memref<325632x128xf32, #tpu.memory_space<hbm>> -> memref<96x128xf32, #tpu.memory_space<hbm>>
      tpu.wait_dma2 semaphore(%arg17 : memref<!tpu.dma_semaphore, #tpu.memory_space<semaphore_mem>>) src(%dma_wait3A_144 : memref<96x128xf32, #tpu.memory_space<hbm>>) dst(%arg12 : memref<96x128xf32, #tpu.memory_space<vmem>>)
      %dma_wait3A_145 = arith.constant 0 : i32
      %dma_wait3A_146 = arith.constant 0 : i32
      %dma_wait3A_147 = tpu.memref_slice %arg2[%dma_wait3A_145, %dma_wait3A_146] : memref<80000x128xf32, #tpu.memory_space<hbm>> -> memref<80000x128xf32, #tpu.memory_space<hbm>>
      tpu.wait_indirect_dma semaphore(%arg19 : memref<!tpu.dma_semaphore, #tpu.memory_space<semaphore_mem>>) src(%dma_wait3A_147 : memref<80000x128xf32, #tpu.memory_space<hbm>>) dst(%arg14 : memref<96x128xf32, #tpu.memory_space<vmem>>)
      %parallel_loop3A_148 = arith.constant 0 : i32
      %parallel_loop3A_149 = arith.constant 96 : i32
      %parallel_loop3A_150 = arith.constant 1 : i32
      scf.for %parallel_loop3A_157 = %parallel_loop3A_148 to %parallel_loop3A_149 step %parallel_loop3A_150  : i32 {
        %parallel_loop3A_158 = arith.index_cast %parallel_loop3A_157 : i32 to index
        %parallel_loop3A_159 = arith.constant 0 : index
        %parallel_loop3A_160 = tpu.vector_load %arg12[%parallel_loop3A_158, %parallel_loop3A_159] {strides = array<i32>} : memref<96x128xf32, #tpu.memory_space<vmem>>, vector<1x16xf32>,
        %parallel_loop3A_161 = vector.shape_cast %parallel_loop3A_160 : vector<1x16xf32> to vector<16xf32>
        %parallel_loop3A_162 = arith.index_cast %parallel_loop3A_157 : i32 to index
        %parallel_loop3A_163 = arith.constant 0 : index
        %parallel_loop3A_164 = tpu.vector_load %arg14[%parallel_loop3A_162, %parallel_loop3A_163] {strides = array<i32>} : memref<96x128xf32, #tpu.memory_space<vmem>>, vector<1x16xf32>,
        %parallel_loop3A_165 = vector.shape_cast %parallel_loop3A_164 : vector<1x16xf32> to vector<16xf32>
        %parallel_loop3A_166 = arith.addf %parallel_loop3A_161, %parallel_loop3A_165 : vector<16xf32>
        %parallel_loop3A_167 = arith.constant 0.000000e+00 : f32
        %parallel_loop3A_168 = vector.broadcast %parallel_loop3A_167 : f32 to vector<16xf32>
        %parallel_loop3A_169 = arith.maximumf %parallel_loop3A_166, %parallel_loop3A_168 : vector<16xf32>
        %parallel_loop3A_170 = arith.index_cast %parallel_loop3A_157 : i32 to index
        %parallel_loop3A_171 = arith.constant 0 : index
        %parallel_loop3A_172 = tpu.vector_load %arg12[%parallel_loop3A_170, %parallel_loop3A_171] {strides = array<i32>} : memref<96x128xf32, #tpu.memory_space<vmem>>, vector<1x16xf32>,
        %parallel_loop3A_173 = vector.shape_cast %parallel_loop3A_172 : vector<1x16xf32> to vector<16xf32>
        %parallel_loop3A_174 = vector.shape_cast %parallel_loop3A_169 : vector<16xf32> to vector<1x16xf32>
        tpu.vector_store %arg12[%parallel_loop3A_170, %parallel_loop3A_171], %parallel_loop3A_174 {strides = array<i32>} : memref<96x128xf32, #tpu.memory_space<vmem>>, vector<1x16xf32>,
        %parallel_loop3A_175 = arith.index_cast %parallel_loop3A_157 : i32 to index
        %parallel_loop3A_176 = arith.constant 16 : index
        %parallel_loop3A_177 = tpu.vector_load %arg12[%parallel_loop3A_175, %parallel_loop3A_176] {strides = array<i32>} : memref<96x128xf32, #tpu.memory_space<vmem>>, vector<1x16xf32>,
        %parallel_loop3A_178 = vector.shape_cast %parallel_loop3A_177 : vector<1x16xf32> to vector<16xf32>
        %parallel_loop3A_179 = arith.index_cast %parallel_loop3A_157 : i32 to index
        %parallel_loop3A_180 = arith.constant 16 : index
        %parallel_loop3A_181 = tpu.vector_load %arg14[%parallel_loop3A_179, %parallel_loop3A_180] {strides = array<i32>} : memref<96x128xf32, #tpu.memory_space<vmem>>, vector<1x16xf32>,
        %parallel_loop3A_182 = vector.shape_cast %parallel_loop3A_181 : vector<1x16xf32> to vector<16xf32>
        %parallel_loop3A_183 = arith.addf %parallel_loop3A_178, %parallel_loop3A_182 : vector<16xf32>
        %parallel_loop3A_184 = arith.constant 0.000000e+00 : f32
        %parallel_loop3A_185 = vector.broadcast %parallel_loop3A_184 : f32 to vector<16xf32>
        %parallel_loop3A_186 = arith.maximumf %parallel_loop3A_183, %parallel_loop3A_185 : vector<16xf32>
        %parallel_loop3A_187 = arith.index_cast %parallel_loop3A_157 : i32 to index
        %parallel_loop3A_188 = arith.constant 16 : index
        %parallel_loop3A_189 = tpu.vector_load %arg12[%parallel_loop3A_187, %parallel_loop3A_188] {strides = array<i32>} : memref<96x128xf32, #tpu.memory_space<vmem>>, vector<1x16xf32>,
        %parallel_loop3A_190 = vector.shape_cast %parallel_loop3A_189 : vector<1x16xf32> to vector<16xf32>
        %parallel_loop3A_191 = vector.shape_cast %parallel_loop3A_186 : vector<16xf32> to vector<1x16xf32>
        tpu.vector_store %arg12[%parallel_loop3A_187, %parallel_loop3A_188], %parallel_loop3A_191 {strides = array<i32>} : memref<96x128xf32, #tpu.memory_space<vmem>>, vector<1x16xf32>,
        %parallel_loop3A_192 = arith.index_cast %parallel_loop3A_157 : i32 to index
        %parallel_loop3A_193 = arith.constant 32 : index
        %parallel_loop3A_194 = tpu.vector_load %arg12[%parallel_loop3A_192, %parallel_loop3A_193] {strides = array<i32>} : memref<96x128xf32, #tpu.memory_space<vmem>>, vector<1x16xf32>,
        %parallel_loop3A_195 = vector.shape_cast %parallel_loop3A_194 : vector<1x16xf32> to vector<16xf32>
        %parallel_loop3A_196 = arith.index_cast %parallel_loop3A_157 : i32 to index
        %parallel_loop3A_197 = arith.constant 32 : index
        %parallel_loop3A_198 = tpu.vector_load %arg14[%parallel_loop3A_196, %parallel_loop3A_197] {strides = array<i32>} : memref<96x128xf32, #tpu.memory_space<vmem>>, vector<1x16xf32>,
        %parallel_loop3A_199 = vector.shape_cast %parallel_loop3A_198 : vector<1x16xf32> to vector<16xf32>
        %parallel_loop3A_200 = arith.addf %parallel_loop3A_195, %parallel_loop3A_199 : vector<16xf32>
        %parallel_loop3A_201 = arith.constant 0.000000e+00 : f32
        %parallel_loop3A_202 = vector.broadcast %parallel_loop3A_201 : f32 to vector<16xf32>
        %parallel_loop3A_203 = arith.maximumf %parallel_loop3A_200, %parallel_loop3A_202 : vector<16xf32>
        %parallel_loop3A_204 = arith.index_cast %parallel_loop3A_157 : i32 to index
        %parallel_loop3A_205 = arith.constant 32 : index
        %parallel_loop3A_206 = tpu.vector_load %arg12[%parallel_loop3A_204, %parallel_loop3A_205] {strides = array<i32>} : memref<96x128xf32, #tpu.memory_space<vmem>>, vector<1x16xf32>,
        %parallel_loop3A_207 = vector.shape_cast %parallel_loop3A_206 : vector<1x16xf32> to vector<16xf32>
        %parallel_loop3A_208 = vector.shape_cast %parallel_loop3A_203 : vector<16xf32> to vector<1x16xf32>
        tpu.vector_store %arg12[%parallel_loop3A_204, %parallel_loop3A_205], %parallel_loop3A_208 {strides = array<i32>} : memref<96x128xf32, #tpu.memory_space<vmem>>, vector<1x16xf32>,
        %parallel_loop3A_209 = arith.index_cast %parallel_loop3A_157 : i32 to index
        %parallel_loop3A_210 = arith.constant 48 : index
        %parallel_loop3A_211 = tpu.vector_load %arg12[%parallel_loop3A_209, %parallel_loop3A_210] {strides = array<i32>} : memref<96x128xf32, #tpu.memory_space<vmem>>, vector<1x16xf32>,
        %parallel_loop3A_212 = vector.shape_cast %parallel_loop3A_211 : vector<1x16xf32> to vector<16xf32>
        %parallel_loop3A_213 = arith.index_cast %parallel_loop3A_157 : i32 to index
        %parallel_loop3A_214 = arith.constant 48 : index
        %parallel_loop3A_215 = tpu.vector_load %arg14[%parallel_loop3A_213, %parallel_loop3A_214] {strides = array<i32>} : memref<96x128xf32, #tpu.memory_space<vmem>>, vector<1x16xf32>,
        %parallel_loop3A_216 = vector.shape_cast %parallel_loop3A_215 : vector<1x16xf32> to vector<16xf32>
        %parallel_loop3A_217 = arith.addf %parallel_loop3A_212, %parallel_loop3A_216 : vector<16xf32>
        %parallel_loop3A_218 = arith.constant 0.000000e+00 : f32
        %parallel_loop3A_219 = vector.broadcast %parallel_loop3A_218 : f32 to vector<16xf32>
        %parallel_loop3A_220 = arith.maximumf %parallel_loop3A_217, %parallel_loop3A_219 : vector<16xf32>
        %parallel_loop3A_221 = arith.index_cast %parallel_loop3A_157 : i32 to index
        %parallel_loop3A_222 = arith.constant 48 : index
        %parallel_loop3A_223 = tpu.vector_load %arg12[%parallel_loop3A_221, %parallel_loop3A_222] {strides = array<i32>} : memref<96x128xf32, #tpu.memory_space<vmem>>, vector<1x16xf32>,
        %parallel_loop3A_224 = vector.shape_cast %parallel_loop3A_223 : vector<1x16xf32> to vector<16xf32>
        %parallel_loop3A_225 = vector.shape_cast %parallel_loop3A_220 : vector<16xf32> to vector<1x16xf32>
        tpu.vector_store %arg12[%parallel_loop3A_221, %parallel_loop3A_222], %parallel_loop3A_225 {strides = array<i32>} : memref<96x128xf32, #tpu.memory_space<vmem>>, vector<1x16xf32>,
        %parallel_loop3A_226 = arith.index_cast %parallel_loop3A_157 : i32 to index
        %parallel_loop3A_227 = arith.constant 64 : index
        %parallel_loop3A_228 = tpu.vector_load %arg12[%parallel_loop3A_226, %parallel_loop3A_227] {strides = array<i32>} : memref<96x128xf32, #tpu.memory_space<vmem>>, vector<1x16xf32>,
        %parallel_loop3A_229 = vector.shape_cast %parallel_loop3A_228 : vector<1x16xf32> to vector<16xf32>
        %parallel_loop3A_230 = arith.index_cast %parallel_loop3A_157 : i32 to index
        %parallel_loop3A_231 = arith.constant 64 : index
        %parallel_loop3A_232 = tpu.vector_load %arg14[%parallel_loop3A_230, %parallel_loop3A_231] {strides = array<i32>} : memref<96x128xf32, #tpu.memory_space<vmem>>, vector<1x16xf32>,
        %parallel_loop3A_233 = vector.shape_cast %parallel_loop3A_232 : vector<1x16xf32> to vector<16xf32>
        %parallel_loop3A_234 = arith.addf %parallel_loop3A_229, %parallel_loop3A_233 : vector<16xf32>
        %parallel_loop3A_235 = arith.constant 0.000000e+00 : f32
        %parallel_loop3A_236 = vector.broadcast %parallel_loop3A_235 : f32 to vector<16xf32>
        %parallel_loop3A_237 = arith.maximumf %parallel_loop3A_234, %parallel_loop3A_236 : vector<16xf32>
        %parallel_loop3A_238 = arith.index_cast %parallel_loop3A_157 : i32 to index
        %parallel_loop3A_239 = arith.constant 64 : index
        %parallel_loop3A_240 = tpu.vector_load %arg12[%parallel_loop3A_238, %parallel_loop3A_239] {strides = array<i32>} : memref<96x128xf32, #tpu.memory_space<vmem>>, vector<1x16xf32>,
        %parallel_loop3A_241 = vector.shape_cast %parallel_loop3A_240 : vector<1x16xf32> to vector<16xf32>
        %parallel_loop3A_242 = vector.shape_cast %parallel_loop3A_237 : vector<16xf32> to vector<1x16xf32>
        tpu.vector_store %arg12[%parallel_loop3A_238, %parallel_loop3A_239], %parallel_loop3A_242 {strides = array<i32>} : memref<96x128xf32, #tpu.memory_space<vmem>>, vector<1x16xf32>,
        %parallel_loop3A_243 = arith.index_cast %parallel_loop3A_157 : i32 to index
        %parallel_loop3A_244 = arith.constant 80 : index
        %parallel_loop3A_245 = tpu.vector_load %arg12[%parallel_loop3A_243, %parallel_loop3A_244] {strides = array<i32>} : memref<96x128xf32, #tpu.memory_space<vmem>>, vector<1x16xf32>,
        %parallel_loop3A_246 = vector.shape_cast %parallel_loop3A_245 : vector<1x16xf32> to vector<16xf32>
        %parallel_loop3A_247 = arith.index_cast %parallel_loop3A_157 : i32 to index
        %parallel_loop3A_248 = arith.constant 80 : index
        %parallel_loop3A_249 = tpu.vector_load %arg14[%parallel_loop3A_247, %parallel_loop3A_248] {strides = array<i32>} : memref<96x128xf32, #tpu.memory_space<vmem>>, vector<1x16xf32>,
        %parallel_loop3A_250 = vector.shape_cast %parallel_loop3A_249 : vector<1x16xf32> to vector<16xf32>
        %parallel_loop3A_251 = arith.addf %parallel_loop3A_246, %parallel_loop3A_250 : vector<16xf32>
        %parallel_loop3A_252 = arith.constant 0.000000e+00 : f32
        %parallel_loop3A_253 = vector.broadcast %parallel_loop3A_252 : f32 to vector<16xf32>
        %parallel_loop3A_254 = arith.maximumf %parallel_loop3A_251, %parallel_loop3A_253 : vector<16xf32>
        %parallel_loop3A_255 = arith.index_cast %parallel_loop3A_157 : i32 to index
        %parallel_loop3A_256 = arith.constant 80 : index
        %parallel_loop3A_257 = tpu.vector_load %arg12[%parallel_loop3A_255, %parallel_loop3A_256] {strides = array<i32>} : memref<96x128xf32, #tpu.memory_space<vmem>>, vector<1x16xf32>,
        %parallel_loop3A_258 = vector.shape_cast %parallel_loop3A_257 : vector<1x16xf32> to vector<16xf32>
        %parallel_loop3A_259 = vector.shape_cast %parallel_loop3A_254 : vector<16xf32> to vector<1x16xf32>
        tpu.vector_store %arg12[%parallel_loop3A_255, %parallel_loop3A_256], %parallel_loop3A_259 {strides = array<i32>} : memref<96x128xf32, #tpu.memory_space<vmem>>, vector<1x16xf32>,
        %parallel_loop3A_260 = arith.index_cast %parallel_loop3A_157 : i32 to index
        %parallel_loop3A_261 = arith.constant 96 : index
        %parallel_loop3A_262 = tpu.vector_load %arg12[%parallel_loop3A_260, %parallel_loop3A_261] {strides = array<i32>} : memref<96x128xf32, #tpu.memory_space<vmem>>, vector<1x16xf32>,
        %parallel_loop3A_263 = vector.shape_cast %parallel_loop3A_262 : vector<1x16xf32> to vector<16xf32>
        %parallel_loop3A_264 = arith.index_cast %parallel_loop3A_157 : i32 to index
        %parallel_loop3A_265 = arith.constant 96 : index
        %parallel_loop3A_266 = tpu.vector_load %arg14[%parallel_loop3A_264, %parallel_loop3A_265] {strides = array<i32>} : memref<96x128xf32, #tpu.memory_space<vmem>>, vector<1x16xf32>,
        %parallel_loop3A_267 = vector.shape_cast %parallel_loop3A_266 : vector<1x16xf32> to vector<16xf32>
        %parallel_loop3A_268 = arith.addf %parallel_loop3A_263, %parallel_loop3A_267 : vector<16xf32>
        %parallel_loop3A_269 = arith.constant 0.000000e+00 : f32
        %parallel_loop3A_270 = vector.broadcast %parallel_loop3A_269 : f32 to vector<16xf32>
        %parallel_loop3A_271 = arith.maximumf %parallel_loop3A_268, %parallel_loop3A_270 : vector<16xf32>
        %parallel_loop3A_272 = arith.index_cast %parallel_loop3A_157 : i32 to index
        %parallel_loop3A_273 = arith.constant 96 : index
        %parallel_loop3A_274 = tpu.vector_load %arg12[%parallel_loop3A_272, %parallel_loop3A_273] {strides = array<i32>} : memref<96x128xf32, #tpu.memory_space<vmem>>, vector<1x16xf32>,
        %parallel_loop3A_275 = vector.shape_cast %parallel_loop3A_274 : vector<1x16xf32> to vector<16xf32>
        %parallel_loop3A_276 = vector.shape_cast %parallel_loop3A_271 : vector<16xf32> to vector<1x16xf32>
        tpu.vector_store %arg12[%parallel_loop3A_272, %parallel_loop3A_273], %parallel_loop3A_276 {strides = array<i32>} : memref<96x128xf32, #tpu.memory_space<vmem>>, vector<1x16xf32>,
        %parallel_loop3A_277 = arith.index_cast %parallel_loop3A_157 : i32 to index
        %parallel_loop3A_278 = arith.constant 112 : index
        %parallel_loop3A_279 = tpu.vector_load %arg12[%parallel_loop3A_277, %parallel_loop3A_278] {strides = array<i32>} : memref<96x128xf32, #tpu.memory_space<vmem>>, vector<1x16xf32>,
        %parallel_loop3A_280 = vector.shape_cast %parallel_loop3A_279 : vector<1x16xf32> to vector<16xf32>
        %parallel_loop3A_281 = arith.index_cast %parallel_loop3A_157 : i32 to index
        %parallel_loop3A_282 = arith.constant 112 : index
        %parallel_loop3A_283 = tpu.vector_load %arg14[%parallel_loop3A_281, %parallel_loop3A_282] {strides = array<i32>} : memref<96x128xf32, #tpu.memory_space<vmem>>, vector<1x16xf32>,
        %parallel_loop3A_284 = vector.shape_cast %parallel_loop3A_283 : vector<1x16xf32> to vector<16xf32>
        %parallel_loop3A_285 = arith.addf %parallel_loop3A_280, %parallel_loop3A_284 : vector<16xf32>
        %parallel_loop3A_286 = arith.constant 0.000000e+00 : f32
        %parallel_loop3A_287 = vector.broadcast %parallel_loop3A_286 : f32 to vector<16xf32>
        %parallel_loop3A_288 = arith.maximumf %parallel_loop3A_285, %parallel_loop3A_287 : vector<16xf32>
        %parallel_loop3A_289 = arith.index_cast %parallel_loop3A_157 : i32 to index
        %parallel_loop3A_290 = arith.constant 112 : index
        %parallel_loop3A_291 = tpu.vector_load %arg12[%parallel_loop3A_289, %parallel_loop3A_290] {strides = array<i32>} : memref<96x128xf32, #tpu.memory_space<vmem>>, vector<1x16xf32>,
        %parallel_loop3A_292 = vector.shape_cast %parallel_loop3A_291 : vector<1x16xf32> to vector<16xf32>
        %parallel_loop3A_293 = vector.shape_cast %parallel_loop3A_288 : vector<16xf32> to vector<1x16xf32>
        tpu.vector_store %arg12[%parallel_loop3A_289, %parallel_loop3A_290], %parallel_loop3A_293 {strides = array<i32>} : memref<96x128xf32, #tpu.memory_space<vmem>>, vector<1x16xf32>,
      } {sc.loop_unroll_factor = 4 : i64, sc.parallel_access}
      %lt3A_151 = arith.constant 52 : i32
      %lt3A_152 = arith.cmpi slt, %scan3A_83, %lt3A_151 : i32
      %convert_element_type3A_153 = arith.extui %lt3A_152 : i1 to i32
      %cond3A_154 = arith.constant 0 : i32
      %cond3A_155 = arith.cmpi ne, %convert_element_type3A_153, %cond3A_154 : i32
      scf.if %cond3A_155 {
        %dma_wait3A_157 = arith.constant 0 : i32
        %dma_wait3A_158 = tpu.memref_slice %arg4[%dma_wait3A_157] : memref<325632xi32, #tpu.memory_space<hbm>> -> memref<96xi32, #tpu.memory_space<hbm>>
        %dma_wait3A_159 = arith.constant 0 : i32
        %dma_wait3A_160 = tpu.memref_slice %arg4[%dma_wait3A_159] : memref<325632xi32, #tpu.memory_space<hbm>> -> memref<96xi32, #tpu.memory_space<hbm>>
        tpu.wait_dma2 semaphore(%arg20 : memref<!tpu.dma_semaphore, #tpu.memory_space<semaphore_mem>>) src(%dma_wait3A_160 : memref<96xi32, #tpu.memory_space<hbm>>) dst(%arg7 : memref<96xi32, #tpu.memory_space<vmem>>)
        %dma_wait3A_161 = arith.constant 0 : i32
        %dma_wait3A_162 = tpu.memref_slice %arg5[%dma_wait3A_161] : memref<325632xi32, #tpu.memory_space<hbm>> -> memref<96xi32, #tpu.memory_space<hbm>>
        %dma_wait3A_163 = arith.constant 0 : i32
        %dma_wait3A_164 = tpu.memref_slice %arg5[%dma_wait3A_163] : memref<325632xi32, #tpu.memory_space<hbm>> -> memref<96xi32, #tpu.memory_space<hbm>>
        tpu.wait_dma2 semaphore(%arg20 : memref<!tpu.dma_semaphore, #tpu.memory_space<semaphore_mem>>) src(%dma_wait3A_164 : memref<96xi32, #tpu.memory_space<hbm>>) dst(%arg9 : memref<96xi32, #tpu.memory_space<vmem>>)
        %add3A_165 = arith.constant 1 : i32
        %add3A_166 = arith.addi %add3A_136, %add3A_165 : i32
        %mul3A_167 = arith.constant 96 : i32
        %mul3A_168 = arith.muli %add3A_166, %mul3A_167 : i32
        %add3A_169 = arith.addi %mul3A_2, %mul3A_168 : i32
        %dma_start3A_170 = arith.constant 0 : i32
        %dma_start3A_171 = tpu.memref_slice %arg3[%add3A_169, %dma_start3A_170] : memref<325632x128xf32, #tpu.memory_space<hbm>> -> memref<96x128xf32, #tpu.memory_space<hbm>>
        %dma_start3A_172 = arith.constant 0 : i32
        %dma_start3A_173 = tpu.memref_slice %arg3[%add3A_169, %dma_start3A_172] : memref<325632x128xf32, #tpu.memory_space<hbm>> -> memref<96x128xf32, #tpu.memory_space<hbm>>
        tpu.enqueue_dma source(%dma_start3A_173 : memref<96x128xf32, #tpu.memory_space<hbm>>) target(%arg11 : memref<96x128xf32, #tpu.memory_space<vmem>>) target_semaphore(%arg16 : memref<!tpu.dma_semaphore, #tpu.memory_space<semaphore_mem>>)
        %dma_start3A_174 = arith.constant 0 : i32
        %dma_start3A_175 = arith.constant 0 : i32
        %dma_start3A_176 = tpu.memref_slice %arg2[%dma_start3A_174, %dma_start3A_175] : memref<80000x128xf32, #tpu.memory_space<hbm>> -> memref<80000x128xf32, #tpu.memory_space<hbm>>
        tpu.enqueue_indirect_dma source(%dma_start3A_176 : memref<80000x128xf32, #tpu.memory_space<hbm>>) target(%arg13 : memref<96x128xf32, #tpu.memory_space<vmem>>) offsets(%arg7 : memref<96xi32, #tpu.memory_space<vmem>>) semaphore(%arg18 : memref<!tpu.dma_semaphore, #tpu.memory_space<semaphore_mem>>)
      } else {
      }
      "tpu.region"() ({
        %run_scoped3A = tpu.sem_alloc : memref<!tpu.dma_semaphore, #tpu.memory_space<semaphore_mem>>
        %dma_start3A_157 = arith.constant 0 : i32
        %dma_start3A_158 = arith.constant 0 : i32
        %dma_start3A_159 = tpu.memref_slice %arg15[%dma_start3A_157, %dma_start3A_158] : memref<10112x128xf32, #tpu.memory_space<vmem_shared>> -> memref<10112x128xf32, #tpu.memory_space<vmem_shared>>
        tpu.enqueue_indirect_dma source(%arg12 : memref<96x128xf32, #tpu.memory_space<vmem>>) target(%dma_start3A_159 : memref<10112x128xf32, #tpu.memory_space<vmem_shared>>) offsets(%arg10 : memref<96xi32, #tpu.memory_space<vmem>>) semaphore(%run_scoped3A : memref<!tpu.dma_semaphore, #tpu.memory_space<semaphore_mem>>) {add = true}
        %dma_wait3A_160 = arith.constant 0 : i32
        %dma_wait3A_161 = arith.constant 0 : i32
        %dma_wait3A_162 = tpu.memref_slice %arg15[%dma_wait3A_160, %dma_wait3A_161] : memref<10112x128xf32, #tpu.memory_space<vmem_shared>> -> memref<10112x128xf32, #tpu.memory_space<vmem_shared>>
        tpu.wait_indirect_dma semaphore(%run_scoped3A : memref<!tpu.dma_semaphore, #tpu.memory_space<semaphore_mem>>) src(%arg12 : memref<96x128xf32, #tpu.memory_space<vmem>>) dst(%dma_wait3A_162 : memref<10112x128xf32, #tpu.memory_space<vmem_shared>>)
        tpu.yield
      }) : () -> ()
      %scan3A_156 = arith.constant 0 : i32
      scf.yield %scan3A_156 : i32
    }
    %scan3A_50 = arith.constant 53 : i32
    %barrier3A_51 = arith.constant 0 : index
    tpu.barrier barrier_id(%barrier3A_51)
    %mul3A_52 = arith.constant 10112 : i32
    %mul3A_53 = arith.muli %arg0, %mul3A_52 : i32
    %add3A_54 = arith.addi %mul3A_53, %mul3A_7 : i32
    %add3A_55 = arith.constant 0 : i32
    %add3A_56 = arith.addi %mul3A_7, %add3A_55 : i32
    "tpu.region"() ({
      %run_scoped3A = tpu.sem_alloc : memref<!tpu.dma_semaphore, #tpu.memory_space<semaphore_mem>>
      %dma_start3A_83 = arith.constant 0 : i32
      %dma_start3A_84 = tpu.memref_slice %arg15[%add3A_56, %dma_start3A_83] : memref<10112x128xf32, #tpu.memory_space<vmem_shared>> -> memref<96x128xf32, #tpu.memory_space<vmem_shared>>
      %dma_start3A_85 = arith.constant 0 : i32
      %dma_start3A_86 = tpu.memref_slice %arg15[%add3A_56, %dma_start3A_85] : memref<10112x128xf32, #tpu.memory_space<vmem_shared>> -> memref<96x128xf32, #tpu.memory_space<vmem_shared>>
      tpu.enqueue_dma source(%dma_start3A_86 : memref<96x128xf32, #tpu.memory_space<vmem_shared>>) target(%arg13 : memref<96x128xf32, #tpu.memory_space<vmem>>) target_semaphore(%run_scoped3A : memref<!tpu.dma_semaphore, #tpu.memory_space<semaphore_mem>>)
      %dma_wait3A_87 = arith.constant 0 : i32
      %dma_wait3A_88 = tpu.memref_slice %arg15[%add3A_56, %dma_wait3A_87] : memref<10112x128xf32, #tpu.memory_space<vmem_shared>> -> memref<96x128xf32, #tpu.memory_space<vmem_shared>>
      %dma_wait3A_89 = arith.constant 0 : i32
      %dma_wait3A_90 = tpu.memref_slice %arg15[%add3A_56, %dma_wait3A_89] : memref<10112x128xf32, #tpu.memory_space<vmem_shared>> -> memref<96x128xf32, #tpu.memory_space<vmem_shared>>
      tpu.wait_dma2 semaphore(%run_scoped3A : memref<!tpu.dma_semaphore, #tpu.memory_space<semaphore_mem>>) src(%dma_wait3A_90 : memref<96x128xf32, #tpu.memory_space<vmem_shared>>) dst(%arg13 : memref<96x128xf32, #tpu.memory_space<vmem>>)
      tpu.yield
    }) : () -> ()
    %add3A_57 = arith.constant 0 : i32
    %add3A_58 = arith.addi %add3A_54, %add3A_57 : i32
    "tpu.region"() ({
      %run_scoped3A = tpu.sem_alloc : memref<!tpu.dma_semaphore, #tpu.memory_space<semaphore_mem>>
      %dma_start3A_83 = arith.constant 0 : i32
      %dma_start3A_84 = tpu.memref_slice %arg6[%add3A_58, %dma_start3A_83] : memref<20224x128xf32, #tpu.memory_space<hbm>> -> memref<96x128xf32, #tpu.memory_space<hbm>>
      %dma_start3A_85 = arith.constant 0 : i32
      %dma_start3A_86 = tpu.memref_slice %arg6[%add3A_58, %dma_start3A_85] : memref<20224x128xf32, #tpu.memory_space<hbm>> -> memref<96x128xf32, #tpu.memory_space<hbm>>
      tpu.enqueue_dma source(%arg13 : memref<96x128xf32, #tpu.memory_space<vmem>>) target(%dma_start3A_86 : memref<96x128xf32, #tpu.memory_space<hbm>>) target_semaphore(%run_scoped3A : memref<!tpu.dma_semaphore, #tpu.memory_space<semaphore_mem>>)
      %dma_wait3A_87 = arith.constant 0 : i32
      %dma_wait3A_88 = tpu.memref_slice %arg6[%add3A_58, %dma_wait3A_87] : memref<20224x128xf32, #tpu.memory_space<hbm>> -> memref<96x128xf32, #tpu.memory_space<hbm>>
      %dma_wait3A_89 = arith.constant 0 : i32
      %dma_wait3A_90 = tpu.memref_slice %arg6[%add3A_58, %dma_wait3A_89] : memref<20224x128xf32, #tpu.memory_space<hbm>> -> memref<96x128xf32, #tpu.memory_space<hbm>>
      tpu.wait_dma2 semaphore(%run_scoped3A : memref<!tpu.dma_semaphore, #tpu.memory_space<semaphore_mem>>) src(%arg13 : memref<96x128xf32, #tpu.memory_space<vmem>>) dst(%dma_wait3A_90 : memref<96x128xf32, #tpu.memory_space<hbm>>)
      tpu.yield
    }) : () -> ()
    %add3A_59 = arith.constant 96 : i32
    %add3A_60 = arith.addi %mul3A_7, %add3A_59 : i32
    "tpu.region"() ({
      %run_scoped3A = tpu.sem_alloc : memref<!tpu.dma_semaphore, #tpu.memory_space<semaphore_mem>>
      %dma_start3A_83 = arith.constant 0 : i32
      %dma_start3A_84 = tpu.memref_slice %arg15[%add3A_60, %dma_start3A_83] : memref<10112x128xf32, #tpu.memory_space<vmem_shared>> -> memref<96x128xf32, #tpu.memory_space<vmem_shared>>
      %dma_start3A_85 = arith.constant 0 : i32
      %dma_start3A_86 = tpu.memref_slice %arg15[%add3A_60, %dma_start3A_85] : memref<10112x128xf32, #tpu.memory_space<vmem_shared>> -> memref<96x128xf32, #tpu.memory_space<vmem_shared>>
      tpu.enqueue_dma source(%dma_start3A_86 : memref<96x128xf32, #tpu.memory_space<vmem_shared>>) target(%arg13 : memref<96x128xf32, #tpu.memory_space<vmem>>) target_semaphore(%run_scoped3A : memref<!tpu.dma_semaphore, #tpu.memory_space<semaphore_mem>>)
      %dma_wait3A_87 = arith.constant 0 : i32
      %dma_wait3A_88 = tpu.memref_slice %arg15[%add3A_60, %dma_wait3A_87] : memref<10112x128xf32, #tpu.memory_space<vmem_shared>> -> memref<96x128xf32, #tpu.memory_space<vmem_shared>>
      %dma_wait3A_89 = arith.constant 0 : i32
      %dma_wait3A_90 = tpu.memref_slice %arg15[%add3A_60, %dma_wait3A_89] : memref<10112x128xf32, #tpu.memory_space<vmem_shared>> -> memref<96x128xf32, #tpu.memory_space<vmem_shared>>
      tpu.wait_dma2 semaphore(%run_scoped3A : memref<!tpu.dma_semaphore, #tpu.memory_space<semaphore_mem>>) src(%dma_wait3A_90 : memref<96x128xf32, #tpu.memory_space<vmem_shared>>) dst(%arg13 : memref<96x128xf32, #tpu.memory_space<vmem>>)
      tpu.yield
    }) : () -> ()
    %add3A_61 = arith.constant 96 : i32
    %add3A_62 = arith.addi %add3A_54, %add3A_61 : i32
    "tpu.region"() ({
      %run_scoped3A = tpu.sem_alloc : memref<!tpu.dma_semaphore, #tpu.memory_space<semaphore_mem>>
      %dma_start3A_83 = arith.constant 0 : i32
      %dma_start3A_84 = tpu.memref_slice %arg6[%add3A_62, %dma_start3A_83] : memref<20224x128xf32, #tpu.memory_space<hbm>> -> memref<96x128xf32, #tpu.memory_space<hbm>>
      %dma_start3A_85 = arith.constant 0 : i32
      %dma_start3A_86 = tpu.memref_slice %arg6[%add3A_62, %dma_start3A_85] : memref<20224x128xf32, #tpu.memory_space<hbm>> -> memref<96x128xf32, #tpu.memory_space<hbm>>
      tpu.enqueue_dma source(%arg13 : memref<96x128xf32, #tpu.memory_space<vmem>>) target(%dma_start3A_86 : memref<96x128xf32, #tpu.memory_space<hbm>>) target_semaphore(%run_scoped3A : memref<!tpu.dma_semaphore, #tpu.memory_space<semaphore_mem>>)
      %dma_wait3A_87 = arith.constant 0 : i32
      %dma_wait3A_88 = tpu.memref_slice %arg6[%add3A_62, %dma_wait3A_87] : memref<20224x128xf32, #tpu.memory_space<hbm>> -> memref<96x128xf32, #tpu.memory_space<hbm>>
      %dma_wait3A_89 = arith.constant 0 : i32
      %dma_wait3A_90 = tpu.memref_slice %arg6[%add3A_62, %dma_wait3A_89] : memref<20224x128xf32, #tpu.memory_space<hbm>> -> memref<96x128xf32, #tpu.memory_space<hbm>>
      tpu.wait_dma2 semaphore(%run_scoped3A : memref<!tpu.dma_semaphore, #tpu.memory_space<semaphore_mem>>) src(%arg13 : memref<96x128xf32, #tpu.memory_space<vmem>>) dst(%dma_wait3A_90 : memref<96x128xf32, #tpu.memory_space<hbm>>)
      tpu.yield
    }) : () -> ()
    %add3A_63 = arith.constant 192 : i32
    %add3A_64 = arith.addi %mul3A_7, %add3A_63 : i32
    "tpu.region"() ({
      %run_scoped3A = tpu.sem_alloc : memref<!tpu.dma_semaphore, #tpu.memory_space<semaphore_mem>>
      %dma_start3A_83 = arith.constant 0 : i32
      %dma_start3A_84 = tpu.memref_slice %arg15[%add3A_64, %dma_start3A_83] : memref<10112x128xf32, #tpu.memory_space<vmem_shared>> -> memref<96x128xf32, #tpu.memory_space<vmem_shared>>
      %dma_start3A_85 = arith.constant 0 : i32
      %dma_start3A_86 = tpu.memref_slice %arg15[%add3A_64, %dma_start3A_85] : memref<10112x128xf32, #tpu.memory_space<vmem_shared>> -> memref<96x128xf32, #tpu.memory_space<vmem_shared>>
      tpu.enqueue_dma source(%dma_start3A_86 : memref<96x128xf32, #tpu.memory_space<vmem_shared>>) target(%arg13 : memref<96x128xf32, #tpu.memory_space<vmem>>) target_semaphore(%run_scoped3A : memref<!tpu.dma_semaphore, #tpu.memory_space<semaphore_mem>>)
      %dma_wait3A_87 = arith.constant 0 : i32
      %dma_wait3A_88 = tpu.memref_slice %arg15[%add3A_64, %dma_wait3A_87] : memref<10112x128xf32, #tpu.memory_space<vmem_shared>> -> memref<96x128xf32, #tpu.memory_space<vmem_shared>>
      %dma_wait3A_89 = arith.constant 0 : i32
      %dma_wait3A_90 = tpu.memref_slice %arg15[%add3A_64, %dma_wait3A_89] : memref<10112x128xf32, #tpu.memory_space<vmem_shared>> -> memref<96x128xf32, #tpu.memory_space<vmem_shared>>
      tpu.wait_dma2 semaphore(%run_scoped3A : memref<!tpu.dma_semaphore, #tpu.memory_space<semaphore_mem>>) src(%dma_wait3A_90 : memref<96x128xf32, #tpu.memory_space<vmem_shared>>) dst(%arg13 : memref<96x128xf32, #tpu.memory_space<vmem>>)
      tpu.yield
    }) : () -> ()
    %add3A_65 = arith.constant 192 : i32
    %add3A_66 = arith.addi %add3A_54, %add3A_65 : i32
    "tpu.region"() ({
      %run_scoped3A = tpu.sem_alloc : memref<!tpu.dma_semaphore, #tpu.memory_space<semaphore_mem>>
      %dma_start3A_83 = arith.constant 0 : i32
      %dma_start3A_84 = tpu.memref_slice %arg6[%add3A_66, %dma_start3A_83] : memref<20224x128xf32, #tpu.memory_space<hbm>> -> memref<96x128xf32, #tpu.memory_space<hbm>>
      %dma_start3A_85 = arith.constant 0 : i32
      %dma_start3A_86 = tpu.memref_slice %arg6[%add3A_66, %dma_start3A_85] : memref<20224x128xf32, #tpu.memory_space<hbm>> -> memref<96x128xf32, #tpu.memory_space<hbm>>
      tpu.enqueue_dma source(%arg13 : memref<96x128xf32, #tpu.memory_space<vmem>>) target(%dma_start3A_86 : memref<96x128xf32, #tpu.memory_space<hbm>>) target_semaphore(%run_scoped3A : memref<!tpu.dma_semaphore, #tpu.memory_space<semaphore_mem>>)
      %dma_wait3A_87 = arith.constant 0 : i32
      %dma_wait3A_88 = tpu.memref_slice %arg6[%add3A_66, %dma_wait3A_87] : memref<20224x128xf32, #tpu.memory_space<hbm>> -> memref<96x128xf32, #tpu.memory_space<hbm>>
      %dma_wait3A_89 = arith.constant 0 : i32
      %dma_wait3A_90 = tpu.memref_slice %arg6[%add3A_66, %dma_wait3A_89] : memref<20224x128xf32, #tpu.memory_space<hbm>> -> memref<96x128xf32, #tpu.memory_space<hbm>>
      tpu.wait_dma2 semaphore(%run_scoped3A : memref<!tpu.dma_semaphore, #tpu.memory_space<semaphore_mem>>) src(%arg13 : memref<96x128xf32, #tpu.memory_space<vmem>>) dst(%dma_wait3A_90 : memref<96x128xf32, #tpu.memory_space<hbm>>)
      tpu.yield
    }) : () -> ()
    %add3A_67 = arith.constant 288 : i32
    %add3A_68 = arith.addi %mul3A_7, %add3A_67 : i32
    "tpu.region"() ({
      %run_scoped3A = tpu.sem_alloc : memref<!tpu.dma_semaphore, #tpu.memory_space<semaphore_mem>>
      %dma_start3A_83 = arith.constant 0 : i32
      %dma_start3A_84 = tpu.memref_slice %arg15[%add3A_68, %dma_start3A_83] : memref<10112x128xf32, #tpu.memory_space<vmem_shared>> -> memref<96x128xf32, #tpu.memory_space<vmem_shared>>
      %dma_start3A_85 = arith.constant 0 : i32
      %dma_start3A_86 = tpu.memref_slice %arg15[%add3A_68, %dma_start3A_85] : memref<10112x128xf32, #tpu.memory_space<vmem_shared>> -> memref<96x128xf32, #tpu.memory_space<vmem_shared>>
      tpu.enqueue_dma source(%dma_start3A_86 : memref<96x128xf32, #tpu.memory_space<vmem_shared>>) target(%arg13 : memref<96x128xf32, #tpu.memory_space<vmem>>) target_semaphore(%run_scoped3A : memref<!tpu.dma_semaphore, #tpu.memory_space<semaphore_mem>>)
      %dma_wait3A_87 = arith.constant 0 : i32
      %dma_wait3A_88 = tpu.memref_slice %arg15[%add3A_68, %dma_wait3A_87] : memref<10112x128xf32, #tpu.memory_space<vmem_shared>> -> memref<96x128xf32, #tpu.memory_space<vmem_shared>>
      %dma_wait3A_89 = arith.constant 0 : i32
      %dma_wait3A_90 = tpu.memref_slice %arg15[%add3A_68, %dma_wait3A_89] : memref<10112x128xf32, #tpu.memory_space<vmem_shared>> -> memref<96x128xf32, #tpu.memory_space<vmem_shared>>
      tpu.wait_dma2 semaphore(%run_scoped3A : memref<!tpu.dma_semaphore, #tpu.memory_space<semaphore_mem>>) src(%dma_wait3A_90 : memref<96x128xf32, #tpu.memory_space<vmem_shared>>) dst(%arg13 : memref<96x128xf32, #tpu.memory_space<vmem>>)
      tpu.yield
    }) : () -> ()
    %add3A_69 = arith.constant 288 : i32
    %add3A_70 = arith.addi %add3A_54, %add3A_69 : i32
    "tpu.region"() ({
      %run_scoped3A = tpu.sem_alloc : memref<!tpu.dma_semaphore, #tpu.memory_space<semaphore_mem>>
      %dma_start3A_83 = arith.constant 0 : i32
      %dma_start3A_84 = tpu.memref_slice %arg6[%add3A_70, %dma_start3A_83] : memref<20224x128xf32, #tpu.memory_space<hbm>> -> memref<96x128xf32, #tpu.memory_space<hbm>>
      %dma_start3A_85 = arith.constant 0 : i32
      %dma_start3A_86 = tpu.memref_slice %arg6[%add3A_70, %dma_start3A_85] : memref<20224x128xf32, #tpu.memory_space<hbm>> -> memref<96x128xf32, #tpu.memory_space<hbm>>
      tpu.enqueue_dma source(%arg13 : memref<96x128xf32, #tpu.memory_space<vmem>>) target(%dma_start3A_86 : memref<96x128xf32, #tpu.memory_space<hbm>>) target_semaphore(%run_scoped3A : memref<!tpu.dma_semaphore, #tpu.memory_space<semaphore_mem>>)
      %dma_wait3A_87 = arith.constant 0 : i32
      %dma_wait3A_88 = tpu.memref_slice %arg6[%add3A_70, %dma_wait3A_87] : memref<20224x128xf32, #tpu.memory_space<hbm>> -> memref<96x128xf32, #tpu.memory_space<hbm>>
      %dma_wait3A_89 = arith.constant 0 : i32
      %dma_wait3A_90 = tpu.memref_slice %arg6[%add3A_70, %dma_wait3A_89] : memref<20224x128xf32, #tpu.memory_space<hbm>> -> memref<96x128xf32, #tpu.memory_space<hbm>>
      tpu.wait_dma2 semaphore(%run_scoped3A : memref<!tpu.dma_semaphore, #tpu.memory_space<semaphore_mem>>) src(%arg13 : memref<96x128xf32, #tpu.memory_space<vmem>>) dst(%dma_wait3A_90 : memref<96x128xf32, #tpu.memory_space<hbm>>)
      tpu.yield
    }) : () -> ()
    %add3A_71 = arith.constant 384 : i32
    %add3A_72 = arith.addi %mul3A_7, %add3A_71 : i32
    "tpu.region"() ({
      %run_scoped3A = tpu.sem_alloc : memref<!tpu.dma_semaphore, #tpu.memory_space<semaphore_mem>>
      %dma_start3A_83 = arith.constant 0 : i32
      %dma_start3A_84 = tpu.memref_slice %arg15[%add3A_72, %dma_start3A_83] : memref<10112x128xf32, #tpu.memory_space<vmem_shared>> -> memref<96x128xf32, #tpu.memory_space<vmem_shared>>
      %dma_start3A_85 = arith.constant 0 : i32
      %dma_start3A_86 = tpu.memref_slice %arg15[%add3A_72, %dma_start3A_85] : memref<10112x128xf32, #tpu.memory_space<vmem_shared>> -> memref<96x128xf32, #tpu.memory_space<vmem_shared>>
      tpu.enqueue_dma source(%dma_start3A_86 : memref<96x128xf32, #tpu.memory_space<vmem_shared>>) target(%arg13 : memref<96x128xf32, #tpu.memory_space<vmem>>) target_semaphore(%run_scoped3A : memref<!tpu.dma_semaphore, #tpu.memory_space<semaphore_mem>>)
      %dma_wait3A_87 = arith.constant 0 : i32
      %dma_wait3A_88 = tpu.memref_slice %arg15[%add3A_72, %dma_wait3A_87] : memref<10112x128xf32, #tpu.memory_space<vmem_shared>> -> memref<96x128xf32, #tpu.memory_space<vmem_shared>>
      %dma_wait3A_89 = arith.constant 0 : i32
      %dma_wait3A_90 = tpu.memref_slice %arg15[%add3A_72, %dma_wait3A_89] : memref<10112x128xf32, #tpu.memory_space<vmem_shared>> -> memref<96x128xf32, #tpu.memory_space<vmem_shared>>
      tpu.wait_dma2 semaphore(%run_scoped3A : memref<!tpu.dma_semaphore, #tpu.memory_space<semaphore_mem>>) src(%dma_wait3A_90 : memref<96x128xf32, #tpu.memory_space<vmem_shared>>) dst(%arg13 : memref<96x128xf32, #tpu.memory_space<vmem>>)
      tpu.yield
    }) : () -> ()
    %add3A_73 = arith.constant 384 : i32
    %add3A_74 = arith.addi %add3A_54, %add3A_73 : i32
    "tpu.region"() ({
      %run_scoped3A = tpu.sem_alloc : memref<!tpu.dma_semaphore, #tpu.memory_space<semaphore_mem>>
      %dma_start3A_83 = arith.constant 0 : i32
      %dma_start3A_84 = tpu.memref_slice %arg6[%add3A_74, %dma_start3A_83] : memref<20224x128xf32, #tpu.memory_space<hbm>> -> memref<96x128xf32, #tpu.memory_space<hbm>>
      %dma_start3A_85 = arith.constant 0 : i32
      %dma_start3A_86 = tpu.memref_slice %arg6[%add3A_74, %dma_start3A_85] : memref<20224x128xf32, #tpu.memory_space<hbm>> -> memref<96x128xf32, #tpu.memory_space<hbm>>
      tpu.enqueue_dma source(%arg13 : memref<96x128xf32, #tpu.memory_space<vmem>>) target(%dma_start3A_86 : memref<96x128xf32, #tpu.memory_space<hbm>>) target_semaphore(%run_scoped3A : memref<!tpu.dma_semaphore, #tpu.memory_space<semaphore_mem>>)
      %dma_wait3A_87 = arith.constant 0 : i32
      %dma_wait3A_88 = tpu.memref_slice %arg6[%add3A_74, %dma_wait3A_87] : memref<20224x128xf32, #tpu.memory_space<hbm>> -> memref<96x128xf32, #tpu.memory_space<hbm>>
      %dma_wait3A_89 = arith.constant 0 : i32
      %dma_wait3A_90 = tpu.memref_slice %arg6[%add3A_74, %dma_wait3A_89] : memref<20224x128xf32, #tpu.memory_space<hbm>> -> memref<96x128xf32, #tpu.memory_space<hbm>>
      tpu.wait_dma2 semaphore(%run_scoped3A : memref<!tpu.dma_semaphore, #tpu.memory_space<semaphore_mem>>) src(%arg13 : memref<96x128xf32, #tpu.memory_space<vmem>>) dst(%dma_wait3A_90 : memref<96x128xf32, #tpu.memory_space<hbm>>)
      tpu.yield
    }) : () -> ()
    %add3A_75 = arith.constant 480 : i32
    %add3A_76 = arith.addi %mul3A_7, %add3A_75 : i32
    "tpu.region"() ({
      %run_scoped3A = tpu.sem_alloc : memref<!tpu.dma_semaphore, #tpu.memory_space<semaphore_mem>>
      %dma_start3A_83 = arith.constant 0 : i32
      %dma_start3A_84 = tpu.memref_slice %arg15[%add3A_76, %dma_start3A_83] : memref<10112x128xf32, #tpu.memory_space<vmem_shared>> -> memref<96x128xf32, #tpu.memory_space<vmem_shared>>
      %dma_start3A_85 = arith.constant 0 : i32
      %dma_start3A_86 = tpu.memref_slice %arg15[%add3A_76, %dma_start3A_85] : memref<10112x128xf32, #tpu.memory_space<vmem_shared>> -> memref<96x128xf32, #tpu.memory_space<vmem_shared>>
      tpu.enqueue_dma source(%dma_start3A_86 : memref<96x128xf32, #tpu.memory_space<vmem_shared>>) target(%arg13 : memref<96x128xf32, #tpu.memory_space<vmem>>) target_semaphore(%run_scoped3A : memref<!tpu.dma_semaphore, #tpu.memory_space<semaphore_mem>>)
      %dma_wait3A_87 = arith.constant 0 : i32
      %dma_wait3A_88 = tpu.memref_slice %arg15[%add3A_76, %dma_wait3A_87] : memref<10112x128xf32, #tpu.memory_space<vmem_shared>> -> memref<96x128xf32, #tpu.memory_space<vmem_shared>>
      %dma_wait3A_89 = arith.constant 0 : i32
      %dma_wait3A_90 = tpu.memref_slice %arg15[%add3A_76, %dma_wait3A_89] : memref<10112x128xf32, #tpu.memory_space<vmem_shared>> -> memref<96x128xf32, #tpu.memory_space<vmem_shared>>
      tpu.wait_dma2 semaphore(%run_scoped3A : memref<!tpu.dma_semaphore, #tpu.memory_space<semaphore_mem>>) src(%dma_wait3A_90 : memref<96x128xf32, #tpu.memory_space<vmem_shared>>) dst(%arg13 : memref<96x128xf32, #tpu.memory_space<vmem>>)
      tpu.yield
    }) : () -> ()
    %add3A_77 = arith.constant 480 : i32
    %add3A_78 = arith.addi %add3A_54, %add3A_77 : i32
    "tpu.region"() ({
      %run_scoped3A = tpu.sem_alloc : memref<!tpu.dma_semaphore, #tpu.memory_space<semaphore_mem>>
      %dma_start3A_83 = arith.constant 0 : i32
      %dma_start3A_84 = tpu.memref_slice %arg6[%add3A_78, %dma_start3A_83] : memref<20224x128xf32, #tpu.memory_space<hbm>> -> memref<96x128xf32, #tpu.memory_space<hbm>>
      %dma_start3A_85 = arith.constant 0 : i32
      %dma_start3A_86 = tpu.memref_slice %arg6[%add3A_78, %dma_start3A_85] : memref<20224x128xf32, #tpu.memory_space<hbm>> -> memref<96x128xf32, #tpu.memory_space<hbm>>
      tpu.enqueue_dma source(%arg13 : memref<96x128xf32, #tpu.memory_space<vmem>>) target(%dma_start3A_86 : memref<96x128xf32, #tpu.memory_space<hbm>>) target_semaphore(%run_scoped3A : memref<!tpu.dma_semaphore, #tpu.memory_space<semaphore_mem>>)
      %dma_wait3A_87 = arith.constant 0 : i32
      %dma_wait3A_88 = tpu.memref_slice %arg6[%add3A_78, %dma_wait3A_87] : memref<20224x128xf32, #tpu.memory_space<hbm>> -> memref<96x128xf32, #tpu.memory_space<hbm>>
      %dma_wait3A_89 = arith.constant 0 : i32
      %dma_wait3A_90 = tpu.memref_slice %arg6[%add3A_78, %dma_wait3A_89] : memref<20224x128xf32, #tpu.memory_space<hbm>> -> memref<96x128xf32, #tpu.memory_space<hbm>>
      tpu.wait_dma2 semaphore(%run_scoped3A : memref<!tpu.dma_semaphore, #tpu.memory_space<semaphore_mem>>) src(%arg13 : memref<96x128xf32, #tpu.memory_space<vmem>>) dst(%dma_wait3A_90 : memref<96x128xf32, #tpu.memory_space<hbm>>)
      tpu.yield
    }) : () -> ()
    %add3A_79 = arith.constant 576 : i32
    %add3A_80 = arith.addi %mul3A_7, %add3A_79 : i32
    "tpu.region"() ({
      %run_scoped3A = tpu.sem_alloc : memref<!tpu.dma_semaphore, #tpu.memory_space<semaphore_mem>>
      %dma_start3A_83 = arith.constant 0 : i32
      %dma_start3A_84 = arith.constant 0 : i32
      %dma_start3A_85 = tpu.memref_slice %arg13[%dma_start3A_83, %dma_start3A_84] : memref<96x128xf32, #tpu.memory_space<vmem>> -> memref<56x128xf32, #tpu.memory_space<vmem>>
      %dma_start3A_86 = arith.constant 0 : i32
      %dma_start3A_87 = tpu.memref_slice %arg15[%add3A_80, %dma_start3A_86] : memref<10112x128xf32, #tpu.memory_space<vmem_shared>> -> memref<56x128xf32, #tpu.memory_space<vmem_shared>>
      %dma_start3A_88 = arith.constant 0 : i32
      %dma_start3A_89 = arith.constant 0 : i32
      %dma_start3A_90 = tpu.memref_slice %arg13[%dma_start3A_88, %dma_start3A_89] : memref<96x128xf32, #tpu.memory_space<vmem>> -> memref<56x128xf32, #tpu.memory_space<vmem>>
      %dma_start3A_91 = arith.constant 0 : i32
      %dma_start3A_92 = tpu.memref_slice %arg15[%add3A_80, %dma_start3A_91] : memref<10112x128xf32, #tpu.memory_space<vmem_shared>> -> memref<56x128xf32, #tpu.memory_space<vmem_shared>>
      tpu.enqueue_dma source(%dma_start3A_92 : memref<56x128xf32, #tpu.memory_space<vmem_shared>>) target(%dma_start3A_90 : memref<56x128xf32, #tpu.memory_space<vmem>>) target_semaphore(%run_scoped3A : memref<!tpu.dma_semaphore, #tpu.memory_space<semaphore_mem>>)
      %dma_wait3A_93 = arith.constant 0 : i32
      %dma_wait3A_94 = arith.constant 0 : i32
      %dma_wait3A_95 = tpu.memref_slice %arg13[%dma_wait3A_93, %dma_wait3A_94] : memref<96x128xf32, #tpu.memory_space<vmem>> -> memref<56x128xf32, #tpu.memory_space<vmem>>
      %dma_wait3A_96 = arith.constant 0 : i32
      %dma_wait3A_97 = tpu.memref_slice %arg15[%add3A_80, %dma_wait3A_96] : memref<10112x128xf32, #tpu.memory_space<vmem_shared>> -> memref<56x128xf32, #tpu.memory_space<vmem_shared>>
      %dma_wait3A_98 = arith.constant 0 : i32
      %dma_wait3A_99 = arith.constant 0 : i32
      %dma_wait3A_100 = tpu.memref_slice %arg13[%dma_wait3A_98, %dma_wait3A_99] : memref<96x128xf32, #tpu.memory_space<vmem>> -> memref<56x128xf32, #tpu.memory_space<vmem>>
      %dma_wait3A_101 = arith.constant 0 : i32
      %dma_wait3A_102 = tpu.memref_slice %arg15[%add3A_80, %dma_wait3A_101] : memref<10112x128xf32, #tpu.memory_space<vmem_shared>> -> memref<56x128xf32, #tpu.memory_space<vmem_shared>>
      tpu.wait_dma2 semaphore(%run_scoped3A : memref<!tpu.dma_semaphore, #tpu.memory_space<semaphore_mem>>) src(%dma_wait3A_102 : memref<56x128xf32, #tpu.memory_space<vmem_shared>>) dst(%dma_wait3A_100 : memref<56x128xf32, #tpu.memory_space<vmem>>)
      tpu.yield
    }) : () -> ()
    %add3A_81 = arith.constant 576 : i32
    %add3A_82 = arith.addi %add3A_54, %add3A_81 : i32
    "tpu.region"() ({
      %run_scoped3A = tpu.sem_alloc : memref<!tpu.dma_semaphore, #tpu.memory_space<semaphore_mem>>
      %dma_start3A_83 = arith.constant 0 : i32
      %dma_start3A_84 = arith.constant 0 : i32
      %dma_start3A_85 = tpu.memref_slice %arg13[%dma_start3A_83, %dma_start3A_84] : memref<96x128xf32, #tpu.memory_space<vmem>> -> memref<56x128xf32, #tpu.memory_space<vmem>>
      %dma_start3A_86 = arith.constant 0 : i32
      %dma_start3A_87 = tpu.memref_slice %arg6[%add3A_82, %dma_start3A_86] : memref<20224x128xf32, #tpu.memory_space<hbm>> -> memref<56x128xf32, #tpu.memory_space<hbm>>
      %dma_start3A_88 = arith.constant 0 : i32
      %dma_start3A_89 = tpu.memref_slice %arg6[%add3A_82, %dma_start3A_88] : memref<20224x128xf32, #tpu.memory_space<hbm>> -> memref<56x128xf32, #tpu.memory_space<hbm>>
      %dma_start3A_90 = arith.constant 0 : i32
      %dma_start3A_91 = arith.constant 0 : i32
      %dma_start3A_92 = tpu.memref_slice %arg13[%dma_start3A_90, %dma_start3A_91] : memref<96x128xf32, #tpu.memory_space<vmem>> -> memref<56x128xf32, #tpu.memory_space<vmem>>
      tpu.enqueue_dma source(%dma_start3A_92 : memref<56x128xf32, #tpu.memory_space<vmem>>) target(%dma_start3A_89 : memref<56x128xf32, #tpu.memory_space<hbm>>) target_semaphore(%run_scoped3A : memref<!tpu.dma_semaphore, #tpu.memory_space<semaphore_mem>>)
      %dma_wait3A_93 = arith.constant 0 : i32
      %dma_wait3A_94 = arith.constant 0 : i32
      %dma_wait3A_95 = tpu.memref_slice %arg13[%dma_wait3A_93, %dma_wait3A_94] : memref<96x128xf32, #tpu.memory_space<vmem>> -> memref<56x128xf32, #tpu.memory_space<vmem>>
      %dma_wait3A_96 = arith.constant 0 : i32
      %dma_wait3A_97 = tpu.memref_slice %arg6[%add3A_82, %dma_wait3A_96] : memref<20224x128xf32, #tpu.memory_space<hbm>> -> memref<56x128xf32, #tpu.memory_space<hbm>>
      %dma_wait3A_98 = arith.constant 0 : i32
      %dma_wait3A_99 = tpu.memref_slice %arg6[%add3A_82, %dma_wait3A_98] : memref<20224x128xf32, #tpu.memory_space<hbm>> -> memref<56x128xf32, #tpu.memory_space<hbm>>
      %dma_wait3A_100 = arith.constant 0 : i32
      %dma_wait3A_101 = arith.constant 0 : i32
      %dma_wait3A_102 = tpu.memref_slice %arg13[%dma_wait3A_100, %dma_wait3A_101] : memref<96x128xf32, #tpu.memory_space<vmem>> -> memref<56x128xf32, #tpu.memory_space<vmem>>
      tpu.wait_dma2 semaphore(%run_scoped3A : memref<!tpu.dma_semaphore, #tpu.memory_space<semaphore_mem>>) src(%dma_wait3A_102 : memref<56x128xf32, #tpu.memory_space<vmem>>) dst(%dma_wait3A_99 : memref<56x128xf32, #tpu.memory_space<hbm>>)
      tpu.yield
    }) : () -> ()
    return
  }
}

#map = affine_map<(d0, d1) -> (0, 0)>
#map1 = affine_map<(d0, d1) -> (0)>
module attributes {stable_mosaic.version = 14 : i64} {
  func.func @_sc_msg_pass(%arg0: i32, %arg1: i32, %arg2: memref<80000x128xf32, #tpu.memory_space<hbm>>, %arg3: memref<325632x128xf32, #tpu.memory_space<hbm>>, %arg4: memref<325632xi32, #tpu.memory_space<hbm>>, %arg5: memref<325632xi32, #tpu.memory_space<hbm>>, %arg6: memref<20224x128xf32, #tpu.memory_space<hbm>>, %arg7: memref<96xi32, #tpu.memory_space<vmem>>, %arg8: memref<96xi32, #tpu.memory_space<vmem>>, %arg9: memref<96xi32, #tpu.memory_space<vmem>>, %arg10: memref<96xi32, #tpu.memory_space<vmem>>, %arg11: memref<96x128xf32, #tpu.memory_space<vmem>>, %arg12: memref<96x128xf32, #tpu.memory_space<vmem>>, %arg13: memref<96x128xf32, #tpu.memory_space<vmem>>, %arg14: memref<96x128xf32, #tpu.memory_space<vmem>>, %arg15: memref<10112x128xf32, #tpu.memory_space<vmem_shared>>, %arg16: memref<!tpu.dma_semaphore, #tpu.memory_space<semaphore_mem>>, %arg17: memref<!tpu.dma_semaphore, #tpu.memory_space<semaphore_mem>>, %arg18: memref<!tpu.dma_semaphore, #tpu.memory_space<semaphore_mem>>, %arg19: memref<!tpu.dma_semaphore, #tpu.memory_space<semaphore_mem>>, %arg20: memref<!tpu.dma_semaphore, #tpu.memory_space<semaphore_mem>>, %arg21: memref<!tpu.dma_semaphore, #tpu.memory_space<semaphore_mem>>) attributes {dimension_semantics = [#tpu.dimension_semantics<core_parallel>, #tpu.dimension_semantics<subcore_parallel>], iteration_bounds = array<i64: 2, 16>, scalar_prefetch = 0 : i64, scratch_operands = 15 : i64, tpu.core_type = #tpu.core_type<sc_vector_subcore>, window_params = [{transform_indices = #map}, {transform_indices = #map}, {transform_indices = #map1}, {transform_indices = #map1}, {transform_indices = #map}]} {
    %mul3A = arith.constant 2 : i32
    %mul3A_0 = arith.muli %arg1, %mul3A : i32
    %add3A = arith.addi %mul3A_0, %arg0 : i32
    %mul3A_1 = arith.constant 10176 : i32
    %mul3A_2 = arith.muli %add3A, %mul3A_1 : i32
    %broadcast_in_dim3A = arith.constant 0.000000e+00 : f32
    %broadcast_in_dim3A_3 = vector.broadcast %broadcast_in_dim3A : f32 to vector<16xf32>
    %parallel_loop3A = arith.constant 0 : i32
    %parallel_loop3A_4 = arith.constant 96 : i32
    %parallel_loop3A_5 = arith.constant 1 : i32
    scf.for %parallel_loop3A_83 = %parallel_loop3A to %parallel_loop3A_4 step %parallel_loop3A_5  : i32 {
      %parallel_loop3A_84 = arith.index_cast %parallel_loop3A_83 : i32 to index
      %parallel_loop3A_85 = arith.constant 0 : index
      %parallel_loop3A_86 = tpu.vector_load %arg11[%parallel_loop3A_84, %parallel_loop3A_85] {strides = array<i32>} : memref<96x128xf32, #tpu.memory_space<vmem>>, vector<1x16xf32>,
      %parallel_loop3A_87 = vector.shape_cast %parallel_loop3A_86 : vector<1x16xf32> to vector<16xf32>
      %parallel_loop3A_88 = vector.shape_cast %broadcast_in_dim3A_3 : vector<16xf32> to vector<1x16xf32>
      tpu.vector_store %arg11[%parallel_loop3A_84, %parallel_loop3A_85], %parallel_loop3A_88 {strides = array<i32>} : memref<96x128xf32, #tpu.memory_space<vmem>>, vector<1x16xf32>,
      %parallel_loop3A_89 = arith.index_cast %parallel_loop3A_83 : i32 to index
      %parallel_loop3A_90 = arith.constant 16 : index
      %parallel_loop3A_91 = tpu.vector_load %arg11[%parallel_loop3A_89, %parallel_loop3A_90] {strides = array<i32>} : memref<96x128xf32, #tpu.memory_space<vmem>>, vector<1x16xf32>,
      %parallel_loop3A_92 = vector.shape_cast %parallel_loop3A_91 : vector<1x16xf32> to vector<16xf32>
      %parallel_loop3A_93 = vector.shape_cast %broadcast_in_dim3A_3 : vector<16xf32> to vector<1x16xf32>
      tpu.vector_store %arg11[%parallel_loop3A_89, %parallel_loop3A_90], %parallel_loop3A_93 {strides = array<i32>} : memref<96x128xf32, #tpu.memory_space<vmem>>, vector<1x16xf32>,
      %parallel_loop3A_94 = arith.index_cast %parallel_loop3A_83 : i32 to index
      %parallel_loop3A_95 = arith.constant 32 : index
      %parallel_loop3A_96 = tpu.vector_load %arg11[%parallel_loop3A_94, %parallel_loop3A_95] {strides = array<i32>} : memref<96x128xf32, #tpu.memory_space<vmem>>, vector<1x16xf32>,
      %parallel_loop3A_97 = vector.shape_cast %parallel_loop3A_96 : vector<1x16xf32> to vector<16xf32>
      %parallel_loop3A_98 = vector.shape_cast %broadcast_in_dim3A_3 : vector<16xf32> to vector<1x16xf32>
      tpu.vector_store %arg11[%parallel_loop3A_94, %parallel_loop3A_95], %parallel_loop3A_98 {strides = array<i32>} : memref<96x128xf32, #tpu.memory_space<vmem>>, vector<1x16xf32>,
      %parallel_loop3A_99 = arith.index_cast %parallel_loop3A_83 : i32 to index
      %parallel_loop3A_100 = arith.constant 48 : index
      %parallel_loop3A_101 = tpu.vector_load %arg11[%parallel_loop3A_99, %parallel_loop3A_100] {strides = array<i32>} : memref<96x128xf32, #tpu.memory_space<vmem>>, vector<1x16xf32>,
      %parallel_loop3A_102 = vector.shape_cast %parallel_loop3A_101 : vector<1x16xf32> to vector<16xf32>
      %parallel_loop3A_103 = vector.shape_cast %broadcast_in_dim3A_3 : vector<16xf32> to vector<1x16xf32>
      tpu.vector_store %arg11[%parallel_loop3A_99, %parallel_loop3A_100], %parallel_loop3A_103 {strides = array<i32>} : memref<96x128xf32, #tpu.memory_space<vmem>>, vector<1x16xf32>,
      %parallel_loop3A_104 = arith.index_cast %parallel_loop3A_83 : i32 to index
      %parallel_loop3A_105 = arith.constant 64 : index
      %parallel_loop3A_106 = tpu.vector_load %arg11[%parallel_loop3A_104, %parallel_loop3A_105] {strides = array<i32>} : memref<96x128xf32, #tpu.memory_space<vmem>>, vector<1x16xf32>,
      %parallel_loop3A_107 = vector.shape_cast %parallel_loop3A_106 : vector<1x16xf32> to vector<16xf32>
      %parallel_loop3A_108 = vector.shape_cast %broadcast_in_dim3A_3 : vector<16xf32> to vector<1x16xf32>
      tpu.vector_store %arg11[%parallel_loop3A_104, %parallel_loop3A_105], %parallel_loop3A_108 {strides = array<i32>} : memref<96x128xf32, #tpu.memory_space<vmem>>, vector<1x16xf32>,
      %parallel_loop3A_109 = arith.index_cast %parallel_loop3A_83 : i32 to index
      %parallel_loop3A_110 = arith.constant 80 : index
      %parallel_loop3A_111 = tpu.vector_load %arg11[%parallel_loop3A_109, %parallel_loop3A_110] {strides = array<i32>} : memref<96x128xf32, #tpu.memory_space<vmem>>, vector<1x16xf32>,
      %parallel_loop3A_112 = vector.shape_cast %parallel_loop3A_111 : vector<1x16xf32> to vector<16xf32>
      %parallel_loop3A_113 = vector.shape_cast %broadcast_in_dim3A_3 : vector<16xf32> to vector<1x16xf32>
      tpu.vector_store %arg11[%parallel_loop3A_109, %parallel_loop3A_110], %parallel_loop3A_113 {strides = array<i32>} : memref<96x128xf32, #tpu.memory_space<vmem>>, vector<1x16xf32>,
      %parallel_loop3A_114 = arith.index_cast %parallel_loop3A_83 : i32 to index
      %parallel_loop3A_115 = arith.constant 96 : index
      %parallel_loop3A_116 = tpu.vector_load %arg11[%parallel_loop3A_114, %parallel_loop3A_115] {strides = array<i32>} : memref<96x128xf32, #tpu.memory_space<vmem>>, vector<1x16xf32>,
      %parallel_loop3A_117 = vector.shape_cast %parallel_loop3A_116 : vector<1x16xf32> to vector<16xf32>
      %parallel_loop3A_118 = vector.shape_cast %broadcast_in_dim3A_3 : vector<16xf32> to vector<1x16xf32>
      tpu.vector_store %arg11[%parallel_loop3A_114, %parallel_loop3A_115], %parallel_loop3A_118 {strides = array<i32>} : memref<96x128xf32, #tpu.memory_space<vmem>>, vector<1x16xf32>,
      %parallel_loop3A_119 = arith.index_cast %parallel_loop3A_83 : i32 to index
      %parallel_loop3A_120 = arith.constant 112 : index
      %parallel_loop3A_121 = tpu.vector_load %arg11[%parallel_loop3A_119, %parallel_loop3A_120] {strides = array<i32>} : memref<96x128xf32, #tpu.memory_space<vmem>>, vector<1x16xf32>,
      %parallel_loop3A_122 = vector.shape_cast %parallel_loop3A_121 : vector<1x16xf32> to vector<16xf32>
      %parallel_loop3A_123 = vector.shape_cast %broadcast_in_dim3A_3 : vector<16xf32> to vector<1x16xf32>
      tpu.vector_store %arg11[%parallel_loop3A_119, %parallel_loop3A_120], %parallel_loop3A_123 {strides = array<i32>} : memref<96x128xf32, #tpu.memory_space<vmem>>, vector<1x16xf32>,
    } {sc.loop_unroll_factor = 4 : i64, sc.parallel_access}
    %mul3A_6 = arith.constant 632 : i32
    %mul3A_7 = arith.muli %arg1, %mul3A_6 : i32
    %add3A_8 = arith.constant 0 : i32
    %add3A_9 = arith.addi %mul3A_7, %add3A_8 : i32
    "tpu.region"() ({
      %run_scoped3A = tpu.sem_alloc : memref<!tpu.dma_semaphore, #tpu.memory_space<semaphore_mem>>
      %dma_start3A_83 = arith.constant 0 : i32
      %dma_start3A_84 = tpu.memref_slice %arg15[%add3A_9, %dma_start3A_83] : memref<10112x128xf32, #tpu.memory_space<vmem_shared>> -> memref<96x128xf32, #tpu.memory_space<vmem_shared>>
      %dma_start3A_85 = arith.constant 0 : i32
      %dma_start3A_86 = tpu.memref_slice %arg15[%add3A_9, %dma_start3A_85] : memref<10112x128xf32, #tpu.memory_space<vmem_shared>> -> memref<96x128xf32, #tpu.memory_space<vmem_shared>>
      tpu.enqueue_dma source(%arg11 : memref<96x128xf32, #tpu.memory_space<vmem>>) target(%dma_start3A_86 : memref<96x128xf32, #tpu.memory_space<vmem_shared>>) target_semaphore(%run_scoped3A : memref<!tpu.dma_semaphore, #tpu.memory_space<semaphore_mem>>)
      %dma_wait3A_87 = arith.constant 0 : i32
      %dma_wait3A_88 = tpu.memref_slice %arg15[%add3A_9, %dma_wait3A_87] : memref<10112x128xf32, #tpu.memory_space<vmem_shared>> -> memref<96x128xf32, #tpu.memory_space<vmem_shared>>
      %dma_wait3A_89 = arith.constant 0 : i32
      %dma_wait3A_90 = tpu.memref_slice %arg15[%add3A_9, %dma_wait3A_89] : memref<10112x128xf32, #tpu.memory_space<vmem_shared>> -> memref<96x128xf32, #tpu.memory_space<vmem_shared>>
      tpu.wait_dma2 semaphore(%run_scoped3A : memref<!tpu.dma_semaphore, #tpu.memory_space<semaphore_mem>>) src(%arg11 : memref<96x128xf32, #tpu.memory_space<vmem>>) dst(%dma_wait3A_90 : memref<96x128xf32, #tpu.memory_space<vmem_shared>>)
      tpu.yield
    }) : () -> ()
    %add3A_10 = arith.constant 96 : i32
    %add3A_11 = arith.addi %mul3A_7, %add3A_10 : i32
    "tpu.region"() ({
      %run_scoped3A = tpu.sem_alloc : memref<!tpu.dma_semaphore, #tpu.memory_space<semaphore_mem>>
      %dma_start3A_83 = arith.constant 0 : i32
      %dma_start3A_84 = tpu.memref_slice %arg15[%add3A_11, %dma_start3A_83] : memref<10112x128xf32, #tpu.memory_space<vmem_shared>> -> memref<96x128xf32, #tpu.memory_space<vmem_shared>>
      %dma_start3A_85 = arith.constant 0 : i32
      %dma_start3A_86 = tpu.memref_slice %arg15[%add3A_11, %dma_start3A_85] : memref<10112x128xf32, #tpu.memory_space<vmem_shared>> -> memref<96x128xf32, #tpu.memory_space<vmem_shared>>
      tpu.enqueue_dma source(%arg11 : memref<96x128xf32, #tpu.memory_space<vmem>>) target(%dma_start3A_86 : memref<96x128xf32, #tpu.memory_space<vmem_shared>>) target_semaphore(%run_scoped3A : memref<!tpu.dma_semaphore, #tpu.memory_space<semaphore_mem>>)
      %dma_wait3A_87 = arith.constant 0 : i32
      %dma_wait3A_88 = tpu.memref_slice %arg15[%add3A_11, %dma_wait3A_87] : memref<10112x128xf32, #tpu.memory_space<vmem_shared>> -> memref<96x128xf32, #tpu.memory_space<vmem_shared>>
      %dma_wait3A_89 = arith.constant 0 : i32
      %dma_wait3A_90 = tpu.memref_slice %arg15[%add3A_11, %dma_wait3A_89] : memref<10112x128xf32, #tpu.memory_space<vmem_shared>> -> memref<96x128xf32, #tpu.memory_space<vmem_shared>>
      tpu.wait_dma2 semaphore(%run_scoped3A : memref<!tpu.dma_semaphore, #tpu.memory_space<semaphore_mem>>) src(%arg11 : memref<96x128xf32, #tpu.memory_space<vmem>>) dst(%dma_wait3A_90 : memref<96x128xf32, #tpu.memory_space<vmem_shared>>)
      tpu.yield
    }) : () -> ()
    %add3A_12 = arith.constant 192 : i32
    %add3A_13 = arith.addi %mul3A_7, %add3A_12 : i32
    "tpu.region"() ({
      %run_scoped3A = tpu.sem_alloc : memref<!tpu.dma_semaphore, #tpu.memory_space<semaphore_mem>>
      %dma_start3A_83 = arith.constant 0 : i32
      %dma_start3A_84 = tpu.memref_slice %arg15[%add3A_13, %dma_start3A_83] : memref<10112x128xf32, #tpu.memory_space<vmem_shared>> -> memref<96x128xf32, #tpu.memory_space<vmem_shared>>
      %dma_start3A_85 = arith.constant 0 : i32
      %dma_start3A_86 = tpu.memref_slice %arg15[%add3A_13, %dma_start3A_85] : memref<10112x128xf32, #tpu.memory_space<vmem_shared>> -> memref<96x128xf32, #tpu.memory_space<vmem_shared>>
      tpu.enqueue_dma source(%arg11 : memref<96x128xf32, #tpu.memory_space<vmem>>) target(%dma_start3A_86 : memref<96x128xf32, #tpu.memory_space<vmem_shared>>) target_semaphore(%run_scoped3A : memref<!tpu.dma_semaphore, #tpu.memory_space<semaphore_mem>>)
      %dma_wait3A_87 = arith.constant 0 : i32
      %dma_wait3A_88 = tpu.memref_slice %arg15[%add3A_13, %dma_wait3A_87] : memref<10112x128xf32, #tpu.memory_space<vmem_shared>> -> memref<96x128xf32, #tpu.memory_space<vmem_shared>>
      %dma_wait3A_89 = arith.constant 0 : i32
      %dma_wait3A_90 = tpu.memref_slice %arg15[%add3A_13, %dma_wait3A_89] : memref<10112x128xf32, #tpu.memory_space<vmem_shared>> -> memref<96x128xf32, #tpu.memory_space<vmem_shared>>
      tpu.wait_dma2 semaphore(%run_scoped3A : memref<!tpu.dma_semaphore, #tpu.memory_space<semaphore_mem>>) src(%arg11 : memref<96x128xf32, #tpu.memory_space<vmem>>) dst(%dma_wait3A_90 : memref<96x128xf32, #tpu.memory_space<vmem_shared>>)
      tpu.yield
    }) : () -> ()
    %add3A_14 = arith.constant 288 : i32
    %add3A_15 = arith.addi %mul3A_7, %add3A_14 : i32
    "tpu.region"() ({
      %run_scoped3A = tpu.sem_alloc : memref<!tpu.dma_semaphore, #tpu.memory_space<semaphore_mem>>
      %dma_start3A_83 = arith.constant 0 : i32
      %dma_start3A_84 = tpu.memref_slice %arg15[%add3A_15, %dma_start3A_83] : memref<10112x128xf32, #tpu.memory_space<vmem_shared>> -> memref<96x128xf32, #tpu.memory_space<vmem_shared>>
      %dma_start3A_85 = arith.constant 0 : i32
      %dma_start3A_86 = tpu.memref_slice %arg15[%add3A_15, %dma_start3A_85] : memref<10112x128xf32, #tpu.memory_space<vmem_shared>> -> memref<96x128xf32, #tpu.memory_space<vmem_shared>>
      tpu.enqueue_dma source(%arg11 : memref<96x128xf32, #tpu.memory_space<vmem>>) target(%dma_start3A_86 : memref<96x128xf32, #tpu.memory_space<vmem_shared>>) target_semaphore(%run_scoped3A : memref<!tpu.dma_semaphore, #tpu.memory_space<semaphore_mem>>)
      %dma_wait3A_87 = arith.constant 0 : i32
      %dma_wait3A_88 = tpu.memref_slice %arg15[%add3A_15, %dma_wait3A_87] : memref<10112x128xf32, #tpu.memory_space<vmem_shared>> -> memref<96x128xf32, #tpu.memory_space<vmem_shared>>
      %dma_wait3A_89 = arith.constant 0 : i32
      %dma_wait3A_90 = tpu.memref_slice %arg15[%add3A_15, %dma_wait3A_89] : memref<10112x128xf32, #tpu.memory_space<vmem_shared>> -> memref<96x128xf32, #tpu.memory_space<vmem_shared>>
      tpu.wait_dma2 semaphore(%run_scoped3A : memref<!tpu.dma_semaphore, #tpu.memory_space<semaphore_mem>>) src(%arg11 : memref<96x128xf32, #tpu.memory_space<vmem>>) dst(%dma_wait3A_90 : memref<96x128xf32, #tpu.memory_space<vmem_shared>>)
      tpu.yield
    }) : () -> ()
    %add3A_16 = arith.constant 384 : i32
    %add3A_17 = arith.addi %mul3A_7, %add3A_16 : i32
    "tpu.region"() ({
      %run_scoped3A = tpu.sem_alloc : memref<!tpu.dma_semaphore, #tpu.memory_space<semaphore_mem>>
      %dma_start3A_83 = arith.constant 0 : i32
      %dma_start3A_84 = tpu.memref_slice %arg15[%add3A_17, %dma_start3A_83] : memref<10112x128xf32, #tpu.memory_space<vmem_shared>> -> memref<96x128xf32, #tpu.memory_space<vmem_shared>>
      %dma_start3A_85 = arith.constant 0 : i32
      %dma_start3A_86 = tpu.memref_slice %arg15[%add3A_17, %dma_start3A_85] : memref<10112x128xf32, #tpu.memory_space<vmem_shared>> -> memref<96x128xf32, #tpu.memory_space<vmem_shared>>
      tpu.enqueue_dma source(%arg11 : memref<96x128xf32, #tpu.memory_space<vmem>>) target(%dma_start3A_86 : memref<96x128xf32, #tpu.memory_space<vmem_shared>>) target_semaphore(%run_scoped3A : memref<!tpu.dma_semaphore, #tpu.memory_space<semaphore_mem>>)
      %dma_wait3A_87 = arith.constant 0 : i32
      %dma_wait3A_88 = tpu.memref_slice %arg15[%add3A_17, %dma_wait3A_87] : memref<10112x128xf32, #tpu.memory_space<vmem_shared>> -> memref<96x128xf32, #tpu.memory_space<vmem_shared>>
      %dma_wait3A_89 = arith.constant 0 : i32
      %dma_wait3A_90 = tpu.memref_slice %arg15[%add3A_17, %dma_wait3A_89] : memref<10112x128xf32, #tpu.memory_space<vmem_shared>> -> memref<96x128xf32, #tpu.memory_space<vmem_shared>>
      tpu.wait_dma2 semaphore(%run_scoped3A : memref<!tpu.dma_semaphore, #tpu.memory_space<semaphore_mem>>) src(%arg11 : memref<96x128xf32, #tpu.memory_space<vmem>>) dst(%dma_wait3A_90 : memref<96x128xf32, #tpu.memory_space<vmem_shared>>)
      tpu.yield
    }) : () -> ()
    %add3A_18 = arith.constant 480 : i32
    %add3A_19 = arith.addi %mul3A_7, %add3A_18 : i32
    "tpu.region"() ({
      %run_scoped3A = tpu.sem_alloc : memref<!tpu.dma_semaphore, #tpu.memory_space<semaphore_mem>>
      %dma_start3A_83 = arith.constant 0 : i32
      %dma_start3A_84 = tpu.memref_slice %arg15[%add3A_19, %dma_start3A_83] : memref<10112x128xf32, #tpu.memory_space<vmem_shared>> -> memref<96x128xf32, #tpu.memory_space<vmem_shared>>
      %dma_start3A_85 = arith.constant 0 : i32
      %dma_start3A_86 = tpu.memref_slice %arg15[%add3A_19, %dma_start3A_85] : memref<10112x128xf32, #tpu.memory_space<vmem_shared>> -> memref<96x128xf32, #tpu.memory_space<vmem_shared>>
      tpu.enqueue_dma source(%arg11 : memref<96x128xf32, #tpu.memory_space<vmem>>) target(%dma_start3A_86 : memref<96x128xf32, #tpu.memory_space<vmem_shared>>) target_semaphore(%run_scoped3A : memref<!tpu.dma_semaphore, #tpu.memory_space<semaphore_mem>>)
      %dma_wait3A_87 = arith.constant 0 : i32
      %dma_wait3A_88 = tpu.memref_slice %arg15[%add3A_19, %dma_wait3A_87] : memref<10112x128xf32, #tpu.memory_space<vmem_shared>> -> memref<96x128xf32, #tpu.memory_space<vmem_shared>>
      %dma_wait3A_89 = arith.constant 0 : i32
      %dma_wait3A_90 = tpu.memref_slice %arg15[%add3A_19, %dma_wait3A_89] : memref<10112x128xf32, #tpu.memory_space<vmem_shared>> -> memref<96x128xf32, #tpu.memory_space<vmem_shared>>
      tpu.wait_dma2 semaphore(%run_scoped3A : memref<!tpu.dma_semaphore, #tpu.memory_space<semaphore_mem>>) src(%arg11 : memref<96x128xf32, #tpu.memory_space<vmem>>) dst(%dma_wait3A_90 : memref<96x128xf32, #tpu.memory_space<vmem_shared>>)
      tpu.yield
    }) : () -> ()
    %add3A_20 = arith.constant 576 : i32
    %add3A_21 = arith.addi %mul3A_7, %add3A_20 : i32
    "tpu.region"() ({
      %run_scoped3A = tpu.sem_alloc : memref<!tpu.dma_semaphore, #tpu.memory_space<semaphore_mem>>
      %dma_start3A_83 = arith.constant 0 : i32
      %dma_start3A_84 = arith.constant 0 : i32
      %dma_start3A_85 = tpu.memref_slice %arg11[%dma_start3A_83, %dma_start3A_84] : memref<96x128xf32, #tpu.memory_space<vmem>> -> memref<56x128xf32, #tpu.memory_space<vmem>>
      %dma_start3A_86 = arith.constant 0 : i32
      %dma_start3A_87 = tpu.memref_slice %arg15[%add3A_21, %dma_start3A_86] : memref<10112x128xf32, #tpu.memory_space<vmem_shared>> -> memref<56x128xf32, #tpu.memory_space<vmem_shared>>
      %dma_start3A_88 = arith.constant 0 : i32
      %dma_start3A_89 = tpu.memref_slice %arg15[%add3A_21, %dma_start3A_88] : memref<10112x128xf32, #tpu.memory_space<vmem_shared>> -> memref<56x128xf32, #tpu.memory_space<vmem_shared>>
      %dma_start3A_90 = arith.constant 0 : i32
      %dma_start3A_91 = arith.constant 0 : i32
      %dma_start3A_92 = tpu.memref_slice %arg11[%dma_start3A_90, %dma_start3A_91] : memref<96x128xf32, #tpu.memory_space<vmem>> -> memref<56x128xf32, #tpu.memory_space<vmem>>
      tpu.enqueue_dma source(%dma_start3A_92 : memref<56x128xf32, #tpu.memory_space<vmem>>) target(%dma_start3A_89 : memref<56x128xf32, #tpu.memory_space<vmem_shared>>) target_semaphore(%run_scoped3A : memref<!tpu.dma_semaphore, #tpu.memory_space<semaphore_mem>>)
      %dma_wait3A_93 = arith.constant 0 : i32
      %dma_wait3A_94 = arith.constant 0 : i32
      %dma_wait3A_95 = tpu.memref_slice %arg11[%dma_wait3A_93, %dma_wait3A_94] : memref<96x128xf32, #tpu.memory_space<vmem>> -> memref<56x128xf32, #tpu.memory_space<vmem>>
      %dma_wait3A_96 = arith.constant 0 : i32
      %dma_wait3A_97 = tpu.memref_slice %arg15[%add3A_21, %dma_wait3A_96] : memref<10112x128xf32, #tpu.memory_space<vmem_shared>> -> memref<56x128xf32, #tpu.memory_space<vmem_shared>>
      %dma_wait3A_98 = arith.constant 0 : i32
      %dma_wait3A_99 = tpu.memref_slice %arg15[%add3A_21, %dma_wait3A_98] : memref<10112x128xf32, #tpu.memory_space<vmem_shared>> -> memref<56x128xf32, #tpu.memory_space<vmem_shared>>
      %dma_wait3A_100 = arith.constant 0 : i32
      %dma_wait3A_101 = arith.constant 0 : i32
      %dma_wait3A_102 = tpu.memref_slice %arg11[%dma_wait3A_100, %dma_wait3A_101] : memref<96x128xf32, #tpu.memory_space<vmem>> -> memref<56x128xf32, #tpu.memory_space<vmem>>
      tpu.wait_dma2 semaphore(%run_scoped3A : memref<!tpu.dma_semaphore, #tpu.memory_space<semaphore_mem>>) src(%dma_wait3A_102 : memref<56x128xf32, #tpu.memory_space<vmem>>) dst(%dma_wait3A_99 : memref<56x128xf32, #tpu.memory_space<vmem_shared>>)
      tpu.yield
    }) : () -> ()
    %barrier3A = arith.constant 0 : index
    tpu.barrier barrier_id(%barrier3A)
    %add3A_22 = arith.constant 0 : i32
    %add3A_23 = arith.addi %mul3A_2, %add3A_22 : i32
    %dma_start3A = tpu.memref_slice %arg4[%add3A_23] : memref<325632xi32, #tpu.memory_space<hbm>> -> memref<96xi32, #tpu.memory_space<hbm>>
    %dma_start3A_24 = tpu.memref_slice %arg4[%add3A_23] : memref<325632xi32, #tpu.memory_space<hbm>> -> memref<96xi32, #tpu.memory_space<hbm>>
    tpu.enqueue_dma source(%dma_start3A_24 : memref<96xi32, #tpu.memory_space<hbm>>) target(%arg7 : memref<96xi32, #tpu.memory_space<vmem>>) target_semaphore(%arg20 : memref<!tpu.dma_semaphore, #tpu.memory_space<semaphore_mem>>)
    %add3A_25 = arith.constant 0 : i32
    %add3A_26 = arith.addi %mul3A_2, %add3A_25 : i32
    %dma_start3A_27 = tpu.memref_slice %arg5[%add3A_26] : memref<325632xi32, #tpu.memory_space<hbm>> -> memref<96xi32, #tpu.memory_space<hbm>>
    %dma_start3A_28 = tpu.memref_slice %arg5[%add3A_26] : memref<325632xi32, #tpu.memory_space<hbm>> -> memref<96xi32, #tpu.memory_space<hbm>>
    tpu.enqueue_dma source(%dma_start3A_28 : memref<96xi32, #tpu.memory_space<hbm>>) target(%arg9 : memref<96xi32, #tpu.memory_space<vmem>>) target_semaphore(%arg20 : memref<!tpu.dma_semaphore, #tpu.memory_space<semaphore_mem>>)
    %dma_wait3A = arith.constant 0 : i32
    %dma_wait3A_29 = tpu.memref_slice %arg4[%dma_wait3A] : memref<325632xi32, #tpu.memory_space<hbm>> -> memref<96xi32, #tpu.memory_space<hbm>>
    %dma_wait3A_30 = arith.constant 0 : i32
    %dma_wait3A_31 = tpu.memref_slice %arg4[%dma_wait3A_30] : memref<325632xi32, #tpu.memory_space<hbm>> -> memref<96xi32, #tpu.memory_space<hbm>>
    tpu.wait_dma2 semaphore(%arg20 : memref<!tpu.dma_semaphore, #tpu.memory_space<semaphore_mem>>) src(%dma_wait3A_31 : memref<96xi32, #tpu.memory_space<hbm>>) dst(%arg7 : memref<96xi32, #tpu.memory_space<vmem>>)
    %dma_wait3A_32 = arith.constant 0 : i32
    %dma_wait3A_33 = tpu.memref_slice %arg5[%dma_wait3A_32] : memref<325632xi32, #tpu.memory_space<hbm>> -> memref<96xi32, #tpu.memory_space<hbm>>
    %dma_wait3A_34 = arith.constant 0 : i32
    %dma_wait3A_35 = tpu.memref_slice %arg5[%dma_wait3A_34] : memref<325632xi32, #tpu.memory_space<hbm>> -> memref<96xi32, #tpu.memory_space<hbm>>
    tpu.wait_dma2 semaphore(%arg20 : memref<!tpu.dma_semaphore, #tpu.memory_space<semaphore_mem>>) src(%dma_wait3A_35 : memref<96xi32, #tpu.memory_space<hbm>>) dst(%arg9 : memref<96xi32, #tpu.memory_space<vmem>>)
    %add3A_36 = arith.constant 0 : i32
    %add3A_37 = arith.addi %mul3A_2, %add3A_36 : i32
    %dma_start3A_38 = arith.constant 0 : i32
    %dma_start3A_39 = tpu.memref_slice %arg3[%add3A_37, %dma_start3A_38] : memref<325632x128xf32, #tpu.memory_space<hbm>> -> memref<96x128xf32, #tpu.memory_space<hbm>>
    %dma_start3A_40 = arith.constant 0 : i32
    %dma_start3A_41 = tpu.memref_slice %arg3[%add3A_37, %dma_start3A_40] : memref<325632x128xf32, #tpu.memory_space<hbm>> -> memref<96x128xf32, #tpu.memory_space<hbm>>
    tpu.enqueue_dma source(%dma_start3A_41 : memref<96x128xf32, #tpu.memory_space<hbm>>) target(%arg11 : memref<96x128xf32, #tpu.memory_space<vmem>>) target_semaphore(%arg16 : memref<!tpu.dma_semaphore, #tpu.memory_space<semaphore_mem>>)
    %dma_start3A_42 = arith.constant 0 : i32
    %dma_start3A_43 = arith.constant 0 : i32
    %dma_start3A_44 = tpu.memref_slice %arg2[%dma_start3A_42, %dma_start3A_43] : memref<80000x128xf32, #tpu.memory_space<hbm>> -> memref<80000x128xf32, #tpu.memory_space<hbm>>
    tpu.enqueue_indirect_dma source(%dma_start3A_44 : memref<80000x128xf32, #tpu.memory_space<hbm>>) target(%arg13 : memref<96x128xf32, #tpu.memory_space<vmem>>) offsets(%arg7 : memref<96xi32, #tpu.memory_space<vmem>>) semaphore(%arg18 : memref<!tpu.dma_semaphore, #tpu.memory_space<semaphore_mem>>)
    %scan3A = arith.constant 0 : i32
    %scan3A_45 = arith.constant 0 : i32
    %scan3A_46 = arith.constant 53 : i32
    %scan3A_47 = arith.addi %scan3A_45, %scan3A_46 : i32
    %scan3A_48 = arith.constant 1 : i32
    %scan3A_49 = scf.for %scan3A_83 = %scan3A_45 to %scan3A_47 step %scan3A_48 iter_args(%scan3A_84 = %scan3A) -> (i32)  : i32 {
      %mul3A_85 = arith.constant 2 : i32
      %mul3A_86 = arith.muli %mul3A_85, %scan3A_83 : i32
      %add3A_87 = arith.constant 0 : i32
      %add3A_88 = arith.addi %mul3A_86, %add3A_87 : i32
      %add3A_89 = arith.constant 1 : i32
      %add3A_90 = arith.addi %add3A_88, %add3A_89 : i32
      %mul3A_91 = arith.constant 96 : i32
      %mul3A_92 = arith.muli %add3A_90, %mul3A_91 : i32
      %add3A_93 = arith.addi %mul3A_2, %mul3A_92 : i32
      %dma_start3A_94 = tpu.memref_slice %arg4[%add3A_93] : memref<325632xi32, #tpu.memory_space<hbm>> -> memref<96xi32, #tpu.memory_space<hbm>>
      %dma_start3A_95 = tpu.memref_slice %arg4[%add3A_93] : memref<325632xi32, #tpu.memory_space<hbm>> -> memref<96xi32, #tpu.memory_space<hbm>>
      tpu.enqueue_dma source(%dma_start3A_95 : memref<96xi32, #tpu.memory_space<hbm>>) target(%arg8 : memref<96xi32, #tpu.memory_space<vmem>>) target_semaphore(%arg21 : memref<!tpu.dma_semaphore, #tpu.memory_space<semaphore_mem>>)
      %mul3A_96 = arith.constant 96 : i32
      %mul3A_97 = arith.muli %add3A_90, %mul3A_96 : i32
      %add3A_98 = arith.addi %mul3A_2, %mul3A_97 : i32
      %dma_start3A_99 = tpu.memref_slice %arg5[%add3A_98] : memref<325632xi32, #tpu.memory_space<hbm>> -> memref<96xi32, #tpu.memory_space<hbm>>
      %dma_start3A_100 = tpu.memref_slice %arg5[%add3A_98] : memref<325632xi32, #tpu.memory_space<hbm>> -> memref<96xi32, #tpu.memory_space<hbm>>
      tpu.enqueue_dma source(%dma_start3A_100 : memref<96xi32, #tpu.memory_space<hbm>>) target(%arg10 : memref<96xi32, #tpu.memory_space<vmem>>) target_semaphore(%arg21 : memref<!tpu.dma_semaphore, #tpu.memory_space<semaphore_mem>>)
      %dma_wait3A_101 = arith.constant 0 : i32
      %dma_wait3A_102 = arith.constant 0 : i32
      %dma_wait3A_103 = tpu.memref_slice %arg3[%dma_wait3A_101, %dma_wait3A_102] : memref<325632x128xf32, #tpu.memory_space<hbm>> -> memref<96x128xf32, #tpu.memory_space<hbm>>
      %dma_wait3A_104 = arith.constant 0 : i32
      %dma_wait3A_105 = arith.constant 0 : i32
      %dma_wait3A_106 = tpu.memref_slice %arg3[%dma_wait3A_104, %dma_wait3A_105] : memref<325632x128xf32, #tpu.memory_space<hbm>> -> memref<96x128xf32, #tpu.memory_space<hbm>>
      tpu.wait_dma2 semaphore(%arg16 : memref<!tpu.dma_semaphore, #tpu.memory_space<semaphore_mem>>) src(%dma_wait3A_106 : memref<96x128xf32, #tpu.memory_space<hbm>>) dst(%arg11 : memref<96x128xf32, #tpu.memory_space<vmem>>)
      %dma_wait3A_107 = arith.constant 0 : i32
      %dma_wait3A_108 = arith.constant 0 : i32
      %dma_wait3A_109 = tpu.memref_slice %arg2[%dma_wait3A_107, %dma_wait3A_108] : memref<80000x128xf32, #tpu.memory_space<hbm>> -> memref<80000x128xf32, #tpu.memory_space<hbm>>
      tpu.wait_indirect_dma semaphore(%arg18 : memref<!tpu.dma_semaphore, #tpu.memory_space<semaphore_mem>>) src(%dma_wait3A_109 : memref<80000x128xf32, #tpu.memory_space<hbm>>) dst(%arg13 : memref<96x128xf32, #tpu.memory_space<vmem>>)
      %parallel_loop3A_110 = arith.constant 0 : i32
      %parallel_loop3A_111 = arith.constant 96 : i32
      %parallel_loop3A_112 = arith.constant 1 : i32
      scf.for %parallel_loop3A_157 = %parallel_loop3A_110 to %parallel_loop3A_111 step %parallel_loop3A_112  : i32 {
        %parallel_loop3A_158 = arith.index_cast %parallel_loop3A_157 : i32 to index
        %parallel_loop3A_159 = arith.constant 0 : index
        %parallel_loop3A_160 = tpu.vector_load %arg11[%parallel_loop3A_158, %parallel_loop3A_159] {strides = array<i32>} : memref<96x128xf32, #tpu.memory_space<vmem>>, vector<1x16xf32>,
        %parallel_loop3A_161 = vector.shape_cast %parallel_loop3A_160 : vector<1x16xf32> to vector<16xf32>
        %parallel_loop3A_162 = arith.index_cast %parallel_loop3A_157 : i32 to index
        %parallel_loop3A_163 = arith.constant 0 : index
        %parallel_loop3A_164 = tpu.vector_load %arg13[%parallel_loop3A_162, %parallel_loop3A_163] {strides = array<i32>} : memref<96x128xf32, #tpu.memory_space<vmem>>, vector<1x16xf32>,
        %parallel_loop3A_165 = vector.shape_cast %parallel_loop3A_164 : vector<1x16xf32> to vector<16xf32>
        %parallel_loop3A_166 = arith.addf %parallel_loop3A_161, %parallel_loop3A_165 : vector<16xf32>
        %parallel_loop3A_167 = arith.constant 0.000000e+00 : f32
        %parallel_loop3A_168 = vector.broadcast %parallel_loop3A_167 : f32 to vector<16xf32>
        %parallel_loop3A_169 = arith.maximumf %parallel_loop3A_166, %parallel_loop3A_168 : vector<16xf32>
        %parallel_loop3A_170 = arith.index_cast %parallel_loop3A_157 : i32 to index
        %parallel_loop3A_171 = arith.constant 0 : index
        %parallel_loop3A_172 = tpu.vector_load %arg11[%parallel_loop3A_170, %parallel_loop3A_171] {strides = array<i32>} : memref<96x128xf32, #tpu.memory_space<vmem>>, vector<1x16xf32>,
        %parallel_loop3A_173 = vector.shape_cast %parallel_loop3A_172 : vector<1x16xf32> to vector<16xf32>
        %parallel_loop3A_174 = vector.shape_cast %parallel_loop3A_169 : vector<16xf32> to vector<1x16xf32>
        tpu.vector_store %arg11[%parallel_loop3A_170, %parallel_loop3A_171], %parallel_loop3A_174 {strides = array<i32>} : memref<96x128xf32, #tpu.memory_space<vmem>>, vector<1x16xf32>,
        %parallel_loop3A_175 = arith.index_cast %parallel_loop3A_157 : i32 to index
        %parallel_loop3A_176 = arith.constant 16 : index
        %parallel_loop3A_177 = tpu.vector_load %arg11[%parallel_loop3A_175, %parallel_loop3A_176] {strides = array<i32>} : memref<96x128xf32, #tpu.memory_space<vmem>>, vector<1x16xf32>,
        %parallel_loop3A_178 = vector.shape_cast %parallel_loop3A_177 : vector<1x16xf32> to vector<16xf32>
        %parallel_loop3A_179 = arith.index_cast %parallel_loop3A_157 : i32 to index
        %parallel_loop3A_180 = arith.constant 16 : index
        %parallel_loop3A_181 = tpu.vector_load %arg13[%parallel_loop3A_179, %parallel_loop3A_180] {strides = array<i32>} : memref<96x128xf32, #tpu.memory_space<vmem>>, vector<1x16xf32>,
        %parallel_loop3A_182 = vector.shape_cast %parallel_loop3A_181 : vector<1x16xf32> to vector<16xf32>
        %parallel_loop3A_183 = arith.addf %parallel_loop3A_178, %parallel_loop3A_182 : vector<16xf32>
        %parallel_loop3A_184 = arith.constant 0.000000e+00 : f32
        %parallel_loop3A_185 = vector.broadcast %parallel_loop3A_184 : f32 to vector<16xf32>
        %parallel_loop3A_186 = arith.maximumf %parallel_loop3A_183, %parallel_loop3A_185 : vector<16xf32>
        %parallel_loop3A_187 = arith.index_cast %parallel_loop3A_157 : i32 to index
        %parallel_loop3A_188 = arith.constant 16 : index
        %parallel_loop3A_189 = tpu.vector_load %arg11[%parallel_loop3A_187, %parallel_loop3A_188] {strides = array<i32>} : memref<96x128xf32, #tpu.memory_space<vmem>>, vector<1x16xf32>,
        %parallel_loop3A_190 = vector.shape_cast %parallel_loop3A_189 : vector<1x16xf32> to vector<16xf32>
        %parallel_loop3A_191 = vector.shape_cast %parallel_loop3A_186 : vector<16xf32> to vector<1x16xf32>
        tpu.vector_store %arg11[%parallel_loop3A_187, %parallel_loop3A_188], %parallel_loop3A_191 {strides = array<i32>} : memref<96x128xf32, #tpu.memory_space<vmem>>, vector<1x16xf32>,
        %parallel_loop3A_192 = arith.index_cast %parallel_loop3A_157 : i32 to index
        %parallel_loop3A_193 = arith.constant 32 : index
        %parallel_loop3A_194 = tpu.vector_load %arg11[%parallel_loop3A_192, %parallel_loop3A_193] {strides = array<i32>} : memref<96x128xf32, #tpu.memory_space<vmem>>, vector<1x16xf32>,
        %parallel_loop3A_195 = vector.shape_cast %parallel_loop3A_194 : vector<1x16xf32> to vector<16xf32>
        %parallel_loop3A_196 = arith.index_cast %parallel_loop3A_157 : i32 to index
        %parallel_loop3A_197 = arith.constant 32 : index
        %parallel_loop3A_198 = tpu.vector_load %arg13[%parallel_loop3A_196, %parallel_loop3A_197] {strides = array<i32>} : memref<96x128xf32, #tpu.memory_space<vmem>>, vector<1x16xf32>,
        %parallel_loop3A_199 = vector.shape_cast %parallel_loop3A_198 : vector<1x16xf32> to vector<16xf32>
        %parallel_loop3A_200 = arith.addf %parallel_loop3A_195, %parallel_loop3A_199 : vector<16xf32>
        %parallel_loop3A_201 = arith.constant 0.000000e+00 : f32
        %parallel_loop3A_202 = vector.broadcast %parallel_loop3A_201 : f32 to vector<16xf32>
        %parallel_loop3A_203 = arith.maximumf %parallel_loop3A_200, %parallel_loop3A_202 : vector<16xf32>
        %parallel_loop3A_204 = arith.index_cast %parallel_loop3A_157 : i32 to index
        %parallel_loop3A_205 = arith.constant 32 : index
        %parallel_loop3A_206 = tpu.vector_load %arg11[%parallel_loop3A_204, %parallel_loop3A_205] {strides = array<i32>} : memref<96x128xf32, #tpu.memory_space<vmem>>, vector<1x16xf32>,
        %parallel_loop3A_207 = vector.shape_cast %parallel_loop3A_206 : vector<1x16xf32> to vector<16xf32>
        %parallel_loop3A_208 = vector.shape_cast %parallel_loop3A_203 : vector<16xf32> to vector<1x16xf32>
        tpu.vector_store %arg11[%parallel_loop3A_204, %parallel_loop3A_205], %parallel_loop3A_208 {strides = array<i32>} : memref<96x128xf32, #tpu.memory_space<vmem>>, vector<1x16xf32>,
        %parallel_loop3A_209 = arith.index_cast %parallel_loop3A_157 : i32 to index
        %parallel_loop3A_210 = arith.constant 48 : index
        %parallel_loop3A_211 = tpu.vector_load %arg11[%parallel_loop3A_209, %parallel_loop3A_210] {strides = array<i32>} : memref<96x128xf32, #tpu.memory_space<vmem>>, vector<1x16xf32>,
        %parallel_loop3A_212 = vector.shape_cast %parallel_loop3A_211 : vector<1x16xf32> to vector<16xf32>
        %parallel_loop3A_213 = arith.index_cast %parallel_loop3A_157 : i32 to index
        %parallel_loop3A_214 = arith.constant 48 : index
        %parallel_loop3A_215 = tpu.vector_load %arg13[%parallel_loop3A_213, %parallel_loop3A_214] {strides = array<i32>} : memref<96x128xf32, #tpu.memory_space<vmem>>, vector<1x16xf32>,
        %parallel_loop3A_216 = vector.shape_cast %parallel_loop3A_215 : vector<1x16xf32> to vector<16xf32>
        %parallel_loop3A_217 = arith.addf %parallel_loop3A_212, %parallel_loop3A_216 : vector<16xf32>
        %parallel_loop3A_218 = arith.constant 0.000000e+00 : f32
        %parallel_loop3A_219 = vector.broadcast %parallel_loop3A_218 : f32 to vector<16xf32>
        %parallel_loop3A_220 = arith.maximumf %parallel_loop3A_217, %parallel_loop3A_219 : vector<16xf32>
        %parallel_loop3A_221 = arith.index_cast %parallel_loop3A_157 : i32 to index
        %parallel_loop3A_222 = arith.constant 48 : index
        %parallel_loop3A_223 = tpu.vector_load %arg11[%parallel_loop3A_221, %parallel_loop3A_222] {strides = array<i32>} : memref<96x128xf32, #tpu.memory_space<vmem>>, vector<1x16xf32>,
        %parallel_loop3A_224 = vector.shape_cast %parallel_loop3A_223 : vector<1x16xf32> to vector<16xf32>
        %parallel_loop3A_225 = vector.shape_cast %parallel_loop3A_220 : vector<16xf32> to vector<1x16xf32>
        tpu.vector_store %arg11[%parallel_loop3A_221, %parallel_loop3A_222], %parallel_loop3A_225 {strides = array<i32>} : memref<96x128xf32, #tpu.memory_space<vmem>>, vector<1x16xf32>,
        %parallel_loop3A_226 = arith.index_cast %parallel_loop3A_157 : i32 to index
        %parallel_loop3A_227 = arith.constant 64 : index
        %parallel_loop3A_228 = tpu.vector_load %arg11[%parallel_loop3A_226, %parallel_loop3A_227] {strides = array<i32>} : memref<96x128xf32, #tpu.memory_space<vmem>>, vector<1x16xf32>,
        %parallel_loop3A_229 = vector.shape_cast %parallel_loop3A_228 : vector<1x16xf32> to vector<16xf32>
        %parallel_loop3A_230 = arith.index_cast %parallel_loop3A_157 : i32 to index
        %parallel_loop3A_231 = arith.constant 64 : index
        %parallel_loop3A_232 = tpu.vector_load %arg13[%parallel_loop3A_230, %parallel_loop3A_231] {strides = array<i32>} : memref<96x128xf32, #tpu.memory_space<vmem>>, vector<1x16xf32>,
        %parallel_loop3A_233 = vector.shape_cast %parallel_loop3A_232 : vector<1x16xf32> to vector<16xf32>
        %parallel_loop3A_234 = arith.addf %parallel_loop3A_229, %parallel_loop3A_233 : vector<16xf32>
        %parallel_loop3A_235 = arith.constant 0.000000e+00 : f32
        %parallel_loop3A_236 = vector.broadcast %parallel_loop3A_235 : f32 to vector<16xf32>
        %parallel_loop3A_237 = arith.maximumf %parallel_loop3A_234, %parallel_loop3A_236 : vector<16xf32>
        %parallel_loop3A_238 = arith.index_cast %parallel_loop3A_157 : i32 to index
        %parallel_loop3A_239 = arith.constant 64 : index
        %parallel_loop3A_240 = tpu.vector_load %arg11[%parallel_loop3A_238, %parallel_loop3A_239] {strides = array<i32>} : memref<96x128xf32, #tpu.memory_space<vmem>>, vector<1x16xf32>,
        %parallel_loop3A_241 = vector.shape_cast %parallel_loop3A_240 : vector<1x16xf32> to vector<16xf32>
        %parallel_loop3A_242 = vector.shape_cast %parallel_loop3A_237 : vector<16xf32> to vector<1x16xf32>
        tpu.vector_store %arg11[%parallel_loop3A_238, %parallel_loop3A_239], %parallel_loop3A_242 {strides = array<i32>} : memref<96x128xf32, #tpu.memory_space<vmem>>, vector<1x16xf32>,
        %parallel_loop3A_243 = arith.index_cast %parallel_loop3A_157 : i32 to index
        %parallel_loop3A_244 = arith.constant 80 : index
        %parallel_loop3A_245 = tpu.vector_load %arg11[%parallel_loop3A_243, %parallel_loop3A_244] {strides = array<i32>} : memref<96x128xf32, #tpu.memory_space<vmem>>, vector<1x16xf32>,
        %parallel_loop3A_246 = vector.shape_cast %parallel_loop3A_245 : vector<1x16xf32> to vector<16xf32>
        %parallel_loop3A_247 = arith.index_cast %parallel_loop3A_157 : i32 to index
        %parallel_loop3A_248 = arith.constant 80 : index
        %parallel_loop3A_249 = tpu.vector_load %arg13[%parallel_loop3A_247, %parallel_loop3A_248] {strides = array<i32>} : memref<96x128xf32, #tpu.memory_space<vmem>>, vector<1x16xf32>,
        %parallel_loop3A_250 = vector.shape_cast %parallel_loop3A_249 : vector<1x16xf32> to vector<16xf32>
        %parallel_loop3A_251 = arith.addf %parallel_loop3A_246, %parallel_loop3A_250 : vector<16xf32>
        %parallel_loop3A_252 = arith.constant 0.000000e+00 : f32
        %parallel_loop3A_253 = vector.broadcast %parallel_loop3A_252 : f32 to vector<16xf32>
        %parallel_loop3A_254 = arith.maximumf %parallel_loop3A_251, %parallel_loop3A_253 : vector<16xf32>
        %parallel_loop3A_255 = arith.index_cast %parallel_loop3A_157 : i32 to index
        %parallel_loop3A_256 = arith.constant 80 : index
        %parallel_loop3A_257 = tpu.vector_load %arg11[%parallel_loop3A_255, %parallel_loop3A_256] {strides = array<i32>} : memref<96x128xf32, #tpu.memory_space<vmem>>, vector<1x16xf32>,
        %parallel_loop3A_258 = vector.shape_cast %parallel_loop3A_257 : vector<1x16xf32> to vector<16xf32>
        %parallel_loop3A_259 = vector.shape_cast %parallel_loop3A_254 : vector<16xf32> to vector<1x16xf32>
        tpu.vector_store %arg11[%parallel_loop3A_255, %parallel_loop3A_256], %parallel_loop3A_259 {strides = array<i32>} : memref<96x128xf32, #tpu.memory_space<vmem>>, vector<1x16xf32>,
        %parallel_loop3A_260 = arith.index_cast %parallel_loop3A_157 : i32 to index
        %parallel_loop3A_261 = arith.constant 96 : index
        %parallel_loop3A_262 = tpu.vector_load %arg11[%parallel_loop3A_260, %parallel_loop3A_261] {strides = array<i32>} : memref<96x128xf32, #tpu.memory_space<vmem>>, vector<1x16xf32>,
        %parallel_loop3A_263 = vector.shape_cast %parallel_loop3A_262 : vector<1x16xf32> to vector<16xf32>
        %parallel_loop3A_264 = arith.index_cast %parallel_loop3A_157 : i32 to index
        %parallel_loop3A_265 = arith.constant 96 : index
        %parallel_loop3A_266 = tpu.vector_load %arg13[%parallel_loop3A_264, %parallel_loop3A_265] {strides = array<i32>} : memref<96x128xf32, #tpu.memory_space<vmem>>, vector<1x16xf32>,
        %parallel_loop3A_267 = vector.shape_cast %parallel_loop3A_266 : vector<1x16xf32> to vector<16xf32>
        %parallel_loop3A_268 = arith.addf %parallel_loop3A_263, %parallel_loop3A_267 : vector<16xf32>
        %parallel_loop3A_269 = arith.constant 0.000000e+00 : f32
        %parallel_loop3A_270 = vector.broadcast %parallel_loop3A_269 : f32 to vector<16xf32>
        %parallel_loop3A_271 = arith.maximumf %parallel_loop3A_268, %parallel_loop3A_270 : vector<16xf32>
        %parallel_loop3A_272 = arith.index_cast %parallel_loop3A_157 : i32 to index
        %parallel_loop3A_273 = arith.constant 96 : index
        %parallel_loop3A_274 = tpu.vector_load %arg11[%parallel_loop3A_272, %parallel_loop3A_273] {strides = array<i32>} : memref<96x128xf32, #tpu.memory_space<vmem>>, vector<1x16xf32>,
        %parallel_loop3A_275 = vector.shape_cast %parallel_loop3A_274 : vector<1x16xf32> to vector<16xf32>
        %parallel_loop3A_276 = vector.shape_cast %parallel_loop3A_271 : vector<16xf32> to vector<1x16xf32>
        tpu.vector_store %arg11[%parallel_loop3A_272, %parallel_loop3A_273], %parallel_loop3A_276 {strides = array<i32>} : memref<96x128xf32, #tpu.memory_space<vmem>>, vector<1x16xf32>,
        %parallel_loop3A_277 = arith.index_cast %parallel_loop3A_157 : i32 to index
        %parallel_loop3A_278 = arith.constant 112 : index
        %parallel_loop3A_279 = tpu.vector_load %arg11[%parallel_loop3A_277, %parallel_loop3A_278] {strides = array<i32>} : memref<96x128xf32, #tpu.memory_space<vmem>>, vector<1x16xf32>,
        %parallel_loop3A_280 = vector.shape_cast %parallel_loop3A_279 : vector<1x16xf32> to vector<16xf32>
        %parallel_loop3A_281 = arith.index_cast %parallel_loop3A_157 : i32 to index
        %parallel_loop3A_282 = arith.constant 112 : index
        %parallel_loop3A_283 = tpu.vector_load %arg13[%parallel_loop3A_281, %parallel_loop3A_282] {strides = array<i32>} : memref<96x128xf32, #tpu.memory_space<vmem>>, vector<1x16xf32>,
        %parallel_loop3A_284 = vector.shape_cast %parallel_loop3A_283 : vector<1x16xf32> to vector<16xf32>
        %parallel_loop3A_285 = arith.addf %parallel_loop3A_280, %parallel_loop3A_284 : vector<16xf32>
        %parallel_loop3A_286 = arith.constant 0.000000e+00 : f32
        %parallel_loop3A_287 = vector.broadcast %parallel_loop3A_286 : f32 to vector<16xf32>
        %parallel_loop3A_288 = arith.maximumf %parallel_loop3A_285, %parallel_loop3A_287 : vector<16xf32>
        %parallel_loop3A_289 = arith.index_cast %parallel_loop3A_157 : i32 to index
        %parallel_loop3A_290 = arith.constant 112 : index
        %parallel_loop3A_291 = tpu.vector_load %arg11[%parallel_loop3A_289, %parallel_loop3A_290] {strides = array<i32>} : memref<96x128xf32, #tpu.memory_space<vmem>>, vector<1x16xf32>,
        %parallel_loop3A_292 = vector.shape_cast %parallel_loop3A_291 : vector<1x16xf32> to vector<16xf32>
        %parallel_loop3A_293 = vector.shape_cast %parallel_loop3A_288 : vector<16xf32> to vector<1x16xf32>
        tpu.vector_store %arg11[%parallel_loop3A_289, %parallel_loop3A_290], %parallel_loop3A_293 {strides = array<i32>} : memref<96x128xf32, #tpu.memory_space<vmem>>, vector<1x16xf32>,
      } {sc.loop_unroll_factor = 4 : i64, sc.parallel_access}
      %dma_wait3A_113 = arith.constant 0 : i32
      %dma_wait3A_114 = tpu.memref_slice %arg4[%dma_wait3A_113] : memref<325632xi32, #tpu.memory_space<hbm>> -> memref<96xi32, #tpu.memory_space<hbm>>
      %dma_wait3A_115 = arith.constant 0 : i32
      %dma_wait3A_116 = tpu.memref_slice %arg4[%dma_wait3A_115] : memref<325632xi32, #tpu.memory_space<hbm>> -> memref<96xi32, #tpu.memory_space<hbm>>
      tpu.wait_dma2 semaphore(%arg21 : memref<!tpu.dma_semaphore, #tpu.memory_space<semaphore_mem>>) src(%dma_wait3A_116 : memref<96xi32, #tpu.memory_space<hbm>>) dst(%arg8 : memref<96xi32, #tpu.memory_space<vmem>>)
      %dma_wait3A_117 = arith.constant 0 : i32
      %dma_wait3A_118 = tpu.memref_slice %arg5[%dma_wait3A_117] : memref<325632xi32, #tpu.memory_space<hbm>> -> memref<96xi32, #tpu.memory_space<hbm>>
      %dma_wait3A_119 = arith.constant 0 : i32
      %dma_wait3A_120 = tpu.memref_slice %arg5[%dma_wait3A_119] : memref<325632xi32, #tpu.memory_space<hbm>> -> memref<96xi32, #tpu.memory_space<hbm>>
      tpu.wait_dma2 semaphore(%arg21 : memref<!tpu.dma_semaphore, #tpu.memory_space<semaphore_mem>>) src(%dma_wait3A_120 : memref<96xi32, #tpu.memory_space<hbm>>) dst(%arg10 : memref<96xi32, #tpu.memory_space<vmem>>)
      %add3A_121 = arith.constant 1 : i32
      %add3A_122 = arith.addi %add3A_88, %add3A_121 : i32
      %mul3A_123 = arith.constant 96 : i32
      %mul3A_124 = arith.muli %add3A_122, %mul3A_123 : i32
      %add3A_125 = arith.addi %mul3A_2, %mul3A_124 : i32
      %dma_start3A_126 = arith.constant 0 : i32
      %dma_start3A_127 = tpu.memref_slice %arg3[%add3A_125, %dma_start3A_126] : memref<325632x128xf32, #tpu.memory_space<hbm>> -> memref<96x128xf32, #tpu.memory_space<hbm>>
      %dma_start3A_128 = arith.constant 0 : i32
      %dma_start3A_129 = tpu.memref_slice %arg3[%add3A_125, %dma_start3A_128] : memref<325632x128xf32, #tpu.memory_space<hbm>> -> memref<96x128xf32, #tpu.memory_space<hbm>>
      tpu.enqueue_dma source(%dma_start3A_129 : memref<96x128xf32, #tpu.memory_space<hbm>>) target(%arg12 : memref<96x128xf32, #tpu.memory_space<vmem>>) target_semaphore(%arg17 : memref<!tpu.dma_semaphore, #tpu.memory_space<semaphore_mem>>)
      %dma_start3A_130 = arith.constant 0 : i32
      %dma_start3A_131 = arith.constant 0 : i32
      %dma_start3A_132 = tpu.memref_slice %arg2[%dma_start3A_130, %dma_start3A_131] : memref<80000x128xf32, #tpu.memory_space<hbm>> -> memref<80000x128xf32, #tpu.memory_space<hbm>>
      tpu.enqueue_indirect_dma source(%dma_start3A_132 : memref<80000x128xf32, #tpu.memory_space<hbm>>) target(%arg14 : memref<96x128xf32, #tpu.memory_space<vmem>>) offsets(%arg8 : memref<96xi32, #tpu.memory_space<vmem>>) semaphore(%arg19 : memref<!tpu.dma_semaphore, #tpu.memory_space<semaphore_mem>>)
      "tpu.region"() ({
        %run_scoped3A = tpu.sem_alloc : memref<!tpu.dma_semaphore, #tpu.memory_space<semaphore_mem>>
        %dma_start3A_157 = arith.constant 0 : i32
        %dma_start3A_158 = arith.constant 0 : i32
        %dma_start3A_159 = tpu.memref_slice %arg15[%dma_start3A_157, %dma_start3A_158] : memref<10112x128xf32, #tpu.memory_space<vmem_shared>> -> memref<10112x128xf32, #tpu.memory_space<vmem_shared>>
        tpu.enqueue_indirect_dma source(%arg11 : memref<96x128xf32, #tpu.memory_space<vmem>>) target(%dma_start3A_159 : memref<10112x128xf32, #tpu.memory_space<vmem_shared>>) offsets(%arg9 : memref<96xi32, #tpu.memory_space<vmem>>) semaphore(%run_scoped3A : memref<!tpu.dma_semaphore, #tpu.memory_space<semaphore_mem>>) {add = true}
        %dma_wait3A_160 = arith.constant 0 : i32
        %dma_wait3A_161 = arith.constant 0 : i32
        %dma_wait3A_162 = tpu.memref_slice %arg15[%dma_wait3A_160, %dma_wait3A_161] : memref<10112x128xf32, #tpu.memory_space<vmem_shared>> -> memref<10112x128xf32, #tpu.memory_space<vmem_shared>>
        tpu.wait_indirect_dma semaphore(%run_scoped3A : memref<!tpu.dma_semaphore, #tpu.memory_space<semaphore_mem>>) src(%arg11 : memref<96x128xf32, #tpu.memory_space<vmem>>) dst(%dma_wait3A_162 : memref<10112x128xf32, #tpu.memory_space<vmem_shared>>)
        tpu.yield
      }) : () -> ()
      %mul3A_133 = arith.constant 2 : i32
      %mul3A_134 = arith.muli %mul3A_133, %scan3A_83 : i32
      %add3A_135 = arith.constant 1 : i32
      %add3A_136 = arith.addi %mul3A_134, %add3A_135 : i32
      %lt3A = arith.constant 52 : i32
      %lt3A_137 = arith.cmpi slt, %scan3A_83, %lt3A : i32
      %convert_element_type3A = arith.extui %lt3A_137 : i1 to i32
      %cond3A = arith.constant 0 : i32
      %cond3A_138 = arith.cmpi ne, %convert_element_type3A, %cond3A : i32
      scf.if %cond3A_138 {
        %add3A_157 = arith.constant 1 : i32
        %add3A_158 = arith.addi %add3A_136, %add3A_157 : i32
        %mul3A_159 = arith.constant 96 : i32
        %mul3A_160 = arith.muli %add3A_158, %mul3A_159 : i32
        %add3A_161 = arith.addi %mul3A_2, %mul3A_160 : i32
        %dma_start3A_162 = tpu.memref_slice %arg4[%add3A_161] : memref<325632xi32, #tpu.memory_space<hbm>> -> memref<96xi32, #tpu.memory_space<hbm>>
        %dma_start3A_163 = tpu.memref_slice %arg4[%add3A_161] : memref<325632xi32, #tpu.memory_space<hbm>> -> memref<96xi32, #tpu.memory_space<hbm>>
        tpu.enqueue_dma source(%dma_start3A_163 : memref<96xi32, #tpu.memory_space<hbm>>) target(%arg7 : memref<96xi32, #tpu.memory_space<vmem>>) target_semaphore(%arg20 : memref<!tpu.dma_semaphore, #tpu.memory_space<semaphore_mem>>)
        %mul3A_164 = arith.constant 96 : i32
        %mul3A_165 = arith.muli %add3A_158, %mul3A_164 : i32
        %add3A_166 = arith.addi %mul3A_2, %mul3A_165 : i32
        %dma_start3A_167 = tpu.memref_slice %arg5[%add3A_166] : memref<325632xi32, #tpu.memory_space<hbm>> -> memref<96xi32, #tpu.memory_space<hbm>>
        %dma_start3A_168 = tpu.memref_slice %arg5[%add3A_166] : memref<325632xi32, #tpu.memory_space<hbm>> -> memref<96xi32, #tpu.memory_space<hbm>>
        tpu.enqueue_dma source(%dma_start3A_168 : memref<96xi32, #tpu.memory_space<hbm>>) target(%arg9 : memref<96xi32, #tpu.memory_space<vmem>>) target_semaphore(%arg20 : memref<!tpu.dma_semaphore, #tpu.memory_space<semaphore_mem>>)
      } else {
      }
      %dma_wait3A_139 = arith.constant 0 : i32
      %dma_wait3A_140 = arith.constant 0 : i32
      %dma_wait3A_141 = tpu.memref_slice %arg3[%dma_wait3A_139, %dma_wait3A_140] : memref<325632x128xf32, #tpu.memory_space<hbm>> -> memref<96x128xf32, #tpu.memory_space<hbm>>
      %dma_wait3A_142 = arith.constant 0 : i32
      %dma_wait3A_143 = arith.constant 0 : i32
      %dma_wait3A_144 = tpu.memref_slice %arg3[%dma_wait3A_142, %dma_wait3A_143] : memref<325632x128xf32, #tpu.memory_space<hbm>> -> memref<96x128xf32, #tpu.memory_space<hbm>>
      tpu.wait_dma2 semaphore(%arg17 : memref<!tpu.dma_semaphore, #tpu.memory_space<semaphore_mem>>) src(%dma_wait3A_144 : memref<96x128xf32, #tpu.memory_space<hbm>>) dst(%arg12 : memref<96x128xf32, #tpu.memory_space<vmem>>)
      %dma_wait3A_145 = arith.constant 0 : i32
      %dma_wait3A_146 = arith.constant 0 : i32
      %dma_wait3A_147 = tpu.memref_slice %arg2[%dma_wait3A_145, %dma_wait3A_146] : memref<80000x128xf32, #tpu.memory_space<hbm>> -> memref<80000x128xf32, #tpu.memory_space<hbm>>
      tpu.wait_indirect_dma semaphore(%arg19 : memref<!tpu.dma_semaphore, #tpu.memory_space<semaphore_mem>>) src(%dma_wait3A_147 : memref<80000x128xf32, #tpu.memory_space<hbm>>) dst(%arg14 : memref<96x128xf32, #tpu.memory_space<vmem>>)
      %parallel_loop3A_148 = arith.constant 0 : i32
      %parallel_loop3A_149 = arith.constant 96 : i32
      %parallel_loop3A_150 = arith.constant 1 : i32
      scf.for %parallel_loop3A_157 = %parallel_loop3A_148 to %parallel_loop3A_149 step %parallel_loop3A_150  : i32 {
        %parallel_loop3A_158 = arith.index_cast %parallel_loop3A_157 : i32 to index
        %parallel_loop3A_159 = arith.constant 0 : index
        %parallel_loop3A_160 = tpu.vector_load %arg12[%parallel_loop3A_158, %parallel_loop3A_159] {strides = array<i32>} : memref<96x128xf32, #tpu.memory_space<vmem>>, vector<1x16xf32>,
        %parallel_loop3A_161 = vector.shape_cast %parallel_loop3A_160 : vector<1x16xf32> to vector<16xf32>
        %parallel_loop3A_162 = arith.index_cast %parallel_loop3A_157 : i32 to index
        %parallel_loop3A_163 = arith.constant 0 : index
        %parallel_loop3A_164 = tpu.vector_load %arg14[%parallel_loop3A_162, %parallel_loop3A_163] {strides = array<i32>} : memref<96x128xf32, #tpu.memory_space<vmem>>, vector<1x16xf32>,
        %parallel_loop3A_165 = vector.shape_cast %parallel_loop3A_164 : vector<1x16xf32> to vector<16xf32>
        %parallel_loop3A_166 = arith.addf %parallel_loop3A_161, %parallel_loop3A_165 : vector<16xf32>
        %parallel_loop3A_167 = arith.constant 0.000000e+00 : f32
        %parallel_loop3A_168 = vector.broadcast %parallel_loop3A_167 : f32 to vector<16xf32>
        %parallel_loop3A_169 = arith.maximumf %parallel_loop3A_166, %parallel_loop3A_168 : vector<16xf32>
        %parallel_loop3A_170 = arith.index_cast %parallel_loop3A_157 : i32 to index
        %parallel_loop3A_171 = arith.constant 0 : index
        %parallel_loop3A_172 = tpu.vector_load %arg12[%parallel_loop3A_170, %parallel_loop3A_171] {strides = array<i32>} : memref<96x128xf32, #tpu.memory_space<vmem>>, vector<1x16xf32>,
        %parallel_loop3A_173 = vector.shape_cast %parallel_loop3A_172 : vector<1x16xf32> to vector<16xf32>
        %parallel_loop3A_174 = vector.shape_cast %parallel_loop3A_169 : vector<16xf32> to vector<1x16xf32>
        tpu.vector_store %arg12[%parallel_loop3A_170, %parallel_loop3A_171], %parallel_loop3A_174 {strides = array<i32>} : memref<96x128xf32, #tpu.memory_space<vmem>>, vector<1x16xf32>,
        %parallel_loop3A_175 = arith.index_cast %parallel_loop3A_157 : i32 to index
        %parallel_loop3A_176 = arith.constant 16 : index
        %parallel_loop3A_177 = tpu.vector_load %arg12[%parallel_loop3A_175, %parallel_loop3A_176] {strides = array<i32>} : memref<96x128xf32, #tpu.memory_space<vmem>>, vector<1x16xf32>,
        %parallel_loop3A_178 = vector.shape_cast %parallel_loop3A_177 : vector<1x16xf32> to vector<16xf32>
        %parallel_loop3A_179 = arith.index_cast %parallel_loop3A_157 : i32 to index
        %parallel_loop3A_180 = arith.constant 16 : index
        %parallel_loop3A_181 = tpu.vector_load %arg14[%parallel_loop3A_179, %parallel_loop3A_180] {strides = array<i32>} : memref<96x128xf32, #tpu.memory_space<vmem>>, vector<1x16xf32>,
        %parallel_loop3A_182 = vector.shape_cast %parallel_loop3A_181 : vector<1x16xf32> to vector<16xf32>
        %parallel_loop3A_183 = arith.addf %parallel_loop3A_178, %parallel_loop3A_182 : vector<16xf32>
        %parallel_loop3A_184 = arith.constant 0.000000e+00 : f32
        %parallel_loop3A_185 = vector.broadcast %parallel_loop3A_184 : f32 to vector<16xf32>
        %parallel_loop3A_186 = arith.maximumf %parallel_loop3A_183, %parallel_loop3A_185 : vector<16xf32>
        %parallel_loop3A_187 = arith.index_cast %parallel_loop3A_157 : i32 to index
        %parallel_loop3A_188 = arith.constant 16 : index
        %parallel_loop3A_189 = tpu.vector_load %arg12[%parallel_loop3A_187, %parallel_loop3A_188] {strides = array<i32>} : memref<96x128xf32, #tpu.memory_space<vmem>>, vector<1x16xf32>,
        %parallel_loop3A_190 = vector.shape_cast %parallel_loop3A_189 : vector<1x16xf32> to vector<16xf32>
        %parallel_loop3A_191 = vector.shape_cast %parallel_loop3A_186 : vector<16xf32> to vector<1x16xf32>
        tpu.vector_store %arg12[%parallel_loop3A_187, %parallel_loop3A_188], %parallel_loop3A_191 {strides = array<i32>} : memref<96x128xf32, #tpu.memory_space<vmem>>, vector<1x16xf32>,
        %parallel_loop3A_192 = arith.index_cast %parallel_loop3A_157 : i32 to index
        %parallel_loop3A_193 = arith.constant 32 : index
        %parallel_loop3A_194 = tpu.vector_load %arg12[%parallel_loop3A_192, %parallel_loop3A_193] {strides = array<i32>} : memref<96x128xf32, #tpu.memory_space<vmem>>, vector<1x16xf32>,
        %parallel_loop3A_195 = vector.shape_cast %parallel_loop3A_194 : vector<1x16xf32> to vector<16xf32>
        %parallel_loop3A_196 = arith.index_cast %parallel_loop3A_157 : i32 to index
        %parallel_loop3A_197 = arith.constant 32 : index
        %parallel_loop3A_198 = tpu.vector_load %arg14[%parallel_loop3A_196, %parallel_loop3A_197] {strides = array<i32>} : memref<96x128xf32, #tpu.memory_space<vmem>>, vector<1x16xf32>,
        %parallel_loop3A_199 = vector.shape_cast %parallel_loop3A_198 : vector<1x16xf32> to vector<16xf32>
        %parallel_loop3A_200 = arith.addf %parallel_loop3A_195, %parallel_loop3A_199 : vector<16xf32>
        %parallel_loop3A_201 = arith.constant 0.000000e+00 : f32
        %parallel_loop3A_202 = vector.broadcast %parallel_loop3A_201 : f32 to vector<16xf32>
        %parallel_loop3A_203 = arith.maximumf %parallel_loop3A_200, %parallel_loop3A_202 : vector<16xf32>
        %parallel_loop3A_204 = arith.index_cast %parallel_loop3A_157 : i32 to index
        %parallel_loop3A_205 = arith.constant 32 : index
        %parallel_loop3A_206 = tpu.vector_load %arg12[%parallel_loop3A_204, %parallel_loop3A_205] {strides = array<i32>} : memref<96x128xf32, #tpu.memory_space<vmem>>, vector<1x16xf32>,
        %parallel_loop3A_207 = vector.shape_cast %parallel_loop3A_206 : vector<1x16xf32> to vector<16xf32>
        %parallel_loop3A_208 = vector.shape_cast %parallel_loop3A_203 : vector<16xf32> to vector<1x16xf32>
        tpu.vector_store %arg12[%parallel_loop3A_204, %parallel_loop3A_205], %parallel_loop3A_208 {strides = array<i32>} : memref<96x128xf32, #tpu.memory_space<vmem>>, vector<1x16xf32>,
        %parallel_loop3A_209 = arith.index_cast %parallel_loop3A_157 : i32 to index
        %parallel_loop3A_210 = arith.constant 48 : index
        %parallel_loop3A_211 = tpu.vector_load %arg12[%parallel_loop3A_209, %parallel_loop3A_210] {strides = array<i32>} : memref<96x128xf32, #tpu.memory_space<vmem>>, vector<1x16xf32>,
        %parallel_loop3A_212 = vector.shape_cast %parallel_loop3A_211 : vector<1x16xf32> to vector<16xf32>
        %parallel_loop3A_213 = arith.index_cast %parallel_loop3A_157 : i32 to index
        %parallel_loop3A_214 = arith.constant 48 : index
        %parallel_loop3A_215 = tpu.vector_load %arg14[%parallel_loop3A_213, %parallel_loop3A_214] {strides = array<i32>} : memref<96x128xf32, #tpu.memory_space<vmem>>, vector<1x16xf32>,
        %parallel_loop3A_216 = vector.shape_cast %parallel_loop3A_215 : vector<1x16xf32> to vector<16xf32>
        %parallel_loop3A_217 = arith.addf %parallel_loop3A_212, %parallel_loop3A_216 : vector<16xf32>
        %parallel_loop3A_218 = arith.constant 0.000000e+00 : f32
        %parallel_loop3A_219 = vector.broadcast %parallel_loop3A_218 : f32 to vector<16xf32>
        %parallel_loop3A_220 = arith.maximumf %parallel_loop3A_217, %parallel_loop3A_219 : vector<16xf32>
        %parallel_loop3A_221 = arith.index_cast %parallel_loop3A_157 : i32 to index
        %parallel_loop3A_222 = arith.constant 48 : index
        %parallel_loop3A_223 = tpu.vector_load %arg12[%parallel_loop3A_221, %parallel_loop3A_222] {strides = array<i32>} : memref<96x128xf32, #tpu.memory_space<vmem>>, vector<1x16xf32>,
        %parallel_loop3A_224 = vector.shape_cast %parallel_loop3A_223 : vector<1x16xf32> to vector<16xf32>
        %parallel_loop3A_225 = vector.shape_cast %parallel_loop3A_220 : vector<16xf32> to vector<1x16xf32>
        tpu.vector_store %arg12[%parallel_loop3A_221, %parallel_loop3A_222], %parallel_loop3A_225 {strides = array<i32>} : memref<96x128xf32, #tpu.memory_space<vmem>>, vector<1x16xf32>,
        %parallel_loop3A_226 = arith.index_cast %parallel_loop3A_157 : i32 to index
        %parallel_loop3A_227 = arith.constant 64 : index
        %parallel_loop3A_228 = tpu.vector_load %arg12[%parallel_loop3A_226, %parallel_loop3A_227] {strides = array<i32>} : memref<96x128xf32, #tpu.memory_space<vmem>>, vector<1x16xf32>,
        %parallel_loop3A_229 = vector.shape_cast %parallel_loop3A_228 : vector<1x16xf32> to vector<16xf32>
        %parallel_loop3A_230 = arith.index_cast %parallel_loop3A_157 : i32 to index
        %parallel_loop3A_231 = arith.constant 64 : index
        %parallel_loop3A_232 = tpu.vector_load %arg14[%parallel_loop3A_230, %parallel_loop3A_231] {strides = array<i32>} : memref<96x128xf32, #tpu.memory_space<vmem>>, vector<1x16xf32>,
        %parallel_loop3A_233 = vector.shape_cast %parallel_loop3A_232 : vector<1x16xf32> to vector<16xf32>
        %parallel_loop3A_234 = arith.addf %parallel_loop3A_229, %parallel_loop3A_233 : vector<16xf32>
        %parallel_loop3A_235 = arith.constant 0.000000e+00 : f32
        %parallel_loop3A_236 = vector.broadcast %parallel_loop3A_235 : f32 to vector<16xf32>
        %parallel_loop3A_237 = arith.maximumf %parallel_loop3A_234, %parallel_loop3A_236 : vector<16xf32>
        %parallel_loop3A_238 = arith.index_cast %parallel_loop3A_157 : i32 to index
        %parallel_loop3A_239 = arith.constant 64 : index
        %parallel_loop3A_240 = tpu.vector_load %arg12[%parallel_loop3A_238, %parallel_loop3A_239] {strides = array<i32>} : memref<96x128xf32, #tpu.memory_space<vmem>>, vector<1x16xf32>,
        %parallel_loop3A_241 = vector.shape_cast %parallel_loop3A_240 : vector<1x16xf32> to vector<16xf32>
        %parallel_loop3A_242 = vector.shape_cast %parallel_loop3A_237 : vector<16xf32> to vector<1x16xf32>
        tpu.vector_store %arg12[%parallel_loop3A_238, %parallel_loop3A_239], %parallel_loop3A_242 {strides = array<i32>} : memref<96x128xf32, #tpu.memory_space<vmem>>, vector<1x16xf32>,
        %parallel_loop3A_243 = arith.index_cast %parallel_loop3A_157 : i32 to index
        %parallel_loop3A_244 = arith.constant 80 : index
        %parallel_loop3A_245 = tpu.vector_load %arg12[%parallel_loop3A_243, %parallel_loop3A_244] {strides = array<i32>} : memref<96x128xf32, #tpu.memory_space<vmem>>, vector<1x16xf32>,
        %parallel_loop3A_246 = vector.shape_cast %parallel_loop3A_245 : vector<1x16xf32> to vector<16xf32>
        %parallel_loop3A_247 = arith.index_cast %parallel_loop3A_157 : i32 to index
        %parallel_loop3A_248 = arith.constant 80 : index
        %parallel_loop3A_249 = tpu.vector_load %arg14[%parallel_loop3A_247, %parallel_loop3A_248] {strides = array<i32>} : memref<96x128xf32, #tpu.memory_space<vmem>>, vector<1x16xf32>,
        %parallel_loop3A_250 = vector.shape_cast %parallel_loop3A_249 : vector<1x16xf32> to vector<16xf32>
        %parallel_loop3A_251 = arith.addf %parallel_loop3A_246, %parallel_loop3A_250 : vector<16xf32>
        %parallel_loop3A_252 = arith.constant 0.000000e+00 : f32
        %parallel_loop3A_253 = vector.broadcast %parallel_loop3A_252 : f32 to vector<16xf32>
        %parallel_loop3A_254 = arith.maximumf %parallel_loop3A_251, %parallel_loop3A_253 : vector<16xf32>
        %parallel_loop3A_255 = arith.index_cast %parallel_loop3A_157 : i32 to index
        %parallel_loop3A_256 = arith.constant 80 : index
        %parallel_loop3A_257 = tpu.vector_load %arg12[%parallel_loop3A_255, %parallel_loop3A_256] {strides = array<i32>} : memref<96x128xf32, #tpu.memory_space<vmem>>, vector<1x16xf32>,
        %parallel_loop3A_258 = vector.shape_cast %parallel_loop3A_257 : vector<1x16xf32> to vector<16xf32>
        %parallel_loop3A_259 = vector.shape_cast %parallel_loop3A_254 : vector<16xf32> to vector<1x16xf32>
        tpu.vector_store %arg12[%parallel_loop3A_255, %parallel_loop3A_256], %parallel_loop3A_259 {strides = array<i32>} : memref<96x128xf32, #tpu.memory_space<vmem>>, vector<1x16xf32>,
        %parallel_loop3A_260 = arith.index_cast %parallel_loop3A_157 : i32 to index
        %parallel_loop3A_261 = arith.constant 96 : index
        %parallel_loop3A_262 = tpu.vector_load %arg12[%parallel_loop3A_260, %parallel_loop3A_261] {strides = array<i32>} : memref<96x128xf32, #tpu.memory_space<vmem>>, vector<1x16xf32>,
        %parallel_loop3A_263 = vector.shape_cast %parallel_loop3A_262 : vector<1x16xf32> to vector<16xf32>
        %parallel_loop3A_264 = arith.index_cast %parallel_loop3A_157 : i32 to index
        %parallel_loop3A_265 = arith.constant 96 : index
        %parallel_loop3A_266 = tpu.vector_load %arg14[%parallel_loop3A_264, %parallel_loop3A_265] {strides = array<i32>} : memref<96x128xf32, #tpu.memory_space<vmem>>, vector<1x16xf32>,
        %parallel_loop3A_267 = vector.shape_cast %parallel_loop3A_266 : vector<1x16xf32> to vector<16xf32>
        %parallel_loop3A_268 = arith.addf %parallel_loop3A_263, %parallel_loop3A_267 : vector<16xf32>
        %parallel_loop3A_269 = arith.constant 0.000000e+00 : f32
        %parallel_loop3A_270 = vector.broadcast %parallel_loop3A_269 : f32 to vector<16xf32>
        %parallel_loop3A_271 = arith.maximumf %parallel_loop3A_268, %parallel_loop3A_270 : vector<16xf32>
        %parallel_loop3A_272 = arith.index_cast %parallel_loop3A_157 : i32 to index
        %parallel_loop3A_273 = arith.constant 96 : index
        %parallel_loop3A_274 = tpu.vector_load %arg12[%parallel_loop3A_272, %parallel_loop3A_273] {strides = array<i32>} : memref<96x128xf32, #tpu.memory_space<vmem>>, vector<1x16xf32>,
        %parallel_loop3A_275 = vector.shape_cast %parallel_loop3A_274 : vector<1x16xf32> to vector<16xf32>
        %parallel_loop3A_276 = vector.shape_cast %parallel_loop3A_271 : vector<16xf32> to vector<1x16xf32>
        tpu.vector_store %arg12[%parallel_loop3A_272, %parallel_loop3A_273], %parallel_loop3A_276 {strides = array<i32>} : memref<96x128xf32, #tpu.memory_space<vmem>>, vector<1x16xf32>,
        %parallel_loop3A_277 = arith.index_cast %parallel_loop3A_157 : i32 to index
        %parallel_loop3A_278 = arith.constant 112 : index
        %parallel_loop3A_279 = tpu.vector_load %arg12[%parallel_loop3A_277, %parallel_loop3A_278] {strides = array<i32>} : memref<96x128xf32, #tpu.memory_space<vmem>>, vector<1x16xf32>,
        %parallel_loop3A_280 = vector.shape_cast %parallel_loop3A_279 : vector<1x16xf32> to vector<16xf32>
        %parallel_loop3A_281 = arith.index_cast %parallel_loop3A_157 : i32 to index
        %parallel_loop3A_282 = arith.constant 112 : index
        %parallel_loop3A_283 = tpu.vector_load %arg14[%parallel_loop3A_281, %parallel_loop3A_282] {strides = array<i32>} : memref<96x128xf32, #tpu.memory_space<vmem>>, vector<1x16xf32>,
        %parallel_loop3A_284 = vector.shape_cast %parallel_loop3A_283 : vector<1x16xf32> to vector<16xf32>
        %parallel_loop3A_285 = arith.addf %parallel_loop3A_280, %parallel_loop3A_284 : vector<16xf32>
        %parallel_loop3A_286 = arith.constant 0.000000e+00 : f32
        %parallel_loop3A_287 = vector.broadcast %parallel_loop3A_286 : f32 to vector<16xf32>
        %parallel_loop3A_288 = arith.maximumf %parallel_loop3A_285, %parallel_loop3A_287 : vector<16xf32>
        %parallel_loop3A_289 = arith.index_cast %parallel_loop3A_157 : i32 to index
        %parallel_loop3A_290 = arith.constant 112 : index
        %parallel_loop3A_291 = tpu.vector_load %arg12[%parallel_loop3A_289, %parallel_loop3A_290] {strides = array<i32>} : memref<96x128xf32, #tpu.memory_space<vmem>>, vector<1x16xf32>,
        %parallel_loop3A_292 = vector.shape_cast %parallel_loop3A_291 : vector<1x16xf32> to vector<16xf32>
        %parallel_loop3A_293 = vector.shape_cast %parallel_loop3A_288 : vector<16xf32> to vector<1x16xf32>
        tpu.vector_store %arg12[%parallel_loop3A_289, %parallel_loop3A_290], %parallel_loop3A_293 {strides = array<i32>} : memref<96x128xf32, #tpu.memory_space<vmem>>, vector<1x16xf32>,
      } {sc.loop_unroll_factor = 4 : i64, sc.parallel_access}
      %lt3A_151 = arith.constant 52 : i32
      %lt3A_152 = arith.cmpi slt, %scan3A_83, %lt3A_151 : i32
      %convert_element_type3A_153 = arith.extui %lt3A_152 : i1 to i32
      %cond3A_154 = arith.constant 0 : i32
      %cond3A_155 = arith.cmpi ne, %convert_element_type3A_153, %cond3A_154 : i32
      scf.if %cond3A_155 {
        %dma_wait3A_157 = arith.constant 0 : i32
        %dma_wait3A_158 = tpu.memref_slice %arg4[%dma_wait3A_157] : memref<325632xi32, #tpu.memory_space<hbm>> -> memref<96xi32, #tpu.memory_space<hbm>>
        %dma_wait3A_159 = arith.constant 0 : i32
        %dma_wait3A_160 = tpu.memref_slice %arg4[%dma_wait3A_159] : memref<325632xi32, #tpu.memory_space<hbm>> -> memref<96xi32, #tpu.memory_space<hbm>>
        tpu.wait_dma2 semaphore(%arg20 : memref<!tpu.dma_semaphore, #tpu.memory_space<semaphore_mem>>) src(%dma_wait3A_160 : memref<96xi32, #tpu.memory_space<hbm>>) dst(%arg7 : memref<96xi32, #tpu.memory_space<vmem>>)
        %dma_wait3A_161 = arith.constant 0 : i32
        %dma_wait3A_162 = tpu.memref_slice %arg5[%dma_wait3A_161] : memref<325632xi32, #tpu.memory_space<hbm>> -> memref<96xi32, #tpu.memory_space<hbm>>
        %dma_wait3A_163 = arith.constant 0 : i32
        %dma_wait3A_164 = tpu.memref_slice %arg5[%dma_wait3A_163] : memref<325632xi32, #tpu.memory_space<hbm>> -> memref<96xi32, #tpu.memory_space<hbm>>
        tpu.wait_dma2 semaphore(%arg20 : memref<!tpu.dma_semaphore, #tpu.memory_space<semaphore_mem>>) src(%dma_wait3A_164 : memref<96xi32, #tpu.memory_space<hbm>>) dst(%arg9 : memref<96xi32, #tpu.memory_space<vmem>>)
        %add3A_165 = arith.constant 1 : i32
        %add3A_166 = arith.addi %add3A_136, %add3A_165 : i32
        %mul3A_167 = arith.constant 96 : i32
        %mul3A_168 = arith.muli %add3A_166, %mul3A_167 : i32
        %add3A_169 = arith.addi %mul3A_2, %mul3A_168 : i32
        %dma_start3A_170 = arith.constant 0 : i32
        %dma_start3A_171 = tpu.memref_slice %arg3[%add3A_169, %dma_start3A_170] : memref<325632x128xf32, #tpu.memory_space<hbm>> -> memref<96x128xf32, #tpu.memory_space<hbm>>
        %dma_start3A_172 = arith.constant 0 : i32
        %dma_start3A_173 = tpu.memref_slice %arg3[%add3A_169, %dma_start3A_172] : memref<325632x128xf32, #tpu.memory_space<hbm>> -> memref<96x128xf32, #tpu.memory_space<hbm>>
        tpu.enqueue_dma source(%dma_start3A_173 : memref<96x128xf32, #tpu.memory_space<hbm>>) target(%arg11 : memref<96x128xf32, #tpu.memory_space<vmem>>) target_semaphore(%arg16 : memref<!tpu.dma_semaphore, #tpu.memory_space<semaphore_mem>>)
        %dma_start3A_174 = arith.constant 0 : i32
        %dma_start3A_175 = arith.constant 0 : i32
        %dma_start3A_176 = tpu.memref_slice %arg2[%dma_start3A_174, %dma_start3A_175] : memref<80000x128xf32, #tpu.memory_space<hbm>> -> memref<80000x128xf32, #tpu.memory_space<hbm>>
        tpu.enqueue_indirect_dma source(%dma_start3A_176 : memref<80000x128xf32, #tpu.memory_space<hbm>>) target(%arg13 : memref<96x128xf32, #tpu.memory_space<vmem>>) offsets(%arg7 : memref<96xi32, #tpu.memory_space<vmem>>) semaphore(%arg18 : memref<!tpu.dma_semaphore, #tpu.memory_space<semaphore_mem>>)
      } else {
      }
      "tpu.region"() ({
        %run_scoped3A = tpu.sem_alloc : memref<!tpu.dma_semaphore, #tpu.memory_space<semaphore_mem>>
        %dma_start3A_157 = arith.constant 0 : i32
        %dma_start3A_158 = arith.constant 0 : i32
        %dma_start3A_159 = tpu.memref_slice %arg15[%dma_start3A_157, %dma_start3A_158] : memref<10112x128xf32, #tpu.memory_space<vmem_shared>> -> memref<10112x128xf32, #tpu.memory_space<vmem_shared>>
        tpu.enqueue_indirect_dma source(%arg12 : memref<96x128xf32, #tpu.memory_space<vmem>>) target(%dma_start3A_159 : memref<10112x128xf32, #tpu.memory_space<vmem_shared>>) offsets(%arg10 : memref<96xi32, #tpu.memory_space<vmem>>) semaphore(%run_scoped3A : memref<!tpu.dma_semaphore, #tpu.memory_space<semaphore_mem>>) {add = true}
        %dma_wait3A_160 = arith.constant 0 : i32
        %dma_wait3A_161 = arith.constant 0 : i32
        %dma_wait3A_162 = tpu.memref_slice %arg15[%dma_wait3A_160, %dma_wait3A_161] : memref<10112x128xf32, #tpu.memory_space<vmem_shared>> -> memref<10112x128xf32, #tpu.memory_space<vmem_shared>>
        tpu.wait_indirect_dma semaphore(%run_scoped3A : memref<!tpu.dma_semaphore, #tpu.memory_space<semaphore_mem>>) src(%arg12 : memref<96x128xf32, #tpu.memory_space<vmem>>) dst(%dma_wait3A_162 : memref<10112x128xf32, #tpu.memory_space<vmem_shared>>)
        tpu.yield
      }) : () -> ()
      %scan3A_156 = arith.constant 0 : i32
      scf.yield %scan3A_156 : i32
    }
    %scan3A_50 = arith.constant 53 : i32
    %barrier3A_51 = arith.constant 0 : index
    tpu.barrier barrier_id(%barrier3A_51)
    %mul3A_52 = arith.constant 10112 : i32
    %mul3A_53 = arith.muli %arg0, %mul3A_52 : i32
    %add3A_54 = arith.addi %mul3A_53, %mul3A_7 : i32
    %add3A_55 = arith.constant 0 : i32
    %add3A_56 = arith.addi %mul3A_7, %add3A_55 : i32
    "tpu.region"() ({
      %run_scoped3A = tpu.sem_alloc : memref<!tpu.dma_semaphore, #tpu.memory_space<semaphore_mem>>
      %dma_start3A_83 = arith.constant 0 : i32
      %dma_start3A_84 = tpu.memref_slice %arg15[%add3A_56, %dma_start3A_83] : memref<10112x128xf32, #tpu.memory_space<vmem_shared>> -> memref<96x128xf32, #tpu.memory_space<vmem_shared>>
      %dma_start3A_85 = arith.constant 0 : i32
      %dma_start3A_86 = tpu.memref_slice %arg15[%add3A_56, %dma_start3A_85] : memref<10112x128xf32, #tpu.memory_space<vmem_shared>> -> memref<96x128xf32, #tpu.memory_space<vmem_shared>>
      tpu.enqueue_dma source(%dma_start3A_86 : memref<96x128xf32, #tpu.memory_space<vmem_shared>>) target(%arg13 : memref<96x128xf32, #tpu.memory_space<vmem>>) target_semaphore(%run_scoped3A : memref<!tpu.dma_semaphore, #tpu.memory_space<semaphore_mem>>)
      %dma_wait3A_87 = arith.constant 0 : i32
      %dma_wait3A_88 = tpu.memref_slice %arg15[%add3A_56, %dma_wait3A_87] : memref<10112x128xf32, #tpu.memory_space<vmem_shared>> -> memref<96x128xf32, #tpu.memory_space<vmem_shared>>
      %dma_wait3A_89 = arith.constant 0 : i32
      %dma_wait3A_90 = tpu.memref_slice %arg15[%add3A_56, %dma_wait3A_89] : memref<10112x128xf32, #tpu.memory_space<vmem_shared>> -> memref<96x128xf32, #tpu.memory_space<vmem_shared>>
      tpu.wait_dma2 semaphore(%run_scoped3A : memref<!tpu.dma_semaphore, #tpu.memory_space<semaphore_mem>>) src(%dma_wait3A_90 : memref<96x128xf32, #tpu.memory_space<vmem_shared>>) dst(%arg13 : memref<96x128xf32, #tpu.memory_space<vmem>>)
      tpu.yield
    }) : () -> ()
    %add3A_57 = arith.constant 0 : i32
    %add3A_58 = arith.addi %add3A_54, %add3A_57 : i32
    "tpu.region"() ({
      %run_scoped3A = tpu.sem_alloc : memref<!tpu.dma_semaphore, #tpu.memory_space<semaphore_mem>>
      %dma_start3A_83 = arith.constant 0 : i32
      %dma_start3A_84 = tpu.memref_slice %arg6[%add3A_58, %dma_start3A_83] : memref<20224x128xf32, #tpu.memory_space<hbm>> -> memref<96x128xf32, #tpu.memory_space<hbm>>
      %dma_start3A_85 = arith.constant 0 : i32
      %dma_start3A_86 = tpu.memref_slice %arg6[%add3A_58, %dma_start3A_85] : memref<20224x128xf32, #tpu.memory_space<hbm>> -> memref<96x128xf32, #tpu.memory_space<hbm>>
      tpu.enqueue_dma source(%arg13 : memref<96x128xf32, #tpu.memory_space<vmem>>) target(%dma_start3A_86 : memref<96x128xf32, #tpu.memory_space<hbm>>) target_semaphore(%run_scoped3A : memref<!tpu.dma_semaphore, #tpu.memory_space<semaphore_mem>>)
      %dma_wait3A_87 = arith.constant 0 : i32
      %dma_wait3A_88 = tpu.memref_slice %arg6[%add3A_58, %dma_wait3A_87] : memref<20224x128xf32, #tpu.memory_space<hbm>> -> memref<96x128xf32, #tpu.memory_space<hbm>>
      %dma_wait3A_89 = arith.constant 0 : i32
      %dma_wait3A_90 = tpu.memref_slice %arg6[%add3A_58, %dma_wait3A_89] : memref<20224x128xf32, #tpu.memory_space<hbm>> -> memref<96x128xf32, #tpu.memory_space<hbm>>
      tpu.wait_dma2 semaphore(%run_scoped3A : memref<!tpu.dma_semaphore, #tpu.memory_space<semaphore_mem>>) src(%arg13 : memref<96x128xf32, #tpu.memory_space<vmem>>) dst(%dma_wait3A_90 : memref<96x128xf32, #tpu.memory_space<hbm>>)
      tpu.yield
    }) : () -> ()
    %add3A_59 = arith.constant 96 : i32
    %add3A_60 = arith.addi %mul3A_7, %add3A_59 : i32
    "tpu.region"() ({
      %run_scoped3A = tpu.sem_alloc : memref<!tpu.dma_semaphore, #tpu.memory_space<semaphore_mem>>
      %dma_start3A_83 = arith.constant 0 : i32
      %dma_start3A_84 = tpu.memref_slice %arg15[%add3A_60, %dma_start3A_83] : memref<10112x128xf32, #tpu.memory_space<vmem_shared>> -> memref<96x128xf32, #tpu.memory_space<vmem_shared>>
      %dma_start3A_85 = arith.constant 0 : i32
      %dma_start3A_86 = tpu.memref_slice %arg15[%add3A_60, %dma_start3A_85] : memref<10112x128xf32, #tpu.memory_space<vmem_shared>> -> memref<96x128xf32, #tpu.memory_space<vmem_shared>>
      tpu.enqueue_dma source(%dma_start3A_86 : memref<96x128xf32, #tpu.memory_space<vmem_shared>>) target(%arg13 : memref<96x128xf32, #tpu.memory_space<vmem>>) target_semaphore(%run_scoped3A : memref<!tpu.dma_semaphore, #tpu.memory_space<semaphore_mem>>)
      %dma_wait3A_87 = arith.constant 0 : i32
      %dma_wait3A_88 = tpu.memref_slice %arg15[%add3A_60, %dma_wait3A_87] : memref<10112x128xf32, #tpu.memory_space<vmem_shared>> -> memref<96x128xf32, #tpu.memory_space<vmem_shared>>
      %dma_wait3A_89 = arith.constant 0 : i32
      %dma_wait3A_90 = tpu.memref_slice %arg15[%add3A_60, %dma_wait3A_89] : memref<10112x128xf32, #tpu.memory_space<vmem_shared>> -> memref<96x128xf32, #tpu.memory_space<vmem_shared>>
      tpu.wait_dma2 semaphore(%run_scoped3A : memref<!tpu.dma_semaphore, #tpu.memory_space<semaphore_mem>>) src(%dma_wait3A_90 : memref<96x128xf32, #tpu.memory_space<vmem_shared>>) dst(%arg13 : memref<96x128xf32, #tpu.memory_space<vmem>>)
      tpu.yield
    }) : () -> ()
    %add3A_61 = arith.constant 96 : i32
    %add3A_62 = arith.addi %add3A_54, %add3A_61 : i32
    "tpu.region"() ({
      %run_scoped3A = tpu.sem_alloc : memref<!tpu.dma_semaphore, #tpu.memory_space<semaphore_mem>>
      %dma_start3A_83 = arith.constant 0 : i32
      %dma_start3A_84 = tpu.memref_slice %arg6[%add3A_62, %dma_start3A_83] : memref<20224x128xf32, #tpu.memory_space<hbm>> -> memref<96x128xf32, #tpu.memory_space<hbm>>
      %dma_start3A_85 = arith.constant 0 : i32
      %dma_start3A_86 = tpu.memref_slice %arg6[%add3A_62, %dma_start3A_85] : memref<20224x128xf32, #tpu.memory_space<hbm>> -> memref<96x128xf32, #tpu.memory_space<hbm>>
      tpu.enqueue_dma source(%arg13 : memref<96x128xf32, #tpu.memory_space<vmem>>) target(%dma_start3A_86 : memref<96x128xf32, #tpu.memory_space<hbm>>) target_semaphore(%run_scoped3A : memref<!tpu.dma_semaphore, #tpu.memory_space<semaphore_mem>>)
      %dma_wait3A_87 = arith.constant 0 : i32
      %dma_wait3A_88 = tpu.memref_slice %arg6[%add3A_62, %dma_wait3A_87] : memref<20224x128xf32, #tpu.memory_space<hbm>> -> memref<96x128xf32, #tpu.memory_space<hbm>>
      %dma_wait3A_89 = arith.constant 0 : i32
      %dma_wait3A_90 = tpu.memref_slice %arg6[%add3A_62, %dma_wait3A_89] : memref<20224x128xf32, #tpu.memory_space<hbm>> -> memref<96x128xf32, #tpu.memory_space<hbm>>
      tpu.wait_dma2 semaphore(%run_scoped3A : memref<!tpu.dma_semaphore, #tpu.memory_space<semaphore_mem>>) src(%arg13 : memref<96x128xf32, #tpu.memory_space<vmem>>) dst(%dma_wait3A_90 : memref<96x128xf32, #tpu.memory_space<hbm>>)
      tpu.yield
    }) : () -> ()
    %add3A_63 = arith.constant 192 : i32
    %add3A_64 = arith.addi %mul3A_7, %add3A_63 : i32
    "tpu.region"() ({
      %run_scoped3A = tpu.sem_alloc : memref<!tpu.dma_semaphore, #tpu.memory_space<semaphore_mem>>
      %dma_start3A_83 = arith.constant 0 : i32
      %dma_start3A_84 = tpu.memref_slice %arg15[%add3A_64, %dma_start3A_83] : memref<10112x128xf32, #tpu.memory_space<vmem_shared>> -> memref<96x128xf32, #tpu.memory_space<vmem_shared>>
      %dma_start3A_85 = arith.constant 0 : i32
      %dma_start3A_86 = tpu.memref_slice %arg15[%add3A_64, %dma_start3A_85] : memref<10112x128xf32, #tpu.memory_space<vmem_shared>> -> memref<96x128xf32, #tpu.memory_space<vmem_shared>>
      tpu.enqueue_dma source(%dma_start3A_86 : memref<96x128xf32, #tpu.memory_space<vmem_shared>>) target(%arg13 : memref<96x128xf32, #tpu.memory_space<vmem>>) target_semaphore(%run_scoped3A : memref<!tpu.dma_semaphore, #tpu.memory_space<semaphore_mem>>)
      %dma_wait3A_87 = arith.constant 0 : i32
      %dma_wait3A_88 = tpu.memref_slice %arg15[%add3A_64, %dma_wait3A_87] : memref<10112x128xf32, #tpu.memory_space<vmem_shared>> -> memref<96x128xf32, #tpu.memory_space<vmem_shared>>
      %dma_wait3A_89 = arith.constant 0 : i32
      %dma_wait3A_90 = tpu.memref_slice %arg15[%add3A_64, %dma_wait3A_89] : memref<10112x128xf32, #tpu.memory_space<vmem_shared>> -> memref<96x128xf32, #tpu.memory_space<vmem_shared>>
      tpu.wait_dma2 semaphore(%run_scoped3A : memref<!tpu.dma_semaphore, #tpu.memory_space<semaphore_mem>>) src(%dma_wait3A_90 : memref<96x128xf32, #tpu.memory_space<vmem_shared>>) dst(%arg13 : memref<96x128xf32, #tpu.memory_space<vmem>>)
      tpu.yield
    }) : () -> ()
    %add3A_65 = arith.constant 192 : i32
    %add3A_66 = arith.addi %add3A_54, %add3A_65 : i32
    "tpu.region"() ({
      %run_scoped3A = tpu.sem_alloc : memref<!tpu.dma_semaphore, #tpu.memory_space<semaphore_mem>>
      %dma_start3A_83 = arith.constant 0 : i32
      %dma_start3A_84 = tpu.memref_slice %arg6[%add3A_66, %dma_start3A_83] : memref<20224x128xf32, #tpu.memory_space<hbm>> -> memref<96x128xf32, #tpu.memory_space<hbm>>
      %dma_start3A_85 = arith.constant 0 : i32
      %dma_start3A_86 = tpu.memref_slice %arg6[%add3A_66, %dma_start3A_85] : memref<20224x128xf32, #tpu.memory_space<hbm>> -> memref<96x128xf32, #tpu.memory_space<hbm>>
      tpu.enqueue_dma source(%arg13 : memref<96x128xf32, #tpu.memory_space<vmem>>) target(%dma_start3A_86 : memref<96x128xf32, #tpu.memory_space<hbm>>) target_semaphore(%run_scoped3A : memref<!tpu.dma_semaphore, #tpu.memory_space<semaphore_mem>>)
      %dma_wait3A_87 = arith.constant 0 : i32
      %dma_wait3A_88 = tpu.memref_slice %arg6[%add3A_66, %dma_wait3A_87] : memref<20224x128xf32, #tpu.memory_space<hbm>> -> memref<96x128xf32, #tpu.memory_space<hbm>>
      %dma_wait3A_89 = arith.constant 0 : i32
      %dma_wait3A_90 = tpu.memref_slice %arg6[%add3A_66, %dma_wait3A_89] : memref<20224x128xf32, #tpu.memory_space<hbm>> -> memref<96x128xf32, #tpu.memory_space<hbm>>
      tpu.wait_dma2 semaphore(%run_scoped3A : memref<!tpu.dma_semaphore, #tpu.memory_space<semaphore_mem>>) src(%arg13 : memref<96x128xf32, #tpu.memory_space<vmem>>) dst(%dma_wait3A_90 : memref<96x128xf32, #tpu.memory_space<hbm>>)
      tpu.yield
    }) : () -> ()
    %add3A_67 = arith.constant 288 : i32
    %add3A_68 = arith.addi %mul3A_7, %add3A_67 : i32
    "tpu.region"() ({
      %run_scoped3A = tpu.sem_alloc : memref<!tpu.dma_semaphore, #tpu.memory_space<semaphore_mem>>
      %dma_start3A_83 = arith.constant 0 : i32
      %dma_start3A_84 = tpu.memref_slice %arg15[%add3A_68, %dma_start3A_83] : memref<10112x128xf32, #tpu.memory_space<vmem_shared>> -> memref<96x128xf32, #tpu.memory_space<vmem_shared>>
      %dma_start3A_85 = arith.constant 0 : i32
      %dma_start3A_86 = tpu.memref_slice %arg15[%add3A_68, %dma_start3A_85] : memref<10112x128xf32, #tpu.memory_space<vmem_shared>> -> memref<96x128xf32, #tpu.memory_space<vmem_shared>>
      tpu.enqueue_dma source(%dma_start3A_86 : memref<96x128xf32, #tpu.memory_space<vmem_shared>>) target(%arg13 : memref<96x128xf32, #tpu.memory_space<vmem>>) target_semaphore(%run_scoped3A : memref<!tpu.dma_semaphore, #tpu.memory_space<semaphore_mem>>)
      %dma_wait3A_87 = arith.constant 0 : i32
      %dma_wait3A_88 = tpu.memref_slice %arg15[%add3A_68, %dma_wait3A_87] : memref<10112x128xf32, #tpu.memory_space<vmem_shared>> -> memref<96x128xf32, #tpu.memory_space<vmem_shared>>
      %dma_wait3A_89 = arith.constant 0 : i32
      %dma_wait3A_90 = tpu.memref_slice %arg15[%add3A_68, %dma_wait3A_89] : memref<10112x128xf32, #tpu.memory_space<vmem_shared>> -> memref<96x128xf32, #tpu.memory_space<vmem_shared>>
      tpu.wait_dma2 semaphore(%run_scoped3A : memref<!tpu.dma_semaphore, #tpu.memory_space<semaphore_mem>>) src(%dma_wait3A_90 : memref<96x128xf32, #tpu.memory_space<vmem_shared>>) dst(%arg13 : memref<96x128xf32, #tpu.memory_space<vmem>>)
      tpu.yield
    }) : () -> ()
    %add3A_69 = arith.constant 288 : i32
    %add3A_70 = arith.addi %add3A_54, %add3A_69 : i32
    "tpu.region"() ({
      %run_scoped3A = tpu.sem_alloc : memref<!tpu.dma_semaphore, #tpu.memory_space<semaphore_mem>>
      %dma_start3A_83 = arith.constant 0 : i32
      %dma_start3A_84 = tpu.memref_slice %arg6[%add3A_70, %dma_start3A_83] : memref<20224x128xf32, #tpu.memory_space<hbm>> -> memref<96x128xf32, #tpu.memory_space<hbm>>
      %dma_start3A_85 = arith.constant 0 : i32
      %dma_start3A_86 = tpu.memref_slice %arg6[%add3A_70, %dma_start3A_85] : memref<20224x128xf32, #tpu.memory_space<hbm>> -> memref<96x128xf32, #tpu.memory_space<hbm>>
      tpu.enqueue_dma source(%arg13 : memref<96x128xf32, #tpu.memory_space<vmem>>) target(%dma_start3A_86 : memref<96x128xf32, #tpu.memory_space<hbm>>) target_semaphore(%run_scoped3A : memref<!tpu.dma_semaphore, #tpu.memory_space<semaphore_mem>>)
      %dma_wait3A_87 = arith.constant 0 : i32
      %dma_wait3A_88 = tpu.memref_slice %arg6[%add3A_70, %dma_wait3A_87] : memref<20224x128xf32, #tpu.memory_space<hbm>> -> memref<96x128xf32, #tpu.memory_space<hbm>>
      %dma_wait3A_89 = arith.constant 0 : i32
      %dma_wait3A_90 = tpu.memref_slice %arg6[%add3A_70, %dma_wait3A_89] : memref<20224x128xf32, #tpu.memory_space<hbm>> -> memref<96x128xf32, #tpu.memory_space<hbm>>
      tpu.wait_dma2 semaphore(%run_scoped3A : memref<!tpu.dma_semaphore, #tpu.memory_space<semaphore_mem>>) src(%arg13 : memref<96x128xf32, #tpu.memory_space<vmem>>) dst(%dma_wait3A_90 : memref<96x128xf32, #tpu.memory_space<hbm>>)
      tpu.yield
    }) : () -> ()
    %add3A_71 = arith.constant 384 : i32
    %add3A_72 = arith.addi %mul3A_7, %add3A_71 : i32
    "tpu.region"() ({
      %run_scoped3A = tpu.sem_alloc : memref<!tpu.dma_semaphore, #tpu.memory_space<semaphore_mem>>
      %dma_start3A_83 = arith.constant 0 : i32
      %dma_start3A_84 = tpu.memref_slice %arg15[%add3A_72, %dma_start3A_83] : memref<10112x128xf32, #tpu.memory_space<vmem_shared>> -> memref<96x128xf32, #tpu.memory_space<vmem_shared>>
      %dma_start3A_85 = arith.constant 0 : i32
      %dma_start3A_86 = tpu.memref_slice %arg15[%add3A_72, %dma_start3A_85] : memref<10112x128xf32, #tpu.memory_space<vmem_shared>> -> memref<96x128xf32, #tpu.memory_space<vmem_shared>>
      tpu.enqueue_dma source(%dma_start3A_86 : memref<96x128xf32, #tpu.memory_space<vmem_shared>>) target(%arg13 : memref<96x128xf32, #tpu.memory_space<vmem>>) target_semaphore(%run_scoped3A : memref<!tpu.dma_semaphore, #tpu.memory_space<semaphore_mem>>)
      %dma_wait3A_87 = arith.constant 0 : i32
      %dma_wait3A_88 = tpu.memref_slice %arg15[%add3A_72, %dma_wait3A_87] : memref<10112x128xf32, #tpu.memory_space<vmem_shared>> -> memref<96x128xf32, #tpu.memory_space<vmem_shared>>
      %dma_wait3A_89 = arith.constant 0 : i32
      %dma_wait3A_90 = tpu.memref_slice %arg15[%add3A_72, %dma_wait3A_89] : memref<10112x128xf32, #tpu.memory_space<vmem_shared>> -> memref<96x128xf32, #tpu.memory_space<vmem_shared>>
      tpu.wait_dma2 semaphore(%run_scoped3A : memref<!tpu.dma_semaphore, #tpu.memory_space<semaphore_mem>>) src(%dma_wait3A_90 : memref<96x128xf32, #tpu.memory_space<vmem_shared>>) dst(%arg13 : memref<96x128xf32, #tpu.memory_space<vmem>>)
      tpu.yield
    }) : () -> ()
    %add3A_73 = arith.constant 384 : i32
    %add3A_74 = arith.addi %add3A_54, %add3A_73 : i32
    "tpu.region"() ({
      %run_scoped3A = tpu.sem_alloc : memref<!tpu.dma_semaphore, #tpu.memory_space<semaphore_mem>>
      %dma_start3A_83 = arith.constant 0 : i32
      %dma_start3A_84 = tpu.memref_slice %arg6[%add3A_74, %dma_start3A_83] : memref<20224x128xf32, #tpu.memory_space<hbm>> -> memref<96x128xf32, #tpu.memory_space<hbm>>
      %dma_start3A_85 = arith.constant 0 : i32
      %dma_start3A_86 = tpu.memref_slice %arg6[%add3A_74, %dma_start3A_85] : memref<20224x128xf32, #tpu.memory_space<hbm>> -> memref<96x128xf32, #tpu.memory_space<hbm>>
      tpu.enqueue_dma source(%arg13 : memref<96x128xf32, #tpu.memory_space<vmem>>) target(%dma_start3A_86 : memref<96x128xf32, #tpu.memory_space<hbm>>) target_semaphore(%run_scoped3A : memref<!tpu.dma_semaphore, #tpu.memory_space<semaphore_mem>>)
      %dma_wait3A_87 = arith.constant 0 : i32
      %dma_wait3A_88 = tpu.memref_slice %arg6[%add3A_74, %dma_wait3A_87] : memref<20224x128xf32, #tpu.memory_space<hbm>> -> memref<96x128xf32, #tpu.memory_space<hbm>>
      %dma_wait3A_89 = arith.constant 0 : i32
      %dma_wait3A_90 = tpu.memref_slice %arg6[%add3A_74, %dma_wait3A_89] : memref<20224x128xf32, #tpu.memory_space<hbm>> -> memref<96x128xf32, #tpu.memory_space<hbm>>
      tpu.wait_dma2 semaphore(%run_scoped3A : memref<!tpu.dma_semaphore, #tpu.memory_space<semaphore_mem>>) src(%arg13 : memref<96x128xf32, #tpu.memory_space<vmem>>) dst(%dma_wait3A_90 : memref<96x128xf32, #tpu.memory_space<hbm>>)
      tpu.yield
    }) : () -> ()
    %add3A_75 = arith.constant 480 : i32
    %add3A_76 = arith.addi %mul3A_7, %add3A_75 : i32
    "tpu.region"() ({
      %run_scoped3A = tpu.sem_alloc : memref<!tpu.dma_semaphore, #tpu.memory_space<semaphore_mem>>
      %dma_start3A_83 = arith.constant 0 : i32
      %dma_start3A_84 = tpu.memref_slice %arg15[%add3A_76, %dma_start3A_83] : memref<10112x128xf32, #tpu.memory_space<vmem_shared>> -> memref<96x128xf32, #tpu.memory_space<vmem_shared>>
      %dma_start3A_85 = arith.constant 0 : i32
      %dma_start3A_86 = tpu.memref_slice %arg15[%add3A_76, %dma_start3A_85] : memref<10112x128xf32, #tpu.memory_space<vmem_shared>> -> memref<96x128xf32, #tpu.memory_space<vmem_shared>>
      tpu.enqueue_dma source(%dma_start3A_86 : memref<96x128xf32, #tpu.memory_space<vmem_shared>>) target(%arg13 : memref<96x128xf32, #tpu.memory_space<vmem>>) target_semaphore(%run_scoped3A : memref<!tpu.dma_semaphore, #tpu.memory_space<semaphore_mem>>)
      %dma_wait3A_87 = arith.constant 0 : i32
      %dma_wait3A_88 = tpu.memref_slice %arg15[%add3A_76, %dma_wait3A_87] : memref<10112x128xf32, #tpu.memory_space<vmem_shared>> -> memref<96x128xf32, #tpu.memory_space<vmem_shared>>
      %dma_wait3A_89 = arith.constant 0 : i32
      %dma_wait3A_90 = tpu.memref_slice %arg15[%add3A_76, %dma_wait3A_89] : memref<10112x128xf32, #tpu.memory_space<vmem_shared>> -> memref<96x128xf32, #tpu.memory_space<vmem_shared>>
      tpu.wait_dma2 semaphore(%run_scoped3A : memref<!tpu.dma_semaphore, #tpu.memory_space<semaphore_mem>>) src(%dma_wait3A_90 : memref<96x128xf32, #tpu.memory_space<vmem_shared>>) dst(%arg13 : memref<96x128xf32, #tpu.memory_space<vmem>>)
      tpu.yield
    }) : () -> ()
    %add3A_77 = arith.constant 480 : i32
    %add3A_78 = arith.addi %add3A_54, %add3A_77 : i32
    "tpu.region"() ({
      %run_scoped3A = tpu.sem_alloc : memref<!tpu.dma_semaphore, #tpu.memory_space<semaphore_mem>>
      %dma_start3A_83 = arith.constant 0 : i32
      %dma_start3A_84 = tpu.memref_slice %arg6[%add3A_78, %dma_start3A_83] : memref<20224x128xf32, #tpu.memory_space<hbm>> -> memref<96x128xf32, #tpu.memory_space<hbm>>
      %dma_start3A_85 = arith.constant 0 : i32
      %dma_start3A_86 = tpu.memref_slice %arg6[%add3A_78, %dma_start3A_85] : memref<20224x128xf32, #tpu.memory_space<hbm>> -> memref<96x128xf32, #tpu.memory_space<hbm>>
      tpu.enqueue_dma source(%arg13 : memref<96x128xf32, #tpu.memory_space<vmem>>) target(%dma_start3A_86 : memref<96x128xf32, #tpu.memory_space<hbm>>) target_semaphore(%run_scoped3A : memref<!tpu.dma_semaphore, #tpu.memory_space<semaphore_mem>>)
      %dma_wait3A_87 = arith.constant 0 : i32
      %dma_wait3A_88 = tpu.memref_slice %arg6[%add3A_78, %dma_wait3A_87] : memref<20224x128xf32, #tpu.memory_space<hbm>> -> memref<96x128xf32, #tpu.memory_space<hbm>>
      %dma_wait3A_89 = arith.constant 0 : i32
      %dma_wait3A_90 = tpu.memref_slice %arg6[%add3A_78, %dma_wait3A_89] : memref<20224x128xf32, #tpu.memory_space<hbm>> -> memref<96x128xf32, #tpu.memory_space<hbm>>
      tpu.wait_dma2 semaphore(%run_scoped3A : memref<!tpu.dma_semaphore, #tpu.memory_space<semaphore_mem>>) src(%arg13 : memref<96x128xf32, #tpu.memory_space<vmem>>) dst(%dma_wait3A_90 : memref<96x128xf32, #tpu.memory_space<hbm>>)
      tpu.yield
    }) : () -> ()
    %add3A_79 = arith.constant 576 : i32
    %add3A_80 = arith.addi %mul3A_7, %add3A_79 : i32
    "tpu.region"() ({
      %run_scoped3A = tpu.sem_alloc : memref<!tpu.dma_semaphore, #tpu.memory_space<semaphore_mem>>
      %dma_start3A_83 = arith.constant 0 : i32
      %dma_start3A_84 = arith.constant 0 : i32
      %dma_start3A_85 = tpu.memref_slice %arg13[%dma_start3A_83, %dma_start3A_84] : memref<96x128xf32, #tpu.memory_space<vmem>> -> memref<56x128xf32, #tpu.memory_space<vmem>>
      %dma_start3A_86 = arith.constant 0 : i32
      %dma_start3A_87 = tpu.memref_slice %arg15[%add3A_80, %dma_start3A_86] : memref<10112x128xf32, #tpu.memory_space<vmem_shared>> -> memref<56x128xf32, #tpu.memory_space<vmem_shared>>
      %dma_start3A_88 = arith.constant 0 : i32
      %dma_start3A_89 = arith.constant 0 : i32
      %dma_start3A_90 = tpu.memref_slice %arg13[%dma_start3A_88, %dma_start3A_89] : memref<96x128xf32, #tpu.memory_space<vmem>> -> memref<56x128xf32, #tpu.memory_space<vmem>>
      %dma_start3A_91 = arith.constant 0 : i32
      %dma_start3A_92 = tpu.memref_slice %arg15[%add3A_80, %dma_start3A_91] : memref<10112x128xf32, #tpu.memory_space<vmem_shared>> -> memref<56x128xf32, #tpu.memory_space<vmem_shared>>
      tpu.enqueue_dma source(%dma_start3A_92 : memref<56x128xf32, #tpu.memory_space<vmem_shared>>) target(%dma_start3A_90 : memref<56x128xf32, #tpu.memory_space<vmem>>) target_semaphore(%run_scoped3A : memref<!tpu.dma_semaphore, #tpu.memory_space<semaphore_mem>>)
      %dma_wait3A_93 = arith.constant 0 : i32
      %dma_wait3A_94 = arith.constant 0 : i32
      %dma_wait3A_95 = tpu.memref_slice %arg13[%dma_wait3A_93, %dma_wait3A_94] : memref<96x128xf32, #tpu.memory_space<vmem>> -> memref<56x128xf32, #tpu.memory_space<vmem>>
      %dma_wait3A_96 = arith.constant 0 : i32
      %dma_wait3A_97 = tpu.memref_slice %arg15[%add3A_80, %dma_wait3A_96] : memref<10112x128xf32, #tpu.memory_space<vmem_shared>> -> memref<56x128xf32, #tpu.memory_space<vmem_shared>>
      %dma_wait3A_98 = arith.constant 0 : i32
      %dma_wait3A_99 = arith.constant 0 : i32
      %dma_wait3A_100 = tpu.memref_slice %arg13[%dma_wait3A_98, %dma_wait3A_99] : memref<96x128xf32, #tpu.memory_space<vmem>> -> memref<56x128xf32, #tpu.memory_space<vmem>>
      %dma_wait3A_101 = arith.constant 0 : i32
      %dma_wait3A_102 = tpu.memref_slice %arg15[%add3A_80, %dma_wait3A_101] : memref<10112x128xf32, #tpu.memory_space<vmem_shared>> -> memref<56x128xf32, #tpu.memory_space<vmem_shared>>
      tpu.wait_dma2 semaphore(%run_scoped3A : memref<!tpu.dma_semaphore, #tpu.memory_space<semaphore_mem>>) src(%dma_wait3A_102 : memref<56x128xf32, #tpu.memory_space<vmem_shared>>) dst(%dma_wait3A_100 : memref<56x128xf32, #tpu.memory_space<vmem>>)
      tpu.yield
    }) : () -> ()
    %add3A_81 = arith.constant 576 : i32
    %add3A_82 = arith.addi %add3A_54, %add3A_81 : i32
    "tpu.region"() ({
      %run_scoped3A = tpu.sem_alloc : memref<!tpu.dma_semaphore, #tpu.memory_space<semaphore_mem>>
      %dma_start3A_83 = arith.constant 0 : i32
      %dma_start3A_84 = arith.constant 0 : i32
      %dma_start3A_85 = tpu.memref_slice %arg13[%dma_start3A_83, %dma_start3A_84] : memref<96x128xf32, #tpu.memory_space<vmem>> -> memref<56x128xf32, #tpu.memory_space<vmem>>
      %dma_start3A_86 = arith.constant 0 : i32
      %dma_start3A_87 = tpu.memref_slice %arg6[%add3A_82, %dma_start3A_86] : memref<20224x128xf32, #tpu.memory_space<hbm>> -> memref<56x128xf32, #tpu.memory_space<hbm>>
      %dma_start3A_88 = arith.constant 0 : i32
      %dma_start3A_89 = tpu.memref_slice %arg6[%add3A_82, %dma_start3A_88] : memref<20224x128xf32, #tpu.memory_space<hbm>> -> memref<56x128xf32, #tpu.memory_space<hbm>>
      %dma_start3A_90 = arith.constant 0 : i32
      %dma_start3A_91 = arith.constant 0 : i32
      %dma_start3A_92 = tpu.memref_slice %arg13[%dma_start3A_90, %dma_start3A_91] : memref<96x128xf32, #tpu.memory_space<vmem>> -> memref<56x128xf32, #tpu.memory_space<vmem>>
      tpu.enqueue_dma source(%dma_start3A_92 : memref<56x128xf32, #tpu.memory_space<vmem>>) target(%dma_start3A_89 : memref<56x128xf32, #tpu.memory_space<hbm>>) target_semaphore(%run_scoped3A : memref<!tpu.dma_semaphore, #tpu.memory_space<semaphore_mem>>)
      %dma_wait3A_93 = arith.constant 0 : i32
      %dma_wait3A_94 = arith.constant 0 : i32
      %dma_wait3A_95 = tpu.memref_slice %arg13[%dma_wait3A_93, %dma_wait3A_94] : memref<96x128xf32, #tpu.memory_space<vmem>> -> memref<56x128xf32, #tpu.memory_space<vmem>>
      %dma_wait3A_96 = arith.constant 0 : i32
      %dma_wait3A_97 = tpu.memref_slice %arg6[%add3A_82, %dma_wait3A_96] : memref<20224x128xf32, #tpu.memory_space<hbm>> -> memref<56x128xf32, #tpu.memory_space<hbm>>
      %dma_wait3A_98 = arith.constant 0 : i32
      %dma_wait3A_99 = tpu.memref_slice %arg6[%add3A_82, %dma_wait3A_98] : memref<20224x128xf32, #tpu.memory_space<hbm>> -> memref<56x128xf32, #tpu.memory_space<hbm>>
      %dma_wait3A_100 = arith.constant 0 : i32
      %dma_wait3A_101 = arith.constant 0 : i32
      %dma_wait3A_102 = tpu.memref_slice %arg13[%dma_wait3A_100, %dma_wait3A_101] : memref<96x128xf32, #tpu.memory_space<vmem>> -> memref<56x128xf32, #tpu.memory_space<vmem>>
      tpu.wait_dma2 semaphore(%run_scoped3A : memref<!tpu.dma_semaphore, #tpu.memory_space<semaphore_mem>>) src(%dma_wait3A_102 : memref<56x128xf32, #tpu.memory_space<vmem>>) dst(%dma_wait3A_99 : memref<56x128xf32, #tpu.memory_space<hbm>>)
      tpu.yield
    }) : () -> ()
    return
  }
}

module attributes {stable_mosaic.version = 14 : i64} {
  func.func @_replicate_body(%arg0: i32, %arg1: memref<10000x128xf32, #tpu.memory_space<vmem>>, %arg2: memref<10000x128xf32, #tpu.memory_space<vmem>>) attributes {dimension_semantics = [#tpu.dimension_semantics<arbitrary>], iteration_bounds = array<i64: 8>, scalar_prefetch = 0 : i64, scratch_operands = 0 : i64, tpu.core_type = #tpu.core_type<tc>, window_params = [{pipeline_mode = #tpu.pipeline_mode<synchronous>, transform_indices = @transform_0, window_bounds = array<i64: 10000, 128>}, {transform_indices = @transform_1, window_bounds = array<i64: 10000, 128>}]} {
    %get3A = arith.constant 0 : index
    %get3A_0 = arith.constant 0 : index
    %get3A_1 = vector.load %arg1[%get3A, %get3A_0] : memref<10000x128xf32, #tpu.memory_space<vmem>>, vector<10000x128xf32>
    %swap3A = arith.constant 0 : index
    %swap3A_2 = arith.constant 0 : index
    %swap3A_3 = vector.load %arg2[%swap3A, %swap3A_2] : memref<10000x128xf32, #tpu.memory_space<vmem>>, vector<10000x128xf32>
    tpu.vector_store %arg2[%swap3A, %swap3A_2], %get3A_1 {strides = array<i32>} : memref<10000x128xf32, #tpu.memory_space<vmem>>, vector<10000x128xf32>,
    return
  }
  func.func @transform_0(%arg0: i32) -> (i32, i32) {
    %c0_i32 = arith.constant 0 : i32
    %c0_i32_0 = arith.constant 0 : i32
    %c0_i32_1 = arith.constant 0 : i32
    return %c0_i32, %c0_i32_0 : i32, i32
  }
  func.func @transform_1(%arg0: i32) -> (i32, i32) {
    %c0_i32 = arith.constant 0 : i32
    %c0_i32_0 = arith.constant 0 : i32
    return %arg0, %c0_i32 : i32, i32
  }
}

module attributes {stable_mosaic.version = 14 : i64} {
  func.func @_edgelin_body(%arg0: i32, %arg1: memref<1024x16xf32, #tpu.memory_space<vmem>>, %arg2: memref<16x128xf32, #tpu.memory_space<vmem>>, %arg3: memref<1x128xf32, #tpu.memory_space<vmem>>, %arg4: memref<1024x128xf32, #tpu.memory_space<vmem>>) attributes {dimension_semantics = [#tpu.dimension_semantics<arbitrary>], iteration_bounds = array<i64: 318>, scalar_prefetch = 0 : i64, scratch_operands = 0 : i64, tpu.core_type = #tpu.core_type<tc>, window_params = [{transform_indices = @transform_0, window_bounds = array<i64: 1024, 16>}, {pipeline_mode = #tpu.pipeline_mode<synchronous>, transform_indices = @transform_1, window_bounds = array<i64: 16, 128>}, {pipeline_mode = #tpu.pipeline_mode<synchronous>, transform_indices = @transform_2, window_bounds = array<i64: 1, 128>}, {transform_indices = @transform_3, window_bounds = array<i64: 1024, 128>}]} {
    %get3A = arith.constant 0 : index
    %get3A_0 = arith.constant 0 : index
    %get3A_1 = vector.load %arg1[%get3A, %get3A_0] : memref<1024x16xf32, #tpu.memory_space<vmem>>, vector<1024x16xf32>
    %get3A_2 = arith.constant 0 : index
    %get3A_3 = arith.constant 0 : index
    %get3A_4 = vector.load %arg2[%get3A_2, %get3A_3] : memref<16x128xf32, #tpu.memory_space<vmem>>, vector<16x128xf32>
    %dot_general3A = arith.constant dense<0.000000e+00> : vector<1024x128xf32>
    %dot_general3A_5 = tpu.matmul %get3A_1, %get3A_4, %dot_general3A {dimension_numbers = #tpu.dot_dimension_numbers<[1], [0], [0], [1], [0, 0, 1, 1], [], []>, transpose_lhs_hint = false} : vector<1024x16xf32>, vector<16x128xf32>, vector<1024x128xf32> -> vector<1024x128xf32>
    %get3A_6 = arith.constant 0 : index
    %get3A_7 = arith.constant 0 : index
    %get3A_8 = vector.load %arg3[%get3A_6, %get3A_7] : memref<1x128xf32, #tpu.memory_space<vmem>>, vector<1x128xf32>
    %add3A = vector.broadcast %get3A_8 : vector<1x128xf32> to vector<1024x128xf32>
    %add3A_9 = arith.addf %dot_general3A_5, %add3A : vector<1024x128xf32>
    %swap3A = arith.constant 0 : index
    %swap3A_10 = arith.constant 0 : index
    %swap3A_11 = vector.load %arg4[%swap3A, %swap3A_10] : memref<1024x128xf32, #tpu.memory_space<vmem>>, vector<1024x128xf32>
    tpu.vector_store %arg4[%swap3A, %swap3A_10], %add3A_9 {strides = array<i32>} : memref<1024x128xf32, #tpu.memory_space<vmem>>, vector<1024x128xf32>,
    return
  }
  func.func @transform_0(%arg0: i32) -> (i32, i32) {
    %c0_i32 = arith.constant 0 : i32
    %c0_i32_0 = arith.constant 0 : i32
    return %arg0, %c0_i32 : i32, i32
  }
  func.func @transform_1(%arg0: i32) -> (i32, i32) {
    %c0_i32 = arith.constant 0 : i32
    %c0_i32_0 = arith.constant 0 : i32
    %c0_i32_1 = arith.constant 0 : i32
    return %c0_i32, %c0_i32_0 : i32, i32
  }
  func.func @transform_2(%arg0: i32) -> (i32, i32) {
    %c0_i32 = arith.constant 0 : i32
    %c0_i32_0 = arith.constant 0 : i32
    %c0_i32_1 = arith.constant 0 : i32
    return %c0_i32, %c0_i32_0 : i32, i32
  }
  func.func @transform_3(%arg0: i32) -> (i32, i32) {
    %c0_i32 = arith.constant 0 : i32
    %c0_i32_0 = arith.constant 0 : i32
    return %arg0, %c0_i32 : i32, i32
  }
}

module attributes {stable_mosaic.version = 14 : i64} {
  func.func @_mlp1_body(%arg0: memref<10000x128xf32, #tpu.memory_space<vmem>>, %arg1: memref<10000x128xf32, #tpu.memory_space<vmem>>, %arg2: memref<10000x128xf32, #tpu.memory_space<vmem>>, %arg3: memref<128x128xf32, #tpu.memory_space<vmem>>, %arg4: memref<1x128xf32, #tpu.memory_space<vmem>>, %arg5: memref<128x128xf32, #tpu.memory_space<vmem>>, %arg6: memref<1x128xf32, #tpu.memory_space<vmem>>, %arg7: memref<10000x128xf32, #tpu.memory_space<vmem>>) attributes {dimension_semantics = [], scalar_prefetch = 0 : i64, scratch_operands = 0 : i64, tpu.core_type = #tpu.core_type<tc>} {
    %get3A = arith.constant 0 : index
    %get3A_0 = arith.constant 0 : index
    %get3A_1 = vector.load %arg0[%get3A, %get3A_0] : memref<10000x128xf32, #tpu.memory_space<vmem>>, vector<10000x128xf32>
    %get3A_2 = arith.constant 0 : index
    %get3A_3 = arith.constant 0 : index
    %get3A_4 = vector.load %arg1[%get3A_2, %get3A_3] : memref<10000x128xf32, #tpu.memory_space<vmem>>, vector<10000x128xf32>
    %add3A = arith.addf %get3A_1, %get3A_4 : vector<10000x128xf32>
    %get3A_5 = arith.constant 0 : index
    %get3A_6 = arith.constant 0 : index
    %get3A_7 = vector.load %arg2[%get3A_5, %get3A_6] : memref<10000x128xf32, #tpu.memory_space<vmem>>, vector<10000x128xf32>
    %add3A_8 = arith.addf %add3A, %get3A_7 : vector<10000x128xf32>
    %get3A_9 = arith.constant 0 : index
    %get3A_10 = arith.constant 0 : index
    %get3A_11 = vector.load %arg3[%get3A_9, %get3A_10] : memref<128x128xf32, #tpu.memory_space<vmem>>, vector<128x128xf32>
    %dot_general3A = arith.constant dense<0.000000e+00> : vector<10000x128xf32>
    %dot_general3A_12 = tpu.matmul %add3A_8, %get3A_11, %dot_general3A {dimension_numbers = #tpu.dot_dimension_numbers<[1], [0], [0], [1], [0, 0, 1, 1], [], []>, transpose_lhs_hint = false} : vector<10000x128xf32>, vector<128x128xf32>, vector<10000x128xf32> -> vector<10000x128xf32>
    %get3A_13 = arith.constant 0 : index
    %get3A_14 = arith.constant 0 : index
    %get3A_15 = vector.load %arg4[%get3A_13, %get3A_14] : memref<1x128xf32, #tpu.memory_space<vmem>>, vector<1x128xf32>
    %add3A_16 = vector.broadcast %get3A_15 : vector<1x128xf32> to vector<10000x128xf32>
    %add3A_17 = arith.addf %dot_general3A_12, %add3A_16 : vector<10000x128xf32>
    %max3A = arith.constant 0.000000e+00 : f32
    %max3A_18 = vector.broadcast %max3A : f32 to vector<10000x128xf32>
    %max3A_19 = arith.maximumf %add3A_17, %max3A_18 : vector<10000x128xf32>
    %get3A_20 = arith.constant 0 : index
    %get3A_21 = arith.constant 0 : index
    %get3A_22 = vector.load %arg5[%get3A_20, %get3A_21] : memref<128x128xf32, #tpu.memory_space<vmem>>, vector<128x128xf32>
    %dot_general3A_23 = arith.constant dense<0.000000e+00> : vector<10000x128xf32>
    %dot_general3A_24 = tpu.matmul %max3A_19, %get3A_22, %dot_general3A_23 {dimension_numbers = #tpu.dot_dimension_numbers<[1], [0], [0], [1], [0, 0, 1, 1], [], []>, transpose_lhs_hint = false} : vector<10000x128xf32>, vector<128x128xf32>, vector<10000x128xf32> -> vector<10000x128xf32>
    %get3A_25 = arith.constant 0 : index
    %get3A_26 = arith.constant 0 : index
    %get3A_27 = vector.load %arg6[%get3A_25, %get3A_26] : memref<1x128xf32, #tpu.memory_space<vmem>>, vector<1x128xf32>
    %add3A_28 = vector.broadcast %get3A_27 : vector<1x128xf32> to vector<10000x128xf32>
    %add3A_29 = arith.addf %dot_general3A_24, %add3A_28 : vector<10000x128xf32>
    %max3A_30 = arith.constant 0.000000e+00 : f32
    %max3A_31 = vector.broadcast %max3A_30 : f32 to vector<10000x128xf32>
    %max3A_32 = arith.maximumf %add3A_29, %max3A_31 : vector<10000x128xf32>
    %swap3A = arith.constant 0 : index
    %swap3A_33 = arith.constant 0 : index
    %swap3A_34 = vector.load %arg7[%swap3A, %swap3A_33] : memref<10000x128xf32, #tpu.memory_space<vmem>>, vector<10000x128xf32>
    tpu.vector_store %arg7[%swap3A, %swap3A_33], %max3A_32 {strides = array<i32>} : memref<10000x128xf32, #tpu.memory_space<vmem>>, vector<10000x128xf32>,
    return
  }
}

module attributes {stable_mosaic.version = 14 : i64} {
  func.func @_head_body(%arg0: memref<40xi32, #tpu.memory_space<smem>>, %arg1: memref<10000x128xf32, #tpu.memory_space<vmem>>, %arg2: memref<10000x128xf32, #tpu.memory_space<vmem>>, %arg3: memref<10000x128xf32, #tpu.memory_space<vmem>>, %arg4: memref<128x128xf32, #tpu.memory_space<vmem>>, %arg5: memref<1x128xf32, #tpu.memory_space<vmem>>, %arg6: memref<128x128xf32, #tpu.memory_space<vmem>>, %arg7: memref<1x128xf32, #tpu.memory_space<vmem>>, %arg8: memref<128x128xf32, #tpu.memory_space<vmem>>, %arg9: memref<128x128xf32, #tpu.memory_space<vmem>>, %arg10: memref<128x128xf32, #tpu.memory_space<vmem>>, %arg11: memref<1x128xf32, #tpu.memory_space<vmem>>, %arg12: memref<1x128xf32, #tpu.memory_space<vmem>>, %arg13: memref<1x1xf32, #tpu.memory_space<vmem>>, %arg14: memref<32x1xf32, #tpu.memory_space<vmem>>, %arg15: memref<40x128xf32, #tpu.memory_space<vmem>>) attributes {dimension_semantics = [], scalar_prefetch = 0 : i64, scratch_operands = 1 : i64, tpu.core_type = #tpu.core_type<tc>} {
    %get3A = arith.constant 0 : index
    %get3A_0 = memref.load %arg0[%get3A] : memref<40xi32, #tpu.memory_space<smem>>
    %get3A_1 = arith.index_cast %get3A_0 : i32 to index
    %get3A_2 = arith.constant 0 : index
    %get3A_3 = vector.load %arg1[%get3A_1, %get3A_2] : memref<10000x128xf32, #tpu.memory_space<vmem>>, vector<1x128xf32>
    %get3A_4 = arith.index_cast %get3A_0 : i32 to index
    %get3A_5 = arith.constant 0 : index
    %get3A_6 = vector.load %arg2[%get3A_4, %get3A_5] : memref<10000x128xf32, #tpu.memory_space<vmem>>, vector<1x128xf32>
    %add3A = arith.addf %get3A_3, %get3A_6 : vector<1x128xf32>
    %get3A_7 = arith.index_cast %get3A_0 : i32 to index
    %get3A_8 = arith.constant 0 : index
    %get3A_9 = vector.load %arg3[%get3A_7, %get3A_8] : memref<10000x128xf32, #tpu.memory_space<vmem>>, vector<1x128xf32>
    %add3A_10 = arith.addf %add3A, %get3A_9 : vector<1x128xf32>
    %swap3A = arith.constant 0 : index
    %swap3A_11 = arith.constant 0 : index
    %swap3A_12 = vector.load %arg15[%swap3A, %swap3A_11] : memref<40x128xf32, #tpu.memory_space<vmem>>, vector<1x128xf32>
    tpu.vector_store %arg15[%swap3A, %swap3A_11], %add3A_10 {strides = array<i32>} : memref<40x128xf32, #tpu.memory_space<vmem>>, vector<1x128xf32>,
    %get3A_13 = arith.constant 1 : index
    %get3A_14 = memref.load %arg0[%get3A_13] : memref<40xi32, #tpu.memory_space<smem>>
    %get3A_15 = arith.index_cast %get3A_14 : i32 to index
    %get3A_16 = arith.constant 0 : index
    %get3A_17 = vector.load %arg1[%get3A_15, %get3A_16] : memref<10000x128xf32, #tpu.memory_space<vmem>>, vector<1x128xf32>
    %get3A_18 = arith.index_cast %get3A_14 : i32 to index
    %get3A_19 = arith.constant 0 : index
    %get3A_20 = vector.load %arg2[%get3A_18, %get3A_19] : memref<10000x128xf32, #tpu.memory_space<vmem>>, vector<1x128xf32>
    %add3A_21 = arith.addf %get3A_17, %get3A_20 : vector<1x128xf32>
    %get3A_22 = arith.index_cast %get3A_14 : i32 to index
    %get3A_23 = arith.constant 0 : index
    %get3A_24 = vector.load %arg3[%get3A_22, %get3A_23] : memref<10000x128xf32, #tpu.memory_space<vmem>>, vector<1x128xf32>
    %add3A_25 = arith.addf %add3A_21, %get3A_24 : vector<1x128xf32>
    %swap3A_26 = arith.constant 1 : index
    %swap3A_27 = arith.constant 0 : index
    %swap3A_28 = vector.load %arg15[%swap3A_26, %swap3A_27] : memref<40x128xf32, #tpu.memory_space<vmem>>, vector<1x128xf32>
    tpu.vector_store %arg15[%swap3A_26, %swap3A_27], %add3A_25 {strides = array<i32>} : memref<40x128xf32, #tpu.memory_space<vmem>>, vector<1x128xf32>,
    %get3A_29 = arith.constant 8 : index
    %get3A_30 = memref.load %arg0[%get3A_29] : memref<40xi32, #tpu.memory_space<smem>>
    %get3A_31 = arith.index_cast %get3A_30 : i32 to index
    %get3A_32 = arith.constant 0 : index
    %get3A_33 = vector.load %arg1[%get3A_31, %get3A_32] : memref<10000x128xf32, #tpu.memory_space<vmem>>, vector<1x128xf32>
    %get3A_34 = arith.index_cast %get3A_30 : i32 to index
    %get3A_35 = arith.constant 0 : index
    %get3A_36 = vector.load %arg2[%get3A_34, %get3A_35] : memref<10000x128xf32, #tpu.memory_space<vmem>>, vector<1x128xf32>
    %add3A_37 = arith.addf %get3A_33, %get3A_36 : vector<1x128xf32>
    %get3A_38 = arith.index_cast %get3A_30 : i32 to index
    %get3A_39 = arith.constant 0 : index
    %get3A_40 = vector.load %arg3[%get3A_38, %get3A_39] : memref<10000x128xf32, #tpu.memory_space<vmem>>, vector<1x128xf32>
    %add3A_41 = arith.addf %add3A_37, %get3A_40 : vector<1x128xf32>
    %swap3A_42 = arith.constant 8 : index
    %swap3A_43 = arith.constant 0 : index
    %swap3A_44 = vector.load %arg15[%swap3A_42, %swap3A_43] : memref<40x128xf32, #tpu.memory_space<vmem>>, vector<1x128xf32>
    tpu.vector_store %arg15[%swap3A_42, %swap3A_43], %add3A_41 {strides = array<i32>} : memref<40x128xf32, #tpu.memory_space<vmem>>, vector<1x128xf32>,
    %get3A_45 = arith.constant 9 : index
    %get3A_46 = memref.load %arg0[%get3A_45] : memref<40xi32, #tpu.memory_space<smem>>
    %get3A_47 = arith.index_cast %get3A_46 : i32 to index
    %get3A_48 = arith.constant 0 : index
    %get3A_49 = vector.load %arg1[%get3A_47, %get3A_48] : memref<10000x128xf32, #tpu.memory_space<vmem>>, vector<1x128xf32>
    %get3A_50 = arith.index_cast %get3A_46 : i32 to index
    %get3A_51 = arith.constant 0 : index
    %get3A_52 = vector.load %arg2[%get3A_50, %get3A_51] : memref<10000x128xf32, #tpu.memory_space<vmem>>, vector<1x128xf32>
    %add3A_53 = arith.addf %get3A_49, %get3A_52 : vector<1x128xf32>
    %get3A_54 = arith.index_cast %get3A_46 : i32 to index
    %get3A_55 = arith.constant 0 : index
    %get3A_56 = vector.load %arg3[%get3A_54, %get3A_55] : memref<10000x128xf32, #tpu.memory_space<vmem>>, vector<1x128xf32>
    %add3A_57 = arith.addf %add3A_53, %get3A_56 : vector<1x128xf32>
    %swap3A_58 = arith.constant 9 : index
    %swap3A_59 = arith.constant 0 : index
    %swap3A_60 = vector.load %arg15[%swap3A_58, %swap3A_59] : memref<40x128xf32, #tpu.memory_space<vmem>>, vector<1x128xf32>
    tpu.vector_store %arg15[%swap3A_58, %swap3A_59], %add3A_57 {strides = array<i32>} : memref<40x128xf32, #tpu.memory_space<vmem>>, vector<1x128xf32>,
    %get3A_61 = arith.constant 10 : index
    %get3A_62 = memref.load %arg0[%get3A_61] : memref<40xi32, #tpu.memory_space<smem>>
    %get3A_63 = arith.index_cast %get3A_62 : i32 to index
    %get3A_64 = arith.constant 0 : index
    %get3A_65 = vector.load %arg1[%get3A_63, %get3A_64] : memref<10000x128xf32, #tpu.memory_space<vmem>>, vector<1x128xf32>
    %get3A_66 = arith.index_cast %get3A_62 : i32 to index
    %get3A_67 = arith.constant 0 : index
    %get3A_68 = vector.load %arg2[%get3A_66, %get3A_67] : memref<10000x128xf32, #tpu.memory_space<vmem>>, vector<1x128xf32>
    %add3A_69 = arith.addf %get3A_65, %get3A_68 : vector<1x128xf32>
    %get3A_70 = arith.index_cast %get3A_62 : i32 to index
    %get3A_71 = arith.constant 0 : index
    %get3A_72 = vector.load %arg3[%get3A_70, %get3A_71] : memref<10000x128xf32, #tpu.memory_space<vmem>>, vector<1x128xf32>
    %add3A_73 = arith.addf %add3A_69, %get3A_72 : vector<1x128xf32>
    %swap3A_74 = arith.constant 10 : index
    %swap3A_75 = arith.constant 0 : index
    %swap3A_76 = vector.load %arg15[%swap3A_74, %swap3A_75] : memref<40x128xf32, #tpu.memory_space<vmem>>, vector<1x128xf32>
    tpu.vector_store %arg15[%swap3A_74, %swap3A_75], %add3A_73 {strides = array<i32>} : memref<40x128xf32, #tpu.memory_space<vmem>>, vector<1x128xf32>,
    %get3A_77 = arith.constant 11 : index
    %get3A_78 = memref.load %arg0[%get3A_77] : memref<40xi32, #tpu.memory_space<smem>>
    %get3A_79 = arith.index_cast %get3A_78 : i32 to index
    %get3A_80 = arith.constant 0 : index
    %get3A_81 = vector.load %arg1[%get3A_79, %get3A_80] : memref<10000x128xf32, #tpu.memory_space<vmem>>, vector<1x128xf32>
    %get3A_82 = arith.index_cast %get3A_78 : i32 to index
    %get3A_83 = arith.constant 0 : index
    %get3A_84 = vector.load %arg2[%get3A_82, %get3A_83] : memref<10000x128xf32, #tpu.memory_space<vmem>>, vector<1x128xf32>
    %add3A_85 = arith.addf %get3A_81, %get3A_84 : vector<1x128xf32>
    %get3A_86 = arith.index_cast %get3A_78 : i32 to index
    %get3A_87 = arith.constant 0 : index
    %get3A_88 = vector.load %arg3[%get3A_86, %get3A_87] : memref<10000x128xf32, #tpu.memory_space<vmem>>, vector<1x128xf32>
    %add3A_89 = arith.addf %add3A_85, %get3A_88 : vector<1x128xf32>
    %swap3A_90 = arith.constant 11 : index
    %swap3A_91 = arith.constant 0 : index
    %swap3A_92 = vector.load %arg15[%swap3A_90, %swap3A_91] : memref<40x128xf32, #tpu.memory_space<vmem>>, vector<1x128xf32>
    tpu.vector_store %arg15[%swap3A_90, %swap3A_91], %add3A_89 {strides = array<i32>} : memref<40x128xf32, #tpu.memory_space<vmem>>, vector<1x128xf32>,
    %get3A_93 = arith.constant 12 : index
    %get3A_94 = memref.load %arg0[%get3A_93] : memref<40xi32, #tpu.memory_space<smem>>
    %get3A_95 = arith.index_cast %get3A_94 : i32 to index
    %get3A_96 = arith.constant 0 : index
    %get3A_97 = vector.load %arg1[%get3A_95, %get3A_96] : memref<10000x128xf32, #tpu.memory_space<vmem>>, vector<1x128xf32>
    %get3A_98 = arith.index_cast %get3A_94 : i32 to index
    %get3A_99 = arith.constant 0 : index
    %get3A_100 = vector.load %arg2[%get3A_98, %get3A_99] : memref<10000x128xf32, #tpu.memory_space<vmem>>, vector<1x128xf32>
    %add3A_101 = arith.addf %get3A_97, %get3A_100 : vector<1x128xf32>
    %get3A_102 = arith.index_cast %get3A_94 : i32 to index
    %get3A_103 = arith.constant 0 : index
    %get3A_104 = vector.load %arg3[%get3A_102, %get3A_103] : memref<10000x128xf32, #tpu.memory_space<vmem>>, vector<1x128xf32>
    %add3A_105 = arith.addf %add3A_101, %get3A_104 : vector<1x128xf32>
    %swap3A_106 = arith.constant 12 : index
    %swap3A_107 = arith.constant 0 : index
    %swap3A_108 = vector.load %arg15[%swap3A_106, %swap3A_107] : memref<40x128xf32, #tpu.memory_space<vmem>>, vector<1x128xf32>
    tpu.vector_store %arg15[%swap3A_106, %swap3A_107], %add3A_105 {strides = array<i32>} : memref<40x128xf32, #tpu.memory_space<vmem>>, vector<1x128xf32>,
    %get3A_109 = arith.constant 13 : index
    %get3A_110 = memref.load %arg0[%get3A_109] : memref<40xi32, #tpu.memory_space<smem>>
    %get3A_111 = arith.index_cast %get3A_110 : i32 to index
    %get3A_112 = arith.constant 0 : index
    %get3A_113 = vector.load %arg1[%get3A_111, %get3A_112] : memref<10000x128xf32, #tpu.memory_space<vmem>>, vector<1x128xf32>
    %get3A_114 = arith.index_cast %get3A_110 : i32 to index
    %get3A_115 = arith.constant 0 : index
    %get3A_116 = vector.load %arg2[%get3A_114, %get3A_115] : memref<10000x128xf32, #tpu.memory_space<vmem>>, vector<1x128xf32>
    %add3A_117 = arith.addf %get3A_113, %get3A_116 : vector<1x128xf32>
    %get3A_118 = arith.index_cast %get3A_110 : i32 to index
    %get3A_119 = arith.constant 0 : index
    %get3A_120 = vector.load %arg3[%get3A_118, %get3A_119] : memref<10000x128xf32, #tpu.memory_space<vmem>>, vector<1x128xf32>
    %add3A_121 = arith.addf %add3A_117, %get3A_120 : vector<1x128xf32>
    %swap3A_122 = arith.constant 13 : index
    %swap3A_123 = arith.constant 0 : index
    %swap3A_124 = vector.load %arg15[%swap3A_122, %swap3A_123] : memref<40x128xf32, #tpu.memory_space<vmem>>, vector<1x128xf32>
    tpu.vector_store %arg15[%swap3A_122, %swap3A_123], %add3A_121 {strides = array<i32>} : memref<40x128xf32, #tpu.memory_space<vmem>>, vector<1x128xf32>,
    %get3A_125 = arith.constant 14 : index
    %get3A_126 = memref.load %arg0[%get3A_125] : memref<40xi32, #tpu.memory_space<smem>>
    %get3A_127 = arith.index_cast %get3A_126 : i32 to index
    %get3A_128 = arith.constant 0 : index
    %get3A_129 = vector.load %arg1[%get3A_127, %get3A_128] : memref<10000x128xf32, #tpu.memory_space<vmem>>, vector<1x128xf32>
    %get3A_130 = arith.index_cast %get3A_126 : i32 to index
    %get3A_131 = arith.constant 0 : index
    %get3A_132 = vector.load %arg2[%get3A_130, %get3A_131] : memref<10000x128xf32, #tpu.memory_space<vmem>>, vector<1x128xf32>
    %add3A_133 = arith.addf %get3A_129, %get3A_132 : vector<1x128xf32>
    %get3A_134 = arith.index_cast %get3A_126 : i32 to index
    %get3A_135 = arith.constant 0 : index
    %get3A_136 = vector.load %arg3[%get3A_134, %get3A_135] : memref<10000x128xf32, #tpu.memory_space<vmem>>, vector<1x128xf32>
    %add3A_137 = arith.addf %add3A_133, %get3A_136 : vector<1x128xf32>
    %swap3A_138 = arith.constant 14 : index
    %swap3A_139 = arith.constant 0 : index
    %swap3A_140 = vector.load %arg15[%swap3A_138, %swap3A_139] : memref<40x128xf32, #tpu.memory_space<vmem>>, vector<1x128xf32>
    tpu.vector_store %arg15[%swap3A_138, %swap3A_139], %add3A_137 {strides = array<i32>} : memref<40x128xf32, #tpu.memory_space<vmem>>, vector<1x128xf32>,
    %get3A_141 = arith.constant 15 : index
    %get3A_142 = memref.load %arg0[%get3A_141] : memref<40xi32, #tpu.memory_space<smem>>
    %get3A_143 = arith.index_cast %get3A_142 : i32 to index
    %get3A_144 = arith.constant 0 : index
    %get3A_145 = vector.load %arg1[%get3A_143, %get3A_144] : memref<10000x128xf32, #tpu.memory_space<vmem>>, vector<1x128xf32>
    %get3A_146 = arith.index_cast %get3A_142 : i32 to index
    %get3A_147 = arith.constant 0 : index
    %get3A_148 = vector.load %arg2[%get3A_146, %get3A_147] : memref<10000x128xf32, #tpu.memory_space<vmem>>, vector<1x128xf32>
    %add3A_149 = arith.addf %get3A_145, %get3A_148 : vector<1x128xf32>
    %get3A_150 = arith.index_cast %get3A_142 : i32 to index
    %get3A_151 = arith.constant 0 : index
    %get3A_152 = vector.load %arg3[%get3A_150, %get3A_151] : memref<10000x128xf32, #tpu.memory_space<vmem>>, vector<1x128xf32>
    %add3A_153 = arith.addf %add3A_149, %get3A_152 : vector<1x128xf32>
    %swap3A_154 = arith.constant 15 : index
    %swap3A_155 = arith.constant 0 : index
    %swap3A_156 = vector.load %arg15[%swap3A_154, %swap3A_155] : memref<40x128xf32, #tpu.memory_space<vmem>>, vector<1x128xf32>
    tpu.vector_store %arg15[%swap3A_154, %swap3A_155], %add3A_153 {strides = array<i32>} : memref<40x128xf32, #tpu.memory_space<vmem>>, vector<1x128xf32>,
    %get3A_157 = arith.constant 16 : index
    %get3A_158 = memref.load %arg0[%get3A_157] : memref<40xi32, #tpu.memory_space<smem>>
    %get3A_159 = arith.index_cast %get3A_158 : i32 to index
    %get3A_160 = arith.constant 0 : index
    %get3A_161 = vector.load %arg1[%get3A_159, %get3A_160] : memref<10000x128xf32, #tpu.memory_space<vmem>>, vector<1x128xf32>
    %get3A_162 = arith.index_cast %get3A_158 : i32 to index
    %get3A_163 = arith.constant 0 : index
    %get3A_164 = vector.load %arg2[%get3A_162, %get3A_163] : memref<10000x128xf32, #tpu.memory_space<vmem>>, vector<1x128xf32>
    %add3A_165 = arith.addf %get3A_161, %get3A_164 : vector<1x128xf32>
    %get3A_166 = arith.index_cast %get3A_158 : i32 to index
    %get3A_167 = arith.constant 0 : index
    %get3A_168 = vector.load %arg3[%get3A_166, %get3A_167] : memref<10000x128xf32, #tpu.memory_space<vmem>>, vector<1x128xf32>
    %add3A_169 = arith.addf %add3A_165, %get3A_168 : vector<1x128xf32>
    %swap3A_170 = arith.constant 16 : index
    %swap3A_171 = arith.constant 0 : index
    %swap3A_172 = vector.load %arg15[%swap3A_170, %swap3A_171] : memref<40x128xf32, #tpu.memory_space<vmem>>, vector<1x128xf32>
    tpu.vector_store %arg15[%swap3A_170, %swap3A_171], %add3A_169 {strides = array<i32>} : memref<40x128xf32, #tpu.memory_space<vmem>>, vector<1x128xf32>,
    %get3A_173 = arith.constant 17 : index
    %get3A_174 = memref.load %arg0[%get3A_173] : memref<40xi32, #tpu.memory_space<smem>>
    %get3A_175 = arith.index_cast %get3A_174 : i32 to index
    %get3A_176 = arith.constant 0 : index
    %get3A_177 = vector.load %arg1[%get3A_175, %get3A_176] : memref<10000x128xf32, #tpu.memory_space<vmem>>, vector<1x128xf32>
    %get3A_178 = arith.index_cast %get3A_174 : i32 to index
    %get3A_179 = arith.constant 0 : index
    %get3A_180 = vector.load %arg2[%get3A_178, %get3A_179] : memref<10000x128xf32, #tpu.memory_space<vmem>>, vector<1x128xf32>
    %add3A_181 = arith.addf %get3A_177, %get3A_180 : vector<1x128xf32>
    %get3A_182 = arith.index_cast %get3A_174 : i32 to index
    %get3A_183 = arith.constant 0 : index
    %get3A_184 = vector.load %arg3[%get3A_182, %get3A_183] : memref<10000x128xf32, #tpu.memory_space<vmem>>, vector<1x128xf32>
    %add3A_185 = arith.addf %add3A_181, %get3A_184 : vector<1x128xf32>
    %swap3A_186 = arith.constant 17 : index
    %swap3A_187 = arith.constant 0 : index
    %swap3A_188 = vector.load %arg15[%swap3A_186, %swap3A_187] : memref<40x128xf32, #tpu.memory_space<vmem>>, vector<1x128xf32>
    tpu.vector_store %arg15[%swap3A_186, %swap3A_187], %add3A_185 {strides = array<i32>} : memref<40x128xf32, #tpu.memory_space<vmem>>, vector<1x128xf32>,
    %get3A_189 = arith.constant 18 : index
    %get3A_190 = memref.load %arg0[%get3A_189] : memref<40xi32, #tpu.memory_space<smem>>
    %get3A_191 = arith.index_cast %get3A_190 : i32 to index
    %get3A_192 = arith.constant 0 : index
    %get3A_193 = vector.load %arg1[%get3A_191, %get3A_192] : memref<10000x128xf32, #tpu.memory_space<vmem>>, vector<1x128xf32>
    %get3A_194 = arith.index_cast %get3A_190 : i32 to index
    %get3A_195 = arith.constant 0 : index
    %get3A_196 = vector.load %arg2[%get3A_194, %get3A_195] : memref<10000x128xf32, #tpu.memory_space<vmem>>, vector<1x128xf32>
    %add3A_197 = arith.addf %get3A_193, %get3A_196 : vector<1x128xf32>
    %get3A_198 = arith.index_cast %get3A_190 : i32 to index
    %get3A_199 = arith.constant 0 : index
    %get3A_200 = vector.load %arg3[%get3A_198, %get3A_199] : memref<10000x128xf32, #tpu.memory_space<vmem>>, vector<1x128xf32>
    %add3A_201 = arith.addf %add3A_197, %get3A_200 : vector<1x128xf32>
    %swap3A_202 = arith.constant 18 : index
    %swap3A_203 = arith.constant 0 : index
    %swap3A_204 = vector.load %arg15[%swap3A_202, %swap3A_203] : memref<40x128xf32, #tpu.memory_space<vmem>>, vector<1x128xf32>
    tpu.vector_store %arg15[%swap3A_202, %swap3A_203], %add3A_201 {strides = array<i32>} : memref<40x128xf32, #tpu.memory_space<vmem>>, vector<1x128xf32>,
    %get3A_205 = arith.constant 19 : index
    %get3A_206 = memref.load %arg0[%get3A_205] : memref<40xi32, #tpu.memory_space<smem>>
    %get3A_207 = arith.index_cast %get3A_206 : i32 to index
    %get3A_208 = arith.constant 0 : index
    %get3A_209 = vector.load %arg1[%get3A_207, %get3A_208] : memref<10000x128xf32, #tpu.memory_space<vmem>>, vector<1x128xf32>
    %get3A_210 = arith.index_cast %get3A_206 : i32 to index
    %get3A_211 = arith.constant 0 : index
    %get3A_212 = vector.load %arg2[%get3A_210, %get3A_211] : memref<10000x128xf32, #tpu.memory_space<vmem>>, vector<1x128xf32>
    %add3A_213 = arith.addf %get3A_209, %get3A_212 : vector<1x128xf32>
    %get3A_214 = arith.index_cast %get3A_206 : i32 to index
    %get3A_215 = arith.constant 0 : index
    %get3A_216 = vector.load %arg3[%get3A_214, %get3A_215] : memref<10000x128xf32, #tpu.memory_space<vmem>>, vector<1x128xf32>
    %add3A_217 = arith.addf %add3A_213, %get3A_216 : vector<1x128xf32>
    %swap3A_218 = arith.constant 19 : index
    %swap3A_219 = arith.constant 0 : index
    %swap3A_220 = vector.load %arg15[%swap3A_218, %swap3A_219] : memref<40x128xf32, #tpu.memory_space<vmem>>, vector<1x128xf32>
    tpu.vector_store %arg15[%swap3A_218, %swap3A_219], %add3A_217 {strides = array<i32>} : memref<40x128xf32, #tpu.memory_space<vmem>>, vector<1x128xf32>,
    %get3A_221 = arith.constant 20 : index
    %get3A_222 = memref.load %arg0[%get3A_221] : memref<40xi32, #tpu.memory_space<smem>>
    %get3A_223 = arith.index_cast %get3A_222 : i32 to index
    %get3A_224 = arith.constant 0 : index
    %get3A_225 = vector.load %arg1[%get3A_223, %get3A_224] : memref<10000x128xf32, #tpu.memory_space<vmem>>, vector<1x128xf32>
    %get3A_226 = arith.index_cast %get3A_222 : i32 to index
    %get3A_227 = arith.constant 0 : index
    %get3A_228 = vector.load %arg2[%get3A_226, %get3A_227] : memref<10000x128xf32, #tpu.memory_space<vmem>>, vector<1x128xf32>
    %add3A_229 = arith.addf %get3A_225, %get3A_228 : vector<1x128xf32>
    %get3A_230 = arith.index_cast %get3A_222 : i32 to index
    %get3A_231 = arith.constant 0 : index
    %get3A_232 = vector.load %arg3[%get3A_230, %get3A_231] : memref<10000x128xf32, #tpu.memory_space<vmem>>, vector<1x128xf32>
    %add3A_233 = arith.addf %add3A_229, %get3A_232 : vector<1x128xf32>
    %swap3A_234 = arith.constant 20 : index
    %swap3A_235 = arith.constant 0 : index
    %swap3A_236 = vector.load %arg15[%swap3A_234, %swap3A_235] : memref<40x128xf32, #tpu.memory_space<vmem>>, vector<1x128xf32>
    tpu.vector_store %arg15[%swap3A_234, %swap3A_235], %add3A_233 {strides = array<i32>} : memref<40x128xf32, #tpu.memory_space<vmem>>, vector<1x128xf32>,
    %get3A_237 = arith.constant 21 : index
    %get3A_238 = memref.load %arg0[%get3A_237] : memref<40xi32, #tpu.memory_space<smem>>
    %get3A_239 = arith.index_cast %get3A_238 : i32 to index
    %get3A_240 = arith.constant 0 : index
    %get3A_241 = vector.load %arg1[%get3A_239, %get3A_240] : memref<10000x128xf32, #tpu.memory_space<vmem>>, vector<1x128xf32>
    %get3A_242 = arith.index_cast %get3A_238 : i32 to index
    %get3A_243 = arith.constant 0 : index
    %get3A_244 = vector.load %arg2[%get3A_242, %get3A_243] : memref<10000x128xf32, #tpu.memory_space<vmem>>, vector<1x128xf32>
    %add3A_245 = arith.addf %get3A_241, %get3A_244 : vector<1x128xf32>
    %get3A_246 = arith.index_cast %get3A_238 : i32 to index
    %get3A_247 = arith.constant 0 : index
    %get3A_248 = vector.load %arg3[%get3A_246, %get3A_247] : memref<10000x128xf32, #tpu.memory_space<vmem>>, vector<1x128xf32>
    %add3A_249 = arith.addf %add3A_245, %get3A_248 : vector<1x128xf32>
    %swap3A_250 = arith.constant 21 : index
    %swap3A_251 = arith.constant 0 : index
    %swap3A_252 = vector.load %arg15[%swap3A_250, %swap3A_251] : memref<40x128xf32, #tpu.memory_space<vmem>>, vector<1x128xf32>
    tpu.vector_store %arg15[%swap3A_250, %swap3A_251], %add3A_249 {strides = array<i32>} : memref<40x128xf32, #tpu.memory_space<vmem>>, vector<1x128xf32>,
    %get3A_253 = arith.constant 22 : index
    %get3A_254 = memref.load %arg0[%get3A_253] : memref<40xi32, #tpu.memory_space<smem>>
    %get3A_255 = arith.index_cast %get3A_254 : i32 to index
    %get3A_256 = arith.constant 0 : index
    %get3A_257 = vector.load %arg1[%get3A_255, %get3A_256] : memref<10000x128xf32, #tpu.memory_space<vmem>>, vector<1x128xf32>
    %get3A_258 = arith.index_cast %get3A_254 : i32 to index
    %get3A_259 = arith.constant 0 : index
    %get3A_260 = vector.load %arg2[%get3A_258, %get3A_259] : memref<10000x128xf32, #tpu.memory_space<vmem>>, vector<1x128xf32>
    %add3A_261 = arith.addf %get3A_257, %get3A_260 : vector<1x128xf32>
    %get3A_262 = arith.index_cast %get3A_254 : i32 to index
    %get3A_263 = arith.constant 0 : index
    %get3A_264 = vector.load %arg3[%get3A_262, %get3A_263] : memref<10000x128xf32, #tpu.memory_space<vmem>>, vector<1x128xf32>
    %add3A_265 = arith.addf %add3A_261, %get3A_264 : vector<1x128xf32>
    %swap3A_266 = arith.constant 22 : index
    %swap3A_267 = arith.constant 0 : index
    %swap3A_268 = vector.load %arg15[%swap3A_266, %swap3A_267] : memref<40x128xf32, #tpu.memory_space<vmem>>, vector<1x128xf32>
    tpu.vector_store %arg15[%swap3A_266, %swap3A_267], %add3A_265 {strides = array<i32>} : memref<40x128xf32, #tpu.memory_space<vmem>>, vector<1x128xf32>,
    %get3A_269 = arith.constant 23 : index
    %get3A_270 = memref.load %arg0[%get3A_269] : memref<40xi32, #tpu.memory_space<smem>>
    %get3A_271 = arith.index_cast %get3A_270 : i32 to index
    %get3A_272 = arith.constant 0 : index
    %get3A_273 = vector.load %arg1[%get3A_271, %get3A_272] : memref<10000x128xf32, #tpu.memory_space<vmem>>, vector<1x128xf32>
    %get3A_274 = arith.index_cast %get3A_270 : i32 to index
    %get3A_275 = arith.constant 0 : index
    %get3A_276 = vector.load %arg2[%get3A_274, %get3A_275] : memref<10000x128xf32, #tpu.memory_space<vmem>>, vector<1x128xf32>
    %add3A_277 = arith.addf %get3A_273, %get3A_276 : vector<1x128xf32>
    %get3A_278 = arith.index_cast %get3A_270 : i32 to index
    %get3A_279 = arith.constant 0 : index
    %get3A_280 = vector.load %arg3[%get3A_278, %get3A_279] : memref<10000x128xf32, #tpu.memory_space<vmem>>, vector<1x128xf32>
    %add3A_281 = arith.addf %add3A_277, %get3A_280 : vector<1x128xf32>
    %swap3A_282 = arith.constant 23 : index
    %swap3A_283 = arith.constant 0 : index
    %swap3A_284 = vector.load %arg15[%swap3A_282, %swap3A_283] : memref<40x128xf32, #tpu.memory_space<vmem>>, vector<1x128xf32>
    tpu.vector_store %arg15[%swap3A_282, %swap3A_283], %add3A_281 {strides = array<i32>} : memref<40x128xf32, #tpu.memory_space<vmem>>, vector<1x128xf32>,
    %get3A_285 = arith.constant 24 : index
    %get3A_286 = memref.load %arg0[%get3A_285] : memref<40xi32, #tpu.memory_space<smem>>
    %get3A_287 = arith.index_cast %get3A_286 : i32 to index
    %get3A_288 = arith.constant 0 : index
    %get3A_289 = vector.load %arg1[%get3A_287, %get3A_288] : memref<10000x128xf32, #tpu.memory_space<vmem>>, vector<1x128xf32>
    %get3A_290 = arith.index_cast %get3A_286 : i32 to index
    %get3A_291 = arith.constant 0 : index
    %get3A_292 = vector.load %arg2[%get3A_290, %get3A_291] : memref<10000x128xf32, #tpu.memory_space<vmem>>, vector<1x128xf32>
    %add3A_293 = arith.addf %get3A_289, %get3A_292 : vector<1x128xf32>
    %get3A_294 = arith.index_cast %get3A_286 : i32 to index
    %get3A_295 = arith.constant 0 : index
    %get3A_296 = vector.load %arg3[%get3A_294, %get3A_295] : memref<10000x128xf32, #tpu.memory_space<vmem>>, vector<1x128xf32>
    %add3A_297 = arith.addf %add3A_293, %get3A_296 : vector<1x128xf32>
    %swap3A_298 = arith.constant 24 : index
    %swap3A_299 = arith.constant 0 : index
    %swap3A_300 = vector.load %arg15[%swap3A_298, %swap3A_299] : memref<40x128xf32, #tpu.memory_space<vmem>>, vector<1x128xf32>
    tpu.vector_store %arg15[%swap3A_298, %swap3A_299], %add3A_297 {strides = array<i32>} : memref<40x128xf32, #tpu.memory_space<vmem>>, vector<1x128xf32>,
    %get3A_301 = arith.constant 25 : index
    %get3A_302 = memref.load %arg0[%get3A_301] : memref<40xi32, #tpu.memory_space<smem>>
    %get3A_303 = arith.index_cast %get3A_302 : i32 to index
    %get3A_304 = arith.constant 0 : index
    %get3A_305 = vector.load %arg1[%get3A_303, %get3A_304] : memref<10000x128xf32, #tpu.memory_space<vmem>>, vector<1x128xf32>
    %get3A_306 = arith.index_cast %get3A_302 : i32 to index
    %get3A_307 = arith.constant 0 : index
    %get3A_308 = vector.load %arg2[%get3A_306, %get3A_307] : memref<10000x128xf32, #tpu.memory_space<vmem>>, vector<1x128xf32>
    %add3A_309 = arith.addf %get3A_305, %get3A_308 : vector<1x128xf32>
    %get3A_310 = arith.index_cast %get3A_302 : i32 to index
    %get3A_311 = arith.constant 0 : index
    %get3A_312 = vector.load %arg3[%get3A_310, %get3A_311] : memref<10000x128xf32, #tpu.memory_space<vmem>>, vector<1x128xf32>
    %add3A_313 = arith.addf %add3A_309, %get3A_312 : vector<1x128xf32>
    %swap3A_314 = arith.constant 25 : index
    %swap3A_315 = arith.constant 0 : index
    %swap3A_316 = vector.load %arg15[%swap3A_314, %swap3A_315] : memref<40x128xf32, #tpu.memory_space<vmem>>, vector<1x128xf32>
    tpu.vector_store %arg15[%swap3A_314, %swap3A_315], %add3A_313 {strides = array<i32>} : memref<40x128xf32, #tpu.memory_space<vmem>>, vector<1x128xf32>,
    %get3A_317 = arith.constant 26 : index
    %get3A_318 = memref.load %arg0[%get3A_317] : memref<40xi32, #tpu.memory_space<smem>>
    %get3A_319 = arith.index_cast %get3A_318 : i32 to index
    %get3A_320 = arith.constant 0 : index
    %get3A_321 = vector.load %arg1[%get3A_319, %get3A_320] : memref<10000x128xf32, #tpu.memory_space<vmem>>, vector<1x128xf32>
    %get3A_322 = arith.index_cast %get3A_318 : i32 to index
    %get3A_323 = arith.constant 0 : index
    %get3A_324 = vector.load %arg2[%get3A_322, %get3A_323] : memref<10000x128xf32, #tpu.memory_space<vmem>>, vector<1x128xf32>
    %add3A_325 = arith.addf %get3A_321, %get3A_324 : vector<1x128xf32>
    %get3A_326 = arith.index_cast %get3A_318 : i32 to index
    %get3A_327 = arith.constant 0 : index
    %get3A_328 = vector.load %arg3[%get3A_326, %get3A_327] : memref<10000x128xf32, #tpu.memory_space<vmem>>, vector<1x128xf32>
    %add3A_329 = arith.addf %add3A_325, %get3A_328 : vector<1x128xf32>
    %swap3A_330 = arith.constant 26 : index
    %swap3A_331 = arith.constant 0 : index
    %swap3A_332 = vector.load %arg15[%swap3A_330, %swap3A_331] : memref<40x128xf32, #tpu.memory_space<vmem>>, vector<1x128xf32>
    tpu.vector_store %arg15[%swap3A_330, %swap3A_331], %add3A_329 {strides = array<i32>} : memref<40x128xf32, #tpu.memory_space<vmem>>, vector<1x128xf32>,
    %get3A_333 = arith.constant 27 : index
    %get3A_334 = memref.load %arg0[%get3A_333] : memref<40xi32, #tpu.memory_space<smem>>
    %get3A_335 = arith.index_cast %get3A_334 : i32 to index
    %get3A_336 = arith.constant 0 : index
    %get3A_337 = vector.load %arg1[%get3A_335, %get3A_336] : memref<10000x128xf32, #tpu.memory_space<vmem>>, vector<1x128xf32>
    %get3A_338 = arith.index_cast %get3A_334 : i32 to index
    %get3A_339 = arith.constant 0 : index
    %get3A_340 = vector.load %arg2[%get3A_338, %get3A_339] : memref<10000x128xf32, #tpu.memory_space<vmem>>, vector<1x128xf32>
    %add3A_341 = arith.addf %get3A_337, %get3A_340 : vector<1x128xf32>
    %get3A_342 = arith.index_cast %get3A_334 : i32 to index
    %get3A_343 = arith.constant 0 : index
    %get3A_344 = vector.load %arg3[%get3A_342, %get3A_343] : memref<10000x128xf32, #tpu.memory_space<vmem>>, vector<1x128xf32>
    %add3A_345 = arith.addf %add3A_341, %get3A_344 : vector<1x128xf32>
    %swap3A_346 = arith.constant 27 : index
    %swap3A_347 = arith.constant 0 : index
    %swap3A_348 = vector.load %arg15[%swap3A_346, %swap3A_347] : memref<40x128xf32, #tpu.memory_space<vmem>>, vector<1x128xf32>
    tpu.vector_store %arg15[%swap3A_346, %swap3A_347], %add3A_345 {strides = array<i32>} : memref<40x128xf32, #tpu.memory_space<vmem>>, vector<1x128xf32>,
    %get3A_349 = arith.constant 28 : index
    %get3A_350 = memref.load %arg0[%get3A_349] : memref<40xi32, #tpu.memory_space<smem>>
    %get3A_351 = arith.index_cast %get3A_350 : i32 to index
    %get3A_352 = arith.constant 0 : index
    %get3A_353 = vector.load %arg1[%get3A_351, %get3A_352] : memref<10000x128xf32, #tpu.memory_space<vmem>>, vector<1x128xf32>
    %get3A_354 = arith.index_cast %get3A_350 : i32 to index
    %get3A_355 = arith.constant 0 : index
    %get3A_356 = vector.load %arg2[%get3A_354, %get3A_355] : memref<10000x128xf32, #tpu.memory_space<vmem>>, vector<1x128xf32>
    %add3A_357 = arith.addf %get3A_353, %get3A_356 : vector<1x128xf32>
    %get3A_358 = arith.index_cast %get3A_350 : i32 to index
    %get3A_359 = arith.constant 0 : index
    %get3A_360 = vector.load %arg3[%get3A_358, %get3A_359] : memref<10000x128xf32, #tpu.memory_space<vmem>>, vector<1x128xf32>
    %add3A_361 = arith.addf %add3A_357, %get3A_360 : vector<1x128xf32>
    %swap3A_362 = arith.constant 28 : index
    %swap3A_363 = arith.constant 0 : index
    %swap3A_364 = vector.load %arg15[%swap3A_362, %swap3A_363] : memref<40x128xf32, #tpu.memory_space<vmem>>, vector<1x128xf32>
    tpu.vector_store %arg15[%swap3A_362, %swap3A_363], %add3A_361 {strides = array<i32>} : memref<40x128xf32, #tpu.memory_space<vmem>>, vector<1x128xf32>,
    %get3A_365 = arith.constant 29 : index
    %get3A_366 = memref.load %arg0[%get3A_365] : memref<40xi32, #tpu.memory_space<smem>>
    %get3A_367 = arith.index_cast %get3A_366 : i32 to index
    %get3A_368 = arith.constant 0 : index
    %get3A_369 = vector.load %arg1[%get3A_367, %get3A_368] : memref<10000x128xf32, #tpu.memory_space<vmem>>, vector<1x128xf32>
    %get3A_370 = arith.index_cast %get3A_366 : i32 to index
    %get3A_371 = arith.constant 0 : index
    %get3A_372 = vector.load %arg2[%get3A_370, %get3A_371] : memref<10000x128xf32, #tpu.memory_space<vmem>>, vector<1x128xf32>
    %add3A_373 = arith.addf %get3A_369, %get3A_372 : vector<1x128xf32>
    %get3A_374 = arith.index_cast %get3A_366 : i32 to index
    %get3A_375 = arith.constant 0 : index
    %get3A_376 = vector.load %arg3[%get3A_374, %get3A_375] : memref<10000x128xf32, #tpu.memory_space<vmem>>, vector<1x128xf32>
    %add3A_377 = arith.addf %add3A_373, %get3A_376 : vector<1x128xf32>
    %swap3A_378 = arith.constant 29 : index
    %swap3A_379 = arith.constant 0 : index
    %swap3A_380 = vector.load %arg15[%swap3A_378, %swap3A_379] : memref<40x128xf32, #tpu.memory_space<vmem>>, vector<1x128xf32>
    tpu.vector_store %arg15[%swap3A_378, %swap3A_379], %add3A_377 {strides = array<i32>} : memref<40x128xf32, #tpu.memory_space<vmem>>, vector<1x128xf32>,
    %get3A_381 = arith.constant 30 : index
    %get3A_382 = memref.load %arg0[%get3A_381] : memref<40xi32, #tpu.memory_space<smem>>
    %get3A_383 = arith.index_cast %get3A_382 : i32 to index
    %get3A_384 = arith.constant 0 : index
    %get3A_385 = vector.load %arg1[%get3A_383, %get3A_384] : memref<10000x128xf32, #tpu.memory_space<vmem>>, vector<1x128xf32>
    %get3A_386 = arith.index_cast %get3A_382 : i32 to index
    %get3A_387 = arith.constant 0 : index
    %get3A_388 = vector.load %arg2[%get3A_386, %get3A_387] : memref<10000x128xf32, #tpu.memory_space<vmem>>, vector<1x128xf32>
    %add3A_389 = arith.addf %get3A_385, %get3A_388 : vector<1x128xf32>
    %get3A_390 = arith.index_cast %get3A_382 : i32 to index
    %get3A_391 = arith.constant 0 : index
    %get3A_392 = vector.load %arg3[%get3A_390, %get3A_391] : memref<10000x128xf32, #tpu.memory_space<vmem>>, vector<1x128xf32>
    %add3A_393 = arith.addf %add3A_389, %get3A_392 : vector<1x128xf32>
    %swap3A_394 = arith.constant 30 : index
    %swap3A_395 = arith.constant 0 : index
    %swap3A_396 = vector.load %arg15[%swap3A_394, %swap3A_395] : memref<40x128xf32, #tpu.memory_space<vmem>>, vector<1x128xf32>
    tpu.vector_store %arg15[%swap3A_394, %swap3A_395], %add3A_393 {strides = array<i32>} : memref<40x128xf32, #tpu.memory_space<vmem>>, vector<1x128xf32>,
    %get3A_397 = arith.constant 31 : index
    %get3A_398 = memref.load %arg0[%get3A_397] : memref<40xi32, #tpu.memory_space<smem>>
    %get3A_399 = arith.index_cast %get3A_398 : i32 to index
    %get3A_400 = arith.constant 0 : index
    %get3A_401 = vector.load %arg1[%get3A_399, %get3A_400] : memref<10000x128xf32, #tpu.memory_space<vmem>>, vector<1x128xf32>
    %get3A_402 = arith.index_cast %get3A_398 : i32 to index
    %get3A_403 = arith.constant 0 : index
    %get3A_404 = vector.load %arg2[%get3A_402, %get3A_403] : memref<10000x128xf32, #tpu.memory_space<vmem>>, vector<1x128xf32>
    %add3A_405 = arith.addf %get3A_401, %get3A_404 : vector<1x128xf32>
    %get3A_406 = arith.index_cast %get3A_398 : i32 to index
    %get3A_407 = arith.constant 0 : index
    %get3A_408 = vector.load %arg3[%get3A_406, %get3A_407] : memref<10000x128xf32, #tpu.memory_space<vmem>>, vector<1x128xf32>
    %add3A_409 = arith.addf %add3A_405, %get3A_408 : vector<1x128xf32>
    %swap3A_410 = arith.constant 31 : index
    %swap3A_411 = arith.constant 0 : index
    %swap3A_412 = vector.load %arg15[%swap3A_410, %swap3A_411] : memref<40x128xf32, #tpu.memory_space<vmem>>, vector<1x128xf32>
    tpu.vector_store %arg15[%swap3A_410, %swap3A_411], %add3A_409 {strides = array<i32>} : memref<40x128xf32, #tpu.memory_space<vmem>>, vector<1x128xf32>,
    %get3A_413 = arith.constant 32 : index
    %get3A_414 = memref.load %arg0[%get3A_413] : memref<40xi32, #tpu.memory_space<smem>>
    %get3A_415 = arith.index_cast %get3A_414 : i32 to index
    %get3A_416 = arith.constant 0 : index
    %get3A_417 = vector.load %arg1[%get3A_415, %get3A_416] : memref<10000x128xf32, #tpu.memory_space<vmem>>, vector<1x128xf32>
    %get3A_418 = arith.index_cast %get3A_414 : i32 to index
    %get3A_419 = arith.constant 0 : index
    %get3A_420 = vector.load %arg2[%get3A_418, %get3A_419] : memref<10000x128xf32, #tpu.memory_space<vmem>>, vector<1x128xf32>
    %add3A_421 = arith.addf %get3A_417, %get3A_420 : vector<1x128xf32>
    %get3A_422 = arith.index_cast %get3A_414 : i32 to index
    %get3A_423 = arith.constant 0 : index
    %get3A_424 = vector.load %arg3[%get3A_422, %get3A_423] : memref<10000x128xf32, #tpu.memory_space<vmem>>, vector<1x128xf32>
    %add3A_425 = arith.addf %add3A_421, %get3A_424 : vector<1x128xf32>
    %swap3A_426 = arith.constant 32 : index
    %swap3A_427 = arith.constant 0 : index
    %swap3A_428 = vector.load %arg15[%swap3A_426, %swap3A_427] : memref<40x128xf32, #tpu.memory_space<vmem>>, vector<1x128xf32>
    tpu.vector_store %arg15[%swap3A_426, %swap3A_427], %add3A_425 {strides = array<i32>} : memref<40x128xf32, #tpu.memory_space<vmem>>, vector<1x128xf32>,
    %get3A_429 = arith.constant 33 : index
    %get3A_430 = memref.load %arg0[%get3A_429] : memref<40xi32, #tpu.memory_space<smem>>
    %get3A_431 = arith.index_cast %get3A_430 : i32 to index
    %get3A_432 = arith.constant 0 : index
    %get3A_433 = vector.load %arg1[%get3A_431, %get3A_432] : memref<10000x128xf32, #tpu.memory_space<vmem>>, vector<1x128xf32>
    %get3A_434 = arith.index_cast %get3A_430 : i32 to index
    %get3A_435 = arith.constant 0 : index
    %get3A_436 = vector.load %arg2[%get3A_434, %get3A_435] : memref<10000x128xf32, #tpu.memory_space<vmem>>, vector<1x128xf32>
    %add3A_437 = arith.addf %get3A_433, %get3A_436 : vector<1x128xf32>
    %get3A_438 = arith.index_cast %get3A_430 : i32 to index
    %get3A_439 = arith.constant 0 : index
    %get3A_440 = vector.load %arg3[%get3A_438, %get3A_439] : memref<10000x128xf32, #tpu.memory_space<vmem>>, vector<1x128xf32>
    %add3A_441 = arith.addf %add3A_437, %get3A_440 : vector<1x128xf32>
    %swap3A_442 = arith.constant 33 : index
    %swap3A_443 = arith.constant 0 : index
    %swap3A_444 = vector.load %arg15[%swap3A_442, %swap3A_443] : memref<40x128xf32, #tpu.memory_space<vmem>>, vector<1x128xf32>
    tpu.vector_store %arg15[%swap3A_442, %swap3A_443], %add3A_441 {strides = array<i32>} : memref<40x128xf32, #tpu.memory_space<vmem>>, vector<1x128xf32>,
    %get3A_445 = arith.constant 34 : index
    %get3A_446 = memref.load %arg0[%get3A_445] : memref<40xi32, #tpu.memory_space<smem>>
    %get3A_447 = arith.index_cast %get3A_446 : i32 to index
    %get3A_448 = arith.constant 0 : index
    %get3A_449 = vector.load %arg1[%get3A_447, %get3A_448] : memref<10000x128xf32, #tpu.memory_space<vmem>>, vector<1x128xf32>
    %get3A_450 = arith.index_cast %get3A_446 : i32 to index
    %get3A_451 = arith.constant 0 : index
    %get3A_452 = vector.load %arg2[%get3A_450, %get3A_451] : memref<10000x128xf32, #tpu.memory_space<vmem>>, vector<1x128xf32>
    %add3A_453 = arith.addf %get3A_449, %get3A_452 : vector<1x128xf32>
    %get3A_454 = arith.index_cast %get3A_446 : i32 to index
    %get3A_455 = arith.constant 0 : index
    %get3A_456 = vector.load %arg3[%get3A_454, %get3A_455] : memref<10000x128xf32, #tpu.memory_space<vmem>>, vector<1x128xf32>
    %add3A_457 = arith.addf %add3A_453, %get3A_456 : vector<1x128xf32>
    %swap3A_458 = arith.constant 34 : index
    %swap3A_459 = arith.constant 0 : index
    %swap3A_460 = vector.load %arg15[%swap3A_458, %swap3A_459] : memref<40x128xf32, #tpu.memory_space<vmem>>, vector<1x128xf32>
    tpu.vector_store %arg15[%swap3A_458, %swap3A_459], %add3A_457 {strides = array<i32>} : memref<40x128xf32, #tpu.memory_space<vmem>>, vector<1x128xf32>,
    %get3A_461 = arith.constant 35 : index
    %get3A_462 = memref.load %arg0[%get3A_461] : memref<40xi32, #tpu.memory_space<smem>>
    %get3A_463 = arith.index_cast %get3A_462 : i32 to index
    %get3A_464 = arith.constant 0 : index
    %get3A_465 = vector.load %arg1[%get3A_463, %get3A_464] : memref<10000x128xf32, #tpu.memory_space<vmem>>, vector<1x128xf32>
    %get3A_466 = arith.index_cast %get3A_462 : i32 to index
    %get3A_467 = arith.constant 0 : index
    %get3A_468 = vector.load %arg2[%get3A_466, %get3A_467] : memref<10000x128xf32, #tpu.memory_space<vmem>>, vector<1x128xf32>
    %add3A_469 = arith.addf %get3A_465, %get3A_468 : vector<1x128xf32>
    %get3A_470 = arith.index_cast %get3A_462 : i32 to index
    %get3A_471 = arith.constant 0 : index
    %get3A_472 = vector.load %arg3[%get3A_470, %get3A_471] : memref<10000x128xf32, #tpu.memory_space<vmem>>, vector<1x128xf32>
    %add3A_473 = arith.addf %add3A_469, %get3A_472 : vector<1x128xf32>
    %swap3A_474 = arith.constant 35 : index
    %swap3A_475 = arith.constant 0 : index
    %swap3A_476 = vector.load %arg15[%swap3A_474, %swap3A_475] : memref<40x128xf32, #tpu.memory_space<vmem>>, vector<1x128xf32>
    tpu.vector_store %arg15[%swap3A_474, %swap3A_475], %add3A_473 {strides = array<i32>} : memref<40x128xf32, #tpu.memory_space<vmem>>, vector<1x128xf32>,
    %get3A_477 = arith.constant 36 : index
    %get3A_478 = memref.load %arg0[%get3A_477] : memref<40xi32, #tpu.memory_space<smem>>
    %get3A_479 = arith.index_cast %get3A_478 : i32 to index
    %get3A_480 = arith.constant 0 : index
    %get3A_481 = vector.load %arg1[%get3A_479, %get3A_480] : memref<10000x128xf32, #tpu.memory_space<vmem>>, vector<1x128xf32>
    %get3A_482 = arith.index_cast %get3A_478 : i32 to index
    %get3A_483 = arith.constant 0 : index
    %get3A_484 = vector.load %arg2[%get3A_482, %get3A_483] : memref<10000x128xf32, #tpu.memory_space<vmem>>, vector<1x128xf32>
    %add3A_485 = arith.addf %get3A_481, %get3A_484 : vector<1x128xf32>
    %get3A_486 = arith.index_cast %get3A_478 : i32 to index
    %get3A_487 = arith.constant 0 : index
    %get3A_488 = vector.load %arg3[%get3A_486, %get3A_487] : memref<10000x128xf32, #tpu.memory_space<vmem>>, vector<1x128xf32>
    %add3A_489 = arith.addf %add3A_485, %get3A_488 : vector<1x128xf32>
    %swap3A_490 = arith.constant 36 : index
    %swap3A_491 = arith.constant 0 : index
    %swap3A_492 = vector.load %arg15[%swap3A_490, %swap3A_491] : memref<40x128xf32, #tpu.memory_space<vmem>>, vector<1x128xf32>
    tpu.vector_store %arg15[%swap3A_490, %swap3A_491], %add3A_489 {strides = array<i32>} : memref<40x128xf32, #tpu.memory_space<vmem>>, vector<1x128xf32>,
    %get3A_493 = arith.constant 37 : index
    %get3A_494 = memref.load %arg0[%get3A_493] : memref<40xi32, #tpu.memory_space<smem>>
    %get3A_495 = arith.index_cast %get3A_494 : i32 to index
    %get3A_496 = arith.constant 0 : index
    %get3A_497 = vector.load %arg1[%get3A_495, %get3A_496] : memref<10000x128xf32, #tpu.memory_space<vmem>>, vector<1x128xf32>
    %get3A_498 = arith.index_cast %get3A_494 : i32 to index
    %get3A_499 = arith.constant 0 : index
    %get3A_500 = vector.load %arg2[%get3A_498, %get3A_499] : memref<10000x128xf32, #tpu.memory_space<vmem>>, vector<1x128xf32>
    %add3A_501 = arith.addf %get3A_497, %get3A_500 : vector<1x128xf32>
    %get3A_502 = arith.index_cast %get3A_494 : i32 to index
    %get3A_503 = arith.constant 0 : index
    %get3A_504 = vector.load %arg3[%get3A_502, %get3A_503] : memref<10000x128xf32, #tpu.memory_space<vmem>>, vector<1x128xf32>
    %add3A_505 = arith.addf %add3A_501, %get3A_504 : vector<1x128xf32>
    %swap3A_506 = arith.constant 37 : index
    %swap3A_507 = arith.constant 0 : index
    %swap3A_508 = vector.load %arg15[%swap3A_506, %swap3A_507] : memref<40x128xf32, #tpu.memory_space<vmem>>, vector<1x128xf32>
    tpu.vector_store %arg15[%swap3A_506, %swap3A_507], %add3A_505 {strides = array<i32>} : memref<40x128xf32, #tpu.memory_space<vmem>>, vector<1x128xf32>,
    %get3A_509 = arith.constant 38 : index
    %get3A_510 = memref.load %arg0[%get3A_509] : memref<40xi32, #tpu.memory_space<smem>>
    %get3A_511 = arith.index_cast %get3A_510 : i32 to index
    %get3A_512 = arith.constant 0 : index
    %get3A_513 = vector.load %arg1[%get3A_511, %get3A_512] : memref<10000x128xf32, #tpu.memory_space<vmem>>, vector<1x128xf32>
    %get3A_514 = arith.index_cast %get3A_510 : i32 to index
    %get3A_515 = arith.constant 0 : index
    %get3A_516 = vector.load %arg2[%get3A_514, %get3A_515] : memref<10000x128xf32, #tpu.memory_space<vmem>>, vector<1x128xf32>
    %add3A_517 = arith.addf %get3A_513, %get3A_516 : vector<1x128xf32>
    %get3A_518 = arith.index_cast %get3A_510 : i32 to index
    %get3A_519 = arith.constant 0 : index
    %get3A_520 = vector.load %arg3[%get3A_518, %get3A_519] : memref<10000x128xf32, #tpu.memory_space<vmem>>, vector<1x128xf32>
    %add3A_521 = arith.addf %add3A_517, %get3A_520 : vector<1x128xf32>
    %swap3A_522 = arith.constant 38 : index
    %swap3A_523 = arith.constant 0 : index
    %swap3A_524 = vector.load %arg15[%swap3A_522, %swap3A_523] : memref<40x128xf32, #tpu.memory_space<vmem>>, vector<1x128xf32>
    tpu.vector_store %arg15[%swap3A_522, %swap3A_523], %add3A_521 {strides = array<i32>} : memref<40x128xf32, #tpu.memory_space<vmem>>, vector<1x128xf32>,
    %get3A_525 = arith.constant 39 : index
    %get3A_526 = memref.load %arg0[%get3A_525] : memref<40xi32, #tpu.memory_space<smem>>
    %get3A_527 = arith.index_cast %get3A_526 : i32 to index
    %get3A_528 = arith.constant 0 : index
    %get3A_529 = vector.load %arg1[%get3A_527, %get3A_528] : memref<10000x128xf32, #tpu.memory_space<vmem>>, vector<1x128xf32>
    %get3A_530 = arith.index_cast %get3A_526 : i32 to index
    %get3A_531 = arith.constant 0 : index
    %get3A_532 = vector.load %arg2[%get3A_530, %get3A_531] : memref<10000x128xf32, #tpu.memory_space<vmem>>, vector<1x128xf32>
    %add3A_533 = arith.addf %get3A_529, %get3A_532 : vector<1x128xf32>
    %get3A_534 = arith.index_cast %get3A_526 : i32 to index
    %get3A_535 = arith.constant 0 : index
    %get3A_536 = vector.load %arg3[%get3A_534, %get3A_535] : memref<10000x128xf32, #tpu.memory_space<vmem>>, vector<1x128xf32>
    %add3A_537 = arith.addf %add3A_533, %get3A_536 : vector<1x128xf32>
    %swap3A_538 = arith.constant 39 : index
    %swap3A_539 = arith.constant 0 : index
    %swap3A_540 = vector.load %arg15[%swap3A_538, %swap3A_539] : memref<40x128xf32, #tpu.memory_space<vmem>>, vector<1x128xf32>
    tpu.vector_store %arg15[%swap3A_538, %swap3A_539], %add3A_537 {strides = array<i32>} : memref<40x128xf32, #tpu.memory_space<vmem>>, vector<1x128xf32>,
    %get3A_541 = arith.constant 0 : index
    %get3A_542 = arith.constant 0 : index
    %get3A_543 = vector.load %arg15[%get3A_541, %get3A_542] : memref<40x128xf32, #tpu.memory_space<vmem>>, vector<40x128xf32>
    %get3A_544 = arith.constant 0 : index
    %get3A_545 = arith.constant 0 : index
    %get3A_546 = vector.load %arg4[%get3A_544, %get3A_545] : memref<128x128xf32, #tpu.memory_space<vmem>>, vector<128x128xf32>
    %dot_general3A = arith.constant dense<0.000000e+00> : vector<40x128xf32>
    %dot_general3A_547 = tpu.matmul %get3A_543, %get3A_546, %dot_general3A {dimension_numbers = #tpu.dot_dimension_numbers<[1], [0], [0], [1], [0, 0, 1, 1], [], []>, transpose_lhs_hint = false} : vector<40x128xf32>, vector<128x128xf32>, vector<40x128xf32> -> vector<40x128xf32>
    %get3A_548 = arith.constant 0 : index
    %get3A_549 = arith.constant 0 : index
    %get3A_550 = vector.load %arg5[%get3A_548, %get3A_549] : memref<1x128xf32, #tpu.memory_space<vmem>>, vector<1x128xf32>
    %add3A_551 = vector.broadcast %get3A_550 : vector<1x128xf32> to vector<40x128xf32>
    %add3A_552 = arith.addf %dot_general3A_547, %add3A_551 : vector<40x128xf32>
    %max3A = arith.constant 0.000000e+00 : f32
    %max3A_553 = vector.broadcast %max3A : f32 to vector<40x128xf32>
    %max3A_554 = arith.maximumf %add3A_552, %max3A_553 : vector<40x128xf32>
    %get3A_555 = arith.constant 0 : index
    %get3A_556 = arith.constant 0 : index
    %get3A_557 = vector.load %arg6[%get3A_555, %get3A_556] : memref<128x128xf32, #tpu.memory_space<vmem>>, vector<128x128xf32>
    %dot_general3A_558 = arith.constant dense<0.000000e+00> : vector<40x128xf32>
    %dot_general3A_559 = tpu.matmul %max3A_554, %get3A_557, %dot_general3A_558 {dimension_numbers = #tpu.dot_dimension_numbers<[1], [0], [0], [1], [0, 0, 1, 1], [], []>, transpose_lhs_hint = false} : vector<40x128xf32>, vector<128x128xf32>, vector<40x128xf32> -> vector<40x128xf32>
    %get3A_560 = arith.constant 0 : index
    %get3A_561 = arith.constant 0 : index
    %get3A_562 = vector.load %arg7[%get3A_560, %get3A_561] : memref<1x128xf32, #tpu.memory_space<vmem>>, vector<1x128xf32>
    %add3A_563 = vector.broadcast %get3A_562 : vector<1x128xf32> to vector<40x128xf32>
    %add3A_564 = arith.addf %dot_general3A_559, %add3A_563 : vector<40x128xf32>
    %slice3A = vector.extract_strided_slice %add3A_564 {offsets = [0, 0], sizes = [1, 128], strides = [1, 1]} : vector<40x128xf32> to vector<1x128xf32>
    %slice3A_565 = vector.extract_strided_slice %add3A_564 {offsets = [1, 0], sizes = [1, 128], strides = [1, 1]} : vector<40x128xf32> to vector<1x128xf32>
    %slice3A_566 = vector.extract_strided_slice %add3A_564 {offsets = [8, 0], sizes = [32, 128], strides = [1, 1]} : vector<40x128xf32> to vector<32x128xf32>
    %get3A_567 = arith.constant 0 : index
    %get3A_568 = arith.constant 0 : index
    %get3A_569 = vector.load %arg8[%get3A_567, %get3A_568] : memref<128x128xf32, #tpu.memory_space<vmem>>, vector<128x128xf32>
    %dot_general3A_570 = arith.constant dense<0.000000e+00> : vector<1x128xf32>
    %dot_general3A_571 = tpu.matmul %slice3A, %get3A_569, %dot_general3A_570 {dimension_numbers = #tpu.dot_dimension_numbers<[1], [0], [0], [1], [0, 0, 1, 1], [], []>, transpose_lhs_hint = false} : vector<1x128xf32>, vector<128x128xf32>, vector<1x128xf32> -> vector<1x128xf32>
    %get3A_572 = arith.constant 0 : index
    %get3A_573 = arith.constant 0 : index
    %get3A_574 = vector.load %arg9[%get3A_572, %get3A_573] : memref<128x128xf32, #tpu.memory_space<vmem>>, vector<128x128xf32>
    %dot_general3A_575 = arith.constant dense<0.000000e+00> : vector<1x128xf32>
    %dot_general3A_576 = tpu.matmul %slice3A_565, %get3A_574, %dot_general3A_575 {dimension_numbers = #tpu.dot_dimension_numbers<[1], [0], [0], [1], [0, 0, 1, 1], [], []>, transpose_lhs_hint = false} : vector<1x128xf32>, vector<128x128xf32>, vector<1x128xf32> -> vector<1x128xf32>
    %add3A_577 = arith.addf %dot_general3A_571, %dot_general3A_576 : vector<1x128xf32>
    %get3A_578 = arith.constant 0 : index
    %get3A_579 = arith.constant 0 : index
    %get3A_580 = vector.load %arg11[%get3A_578, %get3A_579] : memref<1x128xf32, #tpu.memory_space<vmem>>, vector<1x128xf32>
    %add3A_581 = arith.addf %add3A_577, %get3A_580 : vector<1x128xf32>
    %get3A_582 = arith.constant 0 : index
    %get3A_583 = arith.constant 0 : index
    %get3A_584 = vector.load %arg10[%get3A_582, %get3A_583] : memref<128x128xf32, #tpu.memory_space<vmem>>, vector<128x128xf32>
    %dot_general3A_585 = arith.constant dense<0.000000e+00> : vector<32x128xf32>
    %dot_general3A_586 = tpu.matmul %slice3A_566, %get3A_584, %dot_general3A_585 {dimension_numbers = #tpu.dot_dimension_numbers<[1], [0], [0], [1], [0, 0, 1, 1], [], []>, transpose_lhs_hint = false} : vector<32x128xf32>, vector<128x128xf32>, vector<32x128xf32> -> vector<32x128xf32>
    %add3A_587 = vector.broadcast %add3A_581 : vector<1x128xf32> to vector<32x128xf32>
    %add3A_588 = arith.addf %dot_general3A_586, %add3A_587 : vector<32x128xf32>
    %max3A_589 = arith.constant 0.000000e+00 : f32
    %max3A_590 = vector.broadcast %max3A_589 : f32 to vector<32x128xf32>
    %max3A_591 = arith.maximumf %add3A_588, %max3A_590 : vector<32x128xf32>
    %get3A_592 = arith.constant 0 : index
    %get3A_593 = arith.constant 0 : index
    %get3A_594 = vector.load %arg12[%get3A_592, %get3A_593] : memref<1x128xf32, #tpu.memory_space<vmem>>, vector<1x128xf32>
    %mul3A = vector.broadcast %get3A_594 : vector<1x128xf32> to vector<32x128xf32>
    %mul3A_595 = arith.mulf %max3A_591, %mul3A : vector<32x128xf32>
    %reduce_sum3A = arith.constant dense<0.000000e+00> : vector<32xf32>
    %reduce_sum3A_596 = vector.multi_reduction <add>, %mul3A_595, %reduce_sum3A [1] : vector<32x128xf32> to vector<32xf32>
    %broadcast_in_dim3A = vector.shape_cast %reduce_sum3A_596 : vector<32xf32> to vector<32x1xf32>
    %get3A_597 = arith.constant 0 : index
    %get3A_598 = arith.constant 0 : index
    %get3A_599 = vector.load %arg13[%get3A_597, %get3A_598] : memref<1x1xf32, #tpu.memory_space<vmem>>, vector<1x1xf32>
    %get3A_600 = vector.extract %get3A_599[0, 0] : f32 from vector<1x1xf32>
    %add3A_601 = vector.broadcast %get3A_600 : f32 to vector<32x1xf32>
    %add3A_602 = arith.addf %broadcast_in_dim3A, %add3A_601 : vector<32x1xf32>
    %swap3A_603 = arith.constant 0 : index
    %swap3A_604 = arith.constant 0 : index
    %swap3A_605 = vector.load %arg14[%swap3A_603, %swap3A_604] : memref<32x1xf32, #tpu.memory_space<vmem>>, vector<32x1xf32>
    tpu.vector_store %arg14[%swap3A_603, %swap3A_604], %add3A_602 {strides = array<i32>} : memref<32x1xf32, #tpu.memory_space<vmem>>, vector<32x1xf32>,
    return
  }
}

</mosaic_0001>

<sc_bundles>
// kernel: kernel.10.cloned.1.call-start
scs
__scs_entry_jumppad:
0x0: {  	(pc) =	sbr.rel $0x88, $3  }
0x1: {  	(tag) =	ssettag $0x0;
	lr =	simm.s32 $0x1  }
0x2: {  	[smem:$0x3F8B] =	sst lr;
	_ =	strace $0xD0000000  }
0x3: {  	_ = 	snop  }
0x4: {  	_ = 	snop  }
0x5: {  	_ = 	snop  }
0x6: {  	_ = 	snop  }
0x7: {  	_ = 	snop  }
__scs_overlays_trampoline_lowered:
0x8: {  	[smem:$0x3F9A] =	sst s0  }
0x9: {  	[smem:$0x3F9B] =	sst s1  }
0xa: {  	[smem:$0x3F9C] =	sst s2  }
0xb: {  	[smem:$0x3F9D] =	sst s3  }
0xc: {  	[smem:$0x3F9E] =	sst s4  }
0xd: {  	[smem:$0x3F9F] =	sst s5  }
0xe: {  	[smem:$0x3FA0] =	sst s6  }
0xf: {  	[smem:$0x3FA1] =	sst s7  }
0x10: {  	[smem:$0x3FA2] =	sst s8  }
0x11: {  	[smem:$0x3FA3] =	sst s9;
	s0 =	simm.s32 @!p0 $0x0  }
0x12: {  	s1 =	sld [smem:$0x3F89];
	s0 =	simm.s32 @p0 $0x1  }
0x13: {  	[smem:$0x3FA4] =	sst s0;
	s0 =	simm.s32 @!p1 $0x0  }
0x14: {  	s2 =	sld [smem:$0x3F88];
	s0 =	simm.s32 @p1 $0x1  }
0x15: {  	[smem:$0x3FA5] =	sst s0;
	s0 =	simm.s32 @!p2 $0x0  }
0x16: {  	s3 =	sld [smem:$0x3FDB];
	s0 =	simm.s32 @p2 $0x1  }
0x17: {  	s4 =	simm.s32 $0x1BF5;
	[smem:$0x3FA7] =	sst s0  }
0x18: {  	s0 =	sld [smem:$0x3F8A];
	_ =	swait.ge [sflag:s4], $0x0  }
0x19: {  	s7 =	sld [smem:$0x3F8B]  }
0x1a: {  	s8 =	sadd.s32 $0xFFFFE003, lr  }
0x1b: {  	s9 =	sadd.s32 $0xFFFFFEF7, lr;
	s5 =	simm.s32 $0xFFFFFFFF;
	p2 =	slt.u32 s8, $0xFFFFF086  }
0x1c: {  	p1 =	slt.u32 s9, $0xF7A;
	s5 =	simm.s32 @!p2 $0x0  }
0x1d: {  	s5 =	simm.s32 @p1 $0x1;
	p0 =	seq.s32 s7, s2  }
0x1e: {  	s7 =	smul.u32 @!p0 $0xF7A, s2;
	p2 =	seq.s32 @!p0 s5, $0x0  }
0x1f: {  	s9 =	smul.u32 $0xF7A, s1;
	s8 =	simm.s32 @!p0 $0x1BF5;
	p2 =	por !p2, p0  }
0x20: {  	[sflag:s8] =	ssyncset.s32 @!p0 $0xFFFFF086;
	s6 =	sadd.s32 @!p0 s3, s7;
	s7 =	simm.s32 @!p0 $0x108  }
0x21: {  	s3 =	sadd.s32 s3, s9;
	s6 =	sadd.s32 @!p0 $0x88, s6;
	s7 =	simm.s32 @p2 $0x1082  }
0x22: {  	[simem:s7], [sflag:s8] =	dma.local @!p0 [hbm:s6], $0xF7A  }
0x23: {  	s9 =	sor.u32 $0xD0000000, s2;
	s6 =	simm.s32 $0x108;
	_ =	swait.ge @!p0 [sflag:s8], $0x0  }
0x24: {  	s3 =	sadd.s32 $0x88, s3;
	s6 =	simm.s32 @!p1 $0x1082;
	[sflag:s4] =	ssyncset.s32 $0xFFFFF086  }
0x25: {  	[simem:s6], [sflag:s4] =	dma.local [hbm:s3], $0xF7A  }
0x26: {  	[smem:$0x3F8B] =	sst s1;
	(tag) =	ssettag s2;
	_ =	strace s9  }
0x27: {  	s1 =	sld [smem:$0x3F9B]  }
0x28: {  	s2 =	sld [smem:$0x3F9C]  }
0x29: {  	s4 =	sld [smem:$0x3F9E]  }
0x2a: {  	p0 =	seq.s32 s5, $0x0;
	s5 =	sld [smem:$0x3F9F]  }
0x2b: {  	s6 =	sld [smem:$0x3FA0]  }
0x2c: {  	s7 =	sld [smem:$0x3FA1]  }
0x2d: {  	s3 =	simm.s32 $0x108;
	s8 =	sld [smem:$0x3FA2]  }
0x2e: {  	s3 =	simm.s32 @!p0 $0x1082;
	s9 =	sld [smem:$0x3FA3]  }
0x2f: {  	lr =	sadd.s32 s0, s3;
	s0 =	sld [smem:$0x3F9A]  }
0x30: {  	s3 =	sld [smem:$0x3F9D]  }
0x31: {  	[smem:$0x3FA6] =	sst s10  }
0x32: {  	s10 =	sld [smem:$0x3FA4];
	_ =	sdelay $0x3  }
0x33: {  	p0 =	seq.s32 s10, $0x1;
	s10 =	sld [smem:$0x3FA6];
	_ =	sdelay $0x3  }
0x34: {  	[smem:$0x3FA6] =	sst s10  }
0x35: {  	s10 =	sld [smem:$0x3FA5];
	_ =	sdelay $0x3  }
0x36: {  	p1 =	seq.s32 s10, $0x1;
	s10 =	sld [smem:$0x3FA6];
	_ =	sdelay $0x3  }
0x37: {  	[smem:$0x3FA6] =	sst s10  }
0x38: {  	s10 =	sld [smem:$0x3FA7]  }
0x39: {  	_ = 	snop;
	(pc) =	sbr.ind lr, $3  }
0x3a: {  	_ = 	snop  }
0x3b: {  	_ = 	snop  }
0x3c: {  	p2 =	seq.s32 s10, $0x1;
	s10 =	sld [smem:$0x3FA6]  }
0x3d: {  	_ =	shalt  }
0x3e: {  	_ =	shalt  }
0x3f: {  	_ =	shalt  }
0x40: {  	_ =	shalt  }
0x41: {  	_ =	shalt  }
0x42: {  	_ =	shalt  }
0x43: {  	_ =	shalt  }
0x44: {  	_ =	shalt  }
0x45: {  	_ =	shalt  }
0x46: {  	_ =	shalt  }
0x47: {  	_ =	shalt  }
0x48: {  	_ =	shalt  }
0x49: {  	_ =	shalt  }
0x4a: {  	_ =	shalt  }
0x4b: {  	_ =	shalt  }
0x4c: {  	_ =	shalt  }
0x4d: {  	_ =	shalt  }
0x4e: {  	_ =	shalt  }
0x4f: {  	_ =	shalt  }
0x50: {  	_ =	shalt  }
0x51: {  	_ =	shalt  }
0x52: {  	_ =	shalt  }
0x53: {  	_ =	shalt  }
0x54: {  	_ =	shalt  }
0x55: {  	_ =	shalt  }
0x56: {  	_ =	shalt  }
0x57: {  	_ =	shalt  }
0x58: {  	_ =	shalt  }
0x59: {  	_ =	shalt  }
0x5a: {  	_ =	shalt  }
0x5b: {  	_ =	shalt  }
0x5c: {  	_ =	shalt  }
0x5d: {  	_ =	shalt  }
0x5e: {  	_ =	shalt  }
0x5f: {  	_ =	shalt  }
0x60: {  	_ =	shalt  }
0x61: {  	_ =	shalt  }
0x62: {  	_ =	shalt  }
0x63: {  	_ =	shalt  }
0x64: {  	_ =	shalt  }
0x65: {  	_ =	shalt  }
0x66: {  	_ =	shalt  }
0x67: {  	_ =	shalt  }
0x68: {  	_ =	shalt  }
0x69: {  	_ =	shalt  }
0x6a: {  	_ =	shalt  }
0x6b: {  	_ =	shalt  }
0x6c: {  	_ =	shalt  }
0x6d: {  	_ =	shalt  }
0x6e: {  	_ =	shalt  }
0x6f: {  	_ =	shalt  }
0x70: {  	_ =	shalt  }
0x71: {  	_ =	shalt  }
0x72: {  	_ =	shalt  }
0x73: {  	_ =	shalt  }
0x74: {  	_ =	shalt  }
0x75: {  	_ =	shalt  }
0x76: {  	_ =	shalt  }
0x77: {  	_ =	shalt  }
0x78: {  	_ =	shalt  }
0x79: {  	_ =	shalt  }
0x7a: {  	_ =	shalt  }
0x7b: {  	_ =	shalt  }
0x7c: {  	_ =	shalt  }
0x7d: {  	_ =	shalt  }
0x7e: {  	_ =	shalt  }
0x7f: {  	_ =	shalt  }
0x80: {  	_ =	shalt  }
0x81: {  	_ =	shalt  }
0x82: {  	_ =	shalt  }
0x83: {  	_ =	shalt  }
0x84: {  	_ =	shalt  }
0x85: {  	_ =	shalt  }
0x86: {  	_ =	shalt  }
0x87: {  	_ =	shalt  }
.Lfunc_end0:
.L_simem_size_0:
called_computation_lowered:
.L_overlay_start_0:
0x88: {  	s2 =	sld [smem:$0x3FD9]  }
0x89: {  	s3 =	sld [smem:$0x3FFE];
	_ =	sdelay $0x1  }
0x8a: {  	s1 =	srdreg.scid  }
0x8b: {  	s0 =	sand.u32 $0x1, s1  }
0x8c: {  	s16 =	sshll.u32 s0, $0xA;
	s2 =	sadd.s32 s3, s2  }
0x8d: {  	s2 =	sadd.s32 s2, s16  }
0x8e: {  	[smem:$0x3FB2] =	sst s2  }
0x8f: {  	_ = 	snop  }
0x90: {  	(tm) =	ssettm $0x1  }
0x91: {  	s17 =	sld [smem:$0x3FFB];
	_ =	sdelay $0x3  }
0x92: {  	_ =	strace s17  }
0x93: {  	s2 =	sld [smem:$0x3FFC];
	_ =	sdelay $0x3  }
0x94: {  	_ =	strace s2  }
0x95: {  	s2 =	sld [smem:$0x3FFD];
	_ =	sdelay $0x3  }
0x96: {  	_ =	strace s2  }
0x97: {  	_ =	strace $0x8FFFFFFF  }
0x98: {  	s18 =	sld [smem:$0x3FDB];
	_ =	sdelay $0x1  }
0x99: {  	s19 =	simm.s32 $_scs_section_size  }
0x9a: {  	s4 =	simm.s32 $_size__tile_overlayer_lowered;
	s5 =	simm.s32 $_tile_overlayer_lowered  }
0x9b: {  	s22 =	simm.s32 $0x1BFF;
	s21 =	sshll.u32 s5, $0x1;
	s2 =	sadd.s32 s19, s18  }
0x9c: {  	s6 =	simm.s32 $0x0;
	s20 =	sshll.u32 s4, $0x1;
	s4 =	sadd.s32 s21, s2  }
0x9d: {  	[timem:s6], [sflag:s22] =	dma.local [hbm:s4], s20  }
0x9e: {  	_ =	swait.ge [sflag:s22], s20  }
0x9f: {  	s3 =	ssub.s32 $0x0, s20;
	[sflag:s22] =	ssyncset.done $0x0  }
0xa0: {  	[sflag:s22] =	ssyncadd.s32 s3;
	_ =	sdelay $0x1  }
0xa1: {  	s23 =	simm.s32 $0x1B8B  }
0xa2: {  	_ =	swait.ge [sflag:s23], $0x1  }
0xa3: {  	[sflag:s23] =	ssyncset.done $0x0  }
0xa4: {  	s25 =	simm.s32 $0x1B8E;
	s24 =	sld [smem:$0x3FFE];
	[sflag:s23] =	ssyncadd.s32 $0xFFFFFFFF  }
0xa5: {  	s26 =	simm.s32 $execute0_lowered;
	[smem:$0x3FD2] =	sst s25  }
0xa6: {  	s4 =	sshll.u32 s26, $0x1;
	_ =	strace $0x80000046;
	[dreg:$0x1] =	wrdreg $0xFFFFFFFF  }
0xa7: {  	s28 =	simm.s32 $_size_execute0_lowered;
	s2 =	sadd.s32 s2, s4;
	[dreg:$0x0] =	wrdreg $0x0  }
0xa8: {  	s4 =	sshll.u32 s28, $0x1;
	[dreg:$0x2] =	wrdreg s2  }
0xa9: {  	[dreg:$0x3] =	wrdreg s4  }
0xaa: {  	[dreg:$0x4] =	wrdreg $0xC0  }
0xab: {  	_ =	task [dreg:s6], $0x5FFFF  }
0xac: {  	[dreg:$0x1] =	wrdreg $0xFFFFFFFF  }
0xad: {  	[dreg:$0x0] =	wrdreg $0x60  }
0xae: {  	[dreg:$0x2] =	wrdreg s24  }
0xaf: {  	[dreg:$0x3] =	wrdreg $0xC2000  }
0xb0: {  	[dreg:$0x4] =	wrdreg $0x9  }
0xb1: {  	_ =	task.clear_ibuf [dreg:s6], $0x5FFFF;
	_ =	strace $0x90000046  }
0xb2: {  	s29 =	simm.s32 $0x9;
	_ =	strace $0x80000048  }
0xb3: {  	_ =	swait.ge [sflag:s29], $0x1  }
0xb4: {  	[sflag:s29] =	ssyncadd.s32 $0xFFFFFFFF  }
0xb5: {  	_ =	strace $0x90000048  }
0xb6: {  	_ =	sfence  }
0xb7: {  	s30 =	sld [smem:$0x0];
	_ =	sdelay $0x2  }
0xb8: {  	s31 =	sshll.u32 s1, $0xD;
	s1 =	sshrl.u32 s1, $0x2  }
0xb9: {  	s3 =	sand.u32 $0x4000, s31;
	s1 =	sadd.s32 s1, s30  }
0xba: {  	s0 =	sor.u32 s3, s0;
	s1 =	sshll.u32 s1, $0x11  }
0xbb: {  	s0 =	sor.u32 s1, s0  }
0xbc: {  	s0 =	sadd.s32 $0x8F2B, s0  }
0xbd: {  	[sflag:s0] =	ssyncadd.remote.s32 $0x1  }
0xbe: {  	_ =	sfence.sel $0xFFFF  }
0xbf: {  	[dreg:$0x0] =	wrdreg $0xFFFFFFFF;
	(pc) =	sbr.abs _section_cstart, $3  }
0xc0: {  	[dreg:$0x1] =	wrdreg $0xFFFFFFFF  }
0xc1: {  	_ =	task.clear_ibuf [dreg:s6], $0x2FFFF;
	_ =	strace $0x9FFFFFFF  }
0xc2: {  	(tm) =	ssettm $0x7FFFFFFF  }
0xc3: {  	_ =	shalt  }
tec
execute0_lowered:
.L_overlay_start_1:
0x0: {  	(tag) =	ssettag $0x1  }
0x1: {  	s0 =	rddreg [dreg:$0x0]  }
0x2: {  	s2 =	rddreg [dreg:$0x1]  }
0x3: {  	s3 =	simm.s32 $0x0;
	s1 =	srdreg.scid;
	s10 =	stileid.u32  }
0x4: {  	s29 =	simm.s32 $0x200;
	s30 =	simm.s32 $0x7;
	[smem:$0x7FF] =	sst s3  }
0x5: {  	s1 =	sand.u32 $0x1, s1;
	s7 =	smul.u32 $0x278, s10;
	s4 =	sadd.s32 $0x4EFA00, s0  }
0x6: {  	s5 =	sadd.s32 $0xB2A200, s0;
	s9 =	smul.u32 $0x4F000, s10;
	s10 =	sshll.u32 s10, $0x1  }
0x7: {  	s8 =	smul.u32 $0x2780, s1;
	s11 =	ssub.s32 $0x2, s1;
	s1 =	sor.u32 s1, s10  }
0x8: {  	s6 =	sadd.s32 $0x3A00, s0;
	s9 =	sshrl.u32 s9, $0x2;
	s12 =	smul.u32 $0x27C0, s1  }
0x9: {  	_ =	strace $0x80000047;
	s1 =	smul.u32 $0x27C00, s1;
	s26 =	sadd.s32 s9, s2  }
0xa: {  	s14 =	sshrl.u32 s11, $0x1;
	s13 =	sadd.s32 $0xC000, s26;
	[dreg:$0x3] =	wrdreg s26  }
0xb: {  	s15 =	ssub.s32 s11, s14;
	s1 =	sadd.s32 s5, s1;
	[dreg:$0x7] =	wrdreg s13  }
0xc: {  	s8 =	sadd.s32 s7, s8;
	s25 =	smax.u32 s15, $0x1;
	[dreg:$0xa] =	wrdreg s1  }
0xd: {  	s7 =	sadd.s32 $0x628200, s0;
	s10 =	sadd.s32 $0x3000, s26;
	[dreg:$0x12] =	wrdreg s25  }
0xe: {  	s8 =	sshll.u32 s8, $0x4;
	s11 =	sadd.s32 $0x6000, s26;
	[dreg:$0x4] =	wrdreg s10  }
0xf: {  	s17 =	sshrl.u32 s12, $0x3;
	s28 =	sadd.s32 $0x9000, s26;
	[dreg:$0x5] =	wrdreg s11  }
0x10: {  	s16 =	sadd.s32 $0x60, s12;
	s18 =	sadd.s32 s6, s17;
	[dreg:$0x6] =	wrdreg s28  }
0x11: {  	s0 =	sadd.s32 s8, s0;
	s9 =	sadd.s32 s7, s17;
	[dreg:$0x8] =	wrdreg s18  }
0x12: {  	s17 =	sadd.s32 $0xC0, s12;
	s12 =	sadd.s32 $0x12000, s26;
	[dreg:$0x9] =	wrdreg s9  }
0x13: {  	s31 =	simm.s32 $0x100;
	s19 =	sadd.s32 $0xDA00, s0;
	[dreg:$0x14] =	wrdreg s12  }
0x14: {  	s14 =	simm.s32 $0x80;
	s20 =	sadd.s32 $0xE000, s0;
	[dreg:$0xb] =	wrdreg s19  }
0x15: {  	s15 =	simm.s32 $0x180;
	s21 =	sadd.s32 $0xE600, s0;
	[dreg:$0xc] =	wrdreg s20  }
0x16: {  	s1 =	simm.s32 $0x60;
	s22 =	sadd.s32 $0xEC00, s0;
	[dreg:$0xd] =	wrdreg s21  }
0x17: {  	s13 =	simm.s32 $0x6200;
	s23 =	sadd.s32 $0xF200, s0;
	[dreg:$0xe] =	wrdreg s22  }
0x18: {  	s25 =	simm.s32 $0x0;
	s24 =	sadd.s32 $0xF800, s0;
	[dreg:$0xf] =	wrdreg s23  }
0x19: {  	s0 =	sadd.s32 $0xFE00, s0;
	s9 =	sadd.s32 $0xF000, s26;
	[dreg:$0x10] =	wrdreg s24  }
0x1a: {  	s18 =	simm.s32 $0x1;
	[dreg:$0x11] =	wrdreg s0;
	s19 =	simm.s32 $0x3  }
0x1b: {  	s20 =	simm.s32 $0x6;
	s21 =	simm.s32 $0x3200;
	s22 =	simm.s32 $0x9200  }
0x1c: {  	v0 =	vimm.f32 $0.0e+00;
	s23 =	simm.s32 $0x2;
	s24 =	simm.s32 $0x4;
	[dreg:$0x13] =	wrdreg s9  }
.LBB2_1:
0x1d: {  	s0 =	simm.s32 $0x300  }
0x1e: {  	[tilespmem:s0+$0xFFFFFF00] =	vst v0  }
0x1f: {  	[tilespmem:s0+$0xF0] =	vst v0  }
0x20: {  	[tilespmem:s0+$0xE0] =	vst v0  }
0x21: {  	[tilespmem:s0+$0xD0] =	vst v0  }
0x22: {  	[tilespmem:s0+$0xC0] =	vst v0  }
0x23: {  	[tilespmem:s0+$0xB0] =	vst v0  }
0x24: {  	[tilespmem:s0+$0xA0] =	vst v0  }
0x25: {  	[tilespmem:s0+$0x90] =	vst v0  }
0x26: {  	[tilespmem:s0+$0x80] =	vst v0  }
0x27: {  	[tilespmem:s0+$0x70] =	vst v0  }
0x28: {  	[tilespmem:s0+$0x60] =	vst v0  }
0x29: {  	[tilespmem:s0+$0x50] =	vst v0  }
0x2a: {  	[tilespmem:s0+$0x40] =	vst v0  }
0x2b: {  	[tilespmem:s0+$0x30] =	vst v0  }
0x2c: {  	[tilespmem:s0+$0x20] =	vst v0  }
0x2d: {  	[tilespmem:s0+$0x10] =	vst v0  }
0x2e: {  	[tilespmem:s0+$0x0] =	vst v0  }
0x2f: {  	[tilespmem:s0+$0xFFFFFFF0] =	vst v0  }
0x30: {  	[tilespmem:s0+$0xFFFFFFE0] =	vst v0  }
0x31: {  	[tilespmem:s0+$0xFFFFFFD0] =	vst v0  }
0x32: {  	[tilespmem:s0+$0xFFFFFFC0] =	vst v0  }
0x33: {  	[tilespmem:s0+$0xFFFFFFB0] =	vst v0  }
0x34: {  	[tilespmem:s0+$0xFFFFFFA0] =	vst v0  }
0x35: {  	[tilespmem:s0+$0xFFFFFF90] =	vst v0  }
0x36: {  	[tilespmem:s0+$0xFFFFFF80] =	vst v0  }
0x37: {  	[tilespmem:s0+$0xFFFFFF70] =	vst v0  }
0x38: {  	[tilespmem:s0+$0xFFFFFF60] =	vst v0  }
0x39: {  	[tilespmem:s0+$0xFFFFFF50] =	vst v0  }
0x3a: {  	[tilespmem:s0+$0xFFFFFF40] =	vst v0  }
0x3b: {  	[tilespmem:s0+$0xFFFFFF30] =	vst v0  }
0x3c: {  	s8 =	simm.s32 $0x0;
	[tilespmem:s0+$0xFFFFFF20] =	vst v0  }
.LBB2_2:
0x3d: {  	s8 =	sadd.s32 $0x4, s8;
	[tilespmem:s0+$0xFFFFFF10] =	vst v0;
	s0 =	sadd.s32 $0x200, s0  }
0x3e: {  	[tilespmem:s0+$0xFFFFFF00] =	vst v0;
	p0 =	slt.u32 s8, $0x5C  }
0x3f: {  	[tilespmem:s0+$0xF0] =	vst v0  }
0x40: {  	[tilespmem:s0+$0xE0] =	vst v0  }
0x41: {  	[tilespmem:s0+$0xD0] =	vst v0  }
0x42: {  	[tilespmem:s0+$0xC0] =	vst v0  }
0x43: {  	[tilespmem:s0+$0xB0] =	vst v0  }
0x44: {  	[tilespmem:s0+$0xA0] =	vst v0  }
0x45: {  	[tilespmem:s0+$0x90] =	vst v0  }
0x46: {  	[tilespmem:s0+$0x80] =	vst v0  }
0x47: {  	[tilespmem:s0+$0x70] =	vst v0  }
0x48: {  	[tilespmem:s0+$0x60] =	vst v0  }
0x49: {  	[tilespmem:s0+$0x50] =	vst v0  }
0x4a: {  	[tilespmem:s0+$0x40] =	vst v0  }
0x4b: {  	[tilespmem:s0+$0x30] =	vst v0  }
0x4c: {  	[tilespmem:s0+$0x20] =	vst v0  }
0x4d: {  	[tilespmem:s0+$0x10] =	vst v0  }
0x4e: {  	[tilespmem:s0+$0x0] =	vst v0  }
0x4f: {  	[tilespmem:s0+$0xFFFFFFF0] =	vst v0  }
0x50: {  	[tilespmem:s0+$0xFFFFFFE0] =	vst v0  }
0x51: {  	[tilespmem:s0+$0xFFFFFFD0] =	vst v0  }
0x52: {  	[tilespmem:s0+$0xFFFFFFC0] =	vst v0  }
0x53: {  	[tilespmem:s0+$0xFFFFFFB0] =	vst v0  }
0x54: {  	[tilespmem:s0+$0xFFFFFFA0] =	vst v0  }
0x55: {  	[tilespmem:s0+$0xFFFFFF90] =	vst v0  }
0x56: {  	[tilespmem:s0+$0xFFFFFF80] =	vst v0  }
0x57: {  	[tilespmem:s0+$0xFFFFFF70] =	vst v0  }
.Ltmp0:
0x58: {  	[tilespmem:s0+$0xFFFFFF60] =	vst v0;
	(pc) =	sbr.rel @p0 .LBB2_2-.Ltmp0, $4  }
0x59: {  	[tilespmem:s0+$0xFFFFFF50] =	vst v0  }
0x5a: {  	[tilespmem:s0+$0xFFFFFF40] =	vst v0  }
0x5b: {  	[tilespmem:s0+$0xFFFFFF30] =	vst v0  }
0x5c: {  	[tilespmem:s0+$0xFFFFFF20] =	vst v0  }
0x5d: {  	[tilespmem:s0+$0xFFFFFF10] =	vst v0  }
0x5e: {  	[spmem:s26] =	stream.linear.scatter [tilespmem:s29], [sflag:$0x7], $0x3000, $0x38;
	[tilespmem:$0x1FE00] =	vst v63  }
0x5f: {  	_ =	swait.ge [sflag:s30], $0x3000  }
0x60: {  	[sflag:s30] =	ssyncset.done $0x0  }
0x61: {  	[sflag:s30] =	ssyncadd.s32 $0xFFFFD000  }
0x62: {  	[spmem:s10] =	stream.linear.scatter [tilespmem:s29], [sflag:$0x7], $0x3000, $0x38;
	[tilespmem:$0x1FE00] =	vst v63  }
0x63: {  	_ =	swait.ge [sflag:s30], $0x3000  }
0x64: {  	[sflag:s30] =	ssyncset.done $0x0  }
0x65: {  	[sflag:s30] =	ssyncadd.s32 $0xFFFFD000  }
0x66: {  	[spmem:s11] =	stream.linear.scatter [tilespmem:s29], [sflag:$0x7], $0x3000, $0x38;
	[tilespmem:$0x1FE00] =	vst v63  }
0x67: {  	_ =	swait.ge [sflag:s30], $0x3000  }
0x68: {  	[sflag:s30] =	ssyncset.done $0x0  }
0x69: {  	[sflag:s30] =	ssyncadd.s32 $0xFFFFD000  }
0x6a: {  	[spmem:s28] =	stream.linear.scatter [tilespmem:s29], [sflag:$0x7], $0x3000, $0x38;
	[tilespmem:$0x1FE00] =	vst v63  }
0x6b: {  	_ =	swait.ge [sflag:s30], $0x3000  }
0x6c: {  	[sflag:s30] =	ssyncset.done $0x0  }
0x6d: {  	s10 =	rddreg [dreg:$0x7];
	[sflag:s30] =	ssyncadd.s32 $0xFFFFD000  }
0x6e: {  	[spmem:s10] =	stream.linear.scatter [tilespmem:s29], [sflag:$0x7], $0x3000, $0x38;
	[tilespmem:$0x1FE00] =	vst v63  }
0x6f: {  	_ =	swait.ge [sflag:s30], $0x3000  }
0x70: {  	[sflag:s30] =	ssyncset.done $0x0  }
0x71: {  	[sflag:s30] =	ssyncadd.s32 $0xFFFFD000  }
0x72: {  	[spmem:s9] =	stream.linear.scatter [tilespmem:s29], [sflag:$0x7], $0x3000, $0x38;
	[tilespmem:$0x1FE00] =	vst v63  }
0x73: {  	_ =	swait.ge [sflag:s30], $0x3000  }
0x74: {  	[sflag:s30] =	ssyncset.done $0x0  }
0x75: {  	[sflag:s30] =	ssyncadd.s32 $0xFFFFD000  }
0x76: {  	[spmem:s12] =	stream.linear.scatter [tilespmem:s29], [sflag:$0x7], $0x1C00, $0x38;
	[tilespmem:$0x1FE00] =	vst v63  }
0x77: {  	_ =	swait.ge [sflag:s30], $0x1C00  }
0x78: {  	[sflag:s30] =	ssyncset.done $0x0  }
0x79: {  	[sflag:s30] =	ssyncadd.s32 $0xFFFFE400  }
0x7a: {  	[bflag:$0x0] =	sbarrier.arrive $0xFFFF  }
0x7b: {  	s9 =	simm.s32 $0x0;
	s11 =	rddreg [dreg:$0x8]  }
0x7c: {  	[tilespmem:s9], [sflag:$0x5] =	stream.linear.gather [hbm4b:s11+s9], $0x60, $0x38;
	[tilespmem:$0x1FE00] =	vst v63  }
0x7d: {  	s26 =	simm.s32 $0x5;
	s12 =	rddreg [dreg:$0x9]  }
0x7e: {  	[tilespmem:s31], [sflag:$0x5] =	stream.linear.gather [hbm4b:s12+s9], $0x60, $0x38;
	[tilespmem:$0x1FE00] =	vst v63  }
0x7f: {  	_ =	swait.ge [sflag:s26], $0x60  }
0x80: {  	[sflag:s26] =	ssyncset.done $0x0  }
0x81: {  	[sflag:s26] =	ssyncadd.s32 $0xFFFFFFA0  }
0x82: {  	_ =	swait.ge [sflag:s26], $0x60  }
0x83: {  	[sflag:s26] =	ssyncset.done $0x0  }
0x84: {  	s28 =	rddreg [dreg:$0xa];
	[sflag:s26] =	ssyncadd.s32 $0xFFFFFFA0  }
0x85: {  	[tilespmem:s29], [sflag:$0x1] =	stream.linear.gather [hbm4b:s28+s9], $0x3000, $0x38;
	[tilespmem:$0x1FE00] =	vst v63  }
0x86: {  	_ = 	snop  }
0x87: {  	[tilespmem:s13], [sflag:$0x3] =	stream.indirect.gather [hbm4b:s4+s1], $0x80, s9, s1, $0xb8;
	[tilespmem:$0x1FE00] =	vst v63  }
.LBB2_4:
0x88: {  	s10 =	smul.u32 $0xC0, s9;
	_ =	sdelay $0x1  }
0x89: {  	s11 =	sadd.s32 s10, s16  }
0x8a: {  	s0 =	sshrl.u32 s11, $0x3  }
0x8b: {  	s8 =	sadd.s32 s6, s0  }
0x8c: {  	[tilespmem:s14], [sflag:$0x6] =	stream.linear.gather [hbm4b:s8+s3], $0x60, $0x38;
	[tilespmem:$0x1FE00] =	vst v63  }
0x8d: {  	s0 =	sadd.s32 s7, s0  }
0x8e: {  	[tilespmem:s15], [sflag:$0x6] =	stream.linear.gather [hbm4b:s0+s3], $0x60, $0x38;
	[tilespmem:$0x1FE00] =	vst v63  }
0x8f: {  	_ =	swait.ge [sflag:s18], $0x3000  }
0x90: {  	[sflag:s18] =	ssyncset.done $0x0  }
0x91: {  	[sflag:s18] =	ssyncadd.s32 $0xFFFFD000  }
0x92: {  	_ =	swait.ge [sflag:s19], $0x3000  }
0x93: {  	[sflag:s19] =	ssyncset.done $0x0  }
0x94: {  	s12 =	simm.s32 $0x300;
	[sflag:s19] =	ssyncadd.s32 $0xFFFFD000  }
0x95: {  	s26 =	simm.s32 $0x6300;
	v1 =	vld [tilespmem:s12+$0x80]  }
0x96: {  	v2 =	vld [tilespmem:s26+$0x80]  }
0x97: {  	v3 =	vld [tilespmem:s26+$0xFFFFFF00]  }
0x98: {  	v4 =	vld [tilespmem:s12+$0xFFFFFF80]  }
0x99: {  	v5 =	vld [tilespmem:s26+$0xFFFFFF80]  }
0x9a: {  	v6 =	vld [tilespmem:s26+$0x0]  }
0x9b: {  	v1 =	vadd.f32 v2, v1;
	v2 =	vld [tilespmem:s12+$0x0]  }
0x9c: {  	v7 =	vld [tilespmem:s12+$0xFFFFFF00]  }
0x9d: {  	v1 =	vmax.f32 v1, $0.0e+00  }
0x9e: {  	v4 =	vadd.f32 v5, v4;
	[tilespmem:s12+$0x80] =	vst v1;
	v1 =	vld [tilespmem:s12+$0x90]  }
0x9f: {  	v8 =	vld [tilespmem:s26+$0x90]  }
0xa0: {  	v9 =	vld [tilespmem:s12+$0xFFFFFF90];
	v4 =	vmax.f32 v4, $0.0e+00;
	v2 =	vadd.f32 v6, v2  }
0xa1: {  	v5 =	vld [tilespmem:s12+$0xFFFFFF10];
	v3 =	vadd.f32 v3, v7;
	[tilespmem:s12+$0xFFFFFF80] =	vst v4  }
0xa2: {  	v6 =	vld [tilespmem:s26+$0xFFFFFF90];
	v2 =	vmax.f32 v2, $0.0e+00  }
0xa3: {  	v3 =	vmax.f32 v3, $0.0e+00;
	v4 =	vld [tilespmem:s12+$0x10];
	[tilespmem:s12+$0x0] =	vst v2  }
0xa4: {  	[tilespmem:s12+$0xFFFFFF00] =	vst v3;
	v1 =	vadd.f32 v8, v1;
	v2 =	vld [tilespmem:s26+$0x10]  }
0xa5: {  	v3 =	vld [tilespmem:s26+$0xFFFFFF10]  }
0xa6: {  	v1 =	vmax.f32 v1, $0.0e+00  }
0xa7: {  	v6 =	vadd.f32 v6, v9;
	[tilespmem:s12+$0x90] =	vst v1;
	v1 =	vld [tilespmem:s12+$0xA0]  }
0xa8: {  	v8 =	vld [tilespmem:s26+$0xA0]  }
0xa9: {  	v7 =	vld [tilespmem:s12+$0xFFFFFF20];
	v6 =	vmax.f32 v6, $0.0e+00;
	v2 =	vadd.f32 v2, v4  }
0xaa: {  	v3 =	vadd.f32 v3, v5;
	v9 =	vld [tilespmem:s12+$0xFFFFFFA0];
	[tilespmem:s12+$0xFFFFFF90] =	vst v6  }
0xab: {  	v5 =	vld [tilespmem:s26+$0xFFFFFFA0];
	v2 =	vmax.f32 v2, $0.0e+00  }
0xac: {  	v3 =	vmax.f32 v3, $0.0e+00;
	v4 =	vld [tilespmem:s12+$0x20];
	[tilespmem:s12+$0x10] =	vst v2  }
0xad: {  	[tilespmem:s12+$0xFFFFFF10] =	vst v3;
	v1 =	vadd.f32 v8, v1;
	v2 =	vld [tilespmem:s26+$0x20]  }
0xae: {  	v3 =	vld [tilespmem:s26+$0xFFFFFF20]  }
0xaf: {  	v1 =	vmax.f32 v1, $0.0e+00  }
0xb0: {  	v5 =	vadd.f32 v5, v9;
	[tilespmem:s12+$0xA0] =	vst v1;
	v1 =	vld [tilespmem:s12+$0xB0]  }
0xb1: {  	v8 =	vld [tilespmem:s26+$0xB0]  }
0xb2: {  	v10 =	vld [tilespmem:s12+$0x30];
	v5 =	vmax.f32 v5, $0.0e+00;
	v2 =	vadd.f32 v2, v4  }
0xb3: {  	v3 =	vadd.f32 v3, v7;
	v9 =	vld [tilespmem:s12+$0xFFFFFFB0];
	[tilespmem:s12+$0xFFFFFFA0] =	vst v5  }
0xb4: {  	v4 =	vld [tilespmem:s26+$0xFFFFFFB0];
	v2 =	vmax.f32 v2, $0.0e+00  }
0xb5: {  	v6 =	vld [tilespmem:s12+$0xFFFFFF30];
	[tilespmem:s12+$0x20] =	vst v2;
	v2 =	vmax.f32 v3, $0.0e+00  }
0xb6: {  	v1 =	vadd.f32 v8, v1;
	[tilespmem:s12+$0xFFFFFF20] =	vst v2;
	v2 =	vld [tilespmem:s26+$0x30]  }
0xb7: {  	v7 =	vld [tilespmem:s26+$0xFFFFFF30]  }
0xb8: {  	v11 =	vld [tilespmem:s12+$0xFFFFFF40];
	v1 =	vmax.f32 v1, $0.0e+00  }
0xb9: {  	v4 =	vadd.f32 v4, v9;
	[tilespmem:s12+$0xB0] =	vst v1;
	v1 =	vld [tilespmem:s12+$0xC0]  }
0xba: {  	v8 =	vld [tilespmem:s26+$0xC0]  }
0xbb: {  	v12 =	vld [tilespmem:s12+$0xFFFFFFD0];
	v4 =	vmax.f32 v4, $0.0e+00;
	v2 =	vadd.f32 v2, v10  }
0xbc: {  	v5 =	vld [tilespmem:s12+$0xFFFFFFC0];
	[tilespmem:s12+$0xFFFFFFB0] =	vst v4;
	v6 =	vadd.f32 v7, v6  }
0xbd: {  	v7 =	vld [tilespmem:s26+$0xFFFFFFC0];
	v2 =	vmax.f32 v2, $0.0e+00  }
0xbe: {  	v3 =	vld [tilespmem:s12+$0x40];
	[tilespmem:s12+$0x30] =	vst v2;
	v2 =	vmax.f32 v6, $0.0e+00  }
0xbf: {  	v1 =	vadd.f32 v8, v1;
	v6 =	vld [tilespmem:s26+$0x40];
	[tilespmem:s12+$0xFFFFFF30] =	vst v2  }
0xc0: {  	v2 =	vld [tilespmem:s26+$0xFFFFFF40]  }
0xc1: {  	v9 =	vld [tilespmem:s12+$0xFFFFFF50];
	v1 =	vmax.f32 v1, $0.0e+00  }
0xc2: {  	[tilespmem:s12+$0xC0] =	vst v1;
	v1 =	vadd.f32 v7, v5;
	v7 =	vld [tilespmem:s12+$0xD0]  }
0xc3: {  	v8 =	vld [tilespmem:s26+$0xD0]  }
0xc4: {  	v4 =	vld [tilespmem:s12+$0xFFFFFF60];
	v1 =	vmax.f32 v1, $0.0e+00;
	v3 =	vadd.f32 v6, v3  }
0xc5: {  	v10 =	vld [tilespmem:s12+$0x50];
	[tilespmem:s12+$0xFFFFFFC0] =	vst v1;
	v1 =	vadd.f32 v2, v11  }
0xc6: {  	v2 =	vld [tilespmem:s26+$0xFFFFFFD0];
	v3 =	vmax.f32 v3, $0.0e+00  }
0xc7: {  	v5 =	vld [tilespmem:s12+$0xFFFFFFE0];
	[tilespmem:s12+$0x40] =	vst v3;
	v1 =	vmax.f32 v1, $0.0e+00  }
0xc8: {  	v3 =	vld [tilespmem:s26+$0x50];
	v7 =	vadd.f32 v8, v7;
	[tilespmem:s12+$0xFFFFFF40] =	vst v1  }
0xc9: {  	v1 =	vld [tilespmem:s26+$0xFFFFFF50]  }
0xca: {  	v6 =	vld [tilespmem:s12+$0x60];
	v7 =	vmax.f32 v7, $0.0e+00  }
0xcb: {  	v2 =	vadd.f32 v2, v12;
	[tilespmem:s12+$0xD0] =	vst v7;
	v7 =	vld [tilespmem:s12+$0xE0]  }
0xcc: {  	v11 =	vld [tilespmem:s26+$0xE0]  }
0xcd: {  	v2 =	vmax.f32 v2, $0.0e+00;
	v8 =	vadd.f32 v3, v10;
	v3 =	vld [tilespmem:s12+$0xFFFFFF70]  }
0xce: {  	[tilespmem:s12+$0xFFFFFFD0] =	vst v2;
	v1 =	vadd.f32 v1, v9;
	v2 =	vld [tilespmem:s12+$0xFFFFFFF0]  }
0xcf: {  	v9 =	vmax.f32 v8, $0.0e+00;
	v8 =	vld [tilespmem:s26+$0xFFFFFFE0]  }
0xd0: {  	[tilespmem:s12+$0x50] =	vst v9;
	v9 =	vmax.f32 v1, $0.0e+00;
	v1 =	vld [tilespmem:s12+$0x70]  }
0xd1: {  	[tilespmem:s12+$0xFFFFFF50] =	vst v9;
	v9 =	vld [tilespmem:s26+$0x60];
	v7 =	vadd.f32 v11, v7  }
0xd2: {  	v10 =	vld [tilespmem:s26+$0xFFFFFF60]  }
0xd3: {  	s28 =	simm.s32 $0x0;
	s8 =	simm.s32 $0x500;
	s0 =	simm.s32 $0x6300;
	v11 =	vmax.f32 v7, $0.0e+00;
	v7 =	vld [tilespmem:s12+$0xF0]  }
.LBB2_5:
0xd4: {  	v12 =	vld [tilespmem:s8+$0x80];
	v5 =	vadd.f32 v8, v5;
	[tilespmem:s12+$0xE0] =	vst v11  }
0xd5: {  	s0 =	sadd.s32 $0x200, s0;
	v8 =	vld [tilespmem:s26+$0xF0]  }
0xd6: {  	s28 =	sadd.s32 $0x4, s28;
	v11 =	vld [tilespmem:s0+$0x80];
	v5 =	vmax.f32 v5, $0.0e+00;
	v6 =	vadd.f32 v9, v6  }
0xd7: {  	p0 =	slt.u32 s28, $0x5C;
	v9 =	vld [tilespmem:s0+$0xFFFFFF00];
	v4 =	vadd.f32 v10, v4;
	[tilespmem:s12+$0xFFFFFFE0] =	vst v5  }
0xd8: {  	v5 =	vld [tilespmem:s8+$0xFFFFFF80];
	v6 =	vmax.f32 v6, $0.0e+00  }
0xd9: {  	v10 =	vld [tilespmem:s0+$0xFFFFFF80];
	v4 =	vmax.f32 v4, $0.0e+00;
	[tilespmem:s12+$0x60] =	vst v6  }
0xda: {  	v6 =	vld [tilespmem:s8+$0x0];
	[tilespmem:s12+$0xFFFFFF60] =	vst v4;
	v4 =	vadd.f32 v8, v7  }
0xdb: {  	v7 =	vld [tilespmem:s0+$0x0];
	v8 =	vadd.f32 v11, v12  }
0xdc: {  	v11 =	vld [tilespmem:s8+$0xFFFFFF00];
	v4 =	vmax.f32 v4, $0.0e+00  }
0xdd: {  	v12 =	vld [tilespmem:s8+$0xFFFFFF10];
	v8 =	vmax.f32 v8, $0.0e+00;
	[tilespmem:s12+$0xF0] =	vst v4  }
0xde: {  	v4 =	vadd.f32 v10, v5;
	[tilespmem:s8+$0x80] =	vst v8;
	v5 =	vld [tilespmem:s8+$0x90]  }
0xdf: {  	v8 =	vld [tilespmem:s0+$0x90]  }
0xe0: {  	v4 =	vmax.f32 v4, $0.0e+00;
	v10 =	vld [tilespmem:s8+$0xFFFFFF90];
	v6 =	vadd.f32 v7, v6  }
0xe1: {  	v7 =	vadd.f32 v9, v11;
	[tilespmem:s8+$0xFFFFFF80] =	vst v4;
	v4 =	vld [tilespmem:s8+$0x10]  }
0xe2: {  	v9 =	vld [tilespmem:s0+$0xFFFFFF90];
	v6 =	vmax.f32 v6, $0.0e+00  }
0xe3: {  	v7 =	vmax.f32 v7, $0.0e+00;
	v11 =	vld [tilespmem:s8+$0xFFFFFF20];
	[tilespmem:s8+$0x0] =	vst v6  }
0xe4: {  	[tilespmem:s8+$0xFFFFFF00] =	vst v7;
	v6 =	vld [tilespmem:s0+$0x10];
	v5 =	vadd.f32 v8, v5  }
0xe5: {  	v7 =	vld [tilespmem:s0+$0xFFFFFF10]  }
0xe6: {  	v8 =	vld [tilespmem:s8+$0xFFFFFFA0];
	v5 =	vmax.f32 v5, $0.0e+00  }
0xe7: {  	v9 =	vadd.f32 v9, v10;
	[tilespmem:s8+$0x90] =	vst v5;
	v5 =	vld [tilespmem:s8+$0xA0]  }
0xe8: {  	v10 =	vld [tilespmem:s0+$0xA0]  }
0xe9: {  	v9 =	vmax.f32 v9, $0.0e+00;
	v4 =	vadd.f32 v6, v4;
	v6 =	vld [tilespmem:s8+$0x20]  }
0xea: {  	v7 =	vadd.f32 v7, v12;
	v12 =	vld [tilespmem:s8+$0xFFFFFF30];
	[tilespmem:s8+$0xFFFFFF90] =	vst v9  }
0xeb: {  	v9 =	vld [tilespmem:s0+$0xFFFFFFA0];
	v4 =	vmax.f32 v4, $0.0e+00  }
0xec: {  	v7 =	vmax.f32 v7, $0.0e+00;
	v13 =	vld [tilespmem:s8+$0xFFFFFFB0];
	[tilespmem:s8+$0x10] =	vst v4  }
0xed: {  	[tilespmem:s8+$0xFFFFFF10] =	vst v7;
	v4 =	vld [tilespmem:s0+$0x20];
	v5 =	vadd.f32 v10, v5  }
0xee: {  	v7 =	vld [tilespmem:s0+$0xFFFFFF20]  }
0xef: {  	v10 =	vld [tilespmem:s8+$0x30];
	v5 =	vmax.f32 v5, $0.0e+00  }
0xf0: {  	v8 =	vadd.f32 v9, v8;
	[tilespmem:s8+$0xA0] =	vst v5;
	v5 =	vld [tilespmem:s8+$0xB0]  }
0xf1: {  	v9 =	vld [tilespmem:s0+$0xB0]  }
0xf2: {  	v14 =	vld [tilespmem:s8+$0xFFFFFF40];
	v8 =	vmax.f32 v8, $0.0e+00;
	v4 =	vadd.f32 v4, v6  }
0xf3: {  	v6 =	vadd.f32 v7, v11;
	[tilespmem:s8+$0xFFFFFFA0] =	vst v8;
	v7 =	vld [tilespmem:s8+$0xFFFFFFC0]  }
0xf4: {  	v8 =	vld [tilespmem:s0+$0xFFFFFFB0];
	v4 =	vmax.f32 v4, $0.0e+00  }
0xf5: {  	v6 =	vmax.f32 v6, $0.0e+00;
	[tilespmem:s8+$0x20] =	vst v4;
	v11 =	vld [tilespmem:s8+$0x40]  }
0xf6: {  	[tilespmem:s8+$0xFFFFFF20] =	vst v6;
	v4 =	vld [tilespmem:s0+$0x30];
	v5 =	vadd.f32 v9, v5  }
0xf7: {  	v6 =	vld [tilespmem:s0+$0xFFFFFF30]  }
0xf8: {  	v9 =	vld [tilespmem:s8+$0xFFFFFF50];
	v5 =	vmax.f32 v5, $0.0e+00  }
0xf9: {  	v8 =	vadd.f32 v8, v13;
	[tilespmem:s8+$0xB0] =	vst v5;
	v5 =	vld [tilespmem:s8+$0xC0]  }
0xfa: {  	v13 =	vld [tilespmem:s0+$0xC0]  }
0xfb: {  	v8 =	vmax.f32 v8, $0.0e+00;
	v15 =	vld [tilespmem:s8+$0xFFFFFFD0];
	v4 =	vadd.f32 v4, v10  }
0xfc: {  	v6 =	vadd.f32 v6, v12;
	[tilespmem:s8+$0xFFFFFFB0] =	vst v8;
	v8 =	vld [tilespmem:s8+$0x50]  }
0xfd: {  	v10 =	vld [tilespmem:s0+$0xFFFFFFC0];
	v12 =	vmax.f32 v4, $0.0e+00  }
0xfe: {  	v6 =	vmax.f32 v6, $0.0e+00;
	v4 =	vld [tilespmem:s8+$0xFFFFFF60];
	[tilespmem:s8+$0x30] =	vst v12  }
0xff: {  	[tilespmem:s8+$0xFFFFFF30] =	vst v6;
	v6 =	vld [tilespmem:s0+$0x40];
	v12 =	vadd.f32 v13, v5  }
0x100: {  	v13 =	vld [tilespmem:s0+$0xFFFFFF40]  }
0x101: {  	v5 =	vld [tilespmem:s8+$0xFFFFFFE0];
	v12 =	vmax.f32 v12, $0.0e+00  }
0x102: {  	v7 =	vadd.f32 v10, v7;
	[tilespmem:s8+$0xC0] =	vst v12;
	v10 =	vld [tilespmem:s8+$0xD0]  }
0x103: {  	v12 =	vld [tilespmem:s0+$0xD0]  }
0x104: {  	v7 =	vmax.f32 v7, $0.0e+00;
	v11 =	vadd.f32 v6, v11;
	v6 =	vld [tilespmem:s8+$0x60]  }
0x105: {  	v13 =	vadd.f32 v13, v14;
	[tilespmem:s8+$0xFFFFFFC0] =	vst v7;
	v7 =	vld [tilespmem:s26+$0xFFFFFF70]  }
0x106: {  	v14 =	vld [tilespmem:s0+$0xFFFFFFD0];
	v11 =	vmax.f32 v11, $0.0e+00  }
0x107: {  	v13 =	vmax.f32 v13, $0.0e+00;
	[tilespmem:s8+$0x40] =	vst v11;
	v11 =	vld [tilespmem:s26+$0xFFFFFFF0]  }
0x108: {  	[tilespmem:s8+$0xFFFFFF40] =	vst v13;
	v13 =	vld [tilespmem:s0+$0x50];
	v10 =	vadd.f32 v12, v10  }
0x109: {  	v12 =	vld [tilespmem:s0+$0xFFFFFF50]  }
0x10a: {  	v10 =	vmax.f32 v10, $0.0e+00;
	v3 =	vadd.f32 v7, v3;
	v7 =	vld [tilespmem:s26+$0x70];
	s26 =	smov.u32 s0  }
0x10b: {  	v14 =	vadd.f32 v14, v15;
	[tilespmem:s8+$0xD0] =	vst v10;
	v10 =	vld [tilespmem:s8+$0xE0]  }
0x10c: {  	v15 =	vld [tilespmem:s0+$0xE0];
	v16 =	vmax.f32 v3, $0.0e+00;
	v11 =	vadd.f32 v11, v2  }
0x10d: {  	v3 =	vld [tilespmem:s8+$0xFFFFFF70];
	v2 =	vmax.f32 v14, $0.0e+00;
	v13 =	vadd.f32 v13, v8;
	[tilespmem:s12+$0xFFFFFF70] =	vst v16  }
0x10e: {  	v9 =	vadd.f32 v12, v9;
	[tilespmem:s8+$0xFFFFFFD0] =	vst v2;
	v2 =	vld [tilespmem:s8+$0xFFFFFFF0];
	v11 =	vmax.f32 v11, $0.0e+00  }
.Ltmp1:
0x10f: {  	v8 =	vld [tilespmem:s0+$0xFFFFFFE0];
	v12 =	vmax.f32 v13, $0.0e+00;
	[tilespmem:s12+$0xFFFFFFF0] =	vst v11;
	v7 =	vadd.f32 v7, v1;
	(pc) =	sbr.rel @p0 .LBB2_5-.Ltmp1, $4  }
0x110: {  	v9 =	vmax.f32 v9, $0.0e+00;
	[tilespmem:s8+$0x50] =	vst v12;
	v1 =	vld [tilespmem:s8+$0x70]  }
0x111: {  	[tilespmem:s8+$0xFFFFFF50] =	vst v9;
	v9 =	vld [tilespmem:s0+$0x60];
	v11 =	vadd.f32 v15, v10;
	v7 =	vmax.f32 v7, $0.0e+00  }
0x112: {  	v10 =	vld [tilespmem:s0+$0xFFFFFF60];
	[tilespmem:s12+$0x70] =	vst v7;
	s12 =	smov.u32 s8  }
0x113: {  	s8 =	sadd.s32 $0x200, s8;
	v11 =	vmax.f32 v11, $0.0e+00;
	v7 =	vld [tilespmem:s12+$0xF0]  }
0x114: {  	_ =	sdelay $0x2  }
0x115: {  	v4 =	vadd.f32 v10, v4  }
0x116: {  	v5 =	vadd.f32 v8, v5  }
0x117: {  	[tilespmem:s12+$0xE0] =	vst v11;
	v6 =	vadd.f32 v9, v6;
	v4 =	vmax.f32 v4, $0.0e+00  }
0x118: {  	v8 =	vld [tilespmem:s26+$0xF0];
	v5 =	vmax.f32 v5, $0.0e+00;
	[tilespmem:s12+$0xFFFFFF60] =	vst v4  }
0x119: {  	[tilespmem:s12+$0xFFFFFFE0] =	vst v5;
	v4 =	vmax.f32 v6, $0.0e+00;
	v5 =	vld [tilespmem:s26+$0xFFFFFF70]  }
0x11a: {  	[tilespmem:s12+$0x60] =	vst v4;
	v4 =	vld [tilespmem:s26+$0xFFFFFFF0]  }
0x11b: {  	v6 =	vld [tilespmem:s26+$0x70];
	_ =	sdelay $0x1  }
0x11c: {  	v7 =	vadd.f32 v8, v7  }
0x11d: {  	v3 =	vadd.f32 v5, v3  }
0x11e: {  	v5 =	vmax.f32 v7, $0.0e+00;
	v2 =	vadd.f32 v4, v2  }
0x11f: {  	[tilespmem:s12+$0xF0] =	vst v5;
	v1 =	vadd.f32 v6, v1;
	v3 =	vmax.f32 v3, $0.0e+00  }
0x120: {  	v2 =	vmax.f32 v2, $0.0e+00;
	[tilespmem:s12+$0xFFFFFF70] =	vst v3  }
0x121: {  	[tilespmem:s12+$0xFFFFFFF0] =	vst v2;
	v1 =	vmax.f32 v1, $0.0e+00  }
0x122: {  	[tilespmem:s12+$0x70] =	vst v1  }
0x123: {  	_ =	swait.ge [sflag:s20], $0x60  }
0x124: {  	[sflag:s20] =	ssyncset.done $0x0  }
0x125: {  	[sflag:s20] =	ssyncadd.s32 $0xFFFFFFA0  }
0x126: {  	_ =	swait.ge [sflag:s20], $0x60  }
0x127: {  	s0 =	sshll.u32 s11, $0x4;
	[sflag:s20] =	ssyncset.done $0x0  }
0x128: {  	s0 =	sadd.s32 s5, s0;
	[sflag:s20] =	ssyncadd.s32 $0xFFFFFFA0  }
0x129: {  	[tilespmem:s21], [sflag:$0x2] =	stream.linear.gather [hbm4b:s0+s3], $0x3000, $0x38;
	[tilespmem:$0x1FE00] =	vst v63  }
0x12a: {  	_ = 	snop  }
0x12b: {  	[tilespmem:s22], [sflag:$0x4] =	stream.indirect.gather [hbm4b:s4+s1], $0x80, s14, s1, $0xb8;
	[tilespmem:$0x1FE00] =	vst v63  }
0x12c: {  	p0 =	seq.s32 s9, $0x34  }
0x12d: {  	[spmem:s2] =	stream.indirect.scatter.add.f32 [tilespmem:s29], [sflag:$0x7], $0x80, s31, s1, $0xb8;
	[tilespmem:$0x1FE00] =	vst v63  }
0x12e: {  	s10 =	sadd.s32 @!p0 s10, s17;
	_ =	swait.ge [sflag:s30], $0x3000  }
0x12f: {  	s0 =	sshrl.u32 @!p0 s10, $0x3;
	[sflag:s30] =	ssyncset.done $0x0  }
0x130: {  	s11 =	simm.s32 @!p0 $0x0;
	s8 =	sadd.s32 @!p0 s6, s0;
	[sflag:s30] =	ssyncadd.s32 $0xFFFFD000  }
0x131: {  	[tilespmem:s11], [sflag:$0x5] =	stream.linear.gather @!p0 [hbm4b:s8+s11], $0x60, $0x38;
	[tilespmem:$0x1FE00] =	vst v63  }
0x132: {  	s0 =	sadd.s32 @!p0 s7, s0;
	s8 =	simm.s32 @!p0 $0x100  }
0x133: {  	[tilespmem:s8], [sflag:$0x5] =	stream.linear.gather @!p0 [hbm4b:s0+s11], $0x60, $0x38;
	[tilespmem:$0x1FE00] =	vst v63  }
0x134: {  	_ =	swait.ge [sflag:s23], $0x3000  }
0x135: {  	[sflag:s23] =	ssyncset.done $0x0  }
0x136: {  	[sflag:s23] =	ssyncadd.s32 $0xFFFFD000  }
0x137: {  	_ =	swait.ge [sflag:s24], $0x3000  }
0x138: {  	[sflag:s24] =	ssyncset.done $0x0  }
0x139: {  	s11 =	simm.s32 $0x3300;
	[sflag:s24] =	ssyncadd.s32 $0xFFFFD000  }
0x13a: {  	s12 =	simm.s32 $0x9300;
	v1 =	vld [tilespmem:s11+$0x80]  }
0x13b: {  	v2 =	vld [tilespmem:s12+$0x80]  }
0x13c: {  	v3 =	vld [tilespmem:s12+$0xFFFFFF00]  }
0x13d: {  	v4 =	vld [tilespmem:s11+$0xFFFFFF80]  }
0x13e: {  	v5 =	vld [tilespmem:s12+$0xFFFFFF80]  }
0x13f: {  	v6 =	vld [tilespmem:s12+$0x0]  }
0x140: {  	v1 =	vadd.f32 v2, v1;
	v2 =	vld [tilespmem:s11+$0x0]  }
0x141: {  	v7 =	vld [tilespmem:s11+$0xFFFFFF00]  }
0x142: {  	v1 =	vmax.f32 v1, $0.0e+00  }
0x143: {  	v4 =	vadd.f32 v5, v4;
	[tilespmem:s11+$0x80] =	vst v1;
	v1 =	vld [tilespmem:s11+$0x90]  }
0x144: {  	v8 =	vld [tilespmem:s12+$0x90]  }
0x145: {  	v9 =	vld [tilespmem:s11+$0xFFFFFF90];
	v4 =	vmax.f32 v4, $0.0e+00;
	v2 =	vadd.f32 v6, v2  }
0x146: {  	v5 =	vld [tilespmem:s11+$0xFFFFFF10];
	v3 =	vadd.f32 v3, v7;
	[tilespmem:s11+$0xFFFFFF80] =	vst v4  }
0x147: {  	v6 =	vld [tilespmem:s12+$0xFFFFFF90];
	v2 =	vmax.f32 v2, $0.0e+00  }
0x148: {  	v3 =	vmax.f32 v3, $0.0e+00;
	v4 =	vld [tilespmem:s11+$0x10];
	[tilespmem:s11+$0x0] =	vst v2  }
0x149: {  	[tilespmem:s11+$0xFFFFFF00] =	vst v3;
	v1 =	vadd.f32 v8, v1;
	v2 =	vld [tilespmem:s12+$0x10]  }
0x14a: {  	v3 =	vld [tilespmem:s12+$0xFFFFFF10]  }
0x14b: {  	v1 =	vmax.f32 v1, $0.0e+00  }
0x14c: {  	v6 =	vadd.f32 v6, v9;
	[tilespmem:s11+$0x90] =	vst v1;
	v1 =	vld [tilespmem:s11+$0xA0]  }
0x14d: {  	v8 =	vld [tilespmem:s12+$0xA0]  }
0x14e: {  	v7 =	vld [tilespmem:s11+$0xFFFFFF20];
	v6 =	vmax.f32 v6, $0.0e+00;
	v2 =	vadd.f32 v2, v4  }
0x14f: {  	v3 =	vadd.f32 v3, v5;
	v9 =	vld [tilespmem:s11+$0xFFFFFFA0];
	[tilespmem:s11+$0xFFFFFF90] =	vst v6  }
0x150: {  	v5 =	vld [tilespmem:s12+$0xFFFFFFA0];
	v2 =	vmax.f32 v2, $0.0e+00  }
0x151: {  	v3 =	vmax.f32 v3, $0.0e+00;
	v4 =	vld [tilespmem:s11+$0x20];
	[tilespmem:s11+$0x10] =	vst v2  }
0x152: {  	[tilespmem:s11+$0xFFFFFF10] =	vst v3;
	v1 =	vadd.f32 v8, v1;
	v2 =	vld [tilespmem:s12+$0x20]  }
0x153: {  	v3 =	vld [tilespmem:s12+$0xFFFFFF20]  }
0x154: {  	v1 =	vmax.f32 v1, $0.0e+00  }
0x155: {  	v5 =	vadd.f32 v5, v9;
	[tilespmem:s11+$0xA0] =	vst v1;
	v1 =	vld [tilespmem:s11+$0xB0]  }
0x156: {  	v8 =	vld [tilespmem:s12+$0xB0]  }
0x157: {  	v10 =	vld [tilespmem:s11+$0x30];
	v5 =	vmax.f32 v5, $0.0e+00;
	v2 =	vadd.f32 v2, v4  }
0x158: {  	v3 =	vadd.f32 v3, v7;
	v9 =	vld [tilespmem:s11+$0xFFFFFFB0];
	[tilespmem:s11+$0xFFFFFFA0] =	vst v5  }
0x159: {  	v4 =	vld [tilespmem:s12+$0xFFFFFFB0];
	v2 =	vmax.f32 v2, $0.0e+00  }
0x15a: {  	v6 =	vld [tilespmem:s11+$0xFFFFFF30];
	[tilespmem:s11+$0x20] =	vst v2;
	v2 =	vmax.f32 v3, $0.0e+00  }
0x15b: {  	v1 =	vadd.f32 v8, v1;
	[tilespmem:s11+$0xFFFFFF20] =	vst v2;
	v2 =	vld [tilespmem:s12+$0x30]  }
0x15c: {  	v7 =	vld [tilespmem:s12+$0xFFFFFF30]  }
0x15d: {  	v11 =	vld [tilespmem:s11+$0xFFFFFF40];
	v1 =	vmax.f32 v1, $0.0e+00  }
0x15e: {  	v4 =	vadd.f32 v4, v9;
	[tilespmem:s11+$0xB0] =	vst v1;
	v1 =	vld [tilespmem:s11+$0xC0]  }
0x15f: {  	v8 =	vld [tilespmem:s12+$0xC0]  }
0x160: {  	v12 =	vld [tilespmem:s11+$0xFFFFFFD0];
	v4 =	vmax.f32 v4, $0.0e+00;
	v2 =	vadd.f32 v2, v10  }
0x161: {  	v5 =	vld [tilespmem:s11+$0xFFFFFFC0];
	[tilespmem:s11+$0xFFFFFFB0] =	vst v4;
	v6 =	vadd.f32 v7, v6  }
0x162: {  	v7 =	vld [tilespmem:s12+$0xFFFFFFC0];
	v2 =	vmax.f32 v2, $0.0e+00  }
0x163: {  	v3 =	vld [tilespmem:s11+$0x40];
	[tilespmem:s11+$0x30] =	vst v2;
	v2 =	vmax.f32 v6, $0.0e+00  }
0x164: {  	v1 =	vadd.f32 v8, v1;
	v6 =	vld [tilespmem:s12+$0x40];
	[tilespmem:s11+$0xFFFFFF30] =	vst v2  }
0x165: {  	v2 =	vld [tilespmem:s12+$0xFFFFFF40]  }
0x166: {  	v9 =	vld [tilespmem:s11+$0xFFFFFF50];
	v1 =	vmax.f32 v1, $0.0e+00  }
0x167: {  	[tilespmem:s11+$0xC0] =	vst v1;
	v1 =	vadd.f32 v7, v5;
	v7 =	vld [tilespmem:s11+$0xD0]  }
0x168: {  	v8 =	vld [tilespmem:s12+$0xD0]  }
0x169: {  	v4 =	vld [tilespmem:s11+$0xFFFFFF60];
	v1 =	vmax.f32 v1, $0.0e+00;
	v3 =	vadd.f32 v6, v3  }
0x16a: {  	v10 =	vld [tilespmem:s11+$0x50];
	[tilespmem:s11+$0xFFFFFFC0] =	vst v1;
	v1 =	vadd.f32 v2, v11  }
0x16b: {  	v2 =	vld [tilespmem:s12+$0xFFFFFFD0];
	v3 =	vmax.f32 v3, $0.0e+00  }
0x16c: {  	v5 =	vld [tilespmem:s11+$0xFFFFFFE0];
	[tilespmem:s11+$0x40] =	vst v3;
	v1 =	vmax.f32 v1, $0.0e+00  }
0x16d: {  	v3 =	vld [tilespmem:s12+$0x50];
	v7 =	vadd.f32 v8, v7;
	[tilespmem:s11+$0xFFFFFF40] =	vst v1  }
0x16e: {  	v1 =	vld [tilespmem:s12+$0xFFFFFF50]  }
0x16f: {  	v6 =	vld [tilespmem:s11+$0x60];
	v7 =	vmax.f32 v7, $0.0e+00  }
0x170: {  	v2 =	vadd.f32 v2, v12;
	[tilespmem:s11+$0xD0] =	vst v7;
	v7 =	vld [tilespmem:s11+$0xE0]  }
0x171: {  	v11 =	vld [tilespmem:s12+$0xE0]  }
0x172: {  	v2 =	vmax.f32 v2, $0.0e+00;
	v8 =	vadd.f32 v3, v10;
	v3 =	vld [tilespmem:s11+$0xFFFFFF70]  }
0x173: {  	[tilespmem:s11+$0xFFFFFFD0] =	vst v2;
	v1 =	vadd.f32 v1, v9;
	v2 =	vld [tilespmem:s11+$0xFFFFFFF0]  }
0x174: {  	v9 =	vmax.f32 v8, $0.0e+00;
	v8 =	vld [tilespmem:s12+$0xFFFFFFE0]  }
0x175: {  	[tilespmem:s11+$0x50] =	vst v9;
	v9 =	vmax.f32 v1, $0.0e+00;
	v1 =	vld [tilespmem:s11+$0x70]  }
0x176: {  	[tilespmem:s11+$0xFFFFFF50] =	vst v9;
	v9 =	vld [tilespmem:s12+$0x60];
	v7 =	vadd.f32 v11, v7  }
0x177: {  	v10 =	vld [tilespmem:s12+$0xFFFFFF60]  }
0x178: {  	s26 =	simm.s32 $0x0;
	s8 =	simm.s32 $0x3500;
	s0 =	simm.s32 $0x9300;
	v11 =	vmax.f32 v7, $0.0e+00;
	v7 =	vld [tilespmem:s11+$0xF0]  }
.LBB2_7:
0x179: {  	v12 =	vld [tilespmem:s8+$0x80];
	v5 =	vadd.f32 v8, v5;
	[tilespmem:s11+$0xE0] =	vst v11  }
0x17a: {  	s0 =	sadd.s32 $0x200, s0;
	v8 =	vld [tilespmem:s12+$0xF0]  }
0x17b: {  	s26 =	sadd.s32 $0x4, s26;
	v11 =	vld [tilespmem:s0+$0x80];
	v5 =	vmax.f32 v5, $0.0e+00;
	v6 =	vadd.f32 v9, v6  }
0x17c: {  	p1 =	slt.u32 s26, $0x5C;
	v9 =	vld [tilespmem:s0+$0xFFFFFF00];
	v4 =	vadd.f32 v10, v4;
	[tilespmem:s11+$0xFFFFFFE0] =	vst v5  }
0x17d: {  	v5 =	vld [tilespmem:s8+$0xFFFFFF80];
	v6 =	vmax.f32 v6, $0.0e+00  }
0x17e: {  	v10 =	vld [tilespmem:s0+$0xFFFFFF80];
	v4 =	vmax.f32 v4, $0.0e+00;
	[tilespmem:s11+$0x60] =	vst v6  }
0x17f: {  	v6 =	vld [tilespmem:s8+$0x0];
	[tilespmem:s11+$0xFFFFFF60] =	vst v4;
	v4 =	vadd.f32 v8, v7  }
0x180: {  	v7 =	vld [tilespmem:s0+$0x0];
	v8 =	vadd.f32 v11, v12  }
0x181: {  	v11 =	vld [tilespmem:s8+$0xFFFFFF00];
	v4 =	vmax.f32 v4, $0.0e+00  }
0x182: {  	v12 =	vld [tilespmem:s8+$0xFFFFFF10];
	v8 =	vmax.f32 v8, $0.0e+00;
	[tilespmem:s11+$0xF0] =	vst v4  }
0x183: {  	v4 =	vadd.f32 v10, v5;
	[tilespmem:s8+$0x80] =	vst v8;
	v5 =	vld [tilespmem:s8+$0x90]  }
0x184: {  	v8 =	vld [tilespmem:s0+$0x90]  }
0x185: {  	v4 =	vmax.f32 v4, $0.0e+00;
	v10 =	vld [tilespmem:s8+$0xFFFFFF90];
	v6 =	vadd.f32 v7, v6  }
0x186: {  	v7 =	vadd.f32 v9, v11;
	[tilespmem:s8+$0xFFFFFF80] =	vst v4;
	v4 =	vld [tilespmem:s8+$0x10]  }
0x187: {  	v9 =	vld [tilespmem:s0+$0xFFFFFF90];
	v6 =	vmax.f32 v6, $0.0e+00  }
0x188: {  	v7 =	vmax.f32 v7, $0.0e+00;
	v11 =	vld [tilespmem:s8+$0xFFFFFF20];
	[tilespmem:s8+$0x0] =	vst v6  }
0x189: {  	[tilespmem:s8+$0xFFFFFF00] =	vst v7;
	v6 =	vld [tilespmem:s0+$0x10];
	v5 =	vadd.f32 v8, v5  }
0x18a: {  	v7 =	vld [tilespmem:s0+$0xFFFFFF10]  }
0x18b: {  	v8 =	vld [tilespmem:s8+$0xFFFFFFA0];
	v5 =	vmax.f32 v5, $0.0e+00  }
0x18c: {  	v9 =	vadd.f32 v9, v10;
	[tilespmem:s8+$0x90] =	vst v5;
	v5 =	vld [tilespmem:s8+$0xA0]  }
0x18d: {  	v10 =	vld [tilespmem:s0+$0xA0]  }
0x18e: {  	v9 =	vmax.f32 v9, $0.0e+00;
	v4 =	vadd.f32 v6, v4;
	v6 =	vld [tilespmem:s8+$0x20]  }
0x18f: {  	v7 =	vadd.f32 v7, v12;
	v12 =	vld [tilespmem:s8+$0xFFFFFF30];
	[tilespmem:s8+$0xFFFFFF90] =	vst v9  }
0x190: {  	v9 =	vld [tilespmem:s0+$0xFFFFFFA0];
	v4 =	vmax.f32 v4, $0.0e+00  }
0x191: {  	v7 =	vmax.f32 v7, $0.0e+00;
	v13 =	vld [tilespmem:s8+$0xFFFFFFB0];
	[tilespmem:s8+$0x10] =	vst v4  }
0x192: {  	[tilespmem:s8+$0xFFFFFF10] =	vst v7;
	v4 =	vld [tilespmem:s0+$0x20];
	v5 =	vadd.f32 v10, v5  }
0x193: {  	v7 =	vld [tilespmem:s0+$0xFFFFFF20]  }
0x194: {  	v10 =	vld [tilespmem:s8+$0x30];
	v5 =	vmax.f32 v5, $0.0e+00  }
0x195: {  	v8 =	vadd.f32 v9, v8;
	[tilespmem:s8+$0xA0] =	vst v5;
	v5 =	vld [tilespmem:s8+$0xB0]  }
0x196: {  	v9 =	vld [tilespmem:s0+$0xB0]  }
0x197: {  	v14 =	vld [tilespmem:s8+$0xFFFFFF40];
	v8 =	vmax.f32 v8, $0.0e+00;
	v4 =	vadd.f32 v4, v6  }
0x198: {  	v6 =	vadd.f32 v7, v11;
	[tilespmem:s8+$0xFFFFFFA0] =	vst v8;
	v7 =	vld [tilespmem:s8+$0xFFFFFFC0]  }
0x199: {  	v8 =	vld [tilespmem:s0+$0xFFFFFFB0];
	v4 =	vmax.f32 v4, $0.0e+00  }
0x19a: {  	v6 =	vmax.f32 v6, $0.0e+00;
	[tilespmem:s8+$0x20] =	vst v4;
	v11 =	vld [tilespmem:s8+$0x40]  }
0x19b: {  	[tilespmem:s8+$0xFFFFFF20] =	vst v6;
	v4 =	vld [tilespmem:s0+$0x30];
	v5 =	vadd.f32 v9, v5  }
0x19c: {  	v6 =	vld [tilespmem:s0+$0xFFFFFF30]  }
0x19d: {  	v9 =	vld [tilespmem:s8+$0xFFFFFF50];
	v5 =	vmax.f32 v5, $0.0e+00  }
0x19e: {  	v8 =	vadd.f32 v8, v13;
	[tilespmem:s8+$0xB0] =	vst v5;
	v5 =	vld [tilespmem:s8+$0xC0]  }
0x19f: {  	v13 =	vld [tilespmem:s0+$0xC0]  }
0x1a0: {  	v8 =	vmax.f32 v8, $0.0e+00;
	v15 =	vld [tilespmem:s8+$0xFFFFFFD0];
	v4 =	vadd.f32 v4, v10  }
0x1a1: {  	v6 =	vadd.f32 v6, v12;
	[tilespmem:s8+$0xFFFFFFB0] =	vst v8;
	v8 =	vld [tilespmem:s8+$0x50]  }
0x1a2: {  	v10 =	vld [tilespmem:s0+$0xFFFFFFC0];
	v12 =	vmax.f32 v4, $0.0e+00  }
0x1a3: {  	v6 =	vmax.f32 v6, $0.0e+00;
	v4 =	vld [tilespmem:s8+$0xFFFFFF60];
	[tilespmem:s8+$0x30] =	vst v12  }
0x1a4: {  	[tilespmem:s8+$0xFFFFFF30] =	vst v6;
	v6 =	vld [tilespmem:s0+$0x40];
	v12 =	vadd.f32 v13, v5  }
0x1a5: {  	v13 =	vld [tilespmem:s0+$0xFFFFFF40]  }
0x1a6: {  	v5 =	vld [tilespmem:s8+$0xFFFFFFE0];
	v12 =	vmax.f32 v12, $0.0e+00  }
0x1a7: {  	v7 =	vadd.f32 v10, v7;
	[tilespmem:s8+$0xC0] =	vst v12;
	v10 =	vld [tilespmem:s8+$0xD0]  }
0x1a8: {  	v12 =	vld [tilespmem:s0+$0xD0]  }
0x1a9: {  	v7 =	vmax.f32 v7, $0.0e+00;
	v11 =	vadd.f32 v6, v11;
	v6 =	vld [tilespmem:s8+$0x60]  }
0x1aa: {  	v13 =	vadd.f32 v13, v14;
	[tilespmem:s8+$0xFFFFFFC0] =	vst v7;
	v7 =	vld [tilespmem:s12+$0xFFFFFF70]  }
0x1ab: {  	v14 =	vld [tilespmem:s0+$0xFFFFFFD0];
	v11 =	vmax.f32 v11, $0.0e+00  }
0x1ac: {  	v13 =	vmax.f32 v13, $0.0e+00;
	[tilespmem:s8+$0x40] =	vst v11;
	v11 =	vld [tilespmem:s12+$0xFFFFFFF0]  }
0x1ad: {  	[tilespmem:s8+$0xFFFFFF40] =	vst v13;
	v13 =	vld [tilespmem:s0+$0x50];
	v10 =	vadd.f32 v12, v10  }
0x1ae: {  	v12 =	vld [tilespmem:s0+$0xFFFFFF50]  }
0x1af: {  	v10 =	vmax.f32 v10, $0.0e+00;
	v3 =	vadd.f32 v7, v3;
	v7 =	vld [tilespmem:s12+$0x70];
	s12 =	smov.u32 s0  }
0x1b0: {  	v14 =	vadd.f32 v14, v15;
	[tilespmem:s8+$0xD0] =	vst v10;
	v10 =	vld [tilespmem:s8+$0xE0]  }
0x1b1: {  	v15 =	vld [tilespmem:s0+$0xE0];
	v16 =	vmax.f32 v3, $0.0e+00;
	v11 =	vadd.f32 v11, v2  }
0x1b2: {  	v3 =	vld [tilespmem:s8+$0xFFFFFF70];
	v2 =	vmax.f32 v14, $0.0e+00;
	v13 =	vadd.f32 v13, v8;
	[tilespmem:s11+$0xFFFFFF70] =	vst v16  }
0x1b3: {  	v9 =	vadd.f32 v12, v9;
	[tilespmem:s8+$0xFFFFFFD0] =	vst v2;
	v2 =	vld [tilespmem:s8+$0xFFFFFFF0];
	v11 =	vmax.f32 v11, $0.0e+00  }
.Ltmp2:
0x1b4: {  	v8 =	vld [tilespmem:s0+$0xFFFFFFE0];
	v12 =	vmax.f32 v13, $0.0e+00;
	[tilespmem:s11+$0xFFFFFFF0] =	vst v11;
	v7 =	vadd.f32 v7, v1;
	(pc) =	sbr.rel @p1 .LBB2_7-.Ltmp2, $4  }
0x1b5: {  	v9 =	vmax.f32 v9, $0.0e+00;
	[tilespmem:s8+$0x50] =	vst v12;
	v1 =	vld [tilespmem:s8+$0x70]  }
0x1b6: {  	[tilespmem:s8+$0xFFFFFF50] =	vst v9;
	v9 =	vld [tilespmem:s0+$0x60];
	v11 =	vadd.f32 v15, v10;
	v7 =	vmax.f32 v7, $0.0e+00  }
0x1b7: {  	v10 =	vld [tilespmem:s0+$0xFFFFFF60];
	[tilespmem:s11+$0x70] =	vst v7;
	s11 =	smov.u32 s8  }
0x1b8: {  	s8 =	sadd.s32 $0x200, s8;
	v11 =	vmax.f32 v11, $0.0e+00;
	v7 =	vld [tilespmem:s11+$0xF0]  }
0x1b9: {  	_ = 	snop  }
0x1ba: {  	v5 =	vadd.f32 v8, v5  }
0x1bb: {  	v6 =	vadd.f32 v9, v6  }
0x1bc: {  	[tilespmem:s11+$0xE0] =	vst v11;
	v5 =	vmax.f32 v5, $0.0e+00;
	v4 =	vadd.f32 v10, v4  }
0x1bd: {  	v58 =	vld [tilespmem:s12+$0xF0];
	[tilespmem:s11+$0xFFFFFFE0] =	vst v5;
	v59 =	vmax.f32 v6, $0.0e+00  }
0x1be: {  	v61 =	vld [tilespmem:s12+$0xFFFFFFF0];
	v4 =	vmax.f32 v4, $0.0e+00;
	[tilespmem:s11+$0x60] =	vst v59  }
0x1bf: {  	[tilespmem:s11+$0xFFFFFF60] =	vst v4;
	v62 =	vld [tilespmem:s12+$0x70]  }
0x1c0: {  	v60 =	vld [tilespmem:s12+$0xFFFFFF70];
	_ =	sdelay $0x1  }
0x1c1: {  	v7 =	vadd.f32 v58, v7  }
0x1c2: {  	v2 =	vadd.f32 v61, v2  }
0x1c3: {  	v63 =	vmax.f32 v7, $0.0e+00;
	v1 =	vadd.f32 v62, v1  }
0x1c4: {  	[tilespmem:s11+$0xF0] =	vst v63;
	v2 =	vmax.f32 v2, $0.0e+00;
	v3 =	vadd.f32 v60, v3  }
0x1c5: {  	[tilespmem:s11+$0xFFFFFFF0] =	vst v2;
	v1 =	vmax.f32 v1, $0.0e+00  }
0x1c6: {  	v3 =	vmax.f32 v3, $0.0e+00;
	[tilespmem:s11+$0x70] =	vst v1  }
0x1c7: {  	s0 =	simm.s32 @!p0 $0x5;
	[tilespmem:s11+$0xFFFFFF70] =	vst v3  }
0x1c8: {  	_ =	swait.ge @!p0 [sflag:s0], $0x60  }
0x1c9: {  	[sflag:s0] =	ssyncset.done @!p0 $0x0  }
0x1ca: {  	[sflag:s0] =	ssyncadd.s32 @!p0 $0xFFFFFFA0  }
0x1cb: {  	_ =	swait.ge @!p0 [sflag:s0], $0x60  }
0x1cc: {  	[sflag:s0] =	ssyncset.done @!p0 $0x0  }
0x1cd: {  	[sflag:s0] =	ssyncadd.s32 @!p0 $0xFFFFFFA0;
	s0 =	sshll.u32 @!p0 s10, $0x4  }
0x1ce: {  	s8 =	simm.s32 @!p0 $0x0;
	s10 =	simm.s32 @!p0 $0x200;
	s0 =	sadd.s32 @!p0 s5, s0  }
0x1cf: {  	[tilespmem:s10], [sflag:$0x1] =	stream.linear.gather @!p0 [hbm4b:s0+s8], $0x3000, $0x38;
	[tilespmem:$0x1FE00] =	vst v63  }
0x1d0: {  	s9 =	sadd.s32 $0x1, s9;
	s0 =	simm.s32 @!p0 $0x60;
	s10 =	simm.s32 @!p0 $0x6200  }
0x1d1: {  	[tilespmem:s10], [sflag:$0x3] =	stream.indirect.gather @!p0 [hbm4b:s4+s0], $0x80, s8, s0, $0xb8;
	[tilespmem:$0x1FE00] =	vst v63  }
0x1d2: {  	p0 =	sne.s32 s9, $0x35  }
.Ltmp3:
0x1d3: {  	_ = 	snop;
	(pc) =	sbr.rel @p0 .LBB2_4-.Ltmp3, $4  }
0x1d4: {  	[spmem:s2] =	stream.indirect.scatter.add.f32 [tilespmem:s21], [sflag:$0x7], $0x80, s15, s1, $0xb8;
	[tilespmem:$0x1FE00] =	vst v63  }
0x1d5: {  	_ =	swait.ge [sflag:s30], $0x3000  }
0x1d6: {  	[sflag:s30] =	ssyncset.done $0x0  }
0x1d7: {  	[sflag:s30] =	ssyncadd.s32 $0xFFFFD000  }
0x1d8: {  	[bflag:$0x0] =	sbarrier.arrive $0xFFFF  }
0x1d9: {  	s26 =	rddreg [dreg:$0x3]  }
0x1da: {  	[tilespmem:s13], [sflag:$0x7] =	stream.linear.gather [spmem:s26], $0x3000, $0x38;
	[tilespmem:$0x1FE00] =	vst v63  }
0x1db: {  	_ =	swait.ge [sflag:s30], $0x3000  }
0x1dc: {  	[sflag:s30] =	ssyncset.done $0x0  }
0x1dd: {  	s0 =	rddreg [dreg:$0xb];
	[sflag:s30] =	ssyncadd.s32 $0xFFFFD000  }
0x1de: {  	[hbm4b:s0+s3] =	stream.linear.scatter [tilespmem:s13], [sflag:$0x7], $0x3000, $0x38;
	[tilespmem:$0x1FE00] =	vst v63  }
0x1df: {  	_ =	swait.ge [sflag:s30], $0x3000  }
0x1e0: {  	[sflag:s30] =	ssyncset.done $0x0  }
0x1e1: {  	s10 =	rddreg [dreg:$0x4];
	[sflag:s30] =	ssyncadd.s32 $0xFFFFD000  }
0x1e2: {  	[tilespmem:s13], [sflag:$0x7] =	stream.linear.gather [spmem:s10], $0x3000, $0x38;
	[tilespmem:$0x1FE00] =	vst v63  }
0x1e3: {  	_ =	swait.ge [sflag:s30], $0x3000  }
0x1e4: {  	[sflag:s30] =	ssyncset.done $0x0  }
0x1e5: {  	s8 =	rddreg [dreg:$0xc];
	[sflag:s30] =	ssyncadd.s32 $0xFFFFD000  }
0x1e6: {  	[hbm4b:s8+s3] =	stream.linear.scatter [tilespmem:s13], [sflag:$0x7], $0x3000, $0x38;
	[tilespmem:$0x1FE00] =	vst v63  }
0x1e7: {  	_ =	swait.ge [sflag:s30], $0x3000  }
0x1e8: {  	[sflag:s30] =	ssyncset.done $0x0  }
0x1e9: {  	s11 =	rddreg [dreg:$0x5];
	[sflag:s30] =	ssyncadd.s32 $0xFFFFD000  }
0x1ea: {  	[tilespmem:s13], [sflag:$0x7] =	stream.linear.gather [spmem:s11], $0x3000, $0x38;
	[tilespmem:$0x1FE00] =	vst v63  }
0x1eb: {  	_ =	swait.ge [sflag:s30], $0x3000  }
0x1ec: {  	[sflag:s30] =	ssyncset.done $0x0  }
0x1ed: {  	s9 =	rddreg [dreg:$0xd];
	[sflag:s30] =	ssyncadd.s32 $0xFFFFD000  }
0x1ee: {  	[hbm4b:s9+s3] =	stream.linear.scatter [tilespmem:s13], [sflag:$0x7], $0x3000, $0x38;
	[tilespmem:$0x1FE00] =	vst v63  }
0x1ef: {  	_ =	swait.ge [sflag:s30], $0x3000  }
0x1f0: {  	[sflag:s30] =	ssyncset.done $0x0  }
0x1f1: {  	s28 =	rddreg [dreg:$0x6];
	[sflag:s30] =	ssyncadd.s32 $0xFFFFD000  }
0x1f2: {  	[tilespmem:s13], [sflag:$0x7] =	stream.linear.gather [spmem:s28], $0x3000, $0x38;
	[tilespmem:$0x1FE00] =	vst v63  }
0x1f3: {  	_ =	swait.ge [sflag:s30], $0x3000  }
0x1f4: {  	[sflag:s30] =	ssyncset.done $0x0  }
0x1f5: {  	s12 =	rddreg [dreg:$0xe];
	[sflag:s30] =	ssyncadd.s32 $0xFFFFD000  }
0x1f6: {  	[hbm4b:s12+s3] =	stream.linear.scatter [tilespmem:s13], [sflag:$0x7], $0x3000, $0x38;
	[tilespmem:$0x1FE00] =	vst v63  }
0x1f7: {  	_ =	swait.ge [sflag:s30], $0x3000  }
0x1f8: {  	[sflag:s30] =	ssyncset.done $0x0  }
0x1f9: {  	s8 =	rddreg [dreg:$0x7];
	[sflag:s30] =	ssyncadd.s32 $0xFFFFD000  }
0x1fa: {  	[tilespmem:s13], [sflag:$0x7] =	stream.linear.gather [spmem:s8], $0x3000, $0x38;
	[tilespmem:$0x1FE00] =	vst v63  }
0x1fb: {  	_ =	swait.ge [sflag:s30], $0x3000  }
0x1fc: {  	[sflag:s30] =	ssyncset.done $0x0  }
0x1fd: {  	s9 =	rddreg [dreg:$0xf];
	[sflag:s30] =	ssyncadd.s32 $0xFFFFD000  }
0x1fe: {  	[hbm4b:s9+s3] =	stream.linear.scatter [tilespmem:s13], [sflag:$0x7], $0x3000, $0x38;
	[tilespmem:$0x1FE00] =	vst v63  }
0x1ff: {  	_ =	swait.ge [sflag:s30], $0x3000  }
0x200: {  	[sflag:s30] =	ssyncset.done $0x0  }
0x201: {  	s9 =	rddreg [dreg:$0x13];
	[sflag:s30] =	ssyncadd.s32 $0xFFFFD000  }
0x202: {  	[tilespmem:s13], [sflag:$0x7] =	stream.linear.gather [spmem:s9], $0x3000, $0x38;
	[tilespmem:$0x1FE00] =	vst v63  }
0x203: {  	_ =	swait.ge [sflag:s30], $0x3000  }
0x204: {  	[sflag:s30] =	ssyncset.done $0x0  }
0x205: {  	s12 =	rddreg [dreg:$0x10];
	[sflag:s30] =	ssyncadd.s32 $0xFFFFD000  }
0x206: {  	[hbm4b:s12+s3] =	stream.linear.scatter [tilespmem:s13], [sflag:$0x7], $0x3000, $0x38;
	[tilespmem:$0x1FE00] =	vst v63  }
0x207: {  	_ =	swait.ge [sflag:s30], $0x3000  }
0x208: {  	[sflag:s30] =	ssyncset.done $0x0  }
0x209: {  	s12 =	rddreg [dreg:$0x14];
	[sflag:s30] =	ssyncadd.s32 $0xFFFFD000  }
0x20a: {  	[tilespmem:s13], [sflag:$0x7] =	stream.linear.gather [spmem:s12], $0x1C00, $0x38;
	[tilespmem:$0x1FE00] =	vst v63  }
0x20b: {  	_ =	swait.ge [sflag:s30], $0x1C00  }
0x20c: {  	[sflag:s30] =	ssyncset.done $0x0  }
0x20d: {  	s8 =	rddreg [dreg:$0x11];
	[sflag:s30] =	ssyncadd.s32 $0xFFFFE400  }
0x20e: {  	[hbm4b:s8+s3] =	stream.linear.scatter [tilespmem:s13], [sflag:$0x7], $0x1C00, $0x38;
	[tilespmem:$0x1FE00] =	vst v63  }
0x20f: {  	_ =	swait.ge [sflag:s30], $0x1C00  }
0x210: {  	s25 =	sadd.s32 $0x1, s25;
	s8 =	rddreg [dreg:$0x12]  }
0x211: {  	p0 =	sne.s32 s25, s8  }
.Ltmp4:
0x212: {  	_ = 	snop;
	(pc) =	sbr.rel @p0 .LBB2_1-.Ltmp4, $3  }
0x213: {  	_ =	sdelay $0x1  }
0x214: {  	[sflag:s30] =	ssyncset.done $0x0  }
0x215: {  	[sflag:s30] =	ssyncadd.s32 $0xFFFFE400  }
0x216: {  	_ =	sfence.sel $0x180000  }
0x217: {  	[bflag:$0x0] =	sbarrier.arrive $0xFFFF  }
0x218: {  	_ =	strace $0x90000047  }
0x219: {  	s0 =	stileid.u32;
	[bflag:$0x2] =	sbarrier.arrive $0xFFFF  }
0x21a: {  	p0 =	sne.s32 s0, $0x0;
	s0 =	rddreg [dreg:$0x2]  }
0x21b: {  	s0 =	sadd.s32 @!p0 $0x100000, s0  }
0x21c: {  	[sflag:s0] =	ssyncadd.tile.s32 @!p0 $0x1;
	_ =	shalt  }
.Lfunc_end2:
_tile_overlayer_lowered:
.L_overlay_start_2:
0x21d: {  	(tag) =	ssettag $0x2  }
0x21e: {  	s0 =	rddreg [dreg:$0x0];
	s2 =	stileid.u32  }
0x21f: {  	s1 =	rddreg [dreg:$0x1];
	p0 =	sne.s32 s2, $0x0  }
0x220: {  	s3 =	rddreg [dreg:$0x2];
	[bflag:$0x3] =	sbarrier.arrive $0xFFFF;
	s2 =	simm.s32 @!p0 $0x1C07  }
0x221: {  	[timem:s3], [sflag:s2] =	dma.local @!p0 [hbm:s0], s1  }
0x222: {  	s0 =	simm.s32 @!p0 $0x7  }
0x223: {  	_ =	swait.ge @!p0 [sflag:s0], s1  }
0x224: {  	s1 =	ssub.s32 @!p0 $0x0, s1;
	[sflag:s0] =	ssyncset.done @!p0 $0x0  }
0x225: {  	[sflag:s0] =	ssyncadd.s32 @!p0 s1  }
0x226: {  	[bflag:$0x3] =	sbarrier.arrive $0xFFFF  }
0x227: {  	_ =	shalt  }

// kernel: kernel.13.cloned.1.call-start
scs
__scs_entry_jumppad:
0x0: {  	(pc) =	sbr.rel $0x88, $3  }
0x1: {  	(tag) =	ssettag $0x0;
	lr =	simm.s32 $0x1  }
0x2: {  	[smem:$0x3F8B] =	sst lr;
	_ =	strace $0xD0000000  }
0x3: {  	_ = 	snop  }
0x4: {  	_ = 	snop  }
0x5: {  	_ = 	snop  }
0x6: {  	_ = 	snop  }
0x7: {  	_ = 	snop  }
__scs_overlays_trampoline_lowered:
0x8: {  	[smem:$0x3F9A] =	sst s0  }
0x9: {  	[smem:$0x3F9B] =	sst s1  }
0xa: {  	[smem:$0x3F9C] =	sst s2  }
0xb: {  	[smem:$0x3F9D] =	sst s3  }
0xc: {  	[smem:$0x3F9E] =	sst s4  }
0xd: {  	[smem:$0x3F9F] =	sst s5  }
0xe: {  	[smem:$0x3FA0] =	sst s6  }
0xf: {  	[smem:$0x3FA1] =	sst s7  }
0x10: {  	[smem:$0x3FA2] =	sst s8  }
0x11: {  	[smem:$0x3FA3] =	sst s9;
	s0 =	simm.s32 @!p0 $0x0  }
0x12: {  	s1 =	sld [smem:$0x3F89];
	s0 =	simm.s32 @p0 $0x1  }
0x13: {  	[smem:$0x3FA4] =	sst s0;
	s0 =	simm.s32 @!p1 $0x0  }
0x14: {  	s2 =	sld [smem:$0x3F88];
	s0 =	simm.s32 @p1 $0x1  }
0x15: {  	[smem:$0x3FA5] =	sst s0;
	s0 =	simm.s32 @!p2 $0x0  }
0x16: {  	s3 =	sld [smem:$0x3FDB];
	s0 =	simm.s32 @p2 $0x1  }
0x17: {  	s4 =	simm.s32 $0x1BF5;
	[smem:$0x3FA7] =	sst s0  }
0x18: {  	s0 =	sld [smem:$0x3F8A];
	_ =	swait.ge [sflag:s4], $0x0  }
0x19: {  	s7 =	sld [smem:$0x3F8B]  }
0x1a: {  	s8 =	sadd.s32 $0xFFFFE003, lr  }
0x1b: {  	s9 =	sadd.s32 $0xFFFFFEF7, lr;
	s5 =	simm.s32 $0xFFFFFFFF;
	p2 =	slt.u32 s8, $0xFFFFF086  }
0x1c: {  	p1 =	slt.u32 s9, $0xF7A;
	s5 =	simm.s32 @!p2 $0x0  }
0x1d: {  	s5 =	simm.s32 @p1 $0x1;
	p0 =	seq.s32 s7, s2  }
0x1e: {  	s7 =	smul.u32 @!p0 $0xF7A, s2;
	p2 =	seq.s32 @!p0 s5, $0x0  }
0x1f: {  	s9 =	smul.u32 $0xF7A, s1;
	s8 =	simm.s32 @!p0 $0x1BF5;
	p2 =	por !p2, p0  }
0x20: {  	[sflag:s8] =	ssyncset.s32 @!p0 $0xFFFFF086;
	s6 =	sadd.s32 @!p0 s3, s7;
	s7 =	simm.s32 @!p0 $0x108  }
0x21: {  	s3 =	sadd.s32 s3, s9;
	s6 =	sadd.s32 @!p0 $0x88, s6;
	s7 =	simm.s32 @p2 $0x1082  }
0x22: {  	[simem:s7], [sflag:s8] =	dma.local @!p0 [hbm:s6], $0xF7A  }
0x23: {  	s9 =	sor.u32 $0xD0000000, s2;
	s6 =	simm.s32 $0x108;
	_ =	swait.ge @!p0 [sflag:s8], $0x0  }
0x24: {  	s3 =	sadd.s32 $0x88, s3;
	s6 =	simm.s32 @!p1 $0x1082;
	[sflag:s4] =	ssyncset.s32 $0xFFFFF086  }
0x25: {  	[simem:s6], [sflag:s4] =	dma.local [hbm:s3], $0xF7A  }
0x26: {  	[smem:$0x3F8B] =	sst s1;
	(tag) =	ssettag s2;
	_ =	strace s9  }
0x27: {  	s1 =	sld [smem:$0x3F9B]  }
0x28: {  	s2 =	sld [smem:$0x3F9C]  }
0x29: {  	s4 =	sld [smem:$0x3F9E]  }
0x2a: {  	p0 =	seq.s32 s5, $0x0;
	s5 =	sld [smem:$0x3F9F]  }
0x2b: {  	s6 =	sld [smem:$0x3FA0]  }
0x2c: {  	s7 =	sld [smem:$0x3FA1]  }
0x2d: {  	s3 =	simm.s32 $0x108;
	s8 =	sld [smem:$0x3FA2]  }
0x2e: {  	s3 =	simm.s32 @!p0 $0x1082;
	s9 =	sld [smem:$0x3FA3]  }
0x2f: {  	lr =	sadd.s32 s0, s3;
	s0 =	sld [smem:$0x3F9A]  }
0x30: {  	s3 =	sld [smem:$0x3F9D]  }
0x31: {  	[smem:$0x3FA6] =	sst s10  }
0x32: {  	s10 =	sld [smem:$0x3FA4];
	_ =	sdelay $0x3  }
0x33: {  	p0 =	seq.s32 s10, $0x1;
	s10 =	sld [smem:$0x3FA6];
	_ =	sdelay $0x3  }
0x34: {  	[smem:$0x3FA6] =	sst s10  }
0x35: {  	s10 =	sld [smem:$0x3FA5];
	_ =	sdelay $0x3  }
0x36: {  	p1 =	seq.s32 s10, $0x1;
	s10 =	sld [smem:$0x3FA6];
	_ =	sdelay $0x3  }
0x37: {  	[smem:$0x3FA6] =	sst s10  }
0x38: {  	s10 =	sld [smem:$0x3FA7]  }
0x39: {  	_ = 	snop;
	(pc) =	sbr.ind lr, $3  }
0x3a: {  	_ = 	snop  }
0x3b: {  	_ = 	snop  }
0x3c: {  	p2 =	seq.s32 s10, $0x1;
	s10 =	sld [smem:$0x3FA6]  }
0x3d: {  	_ =	shalt  }
0x3e: {  	_ =	shalt  }
0x3f: {  	_ =	shalt  }
0x40: {  	_ =	shalt  }
0x41: {  	_ =	shalt  }
0x42: {  	_ =	shalt  }
0x43: {  	_ =	shalt  }
0x44: {  	_ =	shalt  }
0x45: {  	_ =	shalt  }
0x46: {  	_ =	shalt  }
0x47: {  	_ =	shalt  }
0x48: {  	_ =	shalt  }
0x49: {  	_ =	shalt  }
0x4a: {  	_ =	shalt  }
0x4b: {  	_ =	shalt  }
0x4c: {  	_ =	shalt  }
0x4d: {  	_ =	shalt  }
0x4e: {  	_ =	shalt  }
0x4f: {  	_ =	shalt  }
0x50: {  	_ =	shalt  }
0x51: {  	_ =	shalt  }
0x52: {  	_ =	shalt  }
0x53: {  	_ =	shalt  }
0x54: {  	_ =	shalt  }
0x55: {  	_ =	shalt  }
0x56: {  	_ =	shalt  }
0x57: {  	_ =	shalt  }
0x58: {  	_ =	shalt  }
0x59: {  	_ =	shalt  }
0x5a: {  	_ =	shalt  }
0x5b: {  	_ =	shalt  }
0x5c: {  	_ =	shalt  }
0x5d: {  	_ =	shalt  }
0x5e: {  	_ =	shalt  }
0x5f: {  	_ =	shalt  }
0x60: {  	_ =	shalt  }
0x61: {  	_ =	shalt  }
0x62: {  	_ =	shalt  }
0x63: {  	_ =	shalt  }
0x64: {  	_ =	shalt  }
0x65: {  	_ =	shalt  }
0x66: {  	_ =	shalt  }
0x67: {  	_ =	shalt  }
0x68: {  	_ =	shalt  }
0x69: {  	_ =	shalt  }
0x6a: {  	_ =	shalt  }
0x6b: {  	_ =	shalt  }
0x6c: {  	_ =	shalt  }
0x6d: {  	_ =	shalt  }
0x6e: {  	_ =	shalt  }
0x6f: {  	_ =	shalt  }
0x70: {  	_ =	shalt  }
0x71: {  	_ =	shalt  }
0x72: {  	_ =	shalt  }
0x73: {  	_ =	shalt  }
0x74: {  	_ =	shalt  }
0x75: {  	_ =	shalt  }
0x76: {  	_ =	shalt  }
0x77: {  	_ =	shalt  }
0x78: {  	_ =	shalt  }
0x79: {  	_ =	shalt  }
0x7a: {  	_ =	shalt  }
0x7b: {  	_ =	shalt  }
0x7c: {  	_ =	shalt  }
0x7d: {  	_ =	shalt  }
0x7e: {  	_ =	shalt  }
0x7f: {  	_ =	shalt  }
0x80: {  	_ =	shalt  }
0x81: {  	_ =	shalt  }
0x82: {  	_ =	shalt  }
0x83: {  	_ =	shalt  }
0x84: {  	_ =	shalt  }
0x85: {  	_ =	shalt  }
0x86: {  	_ =	shalt  }
0x87: {  	_ =	shalt  }
.Lfunc_end0:
.L_simem_size_0:
called_computation.1_lowered:
.L_overlay_start_0:
0x88: {  	s2 =	sld [smem:$0x3FD9]  }
0x89: {  	s3 =	sld [smem:$0x3FFE];
	_ =	sdelay $0x1  }
0x8a: {  	s1 =	srdreg.scid  }
0x8b: {  	s0 =	sand.u32 $0x1, s1  }
0x8c: {  	s16 =	sshll.u32 s0, $0xA;
	s2 =	sadd.s32 s3, s2  }
0x8d: {  	s2 =	sadd.s32 s2, s16  }
0x8e: {  	[smem:$0x3FB2] =	sst s2  }
0x8f: {  	_ = 	snop  }
0x90: {  	(tm) =	ssettm $0x1  }
0x91: {  	s17 =	sld [smem:$0x3FFB];
	_ =	sdelay $0x3  }
0x92: {  	_ =	strace s17  }
0x93: {  	s2 =	sld [smem:$0x3FFC];
	_ =	sdelay $0x3  }
0x94: {  	_ =	strace s2  }
0x95: {  	s2 =	sld [smem:$0x3FFD];
	_ =	sdelay $0x3  }
0x96: {  	_ =	strace s2  }
0x97: {  	_ =	strace $0x8FFFFFFF  }
0x98: {  	s18 =	sld [smem:$0x3FDB];
	_ =	sdelay $0x1  }
0x99: {  	s19 =	simm.s32 $_scs_section_size  }
0x9a: {  	s4 =	simm.s32 $_size__tile_overlayer_lowered;
	s5 =	simm.s32 $_tile_overlayer_lowered  }
0x9b: {  	s22 =	simm.s32 $0x1BFF;
	s21 =	sshll.u32 s5, $0x1;
	s2 =	sadd.s32 s19, s18  }
0x9c: {  	s6 =	simm.s32 $0x0;
	s20 =	sshll.u32 s4, $0x1;
	s4 =	sadd.s32 s21, s2  }
0x9d: {  	[timem:s6], [sflag:s22] =	dma.local [hbm:s4], s20  }
0x9e: {  	_ =	swait.ge [sflag:s22], s20  }
0x9f: {  	s3 =	ssub.s32 $0x0, s20;
	[sflag:s22] =	ssyncset.done $0x0  }
0xa0: {  	[sflag:s22] =	ssyncadd.s32 s3;
	_ =	sdelay $0x1  }
0xa1: {  	s23 =	simm.s32 $0x1B8B  }
0xa2: {  	_ =	swait.ge [sflag:s23], $0x1  }
0xa3: {  	[sflag:s23] =	ssyncset.done $0x0  }
0xa4: {  	s25 =	simm.s32 $0x1B8E;
	s24 =	sld [smem:$0x3FFE];
	[sflag:s23] =	ssyncadd.s32 $0xFFFFFFFF  }
0xa5: {  	s26 =	simm.s32 $execute0_lowered;
	[smem:$0x3FD2] =	sst s25  }
0xa6: {  	s4 =	sshll.u32 s26, $0x1;
	_ =	strace $0x80000049;
	[dreg:$0x1] =	wrdreg $0xFFFFFFFF  }
0xa7: {  	s28 =	simm.s32 $_size_execute0_lowered;
	s2 =	sadd.s32 s2, s4;
	[dreg:$0x0] =	wrdreg $0x0  }
0xa8: {  	s4 =	sshll.u32 s28, $0x1;
	[dreg:$0x2] =	wrdreg s2  }
0xa9: {  	[dreg:$0x3] =	wrdreg s4  }
0xaa: {  	[dreg:$0x4] =	wrdreg $0xC0  }
0xab: {  	_ =	task [dreg:s6], $0x5FFFF  }
0xac: {  	[dreg:$0x1] =	wrdreg $0xFFFFFFFF  }
0xad: {  	[dreg:$0x0] =	wrdreg $0x60  }
0xae: {  	[dreg:$0x2] =	wrdreg s24  }
0xaf: {  	[dreg:$0x3] =	wrdreg $0xC2000  }
0xb0: {  	[dreg:$0x4] =	wrdreg $0x9  }
0xb1: {  	_ =	task.clear_ibuf [dreg:s6], $0x5FFFF;
	_ =	strace $0x90000049  }
0xb2: {  	s29 =	simm.s32 $0x9;
	_ =	strace $0x8000004B  }
0xb3: {  	_ =	swait.ge [sflag:s29], $0x1  }
0xb4: {  	[sflag:s29] =	ssyncadd.s32 $0xFFFFFFFF  }
0xb5: {  	_ =	strace $0x9000004B  }
0xb6: {  	_ =	sfence  }
0xb7: {  	s30 =	sld [smem:$0x0];
	_ =	sdelay $0x2  }
0xb8: {  	s31 =	sshll.u32 s1, $0xD;
	s1 =	sshrl.u32 s1, $0x2  }
0xb9: {  	s3 =	sand.u32 $0x4000, s31;
	s1 =	sadd.s32 s1, s30  }
0xba: {  	s0 =	sor.u32 s3, s0;
	s1 =	sshll.u32 s1, $0x11  }
0xbb: {  	s0 =	sor.u32 s1, s0  }
0xbc: {  	s0 =	sadd.s32 $0x8F2B, s0  }
0xbd: {  	[sflag:s0] =	ssyncadd.remote.s32 $0x1  }
0xbe: {  	_ =	sfence.sel $0xFFFF  }
0xbf: {  	[dreg:$0x0] =	wrdreg $0xFFFFFFFF;
	(pc) =	sbr.abs _section_cstart, $3  }
0xc0: {  	[dreg:$0x1] =	wrdreg $0xFFFFFFFF  }
0xc1: {  	_ =	task.clear_ibuf [dreg:s6], $0x2FFFF;
	_ =	strace $0x9FFFFFFF  }
0xc2: {  	(tm) =	ssettm $0x7FFFFFFF  }
0xc3: {  	_ =	shalt  }
tec
execute0_lowered:
.L_overlay_start_1:
0x0: {  	(tag) =	ssettag $0x1  }
0x1: {  	s0 =	rddreg [dreg:$0x0]  }
0x2: {  	s2 =	rddreg [dreg:$0x1]  }
0x3: {  	s3 =	simm.s32 $0x0;
	s1 =	srdreg.scid;
	s10 =	stileid.u32  }
0x4: {  	s29 =	simm.s32 $0x200;
	s30 =	simm.s32 $0x7;
	s31 =	simm.s32 $0x100  }
0x5: {  	s14 =	simm.s32 $0x80;
	[smem:$0x7FF] =	sst s3;
	s1 =	sand.u32 $0x1, s1  }
0x6: {  	s7 =	smul.u32 $0x278, s10;
	s4 =	sadd.s32 $0x34C00, s0;
	s5 =	sadd.s32 $0x1022200, s0  }
0x7: {  	s6 =	sadd.s32 $0x3A00, s0;
	s9 =	smul.u32 $0x4F000, s10;
	s10 =	sshll.u32 s10, $0x1  }
0x8: {  	s8 =	smul.u32 $0x2780, s1;
	s11 =	ssub.s32 $0x2, s1;
	s1 =	sor.u32 s1, s10  }
0x9: {  	_ =	strace $0x8000004A;
	s9 =	sshrl.u32 s9, $0x2;
	s12 =	smul.u32 $0x27C0, s1  }
0xa: {  	s15 =	sshrl.u32 s11, $0x1;
	s1 =	smul.u32 $0x27C00, s1;
	s26 =	sadd.s32 s9, s2  }
0xb: {  	s8 =	sadd.s32 s7, s8;
	s13 =	sadd.s32 $0xC000, s26;
	[dreg:$0x3] =	wrdreg s26  }
0xc: {  	s16 =	ssub.s32 s11, s15;
	s1 =	sadd.s32 s5, s1;
	[dreg:$0x7] =	wrdreg s13  }
0xd: {  	s7 =	sadd.s32 $0x628200, s0;
	s25 =	smax.u32 s16, $0x1;
	[dreg:$0xa] =	wrdreg s1  }
0xe: {  	s15 =	simm.s32 $0x180;
	s10 =	sadd.s32 $0x3000, s26;
	[dreg:$0x12] =	wrdreg s25  }
0xf: {  	s8 =	sshll.u32 s8, $0x4;
	s11 =	sadd.s32 $0x6000, s26;
	[dreg:$0x4] =	wrdreg s10  }
0x10: {  	s17 =	sshrl.u32 s12, $0x3;
	s28 =	sadd.s32 $0x9000, s26;
	[dreg:$0x5] =	wrdreg s11  }
0x11: {  	s16 =	simm.s32 $0x1;
	s18 =	sadd.s32 s6, s17;
	[dreg:$0x6] =	wrdreg s28  }
0x12: {  	s0 =	sadd.s32 s8, s0;
	s9 =	sadd.s32 s7, s17;
	[dreg:$0x8] =	wrdreg s18  }
0x13: {  	s17 =	sadd.s32 $0xC0, s12;
	[dreg:$0x9] =	wrdreg s9;
	s19 =	sadd.s32 $0x16D400, s0  }
0x14: {  	s1 =	simm.s32 $0x60;
	s20 =	sadd.s32 $0x16DA00, s0;
	[dreg:$0xb] =	wrdreg s19  }
0x15: {  	s13 =	simm.s32 $0x6200;
	s21 =	sadd.s32 $0x16E000, s0;
	[dreg:$0xc] =	wrdreg s20  }
0x16: {  	s25 =	simm.s32 $0x0;
	s22 =	sadd.s32 $0x16E600, s0;
	[dreg:$0xd] =	wrdreg s21  }
0x17: {  	s23 =	sadd.s32 $0x16EC00, s0;
	s24 =	sadd.s32 $0x16F200, s0;
	[dreg:$0xe] =	wrdreg s22  }
0x18: {  	s0 =	sadd.s32 $0x16F800, s0;
	s9 =	sadd.s32 $0xF000, s26;
	[dreg:$0xf] =	wrdreg s23  }
0x19: {  	s18 =	simm.s32 $0x3;
	s20 =	sadd.s32 $0x60, s12;
	[dreg:$0x10] =	wrdreg s24  }
0x1a: {  	[dreg:$0x11] =	wrdreg s0;
	s12 =	sadd.s32 $0x12000, s26;
	s19 =	simm.s32 $0x6  }
0x1b: {  	s21 =	simm.s32 $0x3200;
	s22 =	simm.s32 $0x9200;
	[dreg:$0x13] =	wrdreg s9  }
0x1c: {  	v0 =	vimm.f32 $0.0e+00;
	s23 =	simm.s32 $0x2;
	s24 =	simm.s32 $0x4;
	[dreg:$0x14] =	wrdreg s12  }
.LBB2_1:
0x1d: {  	s0 =	simm.s32 $0x300  }
0x1e: {  	[tilespmem:s0+$0xFFFFFF00] =	vst v0  }
0x1f: {  	[tilespmem:s0+$0xF0] =	vst v0  }
0x20: {  	[tilespmem:s0+$0xE0] =	vst v0  }
0x21: {  	[tilespmem:s0+$0xD0] =	vst v0  }
0x22: {  	[tilespmem:s0+$0xC0] =	vst v0  }
0x23: {  	[tilespmem:s0+$0xB0] =	vst v0  }
0x24: {  	[tilespmem:s0+$0xA0] =	vst v0  }
0x25: {  	[tilespmem:s0+$0x90] =	vst v0  }
0x26: {  	[tilespmem:s0+$0x80] =	vst v0  }
0x27: {  	[tilespmem:s0+$0x70] =	vst v0  }
0x28: {  	[tilespmem:s0+$0x60] =	vst v0  }
0x29: {  	[tilespmem:s0+$0x50] =	vst v0  }
0x2a: {  	[tilespmem:s0+$0x40] =	vst v0  }
0x2b: {  	[tilespmem:s0+$0x30] =	vst v0  }
0x2c: {  	[tilespmem:s0+$0x20] =	vst v0  }
0x2d: {  	[tilespmem:s0+$0x10] =	vst v0  }
0x2e: {  	[tilespmem:s0+$0x0] =	vst v0  }
0x2f: {  	[tilespmem:s0+$0xFFFFFFF0] =	vst v0  }
0x30: {  	[tilespmem:s0+$0xFFFFFFE0] =	vst v0  }
0x31: {  	[tilespmem:s0+$0xFFFFFFD0] =	vst v0  }
0x32: {  	[tilespmem:s0+$0xFFFFFFC0] =	vst v0  }
0x33: {  	[tilespmem:s0+$0xFFFFFFB0] =	vst v0  }
0x34: {  	[tilespmem:s0+$0xFFFFFFA0] =	vst v0  }
0x35: {  	[tilespmem:s0+$0xFFFFFF90] =	vst v0  }
0x36: {  	[tilespmem:s0+$0xFFFFFF80] =	vst v0  }
0x37: {  	[tilespmem:s0+$0xFFFFFF70] =	vst v0  }
0x38: {  	[tilespmem:s0+$0xFFFFFF60] =	vst v0  }
0x39: {  	[tilespmem:s0+$0xFFFFFF50] =	vst v0  }
0x3a: {  	[tilespmem:s0+$0xFFFFFF40] =	vst v0  }
0x3b: {  	[tilespmem:s0+$0xFFFFFF30] =	vst v0  }
0x3c: {  	s8 =	simm.s32 $0x0;
	[tilespmem:s0+$0xFFFFFF20] =	vst v0  }
.LBB2_2:
0x3d: {  	s8 =	sadd.s32 $0x4, s8;
	[tilespmem:s0+$0xFFFFFF10] =	vst v0;
	s0 =	sadd.s32 $0x200, s0  }
0x3e: {  	[tilespmem:s0+$0xFFFFFF00] =	vst v0;
	p0 =	slt.u32 s8, $0x5C  }
0x3f: {  	[tilespmem:s0+$0xF0] =	vst v0  }
0x40: {  	[tilespmem:s0+$0xE0] =	vst v0  }
0x41: {  	[tilespmem:s0+$0xD0] =	vst v0  }
0x42: {  	[tilespmem:s0+$0xC0] =	vst v0  }
0x43: {  	[tilespmem:s0+$0xB0] =	vst v0  }
0x44: {  	[tilespmem:s0+$0xA0] =	vst v0  }
0x45: {  	[tilespmem:s0+$0x90] =	vst v0  }
0x46: {  	[tilespmem:s0+$0x80] =	vst v0  }
0x47: {  	[tilespmem:s0+$0x70] =	vst v0  }
0x48: {  	[tilespmem:s0+$0x60] =	vst v0  }
0x49: {  	[tilespmem:s0+$0x50] =	vst v0  }
0x4a: {  	[tilespmem:s0+$0x40] =	vst v0  }
0x4b: {  	[tilespmem:s0+$0x30] =	vst v0  }
0x4c: {  	[tilespmem:s0+$0x20] =	vst v0  }
0x4d: {  	[tilespmem:s0+$0x10] =	vst v0  }
0x4e: {  	[tilespmem:s0+$0x0] =	vst v0  }
0x4f: {  	[tilespmem:s0+$0xFFFFFFF0] =	vst v0  }
0x50: {  	[tilespmem:s0+$0xFFFFFFE0] =	vst v0  }
0x51: {  	[tilespmem:s0+$0xFFFFFFD0] =	vst v0  }
0x52: {  	[tilespmem:s0+$0xFFFFFFC0] =	vst v0  }
0x53: {  	[tilespmem:s0+$0xFFFFFFB0] =	vst v0  }
0x54: {  	[tilespmem:s0+$0xFFFFFFA0] =	vst v0  }
0x55: {  	[tilespmem:s0+$0xFFFFFF90] =	vst v0  }
0x56: {  	[tilespmem:s0+$0xFFFFFF80] =	vst v0  }
0x57: {  	[tilespmem:s0+$0xFFFFFF70] =	vst v0  }
.Ltmp0:
0x58: {  	[tilespmem:s0+$0xFFFFFF60] =	vst v0;
	(pc) =	sbr.rel @p0 .LBB2_2-.Ltmp0, $4  }
0x59: {  	[tilespmem:s0+$0xFFFFFF50] =	vst v0  }
0x5a: {  	[tilespmem:s0+$0xFFFFFF40] =	vst v0  }
0x5b: {  	[tilespmem:s0+$0xFFFFFF30] =	vst v0  }
0x5c: {  	[tilespmem:s0+$0xFFFFFF20] =	vst v0  }
0x5d: {  	[tilespmem:s0+$0xFFFFFF10] =	vst v0  }
0x5e: {  	[spmem:s26] =	stream.linear.scatter [tilespmem:s29], [sflag:$0x7], $0x3000, $0x38;
	[tilespmem:$0x1FE00] =	vst v63  }
0x5f: {  	_ =	swait.ge [sflag:s30], $0x3000  }
0x60: {  	[sflag:s30] =	ssyncset.done $0x0  }
0x61: {  	[sflag:s30] =	ssyncadd.s32 $0xFFFFD000  }
0x62: {  	[spmem:s10] =	stream.linear.scatter [tilespmem:s29], [sflag:$0x7], $0x3000, $0x38;
	[tilespmem:$0x1FE00] =	vst v63  }
0x63: {  	_ =	swait.ge [sflag:s30], $0x3000  }
0x64: {  	[sflag:s30] =	ssyncset.done $0x0  }
0x65: {  	[sflag:s30] =	ssyncadd.s32 $0xFFFFD000  }
0x66: {  	[spmem:s11] =	stream.linear.scatter [tilespmem:s29], [sflag:$0x7], $0x3000, $0x38;
	[tilespmem:$0x1FE00] =	vst v63  }
0x67: {  	_ =	swait.ge [sflag:s30], $0x3000  }
0x68: {  	[sflag:s30] =	ssyncset.done $0x0  }
0x69: {  	[sflag:s30] =	ssyncadd.s32 $0xFFFFD000  }
0x6a: {  	[spmem:s28] =	stream.linear.scatter [tilespmem:s29], [sflag:$0x7], $0x3000, $0x38;
	[tilespmem:$0x1FE00] =	vst v63  }
0x6b: {  	_ =	swait.ge [sflag:s30], $0x3000  }
0x6c: {  	[sflag:s30] =	ssyncset.done $0x0  }
0x6d: {  	s10 =	rddreg [dreg:$0x7];
	[sflag:s30] =	ssyncadd.s32 $0xFFFFD000  }
0x6e: {  	[spmem:s10] =	stream.linear.scatter [tilespmem:s29], [sflag:$0x7], $0x3000, $0x38;
	[tilespmem:$0x1FE00] =	vst v63  }
0x6f: {  	_ =	swait.ge [sflag:s30], $0x3000  }
0x70: {  	[sflag:s30] =	ssyncset.done $0x0  }
0x71: {  	[sflag:s30] =	ssyncadd.s32 $0xFFFFD000  }
0x72: {  	[spmem:s9] =	stream.linear.scatter [tilespmem:s29], [sflag:$0x7], $0x3000, $0x38;
	[tilespmem:$0x1FE00] =	vst v63  }
0x73: {  	_ =	swait.ge [sflag:s30], $0x3000  }
0x74: {  	[sflag:s30] =	ssyncset.done $0x0  }
0x75: {  	[sflag:s30] =	ssyncadd.s32 $0xFFFFD000  }
0x76: {  	[spmem:s12] =	stream.linear.scatter [tilespmem:s29], [sflag:$0x7], $0x1C00, $0x38;
	[tilespmem:$0x1FE00] =	vst v63  }
0x77: {  	_ =	swait.ge [sflag:s30], $0x1C00  }
0x78: {  	[sflag:s30] =	ssyncset.done $0x0  }
0x79: {  	[sflag:s30] =	ssyncadd.s32 $0xFFFFE400  }
0x7a: {  	[bflag:$0x0] =	sbarrier.arrive $0xFFFF  }
0x7b: {  	s9 =	simm.s32 $0x0;
	s11 =	rddreg [dreg:$0x8]  }
0x7c: {  	[tilespmem:s9], [sflag:$0x5] =	stream.linear.gather [hbm4b:s11+s9], $0x60, $0x38;
	[tilespmem:$0x1FE00] =	vst v63  }
0x7d: {  	s26 =	simm.s32 $0x5;
	s12 =	rddreg [dreg:$0x9]  }
0x7e: {  	[tilespmem:s31], [sflag:$0x5] =	stream.linear.gather [hbm4b:s12+s9], $0x60, $0x38;
	[tilespmem:$0x1FE00] =	vst v63  }
0x7f: {  	_ =	swait.ge [sflag:s26], $0x60  }
0x80: {  	[sflag:s26] =	ssyncset.done $0x0  }
0x81: {  	[sflag:s26] =	ssyncadd.s32 $0xFFFFFFA0  }
0x82: {  	_ =	swait.ge [sflag:s26], $0x60  }
0x83: {  	[sflag:s26] =	ssyncset.done $0x0  }
0x84: {  	s28 =	rddreg [dreg:$0xa];
	[sflag:s26] =	ssyncadd.s32 $0xFFFFFFA0  }
0x85: {  	[tilespmem:s29], [sflag:$0x1] =	stream.linear.gather [hbm4b:s28+s9], $0x3000, $0x38;
	[tilespmem:$0x1FE00] =	vst v63  }
0x86: {  	_ = 	snop  }
0x87: {  	[tilespmem:s13], [sflag:$0x3] =	stream.indirect.gather [hbm4b:s4+s1], $0x80, s9, s1, $0xb8;
	[tilespmem:$0x1FE00] =	vst v63  }
.LBB2_4:
0x88: {  	s10 =	smul.u32 $0xC0, s9;
	_ =	sdelay $0x1  }
0x89: {  	s11 =	sadd.s32 s10, s20  }
0x8a: {  	s0 =	sshrl.u32 s11, $0x3  }
0x8b: {  	s8 =	sadd.s32 s6, s0  }
0x8c: {  	[tilespmem:s14], [sflag:$0x6] =	stream.linear.gather [hbm4b:s8+s3], $0x60, $0x38;
	[tilespmem:$0x1FE00] =	vst v63  }
0x8d: {  	s0 =	sadd.s32 s7, s0  }
0x8e: {  	[tilespmem:s15], [sflag:$0x6] =	stream.linear.gather [hbm4b:s0+s3], $0x60, $0x38;
	[tilespmem:$0x1FE00] =	vst v63  }
0x8f: {  	_ =	swait.ge [sflag:s16], $0x3000  }
0x90: {  	[sflag:s16] =	ssyncset.done $0x0  }
0x91: {  	[sflag:s16] =	ssyncadd.s32 $0xFFFFD000  }
0x92: {  	_ =	swait.ge [sflag:s18], $0x3000  }
0x93: {  	[sflag:s18] =	ssyncset.done $0x0  }
0x94: {  	s12 =	simm.s32 $0x300;
	[sflag:s18] =	ssyncadd.s32 $0xFFFFD000  }
0x95: {  	s26 =	simm.s32 $0x6300;
	v1 =	vld [tilespmem:s12+$0x80]  }
0x96: {  	v2 =	vld [tilespmem:s26+$0x80]  }
0x97: {  	v3 =	vld [tilespmem:s26+$0xFFFFFF00]  }
0x98: {  	v4 =	vld [tilespmem:s12+$0xFFFFFF80]  }
0x99: {  	v5 =	vld [tilespmem:s26+$0xFFFFFF80]  }
0x9a: {  	v6 =	vld [tilespmem:s26+$0x0]  }
0x9b: {  	v1 =	vadd.f32 v2, v1;
	v2 =	vld [tilespmem:s12+$0x0]  }
0x9c: {  	v7 =	vld [tilespmem:s12+$0xFFFFFF00]  }
0x9d: {  	v1 =	vmax.f32 v1, $0.0e+00  }
0x9e: {  	v4 =	vadd.f32 v5, v4;
	[tilespmem:s12+$0x80] =	vst v1;
	v1 =	vld [tilespmem:s12+$0x90]  }
0x9f: {  	v8 =	vld [tilespmem:s26+$0x90]  }
0xa0: {  	v9 =	vld [tilespmem:s12+$0xFFFFFF90];
	v4 =	vmax.f32 v4, $0.0e+00;
	v2 =	vadd.f32 v6, v2  }
0xa1: {  	v5 =	vld [tilespmem:s12+$0xFFFFFF10];
	v3 =	vadd.f32 v3, v7;
	[tilespmem:s12+$0xFFFFFF80] =	vst v4  }
0xa2: {  	v6 =	vld [tilespmem:s26+$0xFFFFFF90];
	v2 =	vmax.f32 v2, $0.0e+00  }
0xa3: {  	v3 =	vmax.f32 v3, $0.0e+00;
	v4 =	vld [tilespmem:s12+$0x10];
	[tilespmem:s12+$0x0] =	vst v2  }
0xa4: {  	[tilespmem:s12+$0xFFFFFF00] =	vst v3;
	v1 =	vadd.f32 v8, v1;
	v2 =	vld [tilespmem:s26+$0x10]  }
0xa5: {  	v3 =	vld [tilespmem:s26+$0xFFFFFF10]  }
0xa6: {  	v1 =	vmax.f32 v1, $0.0e+00  }
0xa7: {  	v6 =	vadd.f32 v6, v9;
	[tilespmem:s12+$0x90] =	vst v1;
	v1 =	vld [tilespmem:s12+$0xA0]  }
0xa8: {  	v8 =	vld [tilespmem:s26+$0xA0]  }
0xa9: {  	v7 =	vld [tilespmem:s12+$0xFFFFFF20];
	v6 =	vmax.f32 v6, $0.0e+00;
	v2 =	vadd.f32 v2, v4  }
0xaa: {  	v3 =	vadd.f32 v3, v5;
	v9 =	vld [tilespmem:s12+$0xFFFFFFA0];
	[tilespmem:s12+$0xFFFFFF90] =	vst v6  }
0xab: {  	v5 =	vld [tilespmem:s26+$0xFFFFFFA0];
	v2 =	vmax.f32 v2, $0.0e+00  }
0xac: {  	v3 =	vmax.f32 v3, $0.0e+00;
	v4 =	vld [tilespmem:s12+$0x20];
	[tilespmem:s12+$0x10] =	vst v2  }
0xad: {  	[tilespmem:s12+$0xFFFFFF10] =	vst v3;
	v1 =	vadd.f32 v8, v1;
	v2 =	vld [tilespmem:s26+$0x20]  }
0xae: {  	v3 =	vld [tilespmem:s26+$0xFFFFFF20]  }
0xaf: {  	v1 =	vmax.f32 v1, $0.0e+00  }
0xb0: {  	v5 =	vadd.f32 v5, v9;
	[tilespmem:s12+$0xA0] =	vst v1;
	v1 =	vld [tilespmem:s12+$0xB0]  }
0xb1: {  	v8 =	vld [tilespmem:s26+$0xB0]  }
0xb2: {  	v10 =	vld [tilespmem:s12+$0x30];
	v5 =	vmax.f32 v5, $0.0e+00;
	v2 =	vadd.f32 v2, v4  }
0xb3: {  	v3 =	vadd.f32 v3, v7;
	v9 =	vld [tilespmem:s12+$0xFFFFFFB0];
	[tilespmem:s12+$0xFFFFFFA0] =	vst v5  }
0xb4: {  	v4 =	vld [tilespmem:s26+$0xFFFFFFB0];
	v2 =	vmax.f32 v2, $0.0e+00  }
0xb5: {  	v6 =	vld [tilespmem:s12+$0xFFFFFF30];
	[tilespmem:s12+$0x20] =	vst v2;
	v2 =	vmax.f32 v3, $0.0e+00  }
0xb6: {  	v1 =	vadd.f32 v8, v1;
	[tilespmem:s12+$0xFFFFFF20] =	vst v2;
	v2 =	vld [tilespmem:s26+$0x30]  }
0xb7: {  	v7 =	vld [tilespmem:s26+$0xFFFFFF30]  }
0xb8: {  	v11 =	vld [tilespmem:s12+$0xFFFFFF40];
	v1 =	vmax.f32 v1, $0.0e+00  }
0xb9: {  	v4 =	vadd.f32 v4, v9;
	[tilespmem:s12+$0xB0] =	vst v1;
	v1 =	vld [tilespmem:s12+$0xC0]  }
0xba: {  	v8 =	vld [tilespmem:s26+$0xC0]  }
0xbb: {  	v12 =	vld [tilespmem:s12+$0xFFFFFFD0];
	v4 =	vmax.f32 v4, $0.0e+00;
	v2 =	vadd.f32 v2, v10  }
0xbc: {  	v5 =	vld [tilespmem:s12+$0xFFFFFFC0];
	[tilespmem:s12+$0xFFFFFFB0] =	vst v4;
	v6 =	vadd.f32 v7, v6  }
0xbd: {  	v7 =	vld [tilespmem:s26+$0xFFFFFFC0];
	v2 =	vmax.f32 v2, $0.0e+00  }
0xbe: {  	v3 =	vld [tilespmem:s12+$0x40];
	[tilespmem:s12+$0x30] =	vst v2;
	v2 =	vmax.f32 v6, $0.0e+00  }
0xbf: {  	v1 =	vadd.f32 v8, v1;
	v6 =	vld [tilespmem:s26+$0x40];
	[tilespmem:s12+$0xFFFFFF30] =	vst v2  }
0xc0: {  	v2 =	vld [tilespmem:s26+$0xFFFFFF40]  }
0xc1: {  	v9 =	vld [tilespmem:s12+$0xFFFFFF50];
	v1 =	vmax.f32 v1, $0.0e+00  }
0xc2: {  	[tilespmem:s12+$0xC0] =	vst v1;
	v1 =	vadd.f32 v7, v5;
	v7 =	vld [tilespmem:s12+$0xD0]  }
0xc3: {  	v8 =	vld [tilespmem:s26+$0xD0]  }
0xc4: {  	v4 =	vld [tilespmem:s12+$0xFFFFFF60];
	v1 =	vmax.f32 v1, $0.0e+00;
	v3 =	vadd.f32 v6, v3  }
0xc5: {  	v10 =	vld [tilespmem:s12+$0x50];
	[tilespmem:s12+$0xFFFFFFC0] =	vst v1;
	v1 =	vadd.f32 v2, v11  }
0xc6: {  	v2 =	vld [tilespmem:s26+$0xFFFFFFD0];
	v3 =	vmax.f32 v3, $0.0e+00  }
0xc7: {  	v5 =	vld [tilespmem:s12+$0xFFFFFFE0];
	[tilespmem:s12+$0x40] =	vst v3;
	v1 =	vmax.f32 v1, $0.0e+00  }
0xc8: {  	v3 =	vld [tilespmem:s26+$0x50];
	v7 =	vadd.f32 v8, v7;
	[tilespmem:s12+$0xFFFFFF40] =	vst v1  }
0xc9: {  	v1 =	vld [tilespmem:s26+$0xFFFFFF50]  }
0xca: {  	v6 =	vld [tilespmem:s12+$0x60];
	v7 =	vmax.f32 v7, $0.0e+00  }
0xcb: {  	v2 =	vadd.f32 v2, v12;
	[tilespmem:s12+$0xD0] =	vst v7;
	v7 =	vld [tilespmem:s12+$0xE0]  }
0xcc: {  	v11 =	vld [tilespmem:s26+$0xE0]  }
0xcd: {  	v2 =	vmax.f32 v2, $0.0e+00;
	v8 =	vadd.f32 v3, v10;
	v3 =	vld [tilespmem:s12+$0xFFFFFF70]  }
0xce: {  	[tilespmem:s12+$0xFFFFFFD0] =	vst v2;
	v1 =	vadd.f32 v1, v9;
	v2 =	vld [tilespmem:s12+$0xFFFFFFF0]  }
0xcf: {  	v9 =	vmax.f32 v8, $0.0e+00;
	v8 =	vld [tilespmem:s26+$0xFFFFFFE0]  }
0xd0: {  	[tilespmem:s12+$0x50] =	vst v9;
	v9 =	vmax.f32 v1, $0.0e+00;
	v1 =	vld [tilespmem:s12+$0x70]  }
0xd1: {  	[tilespmem:s12+$0xFFFFFF50] =	vst v9;
	v9 =	vld [tilespmem:s26+$0x60];
	v7 =	vadd.f32 v11, v7  }
0xd2: {  	v10 =	vld [tilespmem:s26+$0xFFFFFF60]  }
0xd3: {  	s28 =	simm.s32 $0x0;
	s8 =	simm.s32 $0x500;
	s0 =	simm.s32 $0x6300;
	v11 =	vmax.f32 v7, $0.0e+00;
	v7 =	vld [tilespmem:s12+$0xF0]  }
.LBB2_5:
0xd4: {  	v12 =	vld [tilespmem:s8+$0x80];
	v5 =	vadd.f32 v8, v5;
	[tilespmem:s12+$0xE0] =	vst v11  }
0xd5: {  	s0 =	sadd.s32 $0x200, s0;
	v8 =	vld [tilespmem:s26+$0xF0]  }
0xd6: {  	s28 =	sadd.s32 $0x4, s28;
	v11 =	vld [tilespmem:s0+$0x80];
	v5 =	vmax.f32 v5, $0.0e+00;
	v6 =	vadd.f32 v9, v6  }
0xd7: {  	p0 =	slt.u32 s28, $0x5C;
	v9 =	vld [tilespmem:s0+$0xFFFFFF00];
	v4 =	vadd.f32 v10, v4;
	[tilespmem:s12+$0xFFFFFFE0] =	vst v5  }
0xd8: {  	v5 =	vld [tilespmem:s8+$0xFFFFFF80];
	v6 =	vmax.f32 v6, $0.0e+00  }
0xd9: {  	v10 =	vld [tilespmem:s0+$0xFFFFFF80];
	v4 =	vmax.f32 v4, $0.0e+00;
	[tilespmem:s12+$0x60] =	vst v6  }
0xda: {  	v6 =	vld [tilespmem:s8+$0x0];
	[tilespmem:s12+$0xFFFFFF60] =	vst v4;
	v4 =	vadd.f32 v8, v7  }
0xdb: {  	v7 =	vld [tilespmem:s0+$0x0];
	v8 =	vadd.f32 v11, v12  }
0xdc: {  	v11 =	vld [tilespmem:s8+$0xFFFFFF00];
	v4 =	vmax.f32 v4, $0.0e+00  }
0xdd: {  	v12 =	vld [tilespmem:s8+$0xFFFFFF10];
	v8 =	vmax.f32 v8, $0.0e+00;
	[tilespmem:s12+$0xF0] =	vst v4  }
0xde: {  	v4 =	vadd.f32 v10, v5;
	[tilespmem:s8+$0x80] =	vst v8;
	v5 =	vld [tilespmem:s8+$0x90]  }
0xdf: {  	v8 =	vld [tilespmem:s0+$0x90]  }
0xe0: {  	v4 =	vmax.f32 v4, $0.0e+00;
	v10 =	vld [tilespmem:s8+$0xFFFFFF90];
	v6 =	vadd.f32 v7, v6  }
0xe1: {  	v7 =	vadd.f32 v9, v11;
	[tilespmem:s8+$0xFFFFFF80] =	vst v4;
	v4 =	vld [tilespmem:s8+$0x10]  }
0xe2: {  	v9 =	vld [tilespmem:s0+$0xFFFFFF90];
	v6 =	vmax.f32 v6, $0.0e+00  }
0xe3: {  	v7 =	vmax.f32 v7, $0.0e+00;
	v11 =	vld [tilespmem:s8+$0xFFFFFF20];
	[tilespmem:s8+$0x0] =	vst v6  }
0xe4: {  	[tilespmem:s8+$0xFFFFFF00] =	vst v7;
	v6 =	vld [tilespmem:s0+$0x10];
	v5 =	vadd.f32 v8, v5  }
0xe5: {  	v7 =	vld [tilespmem:s0+$0xFFFFFF10]  }
0xe6: {  	v8 =	vld [tilespmem:s8+$0xFFFFFFA0];
	v5 =	vmax.f32 v5, $0.0e+00  }
0xe7: {  	v9 =	vadd.f32 v9, v10;
	[tilespmem:s8+$0x90] =	vst v5;
	v5 =	vld [tilespmem:s8+$0xA0]  }
0xe8: {  	v10 =	vld [tilespmem:s0+$0xA0]  }
0xe9: {  	v9 =	vmax.f32 v9, $0.0e+00;
	v4 =	vadd.f32 v6, v4;
	v6 =	vld [tilespmem:s8+$0x20]  }
0xea: {  	v7 =	vadd.f32 v7, v12;
	v12 =	vld [tilespmem:s8+$0xFFFFFF30];
	[tilespmem:s8+$0xFFFFFF90] =	vst v9  }
0xeb: {  	v9 =	vld [tilespmem:s0+$0xFFFFFFA0];
	v4 =	vmax.f32 v4, $0.0e+00  }
0xec: {  	v7 =	vmax.f32 v7, $0.0e+00;
	v13 =	vld [tilespmem:s8+$0xFFFFFFB0];
	[tilespmem:s8+$0x10] =	vst v4  }
0xed: {  	[tilespmem:s8+$0xFFFFFF10] =	vst v7;
	v4 =	vld [tilespmem:s0+$0x20];
	v5 =	vadd.f32 v10, v5  }
0xee: {  	v7 =	vld [tilespmem:s0+$0xFFFFFF20]  }
0xef: {  	v10 =	vld [tilespmem:s8+$0x30];
	v5 =	vmax.f32 v5, $0.0e+00  }
0xf0: {  	v8 =	vadd.f32 v9, v8;
	[tilespmem:s8+$0xA0] =	vst v5;
	v5 =	vld [tilespmem:s8+$0xB0]  }
0xf1: {  	v9 =	vld [tilespmem:s0+$0xB0]  }
0xf2: {  	v14 =	vld [tilespmem:s8+$0xFFFFFF40];
	v8 =	vmax.f32 v8, $0.0e+00;
	v4 =	vadd.f32 v4, v6  }
0xf3: {  	v6 =	vadd.f32 v7, v11;
	[tilespmem:s8+$0xFFFFFFA0] =	vst v8;
	v7 =	vld [tilespmem:s8+$0xFFFFFFC0]  }
0xf4: {  	v8 =	vld [tilespmem:s0+$0xFFFFFFB0];
	v4 =	vmax.f32 v4, $0.0e+00  }
0xf5: {  	v6 =	vmax.f32 v6, $0.0e+00;
	[tilespmem:s8+$0x20] =	vst v4;
	v11 =	vld [tilespmem:s8+$0x40]  }
0xf6: {  	[tilespmem:s8+$0xFFFFFF20] =	vst v6;
	v4 =	vld [tilespmem:s0+$0x30];
	v5 =	vadd.f32 v9, v5  }
0xf7: {  	v6 =	vld [tilespmem:s0+$0xFFFFFF30]  }
0xf8: {  	v9 =	vld [tilespmem:s8+$0xFFFFFF50];
	v5 =	vmax.f32 v5, $0.0e+00  }
0xf9: {  	v8 =	vadd.f32 v8, v13;
	[tilespmem:s8+$0xB0] =	vst v5;
	v5 =	vld [tilespmem:s8+$0xC0]  }
0xfa: {  	v13 =	vld [tilespmem:s0+$0xC0]  }
0xfb: {  	v8 =	vmax.f32 v8, $0.0e+00;
	v15 =	vld [tilespmem:s8+$0xFFFFFFD0];
	v4 =	vadd.f32 v4, v10  }
0xfc: {  	v6 =	vadd.f32 v6, v12;
	[tilespmem:s8+$0xFFFFFFB0] =	vst v8;
	v8 =	vld [tilespmem:s8+$0x50]  }
0xfd: {  	v10 =	vld [tilespmem:s0+$0xFFFFFFC0];
	v12 =	vmax.f32 v4, $0.0e+00  }
0xfe: {  	v6 =	vmax.f32 v6, $0.0e+00;
	v4 =	vld [tilespmem:s8+$0xFFFFFF60];
	[tilespmem:s8+$0x30] =	vst v12  }
0xff: {  	[tilespmem:s8+$0xFFFFFF30] =	vst v6;
	v6 =	vld [tilespmem:s0+$0x40];
	v12 =	vadd.f32 v13, v5  }
0x100: {  	v13 =	vld [tilespmem:s0+$0xFFFFFF40]  }
0x101: {  	v5 =	vld [tilespmem:s8+$0xFFFFFFE0];
	v12 =	vmax.f32 v12, $0.0e+00  }
0x102: {  	v7 =	vadd.f32 v10, v7;
	[tilespmem:s8+$0xC0] =	vst v12;
	v10 =	vld [tilespmem:s8+$0xD0]  }
0x103: {  	v12 =	vld [tilespmem:s0+$0xD0]  }
0x104: {  	v7 =	vmax.f32 v7, $0.0e+00;
	v11 =	vadd.f32 v6, v11;
	v6 =	vld [tilespmem:s8+$0x60]  }
0x105: {  	v13 =	vadd.f32 v13, v14;
	[tilespmem:s8+$0xFFFFFFC0] =	vst v7;
	v7 =	vld [tilespmem:s26+$0xFFFFFF70]  }
0x106: {  	v14 =	vld [tilespmem:s0+$0xFFFFFFD0];
	v11 =	vmax.f32 v11, $0.0e+00  }
0x107: {  	v13 =	vmax.f32 v13, $0.0e+00;
	[tilespmem:s8+$0x40] =	vst v11;
	v11 =	vld [tilespmem:s26+$0xFFFFFFF0]  }
0x108: {  	[tilespmem:s8+$0xFFFFFF40] =	vst v13;
	v13 =	vld [tilespmem:s0+$0x50];
	v10 =	vadd.f32 v12, v10  }
0x109: {  	v12 =	vld [tilespmem:s0+$0xFFFFFF50]  }
0x10a: {  	v10 =	vmax.f32 v10, $0.0e+00;
	v3 =	vadd.f32 v7, v3;
	v7 =	vld [tilespmem:s26+$0x70];
	s26 =	smov.u32 s0  }
0x10b: {  	v14 =	vadd.f32 v14, v15;
	[tilespmem:s8+$0xD0] =	vst v10;
	v10 =	vld [tilespmem:s8+$0xE0]  }
0x10c: {  	v15 =	vld [tilespmem:s0+$0xE0];
	v16 =	vmax.f32 v3, $0.0e+00;
	v11 =	vadd.f32 v11, v2  }
0x10d: {  	v3 =	vld [tilespmem:s8+$0xFFFFFF70];
	v2 =	vmax.f32 v14, $0.0e+00;
	v13 =	vadd.f32 v13, v8;
	[tilespmem:s12+$0xFFFFFF70] =	vst v16  }
0x10e: {  	v9 =	vadd.f32 v12, v9;
	[tilespmem:s8+$0xFFFFFFD0] =	vst v2;
	v2 =	vld [tilespmem:s8+$0xFFFFFFF0];
	v11 =	vmax.f32 v11, $0.0e+00  }
.Ltmp1:
0x10f: {  	v8 =	vld [tilespmem:s0+$0xFFFFFFE0];
	v12 =	vmax.f32 v13, $0.0e+00;
	[tilespmem:s12+$0xFFFFFFF0] =	vst v11;
	v7 =	vadd.f32 v7, v1;
	(pc) =	sbr.rel @p0 .LBB2_5-.Ltmp1, $4  }
0x110: {  	v9 =	vmax.f32 v9, $0.0e+00;
	[tilespmem:s8+$0x50] =	vst v12;
	v1 =	vld [tilespmem:s8+$0x70]  }
0x111: {  	[tilespmem:s8+$0xFFFFFF50] =	vst v9;
	v9 =	vld [tilespmem:s0+$0x60];
	v11 =	vadd.f32 v15, v10;
	v7 =	vmax.f32 v7, $0.0e+00  }
0x112: {  	v10 =	vld [tilespmem:s0+$0xFFFFFF60];
	[tilespmem:s12+$0x70] =	vst v7;
	s12 =	smov.u32 s8  }
0x113: {  	s8 =	sadd.s32 $0x200, s8;
	v11 =	vmax.f32 v11, $0.0e+00;
	v7 =	vld [tilespmem:s12+$0xF0]  }
0x114: {  	_ =	sdelay $0x2  }
0x115: {  	v4 =	vadd.f32 v10, v4  }
0x116: {  	v5 =	vadd.f32 v8, v5  }
0x117: {  	[tilespmem:s12+$0xE0] =	vst v11;
	v6 =	vadd.f32 v9, v6;
	v4 =	vmax.f32 v4, $0.0e+00  }
0x118: {  	v8 =	vld [tilespmem:s26+$0xF0];
	v5 =	vmax.f32 v5, $0.0e+00;
	[tilespmem:s12+$0xFFFFFF60] =	vst v4  }
0x119: {  	[tilespmem:s12+$0xFFFFFFE0] =	vst v5;
	v4 =	vmax.f32 v6, $0.0e+00;
	v5 =	vld [tilespmem:s26+$0xFFFFFF70]  }
0x11a: {  	[tilespmem:s12+$0x60] =	vst v4;
	v4 =	vld [tilespmem:s26+$0xFFFFFFF0]  }
0x11b: {  	v6 =	vld [tilespmem:s26+$0x70];
	_ =	sdelay $0x1  }
0x11c: {  	v7 =	vadd.f32 v8, v7  }
0x11d: {  	v3 =	vadd.f32 v5, v3  }
0x11e: {  	v5 =	vmax.f32 v7, $0.0e+00;
	v2 =	vadd.f32 v4, v2  }
0x11f: {  	[tilespmem:s12+$0xF0] =	vst v5;
	v1 =	vadd.f32 v6, v1;
	v3 =	vmax.f32 v3, $0.0e+00  }
0x120: {  	v2 =	vmax.f32 v2, $0.0e+00;
	[tilespmem:s12+$0xFFFFFF70] =	vst v3  }
0x121: {  	[tilespmem:s12+$0xFFFFFFF0] =	vst v2;
	v1 =	vmax.f32 v1, $0.0e+00  }
0x122: {  	[tilespmem:s12+$0x70] =	vst v1  }
0x123: {  	_ =	swait.ge [sflag:s19], $0x60  }
0x124: {  	[sflag:s19] =	ssyncset.done $0x0  }
0x125: {  	[sflag:s19] =	ssyncadd.s32 $0xFFFFFFA0  }
0x126: {  	_ =	swait.ge [sflag:s19], $0x60  }
0x127: {  	s0 =	sshll.u32 s11, $0x4;
	[sflag:s19] =	ssyncset.done $0x0  }
0x128: {  	s0 =	sadd.s32 s5, s0;
	[sflag:s19] =	ssyncadd.s32 $0xFFFFFFA0  }
0x129: {  	[tilespmem:s21], [sflag:$0x2] =	stream.linear.gather [hbm4b:s0+s3], $0x3000, $0x38;
	[tilespmem:$0x1FE00] =	vst v63  }
0x12a: {  	_ = 	snop  }
0x12b: {  	[tilespmem:s22], [sflag:$0x4] =	stream.indirect.gather [hbm4b:s4+s1], $0x80, s14, s1, $0xb8;
	[tilespmem:$0x1FE00] =	vst v63  }
0x12c: {  	p0 =	seq.s32 s9, $0x34  }
0x12d: {  	[spmem:s2] =	stream.indirect.scatter.add.f32 [tilespmem:s29], [sflag:$0x7], $0x80, s31, s1, $0xb8;
	[tilespmem:$0x1FE00] =	vst v63  }
0x12e: {  	s10 =	sadd.s32 @!p0 s10, s17;
	_ =	swait.ge [sflag:s30], $0x3000  }
0x12f: {  	s0 =	sshrl.u32 @!p0 s10, $0x3;
	[sflag:s30] =	ssyncset.done $0x0  }
0x130: {  	s11 =	simm.s32 @!p0 $0x0;
	s8 =	sadd.s32 @!p0 s6, s0;
	[sflag:s30] =	ssyncadd.s32 $0xFFFFD000  }
0x131: {  	[tilespmem:s11], [sflag:$0x5] =	stream.linear.gather @!p0 [hbm4b:s8+s11], $0x60, $0x38;
	[tilespmem:$0x1FE00] =	vst v63  }
0x132: {  	s0 =	sadd.s32 @!p0 s7, s0;
	s8 =	simm.s32 @!p0 $0x100  }
0x133: {  	[tilespmem:s8], [sflag:$0x5] =	stream.linear.gather @!p0 [hbm4b:s0+s11], $0x60, $0x38;
	[tilespmem:$0x1FE00] =	vst v63  }
0x134: {  	_ =	swait.ge [sflag:s23], $0x3000  }
0x135: {  	[sflag:s23] =	ssyncset.done $0x0  }
0x136: {  	[sflag:s23] =	ssyncadd.s32 $0xFFFFD000  }
0x137: {  	_ =	swait.ge [sflag:s24], $0x3000  }
0x138: {  	[sflag:s24] =	ssyncset.done $0x0  }
0x139: {  	s11 =	simm.s32 $0x3300;
	[sflag:s24] =	ssyncadd.s32 $0xFFFFD000  }
0x13a: {  	s12 =	simm.s32 $0x9300;
	v1 =	vld [tilespmem:s11+$0x80]  }
0x13b: {  	v2 =	vld [tilespmem:s12+$0x80]  }
0x13c: {  	v3 =	vld [tilespmem:s12+$0xFFFFFF00]  }
0x13d: {  	v4 =	vld [tilespmem:s11+$0xFFFFFF80]  }
0x13e: {  	v5 =	vld [tilespmem:s12+$0xFFFFFF80]  }
0x13f: {  	v6 =	vld [tilespmem:s12+$0x0]  }
0x140: {  	v1 =	vadd.f32 v2, v1;
	v2 =	vld [tilespmem:s11+$0x0]  }
0x141: {  	v7 =	vld [tilespmem:s11+$0xFFFFFF00]  }
0x142: {  	v1 =	vmax.f32 v1, $0.0e+00  }
0x143: {  	v4 =	vadd.f32 v5, v4;
	[tilespmem:s11+$0x80] =	vst v1;
	v1 =	vld [tilespmem:s11+$0x90]  }
0x144: {  	v8 =	vld [tilespmem:s12+$0x90]  }
0x145: {  	v9 =	vld [tilespmem:s11+$0xFFFFFF90];
	v4 =	vmax.f32 v4, $0.0e+00;
	v2 =	vadd.f32 v6, v2  }
0x146: {  	v5 =	vld [tilespmem:s11+$0xFFFFFF10];
	v3 =	vadd.f32 v3, v7;
	[tilespmem:s11+$0xFFFFFF80] =	vst v4  }
0x147: {  	v6 =	vld [tilespmem:s12+$0xFFFFFF90];
	v2 =	vmax.f32 v2, $0.0e+00  }
0x148: {  	v3 =	vmax.f32 v3, $0.0e+00;
	v4 =	vld [tilespmem:s11+$0x10];
	[tilespmem:s11+$0x0] =	vst v2  }
0x149: {  	[tilespmem:s11+$0xFFFFFF00] =	vst v3;
	v1 =	vadd.f32 v8, v1;
	v2 =	vld [tilespmem:s12+$0x10]  }
0x14a: {  	v3 =	vld [tilespmem:s12+$0xFFFFFF10]  }
0x14b: {  	v1 =	vmax.f32 v1, $0.0e+00  }
0x14c: {  	v6 =	vadd.f32 v6, v9;
	[tilespmem:s11+$0x90] =	vst v1;
	v1 =	vld [tilespmem:s11+$0xA0]  }
0x14d: {  	v8 =	vld [tilespmem:s12+$0xA0]  }
0x14e: {  	v7 =	vld [tilespmem:s11+$0xFFFFFF20];
	v6 =	vmax.f32 v6, $0.0e+00;
	v2 =	vadd.f32 v2, v4  }
0x14f: {  	v3 =	vadd.f32 v3, v5;
	v9 =	vld [tilespmem:s11+$0xFFFFFFA0];
	[tilespmem:s11+$0xFFFFFF90] =	vst v6  }
0x150: {  	v5 =	vld [tilespmem:s12+$0xFFFFFFA0];
	v2 =	vmax.f32 v2, $0.0e+00  }
0x151: {  	v3 =	vmax.f32 v3, $0.0e+00;
	v4 =	vld [tilespmem:s11+$0x20];
	[tilespmem:s11+$0x10] =	vst v2  }
0x152: {  	[tilespmem:s11+$0xFFFFFF10] =	vst v3;
	v1 =	vadd.f32 v8, v1;
	v2 =	vld [tilespmem:s12+$0x20]  }
0x153: {  	v3 =	vld [tilespmem:s12+$0xFFFFFF20]  }
0x154: {  	v1 =	vmax.f32 v1, $0.0e+00  }
0x155: {  	v5 =	vadd.f32 v5, v9;
	[tilespmem:s11+$0xA0] =	vst v1;
	v1 =	vld [tilespmem:s11+$0xB0]  }
0x156: {  	v8 =	vld [tilespmem:s12+$0xB0]  }
0x157: {  	v10 =	vld [tilespmem:s11+$0x30];
	v5 =	vmax.f32 v5, $0.0e+00;
	v2 =	vadd.f32 v2, v4  }
0x158: {  	v3 =	vadd.f32 v3, v7;
	v9 =	vld [tilespmem:s11+$0xFFFFFFB0];
	[tilespmem:s11+$0xFFFFFFA0] =	vst v5  }
0x159: {  	v4 =	vld [tilespmem:s12+$0xFFFFFFB0];
	v2 =	vmax.f32 v2, $0.0e+00  }
0x15a: {  	v6 =	vld [tilespmem:s11+$0xFFFFFF30];
	[tilespmem:s11+$0x20] =	vst v2;
	v2 =	vmax.f32 v3, $0.0e+00  }
0x15b: {  	v1 =	vadd.f32 v8, v1;
	[tilespmem:s11+$0xFFFFFF20] =	vst v2;
	v2 =	vld [tilespmem:s12+$0x30]  }
0x15c: {  	v7 =	vld [tilespmem:s12+$0xFFFFFF30]  }
0x15d: {  	v11 =	vld [tilespmem:s11+$0xFFFFFF40];
	v1 =	vmax.f32 v1, $0.0e+00  }
0x15e: {  	v4 =	vadd.f32 v4, v9;
	[tilespmem:s11+$0xB0] =	vst v1;
	v1 =	vld [tilespmem:s11+$0xC0]  }
0x15f: {  	v8 =	vld [tilespmem:s12+$0xC0]  }
0x160: {  	v12 =	vld [tilespmem:s11+$0xFFFFFFD0];
	v4 =	vmax.f32 v4, $0.0e+00;
	v2 =	vadd.f32 v2, v10  }
0x161: {  	v5 =	vld [tilespmem:s11+$0xFFFFFFC0];
	[tilespmem:s11+$0xFFFFFFB0] =	vst v4;
	v6 =	vadd.f32 v7, v6  }
0x162: {  	v7 =	vld [tilespmem:s12+$0xFFFFFFC0];
	v2 =	vmax.f32 v2, $0.0e+00  }
0x163: {  	v3 =	vld [tilespmem:s11+$0x40];
	[tilespmem:s11+$0x30] =	vst v2;
	v2 =	vmax.f32 v6, $0.0e+00  }
0x164: {  	v1 =	vadd.f32 v8, v1;
	v6 =	vld [tilespmem:s12+$0x40];
	[tilespmem:s11+$0xFFFFFF30] =	vst v2  }
0x165: {  	v2 =	vld [tilespmem:s12+$0xFFFFFF40]  }
0x166: {  	v9 =	vld [tilespmem:s11+$0xFFFFFF50];
	v1 =	vmax.f32 v1, $0.0e+00  }
0x167: {  	[tilespmem:s11+$0xC0] =	vst v1;
	v1 =	vadd.f32 v7, v5;
	v7 =	vld [tilespmem:s11+$0xD0]  }
0x168: {  	v8 =	vld [tilespmem:s12+$0xD0]  }
0x169: {  	v4 =	vld [tilespmem:s11+$0xFFFFFF60];
	v1 =	vmax.f32 v1, $0.0e+00;
	v3 =	vadd.f32 v6, v3  }
0x16a: {  	v10 =	vld [tilespmem:s11+$0x50];
	[tilespmem:s11+$0xFFFFFFC0] =	vst v1;
	v1 =	vadd.f32 v2, v11  }
0x16b: {  	v2 =	vld [tilespmem:s12+$0xFFFFFFD0];
	v3 =	vmax.f32 v3, $0.0e+00  }
0x16c: {  	v5 =	vld [tilespmem:s11+$0xFFFFFFE0];
	[tilespmem:s11+$0x40] =	vst v3;
	v1 =	vmax.f32 v1, $0.0e+00  }
0x16d: {  	v3 =	vld [tilespmem:s12+$0x50];
	v7 =	vadd.f32 v8, v7;
	[tilespmem:s11+$0xFFFFFF40] =	vst v1  }
0x16e: {  	v1 =	vld [tilespmem:s12+$0xFFFFFF50]  }
0x16f: {  	v6 =	vld [tilespmem:s11+$0x60];
	v7 =	vmax.f32 v7, $0.0e+00  }
0x170: {  	v2 =	vadd.f32 v2, v12;
	[tilespmem:s11+$0xD0] =	vst v7;
	v7 =	vld [tilespmem:s11+$0xE0]  }
0x171: {  	v11 =	vld [tilespmem:s12+$0xE0]  }
0x172: {  	v2 =	vmax.f32 v2, $0.0e+00;
	v8 =	vadd.f32 v3, v10;
	v3 =	vld [tilespmem:s11+$0xFFFFFF70]  }
0x173: {  	[tilespmem:s11+$0xFFFFFFD0] =	vst v2;
	v1 =	vadd.f32 v1, v9;
	v2 =	vld [tilespmem:s11+$0xFFFFFFF0]  }
0x174: {  	v9 =	vmax.f32 v8, $0.0e+00;
	v8 =	vld [tilespmem:s12+$0xFFFFFFE0]  }
0x175: {  	[tilespmem:s11+$0x50] =	vst v9;
	v9 =	vmax.f32 v1, $0.0e+00;
	v1 =	vld [tilespmem:s11+$0x70]  }
0x176: {  	[tilespmem:s11+$0xFFFFFF50] =	vst v9;
	v9 =	vld [tilespmem:s12+$0x60];
	v7 =	vadd.f32 v11, v7  }
0x177: {  	v10 =	vld [tilespmem:s12+$0xFFFFFF60]  }
0x178: {  	s26 =	simm.s32 $0x0;
	s8 =	simm.s32 $0x3500;
	s0 =	simm.s32 $0x9300;
	v11 =	vmax.f32 v7, $0.0e+00;
	v7 =	vld [tilespmem:s11+$0xF0]  }
.LBB2_7:
0x179: {  	v12 =	vld [tilespmem:s8+$0x80];
	v5 =	vadd.f32 v8, v5;
	[tilespmem:s11+$0xE0] =	vst v11  }
0x17a: {  	s0 =	sadd.s32 $0x200, s0;
	v8 =	vld [tilespmem:s12+$0xF0]  }
0x17b: {  	s26 =	sadd.s32 $0x4, s26;
	v11 =	vld [tilespmem:s0+$0x80];
	v5 =	vmax.f32 v5, $0.0e+00;
	v6 =	vadd.f32 v9, v6  }
0x17c: {  	p1 =	slt.u32 s26, $0x5C;
	v9 =	vld [tilespmem:s0+$0xFFFFFF00];
	v4 =	vadd.f32 v10, v4;
	[tilespmem:s11+$0xFFFFFFE0] =	vst v5  }
0x17d: {  	v5 =	vld [tilespmem:s8+$0xFFFFFF80];
	v6 =	vmax.f32 v6, $0.0e+00  }
0x17e: {  	v10 =	vld [tilespmem:s0+$0xFFFFFF80];
	v4 =	vmax.f32 v4, $0.0e+00;
	[tilespmem:s11+$0x60] =	vst v6  }
0x17f: {  	v6 =	vld [tilespmem:s8+$0x0];
	[tilespmem:s11+$0xFFFFFF60] =	vst v4;
	v4 =	vadd.f32 v8, v7  }
0x180: {  	v7 =	vld [tilespmem:s0+$0x0];
	v8 =	vadd.f32 v11, v12  }
0x181: {  	v11 =	vld [tilespmem:s8+$0xFFFFFF00];
	v4 =	vmax.f32 v4, $0.0e+00  }
0x182: {  	v12 =	vld [tilespmem:s8+$0xFFFFFF10];
	v8 =	vmax.f32 v8, $0.0e+00;
	[tilespmem:s11+$0xF0] =	vst v4  }
0x183: {  	v4 =	vadd.f32 v10, v5;
	[tilespmem:s8+$0x80] =	vst v8;
	v5 =	vld [tilespmem:s8+$0x90]  }
0x184: {  	v8 =	vld [tilespmem:s0+$0x90]  }
0x185: {  	v4 =	vmax.f32 v4, $0.0e+00;
	v10 =	vld [tilespmem:s8+$0xFFFFFF90];
	v6 =	vadd.f32 v7, v6  }
0x186: {  	v7 =	vadd.f32 v9, v11;
	[tilespmem:s8+$0xFFFFFF80] =	vst v4;
	v4 =	vld [tilespmem:s8+$0x10]  }
0x187: {  	v9 =	vld [tilespmem:s0+$0xFFFFFF90];
	v6 =	vmax.f32 v6, $0.0e+00  }
0x188: {  	v7 =	vmax.f32 v7, $0.0e+00;
	v11 =	vld [tilespmem:s8+$0xFFFFFF20];
	[tilespmem:s8+$0x0] =	vst v6  }
0x189: {  	[tilespmem:s8+$0xFFFFFF00] =	vst v7;
	v6 =	vld [tilespmem:s0+$0x10];
	v5 =	vadd.f32 v8, v5  }
0x18a: {  	v7 =	vld [tilespmem:s0+$0xFFFFFF10]  }
0x18b: {  	v8 =	vld [tilespmem:s8+$0xFFFFFFA0];
	v5 =	vmax.f32 v5, $0.0e+00  }
0x18c: {  	v9 =	vadd.f32 v9, v10;
	[tilespmem:s8+$0x90] =	vst v5;
	v5 =	vld [tilespmem:s8+$0xA0]  }
0x18d: {  	v10 =	vld [tilespmem:s0+$0xA0]  }
0x18e: {  	v9 =	vmax.f32 v9, $0.0e+00;
	v4 =	vadd.f32 v6, v4;
	v6 =	vld [tilespmem:s8+$0x20]  }
0x18f: {  	v7 =	vadd.f32 v7, v12;
	v12 =	vld [tilespmem:s8+$0xFFFFFF30];
	[tilespmem:s8+$0xFFFFFF90] =	vst v9  }
0x190: {  	v9 =	vld [tilespmem:s0+$0xFFFFFFA0];
	v4 =	vmax.f32 v4, $0.0e+00  }
0x191: {  	v7 =	vmax.f32 v7, $0.0e+00;
	v13 =	vld [tilespmem:s8+$0xFFFFFFB0];
	[tilespmem:s8+$0x10] =	vst v4  }
0x192: {  	[tilespmem:s8+$0xFFFFFF10] =	vst v7;
	v4 =	vld [tilespmem:s0+$0x20];
	v5 =	vadd.f32 v10, v5  }
0x193: {  	v7 =	vld [tilespmem:s0+$0xFFFFFF20]  }
0x194: {  	v10 =	vld [tilespmem:s8+$0x30];
	v5 =	vmax.f32 v5, $0.0e+00  }
0x195: {  	v8 =	vadd.f32 v9, v8;
	[tilespmem:s8+$0xA0] =	vst v5;
	v5 =	vld [tilespmem:s8+$0xB0]  }
0x196: {  	v9 =	vld [tilespmem:s0+$0xB0]  }
0x197: {  	v14 =	vld [tilespmem:s8+$0xFFFFFF40];
	v8 =	vmax.f32 v8, $0.0e+00;
	v4 =	vadd.f32 v4, v6  }
0x198: {  	v6 =	vadd.f32 v7, v11;
	[tilespmem:s8+$0xFFFFFFA0] =	vst v8;
	v7 =	vld [tilespmem:s8+$0xFFFFFFC0]  }
0x199: {  	v8 =	vld [tilespmem:s0+$0xFFFFFFB0];
	v4 =	vmax.f32 v4, $0.0e+00  }
0x19a: {  	v6 =	vmax.f32 v6, $0.0e+00;
	[tilespmem:s8+$0x20] =	vst v4;
	v11 =	vld [tilespmem:s8+$0x40]  }
0x19b: {  	[tilespmem:s8+$0xFFFFFF20] =	vst v6;
	v4 =	vld [tilespmem:s0+$0x30];
	v5 =	vadd.f32 v9, v5  }
0x19c: {  	v6 =	vld [tilespmem:s0+$0xFFFFFF30]  }
0x19d: {  	v9 =	vld [tilespmem:s8+$0xFFFFFF50];
	v5 =	vmax.f32 v5, $0.0e+00  }
0x19e: {  	v8 =	vadd.f32 v8, v13;
	[tilespmem:s8+$0xB0] =	vst v5;
	v5 =	vld [tilespmem:s8+$0xC0]  }
0x19f: {  	v13 =	vld [tilespmem:s0+$0xC0]  }
0x1a0: {  	v8 =	vmax.f32 v8, $0.0e+00;
	v15 =	vld [tilespmem:s8+$0xFFFFFFD0];
	v4 =	vadd.f32 v4, v10  }
0x1a1: {  	v6 =	vadd.f32 v6, v12;
	[tilespmem:s8+$0xFFFFFFB0] =	vst v8;
	v8 =	vld [tilespmem:s8+$0x50]  }
0x1a2: {  	v10 =	vld [tilespmem:s0+$0xFFFFFFC0];
	v12 =	vmax.f32 v4, $0.0e+00  }
0x1a3: {  	v6 =	vmax.f32 v6, $0.0e+00;
	v4 =	vld [tilespmem:s8+$0xFFFFFF60];
	[tilespmem:s8+$0x30] =	vst v12  }
0x1a4: {  	[tilespmem:s8+$0xFFFFFF30] =	vst v6;
	v6 =	vld [tilespmem:s0+$0x40];
	v12 =	vadd.f32 v13, v5  }
0x1a5: {  	v13 =	vld [tilespmem:s0+$0xFFFFFF40]  }
0x1a6: {  	v5 =	vld [tilespmem:s8+$0xFFFFFFE0];
	v12 =	vmax.f32 v12, $0.0e+00  }
0x1a7: {  	v7 =	vadd.f32 v10, v7;
	[tilespmem:s8+$0xC0] =	vst v12;
	v10 =	vld [tilespmem:s8+$0xD0]  }
0x1a8: {  	v12 =	vld [tilespmem:s0+$0xD0]  }
0x1a9: {  	v7 =	vmax.f32 v7, $0.0e+00;
	v11 =	vadd.f32 v6, v11;
	v6 =	vld [tilespmem:s8+$0x60]  }
0x1aa: {  	v13 =	vadd.f32 v13, v14;
	[tilespmem:s8+$0xFFFFFFC0] =	vst v7;
	v7 =	vld [tilespmem:s12+$0xFFFFFF70]  }
0x1ab: {  	v14 =	vld [tilespmem:s0+$0xFFFFFFD0];
	v11 =	vmax.f32 v11, $0.0e+00  }
0x1ac: {  	v13 =	vmax.f32 v13, $0.0e+00;
	[tilespmem:s8+$0x40] =	vst v11;
	v11 =	vld [tilespmem:s12+$0xFFFFFFF0]  }
0x1ad: {  	[tilespmem:s8+$0xFFFFFF40] =	vst v13;
	v13 =	vld [tilespmem:s0+$0x50];
	v10 =	vadd.f32 v12, v10  }
0x1ae: {  	v12 =	vld [tilespmem:s0+$0xFFFFFF50]  }
0x1af: {  	v10 =	vmax.f32 v10, $0.0e+00;
	v3 =	vadd.f32 v7, v3;
	v7 =	vld [tilespmem:s12+$0x70];
	s12 =	smov.u32 s0  }
0x1b0: {  	v14 =	vadd.f32 v14, v15;
	[tilespmem:s8+$0xD0] =	vst v10;
	v10 =	vld [tilespmem:s8+$0xE0]  }
0x1b1: {  	v15 =	vld [tilespmem:s0+$0xE0];
	v16 =	vmax.f32 v3, $0.0e+00;
	v11 =	vadd.f32 v11, v2  }
0x1b2: {  	v3 =	vld [tilespmem:s8+$0xFFFFFF70];
	v2 =	vmax.f32 v14, $0.0e+00;
	v13 =	vadd.f32 v13, v8;
	[tilespmem:s11+$0xFFFFFF70] =	vst v16  }
0x1b3: {  	v9 =	vadd.f32 v12, v9;
	[tilespmem:s8+$0xFFFFFFD0] =	vst v2;
	v2 =	vld [tilespmem:s8+$0xFFFFFFF0];
	v11 =	vmax.f32 v11, $0.0e+00  }
.Ltmp2:
0x1b4: {  	v8 =	vld [tilespmem:s0+$0xFFFFFFE0];
	v12 =	vmax.f32 v13, $0.0e+00;
	[tilespmem:s11+$0xFFFFFFF0] =	vst v11;
	v7 =	vadd.f32 v7, v1;
	(pc) =	sbr.rel @p1 .LBB2_7-.Ltmp2, $4  }
0x1b5: {  	v9 =	vmax.f32 v9, $0.0e+00;
	[tilespmem:s8+$0x50] =	vst v12;
	v1 =	vld [tilespmem:s8+$0x70]  }
0x1b6: {  	[tilespmem:s8+$0xFFFFFF50] =	vst v9;
	v9 =	vld [tilespmem:s0+$0x60];
	v11 =	vadd.f32 v15, v10;
	v7 =	vmax.f32 v7, $0.0e+00  }
0x1b7: {  	v10 =	vld [tilespmem:s0+$0xFFFFFF60];
	[tilespmem:s11+$0x70] =	vst v7;
	s11 =	smov.u32 s8  }
0x1b8: {  	s8 =	sadd.s32 $0x200, s8;
	v11 =	vmax.f32 v11, $0.0e+00;
	v7 =	vld [tilespmem:s11+$0xF0]  }
0x1b9: {  	_ = 	snop  }
0x1ba: {  	v5 =	vadd.f32 v8, v5  }
0x1bb: {  	v6 =	vadd.f32 v9, v6  }
0x1bc: {  	[tilespmem:s11+$0xE0] =	vst v11;
	v5 =	vmax.f32 v5, $0.0e+00;
	v4 =	vadd.f32 v10, v4  }
0x1bd: {  	v58 =	vld [tilespmem:s12+$0xF0];
	[tilespmem:s11+$0xFFFFFFE0] =	vst v5;
	v59 =	vmax.f32 v6, $0.0e+00  }
0x1be: {  	v61 =	vld [tilespmem:s12+$0xFFFFFFF0];
	v4 =	vmax.f32 v4, $0.0e+00;
	[tilespmem:s11+$0x60] =	vst v59  }
0x1bf: {  	[tilespmem:s11+$0xFFFFFF60] =	vst v4;
	v62 =	vld [tilespmem:s12+$0x70]  }
0x1c0: {  	v60 =	vld [tilespmem:s12+$0xFFFFFF70];
	_ =	sdelay $0x1  }
0x1c1: {  	v7 =	vadd.f32 v58, v7  }
0x1c2: {  	v2 =	vadd.f32 v61, v2  }
0x1c3: {  	v63 =	vmax.f32 v7, $0.0e+00;
	v1 =	vadd.f32 v62, v1  }
0x1c4: {  	[tilespmem:s11+$0xF0] =	vst v63;
	v2 =	vmax.f32 v2, $0.0e+00;
	v3 =	vadd.f32 v60, v3  }
0x1c5: {  	[tilespmem:s11+$0xFFFFFFF0] =	vst v2;
	v1 =	vmax.f32 v1, $0.0e+00  }
0x1c6: {  	v3 =	vmax.f32 v3, $0.0e+00;
	[tilespmem:s11+$0x70] =	vst v1  }
0x1c7: {  	s0 =	simm.s32 @!p0 $0x5;
	[tilespmem:s11+$0xFFFFFF70] =	vst v3  }
0x1c8: {  	_ =	swait.ge @!p0 [sflag:s0], $0x60  }
0x1c9: {  	[sflag:s0] =	ssyncset.done @!p0 $0x0  }
0x1ca: {  	[sflag:s0] =	ssyncadd.s32 @!p0 $0xFFFFFFA0  }
0x1cb: {  	_ =	swait.ge @!p0 [sflag:s0], $0x60  }
0x1cc: {  	[sflag:s0] =	ssyncset.done @!p0 $0x0  }
0x1cd: {  	[sflag:s0] =	ssyncadd.s32 @!p0 $0xFFFFFFA0;
	s0 =	sshll.u32 @!p0 s10, $0x4  }
0x1ce: {  	s8 =	simm.s32 @!p0 $0x0;
	s10 =	simm.s32 @!p0 $0x200;
	s0 =	sadd.s32 @!p0 s5, s0  }
0x1cf: {  	[tilespmem:s10], [sflag:$0x1] =	stream.linear.gather @!p0 [hbm4b:s0+s8], $0x3000, $0x38;
	[tilespmem:$0x1FE00] =	vst v63  }
0x1d0: {  	s9 =	sadd.s32 $0x1, s9;
	s0 =	simm.s32 @!p0 $0x60;
	s10 =	simm.s32 @!p0 $0x6200  }
0x1d1: {  	[tilespmem:s10], [sflag:$0x3] =	stream.indirect.gather @!p0 [hbm4b:s4+s0], $0x80, s8, s0, $0xb8;
	[tilespmem:$0x1FE00] =	vst v63  }
0x1d2: {  	p0 =	sne.s32 s9, $0x35  }
.Ltmp3:
0x1d3: {  	_ = 	snop;
	(pc) =	sbr.rel @p0 .LBB2_4-.Ltmp3, $4  }
0x1d4: {  	[spmem:s2] =	stream.indirect.scatter.add.f32 [tilespmem:s21], [sflag:$0x7], $0x80, s15, s1, $0xb8;
	[tilespmem:$0x1FE00] =	vst v63  }
0x1d5: {  	_ =	swait.ge [sflag:s30], $0x3000  }
0x1d6: {  	[sflag:s30] =	ssyncset.done $0x0  }
0x1d7: {  	[sflag:s30] =	ssyncadd.s32 $0xFFFFD000  }
0x1d8: {  	[bflag:$0x0] =	sbarrier.arrive $0xFFFF  }
0x1d9: {  	s26 =	rddreg [dreg:$0x3]  }
0x1da: {  	[tilespmem:s13], [sflag:$0x7] =	stream.linear.gather [spmem:s26], $0x3000, $0x38;
	[tilespmem:$0x1FE00] =	vst v63  }
0x1db: {  	_ =	swait.ge [sflag:s30], $0x3000  }
0x1dc: {  	[sflag:s30] =	ssyncset.done $0x0  }
0x1dd: {  	s0 =	rddreg [dreg:$0xb];
	[sflag:s30] =	ssyncadd.s32 $0xFFFFD000  }
0x1de: {  	[hbm4b:s0+s3] =	stream.linear.scatter [tilespmem:s13], [sflag:$0x7], $0x3000, $0x38;
	[tilespmem:$0x1FE00] =	vst v63  }
0x1df: {  	_ =	swait.ge [sflag:s30], $0x3000  }
0x1e0: {  	[sflag:s30] =	ssyncset.done $0x0  }
0x1e1: {  	s10 =	rddreg [dreg:$0x4];
	[sflag:s30] =	ssyncadd.s32 $0xFFFFD000  }
0x1e2: {  	[tilespmem:s13], [sflag:$0x7] =	stream.linear.gather [spmem:s10], $0x3000, $0x38;
	[tilespmem:$0x1FE00] =	vst v63  }
0x1e3: {  	_ =	swait.ge [sflag:s30], $0x3000  }
0x1e4: {  	[sflag:s30] =	ssyncset.done $0x0  }
0x1e5: {  	s8 =	rddreg [dreg:$0xc];
	[sflag:s30] =	ssyncadd.s32 $0xFFFFD000  }
0x1e6: {  	[hbm4b:s8+s3] =	stream.linear.scatter [tilespmem:s13], [sflag:$0x7], $0x3000, $0x38;
	[tilespmem:$0x1FE00] =	vst v63  }
0x1e7: {  	_ =	swait.ge [sflag:s30], $0x3000  }
0x1e8: {  	[sflag:s30] =	ssyncset.done $0x0  }
0x1e9: {  	s11 =	rddreg [dreg:$0x5];
	[sflag:s30] =	ssyncadd.s32 $0xFFFFD000  }
0x1ea: {  	[tilespmem:s13], [sflag:$0x7] =	stream.linear.gather [spmem:s11], $0x3000, $0x38;
	[tilespmem:$0x1FE00] =	vst v63  }
0x1eb: {  	_ =	swait.ge [sflag:s30], $0x3000  }
0x1ec: {  	[sflag:s30] =	ssyncset.done $0x0  }
0x1ed: {  	s9 =	rddreg [dreg:$0xd];
	[sflag:s30] =	ssyncadd.s32 $0xFFFFD000  }
0x1ee: {  	[hbm4b:s9+s3] =	stream.linear.scatter [tilespmem:s13], [sflag:$0x7], $0x3000, $0x38;
	[tilespmem:$0x1FE00] =	vst v63  }
0x1ef: {  	_ =	swait.ge [sflag:s30], $0x3000  }
0x1f0: {  	[sflag:s30] =	ssyncset.done $0x0  }
0x1f1: {  	s28 =	rddreg [dreg:$0x6];
	[sflag:s30] =	ssyncadd.s32 $0xFFFFD000  }
0x1f2: {  	[tilespmem:s13], [sflag:$0x7] =	stream.linear.gather [spmem:s28], $0x3000, $0x38;
	[tilespmem:$0x1FE00] =	vst v63  }
0x1f3: {  	_ =	swait.ge [sflag:s30], $0x3000  }
0x1f4: {  	[sflag:s30] =	ssyncset.done $0x0  }
0x1f5: {  	s12 =	rddreg [dreg:$0xe];
	[sflag:s30] =	ssyncadd.s32 $0xFFFFD000  }
0x1f6: {  	[hbm4b:s12+s3] =	stream.linear.scatter [tilespmem:s13], [sflag:$0x7], $0x3000, $0x38;
	[tilespmem:$0x1FE00] =	vst v63  }
0x1f7: {  	_ =	swait.ge [sflag:s30], $0x3000  }
0x1f8: {  	[sflag:s30] =	ssyncset.done $0x0  }
0x1f9: {  	s8 =	rddreg [dreg:$0x7];
	[sflag:s30] =	ssyncadd.s32 $0xFFFFD000  }
0x1fa: {  	[tilespmem:s13], [sflag:$0x7] =	stream.linear.gather [spmem:s8], $0x3000, $0x38;
	[tilespmem:$0x1FE00] =	vst v63  }
0x1fb: {  	_ =	swait.ge [sflag:s30], $0x3000  }
0x1fc: {  	[sflag:s30] =	ssyncset.done $0x0  }
0x1fd: {  	s9 =	rddreg [dreg:$0xf];
	[sflag:s30] =	ssyncadd.s32 $0xFFFFD000  }
0x1fe: {  	[hbm4b:s9+s3] =	stream.linear.scatter [tilespmem:s13], [sflag:$0x7], $0x3000, $0x38;
	[tilespmem:$0x1FE00] =	vst v63  }
0x1ff: {  	_ =	swait.ge [sflag:s30], $0x3000  }
0x200: {  	[sflag:s30] =	ssyncset.done $0x0  }
0x201: {  	s9 =	rddreg [dreg:$0x13];
	[sflag:s30] =	ssyncadd.s32 $0xFFFFD000  }
0x202: {  	[tilespmem:s13], [sflag:$0x7] =	stream.linear.gather [spmem:s9], $0x3000, $0x38;
	[tilespmem:$0x1FE00] =	vst v63  }
0x203: {  	_ =	swait.ge [sflag:s30], $0x3000  }
0x204: {  	[sflag:s30] =	ssyncset.done $0x0  }
0x205: {  	s12 =	rddreg [dreg:$0x10];
	[sflag:s30] =	ssyncadd.s32 $0xFFFFD000  }
0x206: {  	[hbm4b:s12+s3] =	stream.linear.scatter [tilespmem:s13], [sflag:$0x7], $0x3000, $0x38;
	[tilespmem:$0x1FE00] =	vst v63  }
0x207: {  	_ =	swait.ge [sflag:s30], $0x3000  }
0x208: {  	[sflag:s30] =	ssyncset.done $0x0  }
0x209: {  	s12 =	rddreg [dreg:$0x14];
	[sflag:s30] =	ssyncadd.s32 $0xFFFFD000  }
0x20a: {  	[tilespmem:s13], [sflag:$0x7] =	stream.linear.gather [spmem:s12], $0x1C00, $0x38;
	[tilespmem:$0x1FE00] =	vst v63  }
0x20b: {  	_ =	swait.ge [sflag:s30], $0x1C00  }
0x20c: {  	[sflag:s30] =	ssyncset.done $0x0  }
0x20d: {  	s8 =	rddreg [dreg:$0x11];
	[sflag:s30] =	ssyncadd.s32 $0xFFFFE400  }
0x20e: {  	[hbm4b:s8+s3] =	stream.linear.scatter [tilespmem:s13], [sflag:$0x7], $0x1C00, $0x38;
	[tilespmem:$0x1FE00] =	vst v63  }
0x20f: {  	_ =	swait.ge [sflag:s30], $0x1C00  }
0x210: {  	s25 =	sadd.s32 $0x1, s25;
	s8 =	rddreg [dreg:$0x12]  }
0x211: {  	p0 =	sne.s32 s25, s8  }
.Ltmp4:
0x212: {  	_ = 	snop;
	(pc) =	sbr.rel @p0 .LBB2_1-.Ltmp4, $3  }
0x213: {  	_ =	sdelay $0x1  }
0x214: {  	[sflag:s30] =	ssyncset.done $0x0  }
0x215: {  	[sflag:s30] =	ssyncadd.s32 $0xFFFFE400  }
0x216: {  	_ =	sfence.sel $0x180000  }
0x217: {  	[bflag:$0x0] =	sbarrier.arrive $0xFFFF  }
0x218: {  	_ =	strace $0x9000004A  }
0x219: {  	s0 =	stileid.u32;
	[bflag:$0x2] =	sbarrier.arrive $0xFFFF  }
0x21a: {  	p0 =	sne.s32 s0, $0x0;
	s0 =	rddreg [dreg:$0x2]  }
0x21b: {  	s0 =	sadd.s32 @!p0 $0x100000, s0  }
0x21c: {  	[sflag:s0] =	ssyncadd.tile.s32 @!p0 $0x1;
	_ =	shalt  }
.Lfunc_end2:
_tile_overlayer_lowered:
.L_overlay_start_2:
0x21d: {  	(tag) =	ssettag $0x2  }
0x21e: {  	s0 =	rddreg [dreg:$0x0];
	s2 =	stileid.u32  }
0x21f: {  	s1 =	rddreg [dreg:$0x1];
	p0 =	sne.s32 s2, $0x0  }
0x220: {  	s3 =	rddreg [dreg:$0x2];
	[bflag:$0x3] =	sbarrier.arrive $0xFFFF;
	s2 =	simm.s32 @!p0 $0x1C07  }
0x221: {  	[timem:s3], [sflag:s2] =	dma.local @!p0 [hbm:s0], s1  }
0x222: {  	s0 =	simm.s32 @!p0 $0x7  }
0x223: {  	_ =	swait.ge @!p0 [sflag:s0], s1  }
0x224: {  	s1 =	ssub.s32 @!p0 $0x0, s1;
	[sflag:s0] =	ssyncset.done @!p0 $0x0  }
0x225: {  	[sflag:s0] =	ssyncadd.s32 @!p0 s1  }
0x226: {  	[bflag:$0x3] =	sbarrier.arrive $0xFFFF  }
0x227: {  	_ =	shalt  }

</sc_bundles>
